<compile_context>
chip_gen: v7x
topology: tpu7x:2x2x1
jax: 0.10.2.dev20260603
libtpu: 0.0.44.dev20260713+nightly
codegen_flags: <defaults>
</compile_context>

<pallas_src>
import functools

import jax
import jax.numpy as jnp
from jax import lax
from jax.experimental import pallas as pl
from jax.experimental.pallas import tpu as pltpu
from jax.experimental.pallas import tpu_sc as plsc

N = 10000
D = 256
E = 160000

NC = 2
NS = 16
L = 16
NT = NC * NS

DH = D // NC
CHUNK = 128
NCHT = E // CHUNK
WCH = 40
NWT = N // WCH
WPT = -(-NWT // NS)


def _mesh():
    return plsc.VectorSubcoreMesh(core_axis_name="c", subcore_axis_name="s",
                                  num_cores=NC, num_subcores=NS)


GMAX = (-(-NCHT // NS) + 1) // 2
GMAXC = (-(-NCHT // NT) + 1) // 2


@functools.lru_cache(maxsize=1)
def _make_sc_scatter():
    return pl.kernel(
        _sc_scatter_body,
        out_type=(
            jax.ShapeDtypeStruct((N, D), jnp.float32),
            jax.ShapeDtypeStruct((NC * N, DH), jnp.float32),
        ),
        mesh=_mesh(),
        scratch_types=(
            pltpu.VMEM((2, CHUNK), jnp.int32),
            pltpu.VMEM((2, CHUNK, DH), jnp.float32),
            pltpu.VMEM_SHARED((N, DH), jnp.float32),
            pltpu.SemaphoreType.DMA,
            pltpu.SemaphoreType.DMA,
            pltpu.SemaphoreType.DMA,
            pltpu.SemaphoreType.DMA,
        ),
    )


def _sc_scatter_body(edge_hbm, col_hbm, agg_out, cntp_out, idx_v, data_v,
                     acc_sh, sem0, sem1, ssem0, ssem1):
    c = lax.axis_index("c")
    s = lax.axis_index("s")
    sems = (sem0, sem1)
    ssems = (ssem0, ssem1)

    z16 = jnp.zeros((L,), jnp.float32)

    def _zero_data(i, _):
        for j in range(DH // L):
            data_v[0, i, pl.ds(j * L, L)] = z16
        return 0
    lax.fori_loop(0, CHUNK, _zero_data, 0)

    for k in range(WPT):
        w = k * NS + s

        @pl.when(w < NWT)
        def _():
            pltpu.sync_copy(data_v.at[0, pl.ds(0, WCH)],
                            acc_sh.at[pl.ds(w * WCH, WCH)])
    plsc.subcore_barrier()

    nch = (NCHT - s + NS - 1) // NS

    def _issue_loads(o, b):
        base = (o * NS + s) * CHUNK
        pltpu.async_copy(col_hbm.at[pl.ds(base, CHUNK)], idx_v.at[b], sems[b])
        pltpu.async_copy(edge_hbm.at[pl.ds(base, CHUNK), pl.ds(c * DH, DH)],
                         data_v.at[b], sems[b])

    def _wait_loads(b):
        pltpu.make_async_copy(col_hbm.at[pl.ds(0, CHUNK)], idx_v.at[b],
                              sems[b]).wait()
        pltpu.make_async_copy(edge_hbm.at[pl.ds(0, CHUNK), pl.ds(0, DH)],
                              data_v.at[b], sems[b]).wait()

    def _issue_scat(b):
        pltpu.async_copy(data_v.at[b], acc_sh.at[idx_v.at[b]], ssems[b],
                         add=True)

    def _wait_scat(b):
        pltpu.make_async_copy(data_v.at[b], acc_sh.at[idx_v.at[b]],
                              ssems[b]).wait()

    @pl.when(0 < nch)
    def _():
        _issue_loads(0, 0)

    def _body(g, _):
        for b in range(2):
            o = g * 2 + b

            @pl.when(o < nch)
            def _():
                _wait_loads(b)
                _issue_scat(b)

                @pl.when(o + 1 < nch)
                def _():
                    @pl.when(o >= 1)
                    def _():
                        _wait_scat(b ^ 1)
                    _issue_loads(o + 1, b ^ 1)
        return 0
    lax.fori_loop(0, GMAX, _body, 0)
    _wait_scat(0)
    _wait_scat(1)
    plsc.subcore_barrier()

    def _zero_d1(i, _):
        for j in range(DH // L):
            data_v[1, i, pl.ds(j * L, L)] = z16
        return 0
    lax.fori_loop(0, WCH, _zero_d1, 0)

    for k in range(WPT):
        w = k * NS + s

        @pl.when(w < NWT)
        def _():
            r0 = w * WCH
            pltpu.sync_copy(acc_sh.at[pl.ds(r0, WCH)],
                            data_v.at[0, pl.ds(0, WCH)])
            pltpu.sync_copy(data_v.at[0, pl.ds(0, WCH)],
                            agg_out.at[pl.ds(r0, WCH), pl.ds(c * DH, DH)])
            pltpu.sync_copy(data_v.at[1, pl.ds(0, WCH)],
                            acc_sh.at[pl.ds(r0, WCH)])

    ones16 = jnp.ones((L,), jnp.float32)

    def _fill_ones(i, _):
        for j in range(DH // L):
            data_v[0, i, pl.ds(j * L, L)] = ones16
        return 0
    lax.fori_loop(0, CHUNK, _fill_ones, 0)
    plsc.subcore_barrier()

    wid = s * NC + c
    nchc = (NCHT - wid + NT - 1) // NT

    def _issue_idx(o, b):
        base = (o * NT + wid) * CHUNK
        pltpu.async_copy(col_hbm.at[pl.ds(base, CHUNK)], idx_v.at[b], sems[b])

    def _wait_idx(b):
        pltpu.make_async_copy(col_hbm.at[pl.ds(0, CHUNK)], idx_v.at[b],
                              sems[b]).wait()

    def _issue_cscat(b):
        pltpu.async_copy(data_v.at[0], acc_sh.at[idx_v.at[b]], ssems[b],
                         add=True)

    def _wait_cscat(b):
        pltpu.make_async_copy(data_v.at[0], acc_sh.at[idx_v.at[b]],
                              ssems[b]).wait()

    @pl.when(0 < nchc)
    def _():
        _issue_idx(0, 0)

    def _cbody(g, _):
        for b in range(2):
            o = g * 2 + b

            @pl.when(o < nchc)
            def _():
                _wait_idx(b)
                _issue_cscat(b)

                @pl.when(o + 1 < nchc)
                def _():
                    @pl.when(o >= 1)
                    def _():
                        _wait_cscat(b ^ 1)
                    _issue_idx(o + 1, b ^ 1)
        return 0
    lax.fori_loop(0, GMAXC, _cbody, 0)
    _wait_cscat(0)
    _wait_cscat(1)
    plsc.subcore_barrier()

    for k in range(WPT):
        w = k * NS + s

        @pl.when(w < NWT)
        def _():
            r0 = w * WCH
            pltpu.sync_copy(acc_sh.at[pl.ds(r0, WCH)],
                            data_v.at[1, pl.ds(0, WCH)])
            pltpu.sync_copy(data_v.at[1, pl.ds(0, WCH)],
                            cntp_out.at[pl.ds(c * N + r0, WCH)])


RB = 2000


def _xw1_body(x_ref, w1a_ref, b1_ref, o_ref):
    h = jnp.dot(x_ref[...], w1a_ref[...], preferred_element_type=jnp.float32)
    o_ref[...] = h + b1_ref[...]


_tc_xw1 = pl.pallas_call(
    _xw1_body,
    grid=(N // RB,),
    in_specs=[
        pl.BlockSpec((RB, D), lambda i: (i, 0)),
        pl.BlockSpec((D, D), lambda i: (0, 0)),
        pl.BlockSpec((1, D), lambda i: (0, 0)),
    ],
    out_specs=pl.BlockSpec((RB, D), lambda i: (i, 0)),
    out_shape=jax.ShapeDtypeStruct((N, D), jnp.float32),
)


def _mlp_body(xw1_ref, agg_ref, cntp_ref, w1b_ref,
              w2_ref, b2_ref, w3_ref, b3_ref, o_ref):
    cnt = cntp_ref[0, :, 0:1] + cntp_ref[1, :, 0:1]
    agg = agg_ref[...] * (1.0 / jnp.maximum(cnt, 1.0))
    h = xw1_ref[...] + jnp.dot(agg, w1b_ref[...],
                               preferred_element_type=jnp.float32)
    h = jnp.maximum(h, 0.0)
    h = jnp.dot(h, w2_ref[...], preferred_element_type=jnp.float32)
    h = jnp.maximum(h + b2_ref[...], 0.0)
    h = jnp.dot(h, w3_ref[...], preferred_element_type=jnp.float32)
    o_ref[...] = h + b3_ref[...]


_tc_mlp = pl.pallas_call(
    _mlp_body,
    grid=(N // RB,),
    in_specs=[
        pl.BlockSpec((RB, D), lambda i: (i, 0)),
        pl.BlockSpec((RB, D), lambda i: (i, 0)),
        pl.BlockSpec((NC, RB, DH), lambda i: (0, i, 0)),
        pl.BlockSpec((D, D), lambda i: (0, 0)),
        pl.BlockSpec((D, D), lambda i: (0, 0)),
        pl.BlockSpec((1, D), lambda i: (0, 0)),
        pl.BlockSpec((D, D), lambda i: (0, 0)),
        pl.BlockSpec((1, D), lambda i: (0, 0)),
    ],
    out_specs=pl.BlockSpec((RB, D), lambda i: (i, 0)),
    out_shape=jax.ShapeDtypeStruct((N, D), jnp.float32),
)


@jax.jit
def kernel(x, edge_index, edge_attr, u, batch, W1, b1, W2, b2, W3, b3):
    col = edge_index[1].astype(jnp.int32)
    agg_sum, cntp = _make_sc_scatter()(edge_attr, col)
    xw1 = _tc_xw1(x, W1[:D], b1.reshape(1, D))
    return _tc_mlp(xw1, agg_sum, cntp.reshape(NC, N, DH), W1[D:],
                   W2, b2.reshape(1, D), W3, b3.reshape(1, D))

# --- scband reference (transcript-rebuilt; emitter-appended) ---
"""Pipeline reference for scband-node-model-62251255989003 (READ-ONLY COPY).

The authoritative reference and input builder live on the scoring server;
editing this copy changes nothing except your own understanding.
"""

import jax, jax.numpy as jnp
import numpy as np

N = 10000
E = 160000
D = 256


def setup_inputs(seed: int = 0) -> dict:
    key = jax.random.key(seed)
    ks = jax.random.split(key, 10)
    x = jax.random.normal(ks[0], (N, D), dtype=jnp.float32)
    edge_index = jax.random.randint(ks[1], (2, E), 0, N, dtype=jnp.int64)
    edge_attr = jax.random.normal(ks[2], (E, D), dtype=jnp.float32)
    u = jax.random.normal(ks[3], (1, D), dtype=jnp.float32)
    batch = jnp.zeros((N,), dtype=jnp.int64)
    # MLP params: Linear(2D -> D), ReLU, Linear(D -> D), ReLU, Linear(D -> D)
    W1 = jax.random.normal(ks[4], (2 * D, D), dtype=jnp.float32) / np.sqrt(2 * D)
    b1 = jnp.zeros((D,), dtype=jnp.float32)
    W2 = jax.random.normal(ks[5], (D, D), dtype=jnp.float32) / np.sqrt(D)
    b2 = jnp.zeros((D,), dtype=jnp.float32)
    W3 = jax.random.normal(ks[6], (D, D), dtype=jnp.float32) / np.sqrt(D)
    b3 = jnp.zeros((D,), dtype=jnp.float32)
    return {"x": x, "edge_index": edge_index, "edge_attr": edge_attr, "u": u,
            "batch": batch, "W1": W1, "b1": b1, "W2": W2, "b2": b2, "W3": W3, "b3": b3}


def _scatter_mean(src, index, dim_size):
    summed = jax.ops.segment_sum(src, index, num_segments=dim_size)
    counts = jax.ops.segment_sum(jnp.ones((src.shape[0],), dtype=src.dtype), index, num_segments=dim_size)
    counts = jnp.clip(counts, 1.0, None)
    return summed / counts[:, None]


def reference(x, edge_index, edge_attr, u, batch, W1, b1, W2, b2, W3, b3):
    row, col = edge_index[0], edge_index[1]
    agg = _scatter_mean(edge_attr, col, x.shape[0])
    out = jnp.concatenate([x, agg], axis=-1)
    h = jax.nn.relu(out @ W1 + b1)
    h = jax.nn.relu(h @ W2 + b2)
    return h @ W3 + b3

if __name__ == "__main__":
    import jax
    _d = setup_inputs()
    print(jax.jit(kernel)(*tuple(_d.values())))

</pallas_src>

<mosaic_0001>
#map = affine_map<(d0, d1) -> (0, 0)>
#map1 = affine_map<(d0, d1) -> (0)>
module attributes {stable_mosaic.version = 14 : i64} {
  func.func @_sc_scatter_body(%arg0: i32, %arg1: i32, %arg2: memref<160000x256xf32, #tpu.memory_space<hbm>>, %arg3: memref<160000xi32, #tpu.memory_space<hbm>>, %arg4: memref<10000x256xf32, #tpu.memory_space<hbm>>, %arg5: memref<20000x128xf32, #tpu.memory_space<hbm>>, %arg6: memref<2x128xi32, #tpu.memory_space<vmem>>, %arg7: memref<2x128x128xf32, #tpu.memory_space<vmem>>, %arg8: memref<10000x128xf32, #tpu.memory_space<vmem_shared>>, %arg9: memref<!tpu.dma_semaphore, #tpu.memory_space<semaphore_mem>>, %arg10: memref<!tpu.dma_semaphore, #tpu.memory_space<semaphore_mem>>, %arg11: memref<!tpu.dma_semaphore, #tpu.memory_space<semaphore_mem>>, %arg12: memref<!tpu.dma_semaphore, #tpu.memory_space<semaphore_mem>>) attributes {dimension_semantics = [#tpu.dimension_semantics<core_parallel>, #tpu.dimension_semantics<subcore_parallel>], iteration_bounds = array<i64: 2, 16>, scalar_prefetch = 0 : i64, scratch_operands = 7 : i64, tpu.core_type = #tpu.core_type<sc_vector_subcore>, window_params = [{transform_indices = #map}, {transform_indices = #map1}, {transform_indices = #map}, {transform_indices = #map}]} {
    %broadcast_in_dim3A = arith.constant 0.000000e+00 : f32
    %broadcast_in_dim3A_0 = vector.broadcast %broadcast_in_dim3A : f32 to vector<16xf32>
    %scan3A = arith.constant 0 : i32
    %scan3A_1 = arith.constant 0 : i32
    %scan3A_2 = arith.constant 128 : i32
    %scan3A_3 = arith.addi %scan3A_1, %scan3A_2 : i32
    %scan3A_4 = arith.constant 1 : i32
    %scan3A_5 = scf.for %scan3A_482 = %scan3A_1 to %scan3A_3 step %scan3A_4 iter_args(%scan3A_483 = %scan3A) -> (i32)  : i32 {
      %swap3A = arith.constant 0 : i32
      %swap3A_484 = arith.index_cast %swap3A : i32 to index
      %swap3A_485 = arith.index_cast %scan3A_482 : i32 to index
      %swap3A_486 = arith.constant 0 : index
      %swap3A_487 = tpu.vector_load %arg7[%swap3A_484, %swap3A_485, %swap3A_486] {strides = array<i32>} : memref<2x128x128xf32, #tpu.memory_space<vmem>>, vector<1x1x16xf32>,
      %swap3A_488 = vector.shape_cast %swap3A_487 : vector<1x1x16xf32> to vector<16xf32>
      %swap3A_489 = vector.shape_cast %broadcast_in_dim3A_0 : vector<16xf32> to vector<1x1x16xf32>
      tpu.vector_store %arg7[%swap3A_484, %swap3A_485, %swap3A_486], %swap3A_489 {strides = array<i32>} : memref<2x128x128xf32, #tpu.memory_space<vmem>>, vector<1x1x16xf32>,
      %swap3A_490 = arith.constant 0 : i32
      %swap3A_491 = arith.index_cast %swap3A_490 : i32 to index
      %swap3A_492 = arith.index_cast %scan3A_482 : i32 to index
      %swap3A_493 = arith.constant 16 : index
      %swap3A_494 = tpu.vector_load %arg7[%swap3A_491, %swap3A_492, %swap3A_493] {strides = array<i32>} : memref<2x128x128xf32, #tpu.memory_space<vmem>>, vector<1x1x16xf32>,
      %swap3A_495 = vector.shape_cast %swap3A_494 : vector<1x1x16xf32> to vector<16xf32>
      %swap3A_496 = vector.shape_cast %broadcast_in_dim3A_0 : vector<16xf32> to vector<1x1x16xf32>
      tpu.vector_store %arg7[%swap3A_491, %swap3A_492, %swap3A_493], %swap3A_496 {strides = array<i32>} : memref<2x128x128xf32, #tpu.memory_space<vmem>>, vector<1x1x16xf32>,
      %swap3A_497 = arith.constant 0 : i32
      %swap3A_498 = arith.index_cast %swap3A_497 : i32 to index
      %swap3A_499 = arith.index_cast %scan3A_482 : i32 to index
      %swap3A_500 = arith.constant 32 : index
      %swap3A_501 = tpu.vector_load %arg7[%swap3A_498, %swap3A_499, %swap3A_500] {strides = array<i32>} : memref<2x128x128xf32, #tpu.memory_space<vmem>>, vector<1x1x16xf32>,
      %swap3A_502 = vector.shape_cast %swap3A_501 : vector<1x1x16xf32> to vector<16xf32>
      %swap3A_503 = vector.shape_cast %broadcast_in_dim3A_0 : vector<16xf32> to vector<1x1x16xf32>
      tpu.vector_store %arg7[%swap3A_498, %swap3A_499, %swap3A_500], %swap3A_503 {strides = array<i32>} : memref<2x128x128xf32, #tpu.memory_space<vmem>>, vector<1x1x16xf32>,
      %swap3A_504 = arith.constant 0 : i32
      %swap3A_505 = arith.index_cast %swap3A_504 : i32 to index
      %swap3A_506 = arith.index_cast %scan3A_482 : i32 to index
      %swap3A_507 = arith.constant 48 : index
      %swap3A_508 = tpu.vector_load %arg7[%swap3A_505, %swap3A_506, %swap3A_507] {strides = array<i32>} : memref<2x128x128xf32, #tpu.memory_space<vmem>>, vector<1x1x16xf32>,
      %swap3A_509 = vector.shape_cast %swap3A_508 : vector<1x1x16xf32> to vector<16xf32>
      %swap3A_510 = vector.shape_cast %broadcast_in_dim3A_0 : vector<16xf32> to vector<1x1x16xf32>
      tpu.vector_store %arg7[%swap3A_505, %swap3A_506, %swap3A_507], %swap3A_510 {strides = array<i32>} : memref<2x128x128xf32, #tpu.memory_space<vmem>>, vector<1x1x16xf32>,
      %swap3A_511 = arith.constant 0 : i32
      %swap3A_512 = arith.index_cast %swap3A_511 : i32 to index
      %swap3A_513 = arith.index_cast %scan3A_482 : i32 to index
      %swap3A_514 = arith.constant 64 : index
      %swap3A_515 = tpu.vector_load %arg7[%swap3A_512, %swap3A_513, %swap3A_514] {strides = array<i32>} : memref<2x128x128xf32, #tpu.memory_space<vmem>>, vector<1x1x16xf32>,
      %swap3A_516 = vector.shape_cast %swap3A_515 : vector<1x1x16xf32> to vector<16xf32>
      %swap3A_517 = vector.shape_cast %broadcast_in_dim3A_0 : vector<16xf32> to vector<1x1x16xf32>
      tpu.vector_store %arg7[%swap3A_512, %swap3A_513, %swap3A_514], %swap3A_517 {strides = array<i32>} : memref<2x128x128xf32, #tpu.memory_space<vmem>>, vector<1x1x16xf32>,
      %swap3A_518 = arith.constant 0 : i32
      %swap3A_519 = arith.index_cast %swap3A_518 : i32 to index
      %swap3A_520 = arith.index_cast %scan3A_482 : i32 to index
      %swap3A_521 = arith.constant 80 : index
      %swap3A_522 = tpu.vector_load %arg7[%swap3A_519, %swap3A_520, %swap3A_521] {strides = array<i32>} : memref<2x128x128xf32, #tpu.memory_space<vmem>>, vector<1x1x16xf32>,
      %swap3A_523 = vector.shape_cast %swap3A_522 : vector<1x1x16xf32> to vector<16xf32>
      %swap3A_524 = vector.shape_cast %broadcast_in_dim3A_0 : vector<16xf32> to vector<1x1x16xf32>
      tpu.vector_store %arg7[%swap3A_519, %swap3A_520, %swap3A_521], %swap3A_524 {strides = array<i32>} : memref<2x128x128xf32, #tpu.memory_space<vmem>>, vector<1x1x16xf32>,
      %swap3A_525 = arith.constant 0 : i32
      %swap3A_526 = arith.index_cast %swap3A_525 : i32 to index
      %swap3A_527 = arith.index_cast %scan3A_482 : i32 to index
      %swap3A_528 = arith.constant 96 : index
      %swap3A_529 = tpu.vector_load %arg7[%swap3A_526, %swap3A_527, %swap3A_528] {strides = array<i32>} : memref<2x128x128xf32, #tpu.memory_space<vmem>>, vector<1x1x16xf32>,
      %swap3A_530 = vector.shape_cast %swap3A_529 : vector<1x1x16xf32> to vector<16xf32>
      %swap3A_531 = vector.shape_cast %broadcast_in_dim3A_0 : vector<16xf32> to vector<1x1x16xf32>
      tpu.vector_store %arg7[%swap3A_526, %swap3A_527, %swap3A_528], %swap3A_531 {strides = array<i32>} : memref<2x128x128xf32, #tpu.memory_space<vmem>>, vector<1x1x16xf32>,
      %swap3A_532 = arith.constant 0 : i32
      %swap3A_533 = arith.index_cast %swap3A_532 : i32 to index
      %swap3A_534 = arith.index_cast %scan3A_482 : i32 to index
      %swap3A_535 = arith.constant 112 : index
      %swap3A_536 = tpu.vector_load %arg7[%swap3A_533, %swap3A_534, %swap3A_535] {strides = array<i32>} : memref<2x128x128xf32, #tpu.memory_space<vmem>>, vector<1x1x16xf32>,
      %swap3A_537 = vector.shape_cast %swap3A_536 : vector<1x1x16xf32> to vector<16xf32>
      %swap3A_538 = vector.shape_cast %broadcast_in_dim3A_0 : vector<16xf32> to vector<1x1x16xf32>
      tpu.vector_store %arg7[%swap3A_533, %swap3A_534, %swap3A_535], %swap3A_538 {strides = array<i32>} : memref<2x128x128xf32, #tpu.memory_space<vmem>>, vector<1x1x16xf32>,
      %scan3A_539 = arith.constant 0 : i32
      scf.yield %scan3A_539 : i32
    }
    %scan3A_6 = arith.constant 128 : i32
    %add3A = arith.constant 0 : i32
    %add3A_7 = arith.addi %add3A, %arg1 : i32
    %lt3A = arith.constant 250 : i32
    %lt3A_8 = arith.cmpi slt, %add3A_7, %lt3A : i32
    %convert_element_type3A = arith.extui %lt3A_8 : i1 to i32
    %cond3A = arith.constant 0 : i32
    %cond3A_9 = arith.cmpi ne, %convert_element_type3A, %cond3A : i32
    scf.if %cond3A_9 {
      %mul3A_482 = arith.constant 40 : i32
      %mul3A_483 = arith.muli %add3A_7, %mul3A_482 : i32
      %run_scoped3A = arith.constant 0 : i32
      "tpu.region"() ({
        %run_scoped3A_484 = tpu.sem_alloc : memref<!tpu.dma_semaphore, #tpu.memory_space<semaphore_mem>>
        %dma_start3A = arith.constant 0 : i32
        %dma_start3A_485 = arith.constant 0 : i32
        %dma_start3A_486 = tpu.memref_slice %arg7[%run_scoped3A, %dma_start3A, %dma_start3A_485] : memref<2x128x128xf32, #tpu.memory_space<vmem>> -> memref<1x40x128xf32, #tpu.memory_space<vmem>>
        %dma_start3A_487 = tpu.memref_squeeze %dma_start3A_486 : memref<1x40x128xf32, #tpu.memory_space<vmem>> -> memref<40x128xf32, #tpu.memory_space<vmem>>
        %dma_start3A_488 = arith.constant 0 : i32
        %dma_start3A_489 = tpu.memref_slice %arg8[%mul3A_483, %dma_start3A_488] : memref<10000x128xf32, #tpu.memory_space<vmem_shared>> -> memref<40x128xf32, #tpu.memory_space<vmem_shared>>
        %dma_start3A_490 = arith.constant 0 : i32
        %dma_start3A_491 = tpu.memref_slice %arg8[%mul3A_483, %dma_start3A_490] : memref<10000x128xf32, #tpu.memory_space<vmem_shared>> -> memref<40x128xf32, #tpu.memory_space<vmem_shared>>
        %dma_start3A_492 = arith.constant 0 : i32
        %dma_start3A_493 = arith.constant 0 : i32
        %dma_start3A_494 = tpu.memref_slice %arg7[%run_scoped3A, %dma_start3A_492, %dma_start3A_493] : memref<2x128x128xf32, #tpu.memory_space<vmem>> -> memref<1x40x128xf32, #tpu.memory_space<vmem>>
        %dma_start3A_495 = tpu.memref_squeeze %dma_start3A_494 : memref<1x40x128xf32, #tpu.memory_space<vmem>> -> memref<40x128xf32, #tpu.memory_space<vmem>>
        tpu.enqueue_dma source(%dma_start3A_495 : memref<40x128xf32, #tpu.memory_space<vmem>>) target(%dma_start3A_491 : memref<40x128xf32, #tpu.memory_space<vmem_shared>>) target_semaphore(%run_scoped3A_484 : memref<!tpu.dma_semaphore, #tpu.memory_space<semaphore_mem>>)
        %dma_wait3A_496 = arith.constant 0 : i32
        %dma_wait3A_497 = arith.constant 0 : i32
        %dma_wait3A_498 = tpu.memref_slice %arg7[%run_scoped3A, %dma_wait3A_496, %dma_wait3A_497] : memref<2x128x128xf32, #tpu.memory_space<vmem>> -> memref<1x40x128xf32, #tpu.memory_space<vmem>>
        %dma_wait3A_499 = tpu.memref_squeeze %dma_wait3A_498 : memref<1x40x128xf32, #tpu.memory_space<vmem>> -> memref<40x128xf32, #tpu.memory_space<vmem>>
        %dma_wait3A_500 = arith.constant 0 : i32
        %dma_wait3A_501 = tpu.memref_slice %arg8[%mul3A_483, %dma_wait3A_500] : memref<10000x128xf32, #tpu.memory_space<vmem_shared>> -> memref<40x128xf32, #tpu.memory_space<vmem_shared>>
        %dma_wait3A_502 = arith.constant 0 : i32
        %dma_wait3A_503 = tpu.memref_slice %arg8[%mul3A_483, %dma_wait3A_502] : memref<10000x128xf32, #tpu.memory_space<vmem_shared>> -> memref<40x128xf32, #tpu.memory_space<vmem_shared>>
        %dma_wait3A_504 = arith.constant 0 : i32
        %dma_wait3A_505 = arith.constant 0 : i32
        %dma_wait3A_506 = tpu.memref_slice %arg7[%run_scoped3A, %dma_wait3A_504, %dma_wait3A_505] : memref<2x128x128xf32, #tpu.memory_space<vmem>> -> memref<1x40x128xf32, #tpu.memory_space<vmem>>
        %dma_wait3A_507 = tpu.memref_squeeze %dma_wait3A_506 : memref<1x40x128xf32, #tpu.memory_space<vmem>> -> memref<40x128xf32, #tpu.memory_space<vmem>>
        tpu.wait_dma2 semaphore(%run_scoped3A_484 : memref<!tpu.dma_semaphore, #tpu.memory_space<semaphore_mem>>) src(%dma_wait3A_507 : memref<40x128xf32, #tpu.memory_space<vmem>>) dst(%dma_wait3A_503 : memref<40x128xf32, #tpu.memory_space<vmem_shared>>)
        tpu.yield
      }) : () -> ()
    } else {
    }
    %add3A_10 = arith.constant 16 : i32
    %add3A_11 = arith.addi %add3A_10, %arg1 : i32
    %lt3A_12 = arith.constant 250 : i32
    %lt3A_13 = arith.cmpi slt, %add3A_11, %lt3A_12 : i32
    %convert_element_type3A_14 = arith.extui %lt3A_13 : i1 to i32
    %cond3A_15 = arith.constant 0 : i32
    %cond3A_16 = arith.cmpi ne, %convert_element_type3A_14, %cond3A_15 : i32
    scf.if %cond3A_16 {
      %mul3A_482 = arith.constant 40 : i32
      %mul3A_483 = arith.muli %add3A_11, %mul3A_482 : i32
      %run_scoped3A = arith.constant 0 : i32
      "tpu.region"() ({
        %run_scoped3A_484 = tpu.sem_alloc : memref<!tpu.dma_semaphore, #tpu.memory_space<semaphore_mem>>
        %dma_start3A = arith.constant 0 : i32
        %dma_start3A_485 = arith.constant 0 : i32
        %dma_start3A_486 = tpu.memref_slice %arg7[%run_scoped3A, %dma_start3A, %dma_start3A_485] : memref<2x128x128xf32, #tpu.memory_space<vmem>> -> memref<1x40x128xf32, #tpu.memory_space<vmem>>
        %dma_start3A_487 = tpu.memref_squeeze %dma_start3A_486 : memref<1x40x128xf32, #tpu.memory_space<vmem>> -> memref<40x128xf32, #tpu.memory_space<vmem>>
        %dma_start3A_488 = arith.constant 0 : i32
        %dma_start3A_489 = tpu.memref_slice %arg8[%mul3A_483, %dma_start3A_488] : memref<10000x128xf32, #tpu.memory_space<vmem_shared>> -> memref<40x128xf32, #tpu.memory_space<vmem_shared>>
        %dma_start3A_490 = arith.constant 0 : i32
        %dma_start3A_491 = tpu.memref_slice %arg8[%mul3A_483, %dma_start3A_490] : memref<10000x128xf32, #tpu.memory_space<vmem_shared>> -> memref<40x128xf32, #tpu.memory_space<vmem_shared>>
        %dma_start3A_492 = arith.constant 0 : i32
        %dma_start3A_493 = arith.constant 0 : i32
        %dma_start3A_494 = tpu.memref_slice %arg7[%run_scoped3A, %dma_start3A_492, %dma_start3A_493] : memref<2x128x128xf32, #tpu.memory_space<vmem>> -> memref<1x40x128xf32, #tpu.memory_space<vmem>>
        %dma_start3A_495 = tpu.memref_squeeze %dma_start3A_494 : memref<1x40x128xf32, #tpu.memory_space<vmem>> -> memref<40x128xf32, #tpu.memory_space<vmem>>
        tpu.enqueue_dma source(%dma_start3A_495 : memref<40x128xf32, #tpu.memory_space<vmem>>) target(%dma_start3A_491 : memref<40x128xf32, #tpu.memory_space<vmem_shared>>) target_semaphore(%run_scoped3A_484 : memref<!tpu.dma_semaphore, #tpu.memory_space<semaphore_mem>>)
        %dma_wait3A_496 = arith.constant 0 : i32
        %dma_wait3A_497 = arith.constant 0 : i32
        %dma_wait3A_498 = tpu.memref_slice %arg7[%run_scoped3A, %dma_wait3A_496, %dma_wait3A_497] : memref<2x128x128xf32, #tpu.memory_space<vmem>> -> memref<1x40x128xf32, #tpu.memory_space<vmem>>
        %dma_wait3A_499 = tpu.memref_squeeze %dma_wait3A_498 : memref<1x40x128xf32, #tpu.memory_space<vmem>> -> memref<40x128xf32, #tpu.memory_space<vmem>>
        %dma_wait3A_500 = arith.constant 0 : i32
        %dma_wait3A_501 = tpu.memref_slice %arg8[%mul3A_483, %dma_wait3A_500] : memref<10000x128xf32, #tpu.memory_space<vmem_shared>> -> memref<40x128xf32, #tpu.memory_space<vmem_shared>>
        %dma_wait3A_502 = arith.constant 0 : i32
        %dma_wait3A_503 = tpu.memref_slice %arg8[%mul3A_483, %dma_wait3A_502] : memref<10000x128xf32, #tpu.memory_space<vmem_shared>> -> memref<40x128xf32, #tpu.memory_space<vmem_shared>>
        %dma_wait3A_504 = arith.constant 0 : i32
        %dma_wait3A_505 = arith.constant 0 : i32
        %dma_wait3A_506 = tpu.memref_slice %arg7[%run_scoped3A, %dma_wait3A_504, %dma_wait3A_505] : memref<2x128x128xf32, #tpu.memory_space<vmem>> -> memref<1x40x128xf32, #tpu.memory_space<vmem>>
        %dma_wait3A_507 = tpu.memref_squeeze %dma_wait3A_506 : memref<1x40x128xf32, #tpu.memory_space<vmem>> -> memref<40x128xf32, #tpu.memory_space<vmem>>
        tpu.wait_dma2 semaphore(%run_scoped3A_484 : memref<!tpu.dma_semaphore, #tpu.memory_space<semaphore_mem>>) src(%dma_wait3A_507 : memref<40x128xf32, #tpu.memory_space<vmem>>) dst(%dma_wait3A_503 : memref<40x128xf32, #tpu.memory_space<vmem_shared>>)
        tpu.yield
      }) : () -> ()
    } else {
    }
    %add3A_17 = arith.constant 32 : i32
    %add3A_18 = arith.addi %add3A_17, %arg1 : i32
    %lt3A_19 = arith.constant 250 : i32
    %lt3A_20 = arith.cmpi slt, %add3A_18, %lt3A_19 : i32
    %convert_element_type3A_21 = arith.extui %lt3A_20 : i1 to i32
    %cond3A_22 = arith.constant 0 : i32
    %cond3A_23 = arith.cmpi ne, %convert_element_type3A_21, %cond3A_22 : i32
    scf.if %cond3A_23 {
      %mul3A_482 = arith.constant 40 : i32
      %mul3A_483 = arith.muli %add3A_18, %mul3A_482 : i32
      %run_scoped3A = arith.constant 0 : i32
      "tpu.region"() ({
        %run_scoped3A_484 = tpu.sem_alloc : memref<!tpu.dma_semaphore, #tpu.memory_space<semaphore_mem>>
        %dma_start3A = arith.constant 0 : i32
        %dma_start3A_485 = arith.constant 0 : i32
        %dma_start3A_486 = tpu.memref_slice %arg7[%run_scoped3A, %dma_start3A, %dma_start3A_485] : memref<2x128x128xf32, #tpu.memory_space<vmem>> -> memref<1x40x128xf32, #tpu.memory_space<vmem>>
        %dma_start3A_487 = tpu.memref_squeeze %dma_start3A_486 : memref<1x40x128xf32, #tpu.memory_space<vmem>> -> memref<40x128xf32, #tpu.memory_space<vmem>>
        %dma_start3A_488 = arith.constant 0 : i32
        %dma_start3A_489 = tpu.memref_slice %arg8[%mul3A_483, %dma_start3A_488] : memref<10000x128xf32, #tpu.memory_space<vmem_shared>> -> memref<40x128xf32, #tpu.memory_space<vmem_shared>>
        %dma_start3A_490 = arith.constant 0 : i32
        %dma_start3A_491 = tpu.memref_slice %arg8[%mul3A_483, %dma_start3A_490] : memref<10000x128xf32, #tpu.memory_space<vmem_shared>> -> memref<40x128xf32, #tpu.memory_space<vmem_shared>>
        %dma_start3A_492 = arith.constant 0 : i32
        %dma_start3A_493 = arith.constant 0 : i32
        %dma_start3A_494 = tpu.memref_slice %arg7[%run_scoped3A, %dma_start3A_492, %dma_start3A_493] : memref<2x128x128xf32, #tpu.memory_space<vmem>> -> memref<1x40x128xf32, #tpu.memory_space<vmem>>
        %dma_start3A_495 = tpu.memref_squeeze %dma_start3A_494 : memref<1x40x128xf32, #tpu.memory_space<vmem>> -> memref<40x128xf32, #tpu.memory_space<vmem>>
        tpu.enqueue_dma source(%dma_start3A_495 : memref<40x128xf32, #tpu.memory_space<vmem>>) target(%dma_start3A_491 : memref<40x128xf32, #tpu.memory_space<vmem_shared>>) target_semaphore(%run_scoped3A_484 : memref<!tpu.dma_semaphore, #tpu.memory_space<semaphore_mem>>)
        %dma_wait3A_496 = arith.constant 0 : i32
        %dma_wait3A_497 = arith.constant 0 : i32
        %dma_wait3A_498 = tpu.memref_slice %arg7[%run_scoped3A, %dma_wait3A_496, %dma_wait3A_497] : memref<2x128x128xf32, #tpu.memory_space<vmem>> -> memref<1x40x128xf32, #tpu.memory_space<vmem>>
        %dma_wait3A_499 = tpu.memref_squeeze %dma_wait3A_498 : memref<1x40x128xf32, #tpu.memory_space<vmem>> -> memref<40x128xf32, #tpu.memory_space<vmem>>
        %dma_wait3A_500 = arith.constant 0 : i32
        %dma_wait3A_501 = tpu.memref_slice %arg8[%mul3A_483, %dma_wait3A_500] : memref<10000x128xf32, #tpu.memory_space<vmem_shared>> -> memref<40x128xf32, #tpu.memory_space<vmem_shared>>
        %dma_wait3A_502 = arith.constant 0 : i32
        %dma_wait3A_503 = tpu.memref_slice %arg8[%mul3A_483, %dma_wait3A_502] : memref<10000x128xf32, #tpu.memory_space<vmem_shared>> -> memref<40x128xf32, #tpu.memory_space<vmem_shared>>
        %dma_wait3A_504 = arith.constant 0 : i32
        %dma_wait3A_505 = arith.constant 0 : i32
        %dma_wait3A_506 = tpu.memref_slice %arg7[%run_scoped3A, %dma_wait3A_504, %dma_wait3A_505] : memref<2x128x128xf32, #tpu.memory_space<vmem>> -> memref<1x40x128xf32, #tpu.memory_space<vmem>>
        %dma_wait3A_507 = tpu.memref_squeeze %dma_wait3A_506 : memref<1x40x128xf32, #tpu.memory_space<vmem>> -> memref<40x128xf32, #tpu.memory_space<vmem>>
        tpu.wait_dma2 semaphore(%run_scoped3A_484 : memref<!tpu.dma_semaphore, #tpu.memory_space<semaphore_mem>>) src(%dma_wait3A_507 : memref<40x128xf32, #tpu.memory_space<vmem>>) dst(%dma_wait3A_503 : memref<40x128xf32, #tpu.memory_space<vmem_shared>>)
        tpu.yield
      }) : () -> ()
    } else {
    }
    %add3A_24 = arith.constant 48 : i32
    %add3A_25 = arith.addi %add3A_24, %arg1 : i32
    %lt3A_26 = arith.constant 250 : i32
    %lt3A_27 = arith.cmpi slt, %add3A_25, %lt3A_26 : i32
    %convert_element_type3A_28 = arith.extui %lt3A_27 : i1 to i32
    %cond3A_29 = arith.constant 0 : i32
    %cond3A_30 = arith.cmpi ne, %convert_element_type3A_28, %cond3A_29 : i32
    scf.if %cond3A_30 {
      %mul3A_482 = arith.constant 40 : i32
      %mul3A_483 = arith.muli %add3A_25, %mul3A_482 : i32
      %run_scoped3A = arith.constant 0 : i32
      "tpu.region"() ({
        %run_scoped3A_484 = tpu.sem_alloc : memref<!tpu.dma_semaphore, #tpu.memory_space<semaphore_mem>>
        %dma_start3A = arith.constant 0 : i32
        %dma_start3A_485 = arith.constant 0 : i32
        %dma_start3A_486 = tpu.memref_slice %arg7[%run_scoped3A, %dma_start3A, %dma_start3A_485] : memref<2x128x128xf32, #tpu.memory_space<vmem>> -> memref<1x40x128xf32, #tpu.memory_space<vmem>>
        %dma_start3A_487 = tpu.memref_squeeze %dma_start3A_486 : memref<1x40x128xf32, #tpu.memory_space<vmem>> -> memref<40x128xf32, #tpu.memory_space<vmem>>
        %dma_start3A_488 = arith.constant 0 : i32
        %dma_start3A_489 = tpu.memref_slice %arg8[%mul3A_483, %dma_start3A_488] : memref<10000x128xf32, #tpu.memory_space<vmem_shared>> -> memref<40x128xf32, #tpu.memory_space<vmem_shared>>
        %dma_start3A_490 = arith.constant 0 : i32
        %dma_start3A_491 = tpu.memref_slice %arg8[%mul3A_483, %dma_start3A_490] : memref<10000x128xf32, #tpu.memory_space<vmem_shared>> -> memref<40x128xf32, #tpu.memory_space<vmem_shared>>
        %dma_start3A_492 = arith.constant 0 : i32
        %dma_start3A_493 = arith.constant 0 : i32
        %dma_start3A_494 = tpu.memref_slice %arg7[%run_scoped3A, %dma_start3A_492, %dma_start3A_493] : memref<2x128x128xf32, #tpu.memory_space<vmem>> -> memref<1x40x128xf32, #tpu.memory_space<vmem>>
        %dma_start3A_495 = tpu.memref_squeeze %dma_start3A_494 : memref<1x40x128xf32, #tpu.memory_space<vmem>> -> memref<40x128xf32, #tpu.memory_space<vmem>>
        tpu.enqueue_dma source(%dma_start3A_495 : memref<40x128xf32, #tpu.memory_space<vmem>>) target(%dma_start3A_491 : memref<40x128xf32, #tpu.memory_space<vmem_shared>>) target_semaphore(%run_scoped3A_484 : memref<!tpu.dma_semaphore, #tpu.memory_space<semaphore_mem>>)
        %dma_wait3A_496 = arith.constant 0 : i32
        %dma_wait3A_497 = arith.constant 0 : i32
        %dma_wait3A_498 = tpu.memref_slice %arg7[%run_scoped3A, %dma_wait3A_496, %dma_wait3A_497] : memref<2x128x128xf32, #tpu.memory_space<vmem>> -> memref<1x40x128xf32, #tpu.memory_space<vmem>>
        %dma_wait3A_499 = tpu.memref_squeeze %dma_wait3A_498 : memref<1x40x128xf32, #tpu.memory_space<vmem>> -> memref<40x128xf32, #tpu.memory_space<vmem>>
        %dma_wait3A_500 = arith.constant 0 : i32
        %dma_wait3A_501 = tpu.memref_slice %arg8[%mul3A_483, %dma_wait3A_500] : memref<10000x128xf32, #tpu.memory_space<vmem_shared>> -> memref<40x128xf32, #tpu.memory_space<vmem_shared>>
        %dma_wait3A_502 = arith.constant 0 : i32
        %dma_wait3A_503 = tpu.memref_slice %arg8[%mul3A_483, %dma_wait3A_502] : memref<10000x128xf32, #tpu.memory_space<vmem_shared>> -> memref<40x128xf32, #tpu.memory_space<vmem_shared>>
        %dma_wait3A_504 = arith.constant 0 : i32
        %dma_wait3A_505 = arith.constant 0 : i32
        %dma_wait3A_506 = tpu.memref_slice %arg7[%run_scoped3A, %dma_wait3A_504, %dma_wait3A_505] : memref<2x128x128xf32, #tpu.memory_space<vmem>> -> memref<1x40x128xf32, #tpu.memory_space<vmem>>
        %dma_wait3A_507 = tpu.memref_squeeze %dma_wait3A_506 : memref<1x40x128xf32, #tpu.memory_space<vmem>> -> memref<40x128xf32, #tpu.memory_space<vmem>>
        tpu.wait_dma2 semaphore(%run_scoped3A_484 : memref<!tpu.dma_semaphore, #tpu.memory_space<semaphore_mem>>) src(%dma_wait3A_507 : memref<40x128xf32, #tpu.memory_space<vmem>>) dst(%dma_wait3A_503 : memref<40x128xf32, #tpu.memory_space<vmem_shared>>)
        tpu.yield
      }) : () -> ()
    } else {
    }
    %add3A_31 = arith.constant 64 : i32
    %add3A_32 = arith.addi %add3A_31, %arg1 : i32
    %lt3A_33 = arith.constant 250 : i32
    %lt3A_34 = arith.cmpi slt, %add3A_32, %lt3A_33 : i32
    %convert_element_type3A_35 = arith.extui %lt3A_34 : i1 to i32
    %cond3A_36 = arith.constant 0 : i32
    %cond3A_37 = arith.cmpi ne, %convert_element_type3A_35, %cond3A_36 : i32
    scf.if %cond3A_37 {
      %mul3A_482 = arith.constant 40 : i32
      %mul3A_483 = arith.muli %add3A_32, %mul3A_482 : i32
      %run_scoped3A = arith.constant 0 : i32
      "tpu.region"() ({
        %run_scoped3A_484 = tpu.sem_alloc : memref<!tpu.dma_semaphore, #tpu.memory_space<semaphore_mem>>
        %dma_start3A = arith.constant 0 : i32
        %dma_start3A_485 = arith.constant 0 : i32
        %dma_start3A_486 = tpu.memref_slice %arg7[%run_scoped3A, %dma_start3A, %dma_start3A_485] : memref<2x128x128xf32, #tpu.memory_space<vmem>> -> memref<1x40x128xf32, #tpu.memory_space<vmem>>
        %dma_start3A_487 = tpu.memref_squeeze %dma_start3A_486 : memref<1x40x128xf32, #tpu.memory_space<vmem>> -> memref<40x128xf32, #tpu.memory_space<vmem>>
        %dma_start3A_488 = arith.constant 0 : i32
        %dma_start3A_489 = tpu.memref_slice %arg8[%mul3A_483, %dma_start3A_488] : memref<10000x128xf32, #tpu.memory_space<vmem_shared>> -> memref<40x128xf32, #tpu.memory_space<vmem_shared>>
        %dma_start3A_490 = arith.constant 0 : i32
        %dma_start3A_491 = tpu.memref_slice %arg8[%mul3A_483, %dma_start3A_490] : memref<10000x128xf32, #tpu.memory_space<vmem_shared>> -> memref<40x128xf32, #tpu.memory_space<vmem_shared>>
        %dma_start3A_492 = arith.constant 0 : i32
        %dma_start3A_493 = arith.constant 0 : i32
        %dma_start3A_494 = tpu.memref_slice %arg7[%run_scoped3A, %dma_start3A_492, %dma_start3A_493] : memref<2x128x128xf32, #tpu.memory_space<vmem>> -> memref<1x40x128xf32, #tpu.memory_space<vmem>>
        %dma_start3A_495 = tpu.memref_squeeze %dma_start3A_494 : memref<1x40x128xf32, #tpu.memory_space<vmem>> -> memref<40x128xf32, #tpu.memory_space<vmem>>
        tpu.enqueue_dma source(%dma_start3A_495 : memref<40x128xf32, #tpu.memory_space<vmem>>) target(%dma_start3A_491 : memref<40x128xf32, #tpu.memory_space<vmem_shared>>) target_semaphore(%run_scoped3A_484 : memref<!tpu.dma_semaphore, #tpu.memory_space<semaphore_mem>>)
        %dma_wait3A_496 = arith.constant 0 : i32
        %dma_wait3A_497 = arith.constant 0 : i32
        %dma_wait3A_498 = tpu.memref_slice %arg7[%run_scoped3A, %dma_wait3A_496, %dma_wait3A_497] : memref<2x128x128xf32, #tpu.memory_space<vmem>> -> memref<1x40x128xf32, #tpu.memory_space<vmem>>
        %dma_wait3A_499 = tpu.memref_squeeze %dma_wait3A_498 : memref<1x40x128xf32, #tpu.memory_space<vmem>> -> memref<40x128xf32, #tpu.memory_space<vmem>>
        %dma_wait3A_500 = arith.constant 0 : i32
        %dma_wait3A_501 = tpu.memref_slice %arg8[%mul3A_483, %dma_wait3A_500] : memref<10000x128xf32, #tpu.memory_space<vmem_shared>> -> memref<40x128xf32, #tpu.memory_space<vmem_shared>>
        %dma_wait3A_502 = arith.constant 0 : i32
        %dma_wait3A_503 = tpu.memref_slice %arg8[%mul3A_483, %dma_wait3A_502] : memref<10000x128xf32, #tpu.memory_space<vmem_shared>> -> memref<40x128xf32, #tpu.memory_space<vmem_shared>>
        %dma_wait3A_504 = arith.constant 0 : i32
        %dma_wait3A_505 = arith.constant 0 : i32
        %dma_wait3A_506 = tpu.memref_slice %arg7[%run_scoped3A, %dma_wait3A_504, %dma_wait3A_505] : memref<2x128x128xf32, #tpu.memory_space<vmem>> -> memref<1x40x128xf32, #tpu.memory_space<vmem>>
        %dma_wait3A_507 = tpu.memref_squeeze %dma_wait3A_506 : memref<1x40x128xf32, #tpu.memory_space<vmem>> -> memref<40x128xf32, #tpu.memory_space<vmem>>
        tpu.wait_dma2 semaphore(%run_scoped3A_484 : memref<!tpu.dma_semaphore, #tpu.memory_space<semaphore_mem>>) src(%dma_wait3A_507 : memref<40x128xf32, #tpu.memory_space<vmem>>) dst(%dma_wait3A_503 : memref<40x128xf32, #tpu.memory_space<vmem_shared>>)
        tpu.yield
      }) : () -> ()
    } else {
    }
    %add3A_38 = arith.constant 80 : i32
    %add3A_39 = arith.addi %add3A_38, %arg1 : i32
    %lt3A_40 = arith.constant 250 : i32
    %lt3A_41 = arith.cmpi slt, %add3A_39, %lt3A_40 : i32
    %convert_element_type3A_42 = arith.extui %lt3A_41 : i1 to i32
    %cond3A_43 = arith.constant 0 : i32
    %cond3A_44 = arith.cmpi ne, %convert_element_type3A_42, %cond3A_43 : i32
    scf.if %cond3A_44 {
      %mul3A_482 = arith.constant 40 : i32
      %mul3A_483 = arith.muli %add3A_39, %mul3A_482 : i32
      %run_scoped3A = arith.constant 0 : i32
      "tpu.region"() ({
        %run_scoped3A_484 = tpu.sem_alloc : memref<!tpu.dma_semaphore, #tpu.memory_space<semaphore_mem>>
        %dma_start3A = arith.constant 0 : i32
        %dma_start3A_485 = arith.constant 0 : i32
        %dma_start3A_486 = tpu.memref_slice %arg7[%run_scoped3A, %dma_start3A, %dma_start3A_485] : memref<2x128x128xf32, #tpu.memory_space<vmem>> -> memref<1x40x128xf32, #tpu.memory_space<vmem>>
        %dma_start3A_487 = tpu.memref_squeeze %dma_start3A_486 : memref<1x40x128xf32, #tpu.memory_space<vmem>> -> memref<40x128xf32, #tpu.memory_space<vmem>>
        %dma_start3A_488 = arith.constant 0 : i32
        %dma_start3A_489 = tpu.memref_slice %arg8[%mul3A_483, %dma_start3A_488] : memref<10000x128xf32, #tpu.memory_space<vmem_shared>> -> memref<40x128xf32, #tpu.memory_space<vmem_shared>>
        %dma_start3A_490 = arith.constant 0 : i32
        %dma_start3A_491 = tpu.memref_slice %arg8[%mul3A_483, %dma_start3A_490] : memref<10000x128xf32, #tpu.memory_space<vmem_shared>> -> memref<40x128xf32, #tpu.memory_space<vmem_shared>>
        %dma_start3A_492 = arith.constant 0 : i32
        %dma_start3A_493 = arith.constant 0 : i32
        %dma_start3A_494 = tpu.memref_slice %arg7[%run_scoped3A, %dma_start3A_492, %dma_start3A_493] : memref<2x128x128xf32, #tpu.memory_space<vmem>> -> memref<1x40x128xf32, #tpu.memory_space<vmem>>
        %dma_start3A_495 = tpu.memref_squeeze %dma_start3A_494 : memref<1x40x128xf32, #tpu.memory_space<vmem>> -> memref<40x128xf32, #tpu.memory_space<vmem>>
        tpu.enqueue_dma source(%dma_start3A_495 : memref<40x128xf32, #tpu.memory_space<vmem>>) target(%dma_start3A_491 : memref<40x128xf32, #tpu.memory_space<vmem_shared>>) target_semaphore(%run_scoped3A_484 : memref<!tpu.dma_semaphore, #tpu.memory_space<semaphore_mem>>)
        %dma_wait3A_496 = arith.constant 0 : i32
        %dma_wait3A_497 = arith.constant 0 : i32
        %dma_wait3A_498 = tpu.memref_slice %arg7[%run_scoped3A, %dma_wait3A_496, %dma_wait3A_497] : memref<2x128x128xf32, #tpu.memory_space<vmem>> -> memref<1x40x128xf32, #tpu.memory_space<vmem>>
        %dma_wait3A_499 = tpu.memref_squeeze %dma_wait3A_498 : memref<1x40x128xf32, #tpu.memory_space<vmem>> -> memref<40x128xf32, #tpu.memory_space<vmem>>
        %dma_wait3A_500 = arith.constant 0 : i32
        %dma_wait3A_501 = tpu.memref_slice %arg8[%mul3A_483, %dma_wait3A_500] : memref<10000x128xf32, #tpu.memory_space<vmem_shared>> -> memref<40x128xf32, #tpu.memory_space<vmem_shared>>
        %dma_wait3A_502 = arith.constant 0 : i32
        %dma_wait3A_503 = tpu.memref_slice %arg8[%mul3A_483, %dma_wait3A_502] : memref<10000x128xf32, #tpu.memory_space<vmem_shared>> -> memref<40x128xf32, #tpu.memory_space<vmem_shared>>
        %dma_wait3A_504 = arith.constant 0 : i32
        %dma_wait3A_505 = arith.constant 0 : i32
        %dma_wait3A_506 = tpu.memref_slice %arg7[%run_scoped3A, %dma_wait3A_504, %dma_wait3A_505] : memref<2x128x128xf32, #tpu.memory_space<vmem>> -> memref<1x40x128xf32, #tpu.memory_space<vmem>>
        %dma_wait3A_507 = tpu.memref_squeeze %dma_wait3A_506 : memref<1x40x128xf32, #tpu.memory_space<vmem>> -> memref<40x128xf32, #tpu.memory_space<vmem>>
        tpu.wait_dma2 semaphore(%run_scoped3A_484 : memref<!tpu.dma_semaphore, #tpu.memory_space<semaphore_mem>>) src(%dma_wait3A_507 : memref<40x128xf32, #tpu.memory_space<vmem>>) dst(%dma_wait3A_503 : memref<40x128xf32, #tpu.memory_space<vmem_shared>>)
        tpu.yield
      }) : () -> ()
    } else {
    }
    %add3A_45 = arith.constant 96 : i32
    %add3A_46 = arith.addi %add3A_45, %arg1 : i32
    %lt3A_47 = arith.constant 250 : i32
    %lt3A_48 = arith.cmpi slt, %add3A_46, %lt3A_47 : i32
    %convert_element_type3A_49 = arith.extui %lt3A_48 : i1 to i32
    %cond3A_50 = arith.constant 0 : i32
    %cond3A_51 = arith.cmpi ne, %convert_element_type3A_49, %cond3A_50 : i32
    scf.if %cond3A_51 {
      %mul3A_482 = arith.constant 40 : i32
      %mul3A_483 = arith.muli %add3A_46, %mul3A_482 : i32
      %run_scoped3A = arith.constant 0 : i32
      "tpu.region"() ({
        %run_scoped3A_484 = tpu.sem_alloc : memref<!tpu.dma_semaphore, #tpu.memory_space<semaphore_mem>>
        %dma_start3A = arith.constant 0 : i32
        %dma_start3A_485 = arith.constant 0 : i32
        %dma_start3A_486 = tpu.memref_slice %arg7[%run_scoped3A, %dma_start3A, %dma_start3A_485] : memref<2x128x128xf32, #tpu.memory_space<vmem>> -> memref<1x40x128xf32, #tpu.memory_space<vmem>>
        %dma_start3A_487 = tpu.memref_squeeze %dma_start3A_486 : memref<1x40x128xf32, #tpu.memory_space<vmem>> -> memref<40x128xf32, #tpu.memory_space<vmem>>
        %dma_start3A_488 = arith.constant 0 : i32
        %dma_start3A_489 = tpu.memref_slice %arg8[%mul3A_483, %dma_start3A_488] : memref<10000x128xf32, #tpu.memory_space<vmem_shared>> -> memref<40x128xf32, #tpu.memory_space<vmem_shared>>
        %dma_start3A_490 = arith.constant 0 : i32
        %dma_start3A_491 = tpu.memref_slice %arg8[%mul3A_483, %dma_start3A_490] : memref<10000x128xf32, #tpu.memory_space<vmem_shared>> -> memref<40x128xf32, #tpu.memory_space<vmem_shared>>
        %dma_start3A_492 = arith.constant 0 : i32
        %dma_start3A_493 = arith.constant 0 : i32
        %dma_start3A_494 = tpu.memref_slice %arg7[%run_scoped3A, %dma_start3A_492, %dma_start3A_493] : memref<2x128x128xf32, #tpu.memory_space<vmem>> -> memref<1x40x128xf32, #tpu.memory_space<vmem>>
        %dma_start3A_495 = tpu.memref_squeeze %dma_start3A_494 : memref<1x40x128xf32, #tpu.memory_space<vmem>> -> memref<40x128xf32, #tpu.memory_space<vmem>>
        tpu.enqueue_dma source(%dma_start3A_495 : memref<40x128xf32, #tpu.memory_space<vmem>>) target(%dma_start3A_491 : memref<40x128xf32, #tpu.memory_space<vmem_shared>>) target_semaphore(%run_scoped3A_484 : memref<!tpu.dma_semaphore, #tpu.memory_space<semaphore_mem>>)
        %dma_wait3A_496 = arith.constant 0 : i32
        %dma_wait3A_497 = arith.constant 0 : i32
        %dma_wait3A_498 = tpu.memref_slice %arg7[%run_scoped3A, %dma_wait3A_496, %dma_wait3A_497] : memref<2x128x128xf32, #tpu.memory_space<vmem>> -> memref<1x40x128xf32, #tpu.memory_space<vmem>>
        %dma_wait3A_499 = tpu.memref_squeeze %dma_wait3A_498 : memref<1x40x128xf32, #tpu.memory_space<vmem>> -> memref<40x128xf32, #tpu.memory_space<vmem>>
        %dma_wait3A_500 = arith.constant 0 : i32
        %dma_wait3A_501 = tpu.memref_slice %arg8[%mul3A_483, %dma_wait3A_500] : memref<10000x128xf32, #tpu.memory_space<vmem_shared>> -> memref<40x128xf32, #tpu.memory_space<vmem_shared>>
        %dma_wait3A_502 = arith.constant 0 : i32
        %dma_wait3A_503 = tpu.memref_slice %arg8[%mul3A_483, %dma_wait3A_502] : memref<10000x128xf32, #tpu.memory_space<vmem_shared>> -> memref<40x128xf32, #tpu.memory_space<vmem_shared>>
        %dma_wait3A_504 = arith.constant 0 : i32
        %dma_wait3A_505 = arith.constant 0 : i32
        %dma_wait3A_506 = tpu.memref_slice %arg7[%run_scoped3A, %dma_wait3A_504, %dma_wait3A_505] : memref<2x128x128xf32, #tpu.memory_space<vmem>> -> memref<1x40x128xf32, #tpu.memory_space<vmem>>
        %dma_wait3A_507 = tpu.memref_squeeze %dma_wait3A_506 : memref<1x40x128xf32, #tpu.memory_space<vmem>> -> memref<40x128xf32, #tpu.memory_space<vmem>>
        tpu.wait_dma2 semaphore(%run_scoped3A_484 : memref<!tpu.dma_semaphore, #tpu.memory_space<semaphore_mem>>) src(%dma_wait3A_507 : memref<40x128xf32, #tpu.memory_space<vmem>>) dst(%dma_wait3A_503 : memref<40x128xf32, #tpu.memory_space<vmem_shared>>)
        tpu.yield
      }) : () -> ()
    } else {
    }
    %add3A_52 = arith.constant 112 : i32
    %add3A_53 = arith.addi %add3A_52, %arg1 : i32
    %lt3A_54 = arith.constant 250 : i32
    %lt3A_55 = arith.cmpi slt, %add3A_53, %lt3A_54 : i32
    %convert_element_type3A_56 = arith.extui %lt3A_55 : i1 to i32
    %cond3A_57 = arith.constant 0 : i32
    %cond3A_58 = arith.cmpi ne, %convert_element_type3A_56, %cond3A_57 : i32
    scf.if %cond3A_58 {
      %mul3A_482 = arith.constant 40 : i32
      %mul3A_483 = arith.muli %add3A_53, %mul3A_482 : i32
      %run_scoped3A = arith.constant 0 : i32
      "tpu.region"() ({
        %run_scoped3A_484 = tpu.sem_alloc : memref<!tpu.dma_semaphore, #tpu.memory_space<semaphore_mem>>
        %dma_start3A = arith.constant 0 : i32
        %dma_start3A_485 = arith.constant 0 : i32
        %dma_start3A_486 = tpu.memref_slice %arg7[%run_scoped3A, %dma_start3A, %dma_start3A_485] : memref<2x128x128xf32, #tpu.memory_space<vmem>> -> memref<1x40x128xf32, #tpu.memory_space<vmem>>
        %dma_start3A_487 = tpu.memref_squeeze %dma_start3A_486 : memref<1x40x128xf32, #tpu.memory_space<vmem>> -> memref<40x128xf32, #tpu.memory_space<vmem>>
        %dma_start3A_488 = arith.constant 0 : i32
        %dma_start3A_489 = tpu.memref_slice %arg8[%mul3A_483, %dma_start3A_488] : memref<10000x128xf32, #tpu.memory_space<vmem_shared>> -> memref<40x128xf32, #tpu.memory_space<vmem_shared>>
        %dma_start3A_490 = arith.constant 0 : i32
        %dma_start3A_491 = tpu.memref_slice %arg8[%mul3A_483, %dma_start3A_490] : memref<10000x128xf32, #tpu.memory_space<vmem_shared>> -> memref<40x128xf32, #tpu.memory_space<vmem_shared>>
        %dma_start3A_492 = arith.constant 0 : i32
        %dma_start3A_493 = arith.constant 0 : i32
        %dma_start3A_494 = tpu.memref_slice %arg7[%run_scoped3A, %dma_start3A_492, %dma_start3A_493] : memref<2x128x128xf32, #tpu.memory_space<vmem>> -> memref<1x40x128xf32, #tpu.memory_space<vmem>>
        %dma_start3A_495 = tpu.memref_squeeze %dma_start3A_494 : memref<1x40x128xf32, #tpu.memory_space<vmem>> -> memref<40x128xf32, #tpu.memory_space<vmem>>
        tpu.enqueue_dma source(%dma_start3A_495 : memref<40x128xf32, #tpu.memory_space<vmem>>) target(%dma_start3A_491 : memref<40x128xf32, #tpu.memory_space<vmem_shared>>) target_semaphore(%run_scoped3A_484 : memref<!tpu.dma_semaphore, #tpu.memory_space<semaphore_mem>>)
        %dma_wait3A_496 = arith.constant 0 : i32
        %dma_wait3A_497 = arith.constant 0 : i32
        %dma_wait3A_498 = tpu.memref_slice %arg7[%run_scoped3A, %dma_wait3A_496, %dma_wait3A_497] : memref<2x128x128xf32, #tpu.memory_space<vmem>> -> memref<1x40x128xf32, #tpu.memory_space<vmem>>
        %dma_wait3A_499 = tpu.memref_squeeze %dma_wait3A_498 : memref<1x40x128xf32, #tpu.memory_space<vmem>> -> memref<40x128xf32, #tpu.memory_space<vmem>>
        %dma_wait3A_500 = arith.constant 0 : i32
        %dma_wait3A_501 = tpu.memref_slice %arg8[%mul3A_483, %dma_wait3A_500] : memref<10000x128xf32, #tpu.memory_space<vmem_shared>> -> memref<40x128xf32, #tpu.memory_space<vmem_shared>>
        %dma_wait3A_502 = arith.constant 0 : i32
        %dma_wait3A_503 = tpu.memref_slice %arg8[%mul3A_483, %dma_wait3A_502] : memref<10000x128xf32, #tpu.memory_space<vmem_shared>> -> memref<40x128xf32, #tpu.memory_space<vmem_shared>>
        %dma_wait3A_504 = arith.constant 0 : i32
        %dma_wait3A_505 = arith.constant 0 : i32
        %dma_wait3A_506 = tpu.memref_slice %arg7[%run_scoped3A, %dma_wait3A_504, %dma_wait3A_505] : memref<2x128x128xf32, #tpu.memory_space<vmem>> -> memref<1x40x128xf32, #tpu.memory_space<vmem>>
        %dma_wait3A_507 = tpu.memref_squeeze %dma_wait3A_506 : memref<1x40x128xf32, #tpu.memory_space<vmem>> -> memref<40x128xf32, #tpu.memory_space<vmem>>
        tpu.wait_dma2 semaphore(%run_scoped3A_484 : memref<!tpu.dma_semaphore, #tpu.memory_space<semaphore_mem>>) src(%dma_wait3A_507 : memref<40x128xf32, #tpu.memory_space<vmem>>) dst(%dma_wait3A_503 : memref<40x128xf32, #tpu.memory_space<vmem_shared>>)
        tpu.yield
      }) : () -> ()
    } else {
    }
    %add3A_59 = arith.constant 128 : i32
    %add3A_60 = arith.addi %add3A_59, %arg1 : i32
    %lt3A_61 = arith.constant 250 : i32
    %lt3A_62 = arith.cmpi slt, %add3A_60, %lt3A_61 : i32
    %convert_element_type3A_63 = arith.extui %lt3A_62 : i1 to i32
    %cond3A_64 = arith.constant 0 : i32
    %cond3A_65 = arith.cmpi ne, %convert_element_type3A_63, %cond3A_64 : i32
    scf.if %cond3A_65 {
      %mul3A_482 = arith.constant 40 : i32
      %mul3A_483 = arith.muli %add3A_60, %mul3A_482 : i32
      %run_scoped3A = arith.constant 0 : i32
      "tpu.region"() ({
        %run_scoped3A_484 = tpu.sem_alloc : memref<!tpu.dma_semaphore, #tpu.memory_space<semaphore_mem>>
        %dma_start3A = arith.constant 0 : i32
        %dma_start3A_485 = arith.constant 0 : i32
        %dma_start3A_486 = tpu.memref_slice %arg7[%run_scoped3A, %dma_start3A, %dma_start3A_485] : memref<2x128x128xf32, #tpu.memory_space<vmem>> -> memref<1x40x128xf32, #tpu.memory_space<vmem>>
        %dma_start3A_487 = tpu.memref_squeeze %dma_start3A_486 : memref<1x40x128xf32, #tpu.memory_space<vmem>> -> memref<40x128xf32, #tpu.memory_space<vmem>>
        %dma_start3A_488 = arith.constant 0 : i32
        %dma_start3A_489 = tpu.memref_slice %arg8[%mul3A_483, %dma_start3A_488] : memref<10000x128xf32, #tpu.memory_space<vmem_shared>> -> memref<40x128xf32, #tpu.memory_space<vmem_shared>>
        %dma_start3A_490 = arith.constant 0 : i32
        %dma_start3A_491 = tpu.memref_slice %arg8[%mul3A_483, %dma_start3A_490] : memref<10000x128xf32, #tpu.memory_space<vmem_shared>> -> memref<40x128xf32, #tpu.memory_space<vmem_shared>>
        %dma_start3A_492 = arith.constant 0 : i32
        %dma_start3A_493 = arith.constant 0 : i32
        %dma_start3A_494 = tpu.memref_slice %arg7[%run_scoped3A, %dma_start3A_492, %dma_start3A_493] : memref<2x128x128xf32, #tpu.memory_space<vmem>> -> memref<1x40x128xf32, #tpu.memory_space<vmem>>
        %dma_start3A_495 = tpu.memref_squeeze %dma_start3A_494 : memref<1x40x128xf32, #tpu.memory_space<vmem>> -> memref<40x128xf32, #tpu.memory_space<vmem>>
        tpu.enqueue_dma source(%dma_start3A_495 : memref<40x128xf32, #tpu.memory_space<vmem>>) target(%dma_start3A_491 : memref<40x128xf32, #tpu.memory_space<vmem_shared>>) target_semaphore(%run_scoped3A_484 : memref<!tpu.dma_semaphore, #tpu.memory_space<semaphore_mem>>)
        %dma_wait3A_496 = arith.constant 0 : i32
        %dma_wait3A_497 = arith.constant 0 : i32
        %dma_wait3A_498 = tpu.memref_slice %arg7[%run_scoped3A, %dma_wait3A_496, %dma_wait3A_497] : memref<2x128x128xf32, #tpu.memory_space<vmem>> -> memref<1x40x128xf32, #tpu.memory_space<vmem>>
        %dma_wait3A_499 = tpu.memref_squeeze %dma_wait3A_498 : memref<1x40x128xf32, #tpu.memory_space<vmem>> -> memref<40x128xf32, #tpu.memory_space<vmem>>
        %dma_wait3A_500 = arith.constant 0 : i32
        %dma_wait3A_501 = tpu.memref_slice %arg8[%mul3A_483, %dma_wait3A_500] : memref<10000x128xf32, #tpu.memory_space<vmem_shared>> -> memref<40x128xf32, #tpu.memory_space<vmem_shared>>
        %dma_wait3A_502 = arith.constant 0 : i32
        %dma_wait3A_503 = tpu.memref_slice %arg8[%mul3A_483, %dma_wait3A_502] : memref<10000x128xf32, #tpu.memory_space<vmem_shared>> -> memref<40x128xf32, #tpu.memory_space<vmem_shared>>
        %dma_wait3A_504 = arith.constant 0 : i32
        %dma_wait3A_505 = arith.constant 0 : i32
        %dma_wait3A_506 = tpu.memref_slice %arg7[%run_scoped3A, %dma_wait3A_504, %dma_wait3A_505] : memref<2x128x128xf32, #tpu.memory_space<vmem>> -> memref<1x40x128xf32, #tpu.memory_space<vmem>>
        %dma_wait3A_507 = tpu.memref_squeeze %dma_wait3A_506 : memref<1x40x128xf32, #tpu.memory_space<vmem>> -> memref<40x128xf32, #tpu.memory_space<vmem>>
        tpu.wait_dma2 semaphore(%run_scoped3A_484 : memref<!tpu.dma_semaphore, #tpu.memory_space<semaphore_mem>>) src(%dma_wait3A_507 : memref<40x128xf32, #tpu.memory_space<vmem>>) dst(%dma_wait3A_503 : memref<40x128xf32, #tpu.memory_space<vmem_shared>>)
        tpu.yield
      }) : () -> ()
    } else {
    }
    %add3A_66 = arith.constant 144 : i32
    %add3A_67 = arith.addi %add3A_66, %arg1 : i32
    %lt3A_68 = arith.constant 250 : i32
    %lt3A_69 = arith.cmpi slt, %add3A_67, %lt3A_68 : i32
    %convert_element_type3A_70 = arith.extui %lt3A_69 : i1 to i32
    %cond3A_71 = arith.constant 0 : i32
    %cond3A_72 = arith.cmpi ne, %convert_element_type3A_70, %cond3A_71 : i32
    scf.if %cond3A_72 {
      %mul3A_482 = arith.constant 40 : i32
      %mul3A_483 = arith.muli %add3A_67, %mul3A_482 : i32
      %run_scoped3A = arith.constant 0 : i32
      "tpu.region"() ({
        %run_scoped3A_484 = tpu.sem_alloc : memref<!tpu.dma_semaphore, #tpu.memory_space<semaphore_mem>>
        %dma_start3A = arith.constant 0 : i32
        %dma_start3A_485 = arith.constant 0 : i32
        %dma_start3A_486 = tpu.memref_slice %arg7[%run_scoped3A, %dma_start3A, %dma_start3A_485] : memref<2x128x128xf32, #tpu.memory_space<vmem>> -> memref<1x40x128xf32, #tpu.memory_space<vmem>>
        %dma_start3A_487 = tpu.memref_squeeze %dma_start3A_486 : memref<1x40x128xf32, #tpu.memory_space<vmem>> -> memref<40x128xf32, #tpu.memory_space<vmem>>
        %dma_start3A_488 = arith.constant 0 : i32
        %dma_start3A_489 = tpu.memref_slice %arg8[%mul3A_483, %dma_start3A_488] : memref<10000x128xf32, #tpu.memory_space<vmem_shared>> -> memref<40x128xf32, #tpu.memory_space<vmem_shared>>
        %dma_start3A_490 = arith.constant 0 : i32
        %dma_start3A_491 = tpu.memref_slice %arg8[%mul3A_483, %dma_start3A_490] : memref<10000x128xf32, #tpu.memory_space<vmem_shared>> -> memref<40x128xf32, #tpu.memory_space<vmem_shared>>
        %dma_start3A_492 = arith.constant 0 : i32
        %dma_start3A_493 = arith.constant 0 : i32
        %dma_start3A_494 = tpu.memref_slice %arg7[%run_scoped3A, %dma_start3A_492, %dma_start3A_493] : memref<2x128x128xf32, #tpu.memory_space<vmem>> -> memref<1x40x128xf32, #tpu.memory_space<vmem>>
        %dma_start3A_495 = tpu.memref_squeeze %dma_start3A_494 : memref<1x40x128xf32, #tpu.memory_space<vmem>> -> memref<40x128xf32, #tpu.memory_space<vmem>>
        tpu.enqueue_dma source(%dma_start3A_495 : memref<40x128xf32, #tpu.memory_space<vmem>>) target(%dma_start3A_491 : memref<40x128xf32, #tpu.memory_space<vmem_shared>>) target_semaphore(%run_scoped3A_484 : memref<!tpu.dma_semaphore, #tpu.memory_space<semaphore_mem>>)
        %dma_wait3A_496 = arith.constant 0 : i32
        %dma_wait3A_497 = arith.constant 0 : i32
        %dma_wait3A_498 = tpu.memref_slice %arg7[%run_scoped3A, %dma_wait3A_496, %dma_wait3A_497] : memref<2x128x128xf32, #tpu.memory_space<vmem>> -> memref<1x40x128xf32, #tpu.memory_space<vmem>>
        %dma_wait3A_499 = tpu.memref_squeeze %dma_wait3A_498 : memref<1x40x128xf32, #tpu.memory_space<vmem>> -> memref<40x128xf32, #tpu.memory_space<vmem>>
        %dma_wait3A_500 = arith.constant 0 : i32
        %dma_wait3A_501 = tpu.memref_slice %arg8[%mul3A_483, %dma_wait3A_500] : memref<10000x128xf32, #tpu.memory_space<vmem_shared>> -> memref<40x128xf32, #tpu.memory_space<vmem_shared>>
        %dma_wait3A_502 = arith.constant 0 : i32
        %dma_wait3A_503 = tpu.memref_slice %arg8[%mul3A_483, %dma_wait3A_502] : memref<10000x128xf32, #tpu.memory_space<vmem_shared>> -> memref<40x128xf32, #tpu.memory_space<vmem_shared>>
        %dma_wait3A_504 = arith.constant 0 : i32
        %dma_wait3A_505 = arith.constant 0 : i32
        %dma_wait3A_506 = tpu.memref_slice %arg7[%run_scoped3A, %dma_wait3A_504, %dma_wait3A_505] : memref<2x128x128xf32, #tpu.memory_space<vmem>> -> memref<1x40x128xf32, #tpu.memory_space<vmem>>
        %dma_wait3A_507 = tpu.memref_squeeze %dma_wait3A_506 : memref<1x40x128xf32, #tpu.memory_space<vmem>> -> memref<40x128xf32, #tpu.memory_space<vmem>>
        tpu.wait_dma2 semaphore(%run_scoped3A_484 : memref<!tpu.dma_semaphore, #tpu.memory_space<semaphore_mem>>) src(%dma_wait3A_507 : memref<40x128xf32, #tpu.memory_space<vmem>>) dst(%dma_wait3A_503 : memref<40x128xf32, #tpu.memory_space<vmem_shared>>)
        tpu.yield
      }) : () -> ()
    } else {
    }
    %add3A_73 = arith.constant 160 : i32
    %add3A_74 = arith.addi %add3A_73, %arg1 : i32
    %lt3A_75 = arith.constant 250 : i32
    %lt3A_76 = arith.cmpi slt, %add3A_74, %lt3A_75 : i32
    %convert_element_type3A_77 = arith.extui %lt3A_76 : i1 to i32
    %cond3A_78 = arith.constant 0 : i32
    %cond3A_79 = arith.cmpi ne, %convert_element_type3A_77, %cond3A_78 : i32
    scf.if %cond3A_79 {
      %mul3A_482 = arith.constant 40 : i32
      %mul3A_483 = arith.muli %add3A_74, %mul3A_482 : i32
      %run_scoped3A = arith.constant 0 : i32
      "tpu.region"() ({
        %run_scoped3A_484 = tpu.sem_alloc : memref<!tpu.dma_semaphore, #tpu.memory_space<semaphore_mem>>
        %dma_start3A = arith.constant 0 : i32
        %dma_start3A_485 = arith.constant 0 : i32
        %dma_start3A_486 = tpu.memref_slice %arg7[%run_scoped3A, %dma_start3A, %dma_start3A_485] : memref<2x128x128xf32, #tpu.memory_space<vmem>> -> memref<1x40x128xf32, #tpu.memory_space<vmem>>
        %dma_start3A_487 = tpu.memref_squeeze %dma_start3A_486 : memref<1x40x128xf32, #tpu.memory_space<vmem>> -> memref<40x128xf32, #tpu.memory_space<vmem>>
        %dma_start3A_488 = arith.constant 0 : i32
        %dma_start3A_489 = tpu.memref_slice %arg8[%mul3A_483, %dma_start3A_488] : memref<10000x128xf32, #tpu.memory_space<vmem_shared>> -> memref<40x128xf32, #tpu.memory_space<vmem_shared>>
        %dma_start3A_490 = arith.constant 0 : i32
        %dma_start3A_491 = tpu.memref_slice %arg8[%mul3A_483, %dma_start3A_490] : memref<10000x128xf32, #tpu.memory_space<vmem_shared>> -> memref<40x128xf32, #tpu.memory_space<vmem_shared>>
        %dma_start3A_492 = arith.constant 0 : i32
        %dma_start3A_493 = arith.constant 0 : i32
        %dma_start3A_494 = tpu.memref_slice %arg7[%run_scoped3A, %dma_start3A_492, %dma_start3A_493] : memref<2x128x128xf32, #tpu.memory_space<vmem>> -> memref<1x40x128xf32, #tpu.memory_space<vmem>>
        %dma_start3A_495 = tpu.memref_squeeze %dma_start3A_494 : memref<1x40x128xf32, #tpu.memory_space<vmem>> -> memref<40x128xf32, #tpu.memory_space<vmem>>
        tpu.enqueue_dma source(%dma_start3A_495 : memref<40x128xf32, #tpu.memory_space<vmem>>) target(%dma_start3A_491 : memref<40x128xf32, #tpu.memory_space<vmem_shared>>) target_semaphore(%run_scoped3A_484 : memref<!tpu.dma_semaphore, #tpu.memory_space<semaphore_mem>>)
        %dma_wait3A_496 = arith.constant 0 : i32
        %dma_wait3A_497 = arith.constant 0 : i32
        %dma_wait3A_498 = tpu.memref_slice %arg7[%run_scoped3A, %dma_wait3A_496, %dma_wait3A_497] : memref<2x128x128xf32, #tpu.memory_space<vmem>> -> memref<1x40x128xf32, #tpu.memory_space<vmem>>
        %dma_wait3A_499 = tpu.memref_squeeze %dma_wait3A_498 : memref<1x40x128xf32, #tpu.memory_space<vmem>> -> memref<40x128xf32, #tpu.memory_space<vmem>>
        %dma_wait3A_500 = arith.constant 0 : i32
        %dma_wait3A_501 = tpu.memref_slice %arg8[%mul3A_483, %dma_wait3A_500] : memref<10000x128xf32, #tpu.memory_space<vmem_shared>> -> memref<40x128xf32, #tpu.memory_space<vmem_shared>>
        %dma_wait3A_502 = arith.constant 0 : i32
        %dma_wait3A_503 = tpu.memref_slice %arg8[%mul3A_483, %dma_wait3A_502] : memref<10000x128xf32, #tpu.memory_space<vmem_shared>> -> memref<40x128xf32, #tpu.memory_space<vmem_shared>>
        %dma_wait3A_504 = arith.constant 0 : i32
        %dma_wait3A_505 = arith.constant 0 : i32
        %dma_wait3A_506 = tpu.memref_slice %arg7[%run_scoped3A, %dma_wait3A_504, %dma_wait3A_505] : memref<2x128x128xf32, #tpu.memory_space<vmem>> -> memref<1x40x128xf32, #tpu.memory_space<vmem>>
        %dma_wait3A_507 = tpu.memref_squeeze %dma_wait3A_506 : memref<1x40x128xf32, #tpu.memory_space<vmem>> -> memref<40x128xf32, #tpu.memory_space<vmem>>
        tpu.wait_dma2 semaphore(%run_scoped3A_484 : memref<!tpu.dma_semaphore, #tpu.memory_space<semaphore_mem>>) src(%dma_wait3A_507 : memref<40x128xf32, #tpu.memory_space<vmem>>) dst(%dma_wait3A_503 : memref<40x128xf32, #tpu.memory_space<vmem_shared>>)
        tpu.yield
      }) : () -> ()
    } else {
    }
    %add3A_80 = arith.constant 176 : i32
    %add3A_81 = arith.addi %add3A_80, %arg1 : i32
    %lt3A_82 = arith.constant 250 : i32
    %lt3A_83 = arith.cmpi slt, %add3A_81, %lt3A_82 : i32
    %convert_element_type3A_84 = arith.extui %lt3A_83 : i1 to i32
    %cond3A_85 = arith.constant 0 : i32
    %cond3A_86 = arith.cmpi ne, %convert_element_type3A_84, %cond3A_85 : i32
    scf.if %cond3A_86 {
      %mul3A_482 = arith.constant 40 : i32
      %mul3A_483 = arith.muli %add3A_81, %mul3A_482 : i32
      %run_scoped3A = arith.constant 0 : i32
      "tpu.region"() ({
        %run_scoped3A_484 = tpu.sem_alloc : memref<!tpu.dma_semaphore, #tpu.memory_space<semaphore_mem>>
        %dma_start3A = arith.constant 0 : i32
        %dma_start3A_485 = arith.constant 0 : i32
        %dma_start3A_486 = tpu.memref_slice %arg7[%run_scoped3A, %dma_start3A, %dma_start3A_485] : memref<2x128x128xf32, #tpu.memory_space<vmem>> -> memref<1x40x128xf32, #tpu.memory_space<vmem>>
        %dma_start3A_487 = tpu.memref_squeeze %dma_start3A_486 : memref<1x40x128xf32, #tpu.memory_space<vmem>> -> memref<40x128xf32, #tpu.memory_space<vmem>>
        %dma_start3A_488 = arith.constant 0 : i32
        %dma_start3A_489 = tpu.memref_slice %arg8[%mul3A_483, %dma_start3A_488] : memref<10000x128xf32, #tpu.memory_space<vmem_shared>> -> memref<40x128xf32, #tpu.memory_space<vmem_shared>>
        %dma_start3A_490 = arith.constant 0 : i32
        %dma_start3A_491 = tpu.memref_slice %arg8[%mul3A_483, %dma_start3A_490] : memref<10000x128xf32, #tpu.memory_space<vmem_shared>> -> memref<40x128xf32, #tpu.memory_space<vmem_shared>>
        %dma_start3A_492 = arith.constant 0 : i32
        %dma_start3A_493 = arith.constant 0 : i32
        %dma_start3A_494 = tpu.memref_slice %arg7[%run_scoped3A, %dma_start3A_492, %dma_start3A_493] : memref<2x128x128xf32, #tpu.memory_space<vmem>> -> memref<1x40x128xf32, #tpu.memory_space<vmem>>
        %dma_start3A_495 = tpu.memref_squeeze %dma_start3A_494 : memref<1x40x128xf32, #tpu.memory_space<vmem>> -> memref<40x128xf32, #tpu.memory_space<vmem>>
        tpu.enqueue_dma source(%dma_start3A_495 : memref<40x128xf32, #tpu.memory_space<vmem>>) target(%dma_start3A_491 : memref<40x128xf32, #tpu.memory_space<vmem_shared>>) target_semaphore(%run_scoped3A_484 : memref<!tpu.dma_semaphore, #tpu.memory_space<semaphore_mem>>)
        %dma_wait3A_496 = arith.constant 0 : i32
        %dma_wait3A_497 = arith.constant 0 : i32
        %dma_wait3A_498 = tpu.memref_slice %arg7[%run_scoped3A, %dma_wait3A_496, %dma_wait3A_497] : memref<2x128x128xf32, #tpu.memory_space<vmem>> -> memref<1x40x128xf32, #tpu.memory_space<vmem>>
        %dma_wait3A_499 = tpu.memref_squeeze %dma_wait3A_498 : memref<1x40x128xf32, #tpu.memory_space<vmem>> -> memref<40x128xf32, #tpu.memory_space<vmem>>
        %dma_wait3A_500 = arith.constant 0 : i32
        %dma_wait3A_501 = tpu.memref_slice %arg8[%mul3A_483, %dma_wait3A_500] : memref<10000x128xf32, #tpu.memory_space<vmem_shared>> -> memref<40x128xf32, #tpu.memory_space<vmem_shared>>
        %dma_wait3A_502 = arith.constant 0 : i32
        %dma_wait3A_503 = tpu.memref_slice %arg8[%mul3A_483, %dma_wait3A_502] : memref<10000x128xf32, #tpu.memory_space<vmem_shared>> -> memref<40x128xf32, #tpu.memory_space<vmem_shared>>
        %dma_wait3A_504 = arith.constant 0 : i32
        %dma_wait3A_505 = arith.constant 0 : i32
        %dma_wait3A_506 = tpu.memref_slice %arg7[%run_scoped3A, %dma_wait3A_504, %dma_wait3A_505] : memref<2x128x128xf32, #tpu.memory_space<vmem>> -> memref<1x40x128xf32, #tpu.memory_space<vmem>>
        %dma_wait3A_507 = tpu.memref_squeeze %dma_wait3A_506 : memref<1x40x128xf32, #tpu.memory_space<vmem>> -> memref<40x128xf32, #tpu.memory_space<vmem>>
        tpu.wait_dma2 semaphore(%run_scoped3A_484 : memref<!tpu.dma_semaphore, #tpu.memory_space<semaphore_mem>>) src(%dma_wait3A_507 : memref<40x128xf32, #tpu.memory_space<vmem>>) dst(%dma_wait3A_503 : memref<40x128xf32, #tpu.memory_space<vmem_shared>>)
        tpu.yield
      }) : () -> ()
    } else {
    }
    %add3A_87 = arith.constant 192 : i32
    %add3A_88 = arith.addi %add3A_87, %arg1 : i32
    %lt3A_89 = arith.constant 250 : i32
    %lt3A_90 = arith.cmpi slt, %add3A_88, %lt3A_89 : i32
    %convert_element_type3A_91 = arith.extui %lt3A_90 : i1 to i32
    %cond3A_92 = arith.constant 0 : i32
    %cond3A_93 = arith.cmpi ne, %convert_element_type3A_91, %cond3A_92 : i32
    scf.if %cond3A_93 {
      %mul3A_482 = arith.constant 40 : i32
      %mul3A_483 = arith.muli %add3A_88, %mul3A_482 : i32
      %run_scoped3A = arith.constant 0 : i32
      "tpu.region"() ({
        %run_scoped3A_484 = tpu.sem_alloc : memref<!tpu.dma_semaphore, #tpu.memory_space<semaphore_mem>>
        %dma_start3A = arith.constant 0 : i32
        %dma_start3A_485 = arith.constant 0 : i32
        %dma_start3A_486 = tpu.memref_slice %arg7[%run_scoped3A, %dma_start3A, %dma_start3A_485] : memref<2x128x128xf32, #tpu.memory_space<vmem>> -> memref<1x40x128xf32, #tpu.memory_space<vmem>>
        %dma_start3A_487 = tpu.memref_squeeze %dma_start3A_486 : memref<1x40x128xf32, #tpu.memory_space<vmem>> -> memref<40x128xf32, #tpu.memory_space<vmem>>
        %dma_start3A_488 = arith.constant 0 : i32
        %dma_start3A_489 = tpu.memref_slice %arg8[%mul3A_483, %dma_start3A_488] : memref<10000x128xf32, #tpu.memory_space<vmem_shared>> -> memref<40x128xf32, #tpu.memory_space<vmem_shared>>
        %dma_start3A_490 = arith.constant 0 : i32
        %dma_start3A_491 = tpu.memref_slice %arg8[%mul3A_483, %dma_start3A_490] : memref<10000x128xf32, #tpu.memory_space<vmem_shared>> -> memref<40x128xf32, #tpu.memory_space<vmem_shared>>
        %dma_start3A_492 = arith.constant 0 : i32
        %dma_start3A_493 = arith.constant 0 : i32
        %dma_start3A_494 = tpu.memref_slice %arg7[%run_scoped3A, %dma_start3A_492, %dma_start3A_493] : memref<2x128x128xf32, #tpu.memory_space<vmem>> -> memref<1x40x128xf32, #tpu.memory_space<vmem>>
        %dma_start3A_495 = tpu.memref_squeeze %dma_start3A_494 : memref<1x40x128xf32, #tpu.memory_space<vmem>> -> memref<40x128xf32, #tpu.memory_space<vmem>>
        tpu.enqueue_dma source(%dma_start3A_495 : memref<40x128xf32, #tpu.memory_space<vmem>>) target(%dma_start3A_491 : memref<40x128xf32, #tpu.memory_space<vmem_shared>>) target_semaphore(%run_scoped3A_484 : memref<!tpu.dma_semaphore, #tpu.memory_space<semaphore_mem>>)
        %dma_wait3A_496 = arith.constant 0 : i32
        %dma_wait3A_497 = arith.constant 0 : i32
        %dma_wait3A_498 = tpu.memref_slice %arg7[%run_scoped3A, %dma_wait3A_496, %dma_wait3A_497] : memref<2x128x128xf32, #tpu.memory_space<vmem>> -> memref<1x40x128xf32, #tpu.memory_space<vmem>>
        %dma_wait3A_499 = tpu.memref_squeeze %dma_wait3A_498 : memref<1x40x128xf32, #tpu.memory_space<vmem>> -> memref<40x128xf32, #tpu.memory_space<vmem>>
        %dma_wait3A_500 = arith.constant 0 : i32
        %dma_wait3A_501 = tpu.memref_slice %arg8[%mul3A_483, %dma_wait3A_500] : memref<10000x128xf32, #tpu.memory_space<vmem_shared>> -> memref<40x128xf32, #tpu.memory_space<vmem_shared>>
        %dma_wait3A_502 = arith.constant 0 : i32
        %dma_wait3A_503 = tpu.memref_slice %arg8[%mul3A_483, %dma_wait3A_502] : memref<10000x128xf32, #tpu.memory_space<vmem_shared>> -> memref<40x128xf32, #tpu.memory_space<vmem_shared>>
        %dma_wait3A_504 = arith.constant 0 : i32
        %dma_wait3A_505 = arith.constant 0 : i32
        %dma_wait3A_506 = tpu.memref_slice %arg7[%run_scoped3A, %dma_wait3A_504, %dma_wait3A_505] : memref<2x128x128xf32, #tpu.memory_space<vmem>> -> memref<1x40x128xf32, #tpu.memory_space<vmem>>
        %dma_wait3A_507 = tpu.memref_squeeze %dma_wait3A_506 : memref<1x40x128xf32, #tpu.memory_space<vmem>> -> memref<40x128xf32, #tpu.memory_space<vmem>>
        tpu.wait_dma2 semaphore(%run_scoped3A_484 : memref<!tpu.dma_semaphore, #tpu.memory_space<semaphore_mem>>) src(%dma_wait3A_507 : memref<40x128xf32, #tpu.memory_space<vmem>>) dst(%dma_wait3A_503 : memref<40x128xf32, #tpu.memory_space<vmem_shared>>)
        tpu.yield
      }) : () -> ()
    } else {
    }
    %add3A_94 = arith.constant 208 : i32
    %add3A_95 = arith.addi %add3A_94, %arg1 : i32
    %lt3A_96 = arith.constant 250 : i32
    %lt3A_97 = arith.cmpi slt, %add3A_95, %lt3A_96 : i32
    %convert_element_type3A_98 = arith.extui %lt3A_97 : i1 to i32
    %cond3A_99 = arith.constant 0 : i32
    %cond3A_100 = arith.cmpi ne, %convert_element_type3A_98, %cond3A_99 : i32
    scf.if %cond3A_100 {
      %mul3A_482 = arith.constant 40 : i32
      %mul3A_483 = arith.muli %add3A_95, %mul3A_482 : i32
      %run_scoped3A = arith.constant 0 : i32
      "tpu.region"() ({
        %run_scoped3A_484 = tpu.sem_alloc : memref<!tpu.dma_semaphore, #tpu.memory_space<semaphore_mem>>
        %dma_start3A = arith.constant 0 : i32
        %dma_start3A_485 = arith.constant 0 : i32
        %dma_start3A_486 = tpu.memref_slice %arg7[%run_scoped3A, %dma_start3A, %dma_start3A_485] : memref<2x128x128xf32, #tpu.memory_space<vmem>> -> memref<1x40x128xf32, #tpu.memory_space<vmem>>
        %dma_start3A_487 = tpu.memref_squeeze %dma_start3A_486 : memref<1x40x128xf32, #tpu.memory_space<vmem>> -> memref<40x128xf32, #tpu.memory_space<vmem>>
        %dma_start3A_488 = arith.constant 0 : i32
        %dma_start3A_489 = tpu.memref_slice %arg8[%mul3A_483, %dma_start3A_488] : memref<10000x128xf32, #tpu.memory_space<vmem_shared>> -> memref<40x128xf32, #tpu.memory_space<vmem_shared>>
        %dma_start3A_490 = arith.constant 0 : i32
        %dma_start3A_491 = tpu.memref_slice %arg8[%mul3A_483, %dma_start3A_490] : memref<10000x128xf32, #tpu.memory_space<vmem_shared>> -> memref<40x128xf32, #tpu.memory_space<vmem_shared>>
        %dma_start3A_492 = arith.constant 0 : i32
        %dma_start3A_493 = arith.constant 0 : i32
        %dma_start3A_494 = tpu.memref_slice %arg7[%run_scoped3A, %dma_start3A_492, %dma_start3A_493] : memref<2x128x128xf32, #tpu.memory_space<vmem>> -> memref<1x40x128xf32, #tpu.memory_space<vmem>>
        %dma_start3A_495 = tpu.memref_squeeze %dma_start3A_494 : memref<1x40x128xf32, #tpu.memory_space<vmem>> -> memref<40x128xf32, #tpu.memory_space<vmem>>
        tpu.enqueue_dma source(%dma_start3A_495 : memref<40x128xf32, #tpu.memory_space<vmem>>) target(%dma_start3A_491 : memref<40x128xf32, #tpu.memory_space<vmem_shared>>) target_semaphore(%run_scoped3A_484 : memref<!tpu.dma_semaphore, #tpu.memory_space<semaphore_mem>>)
        %dma_wait3A_496 = arith.constant 0 : i32
        %dma_wait3A_497 = arith.constant 0 : i32
        %dma_wait3A_498 = tpu.memref_slice %arg7[%run_scoped3A, %dma_wait3A_496, %dma_wait3A_497] : memref<2x128x128xf32, #tpu.memory_space<vmem>> -> memref<1x40x128xf32, #tpu.memory_space<vmem>>
        %dma_wait3A_499 = tpu.memref_squeeze %dma_wait3A_498 : memref<1x40x128xf32, #tpu.memory_space<vmem>> -> memref<40x128xf32, #tpu.memory_space<vmem>>
        %dma_wait3A_500 = arith.constant 0 : i32
        %dma_wait3A_501 = tpu.memref_slice %arg8[%mul3A_483, %dma_wait3A_500] : memref<10000x128xf32, #tpu.memory_space<vmem_shared>> -> memref<40x128xf32, #tpu.memory_space<vmem_shared>>
        %dma_wait3A_502 = arith.constant 0 : i32
        %dma_wait3A_503 = tpu.memref_slice %arg8[%mul3A_483, %dma_wait3A_502] : memref<10000x128xf32, #tpu.memory_space<vmem_shared>> -> memref<40x128xf32, #tpu.memory_space<vmem_shared>>
        %dma_wait3A_504 = arith.constant 0 : i32
        %dma_wait3A_505 = arith.constant 0 : i32
        %dma_wait3A_506 = tpu.memref_slice %arg7[%run_scoped3A, %dma_wait3A_504, %dma_wait3A_505] : memref<2x128x128xf32, #tpu.memory_space<vmem>> -> memref<1x40x128xf32, #tpu.memory_space<vmem>>
        %dma_wait3A_507 = tpu.memref_squeeze %dma_wait3A_506 : memref<1x40x128xf32, #tpu.memory_space<vmem>> -> memref<40x128xf32, #tpu.memory_space<vmem>>
        tpu.wait_dma2 semaphore(%run_scoped3A_484 : memref<!tpu.dma_semaphore, #tpu.memory_space<semaphore_mem>>) src(%dma_wait3A_507 : memref<40x128xf32, #tpu.memory_space<vmem>>) dst(%dma_wait3A_503 : memref<40x128xf32, #tpu.memory_space<vmem_shared>>)
        tpu.yield
      }) : () -> ()
    } else {
    }
    %add3A_101 = arith.constant 224 : i32
    %add3A_102 = arith.addi %add3A_101, %arg1 : i32
    %lt3A_103 = arith.constant 250 : i32
    %lt3A_104 = arith.cmpi slt, %add3A_102, %lt3A_103 : i32
    %convert_element_type3A_105 = arith.extui %lt3A_104 : i1 to i32
    %cond3A_106 = arith.constant 0 : i32
    %cond3A_107 = arith.cmpi ne, %convert_element_type3A_105, %cond3A_106 : i32
    scf.if %cond3A_107 {
      %mul3A_482 = arith.constant 40 : i32
      %mul3A_483 = arith.muli %add3A_102, %mul3A_482 : i32
      %run_scoped3A = arith.constant 0 : i32
      "tpu.region"() ({
        %run_scoped3A_484 = tpu.sem_alloc : memref<!tpu.dma_semaphore, #tpu.memory_space<semaphore_mem>>
        %dma_start3A = arith.constant 0 : i32
        %dma_start3A_485 = arith.constant 0 : i32
        %dma_start3A_486 = tpu.memref_slice %arg7[%run_scoped3A, %dma_start3A, %dma_start3A_485] : memref<2x128x128xf32, #tpu.memory_space<vmem>> -> memref<1x40x128xf32, #tpu.memory_space<vmem>>
        %dma_start3A_487 = tpu.memref_squeeze %dma_start3A_486 : memref<1x40x128xf32, #tpu.memory_space<vmem>> -> memref<40x128xf32, #tpu.memory_space<vmem>>
        %dma_start3A_488 = arith.constant 0 : i32
        %dma_start3A_489 = tpu.memref_slice %arg8[%mul3A_483, %dma_start3A_488] : memref<10000x128xf32, #tpu.memory_space<vmem_shared>> -> memref<40x128xf32, #tpu.memory_space<vmem_shared>>
        %dma_start3A_490 = arith.constant 0 : i32
        %dma_start3A_491 = tpu.memref_slice %arg8[%mul3A_483, %dma_start3A_490] : memref<10000x128xf32, #tpu.memory_space<vmem_shared>> -> memref<40x128xf32, #tpu.memory_space<vmem_shared>>
        %dma_start3A_492 = arith.constant 0 : i32
        %dma_start3A_493 = arith.constant 0 : i32
        %dma_start3A_494 = tpu.memref_slice %arg7[%run_scoped3A, %dma_start3A_492, %dma_start3A_493] : memref<2x128x128xf32, #tpu.memory_space<vmem>> -> memref<1x40x128xf32, #tpu.memory_space<vmem>>
        %dma_start3A_495 = tpu.memref_squeeze %dma_start3A_494 : memref<1x40x128xf32, #tpu.memory_space<vmem>> -> memref<40x128xf32, #tpu.memory_space<vmem>>
        tpu.enqueue_dma source(%dma_start3A_495 : memref<40x128xf32, #tpu.memory_space<vmem>>) target(%dma_start3A_491 : memref<40x128xf32, #tpu.memory_space<vmem_shared>>) target_semaphore(%run_scoped3A_484 : memref<!tpu.dma_semaphore, #tpu.memory_space<semaphore_mem>>)
        %dma_wait3A_496 = arith.constant 0 : i32
        %dma_wait3A_497 = arith.constant 0 : i32
        %dma_wait3A_498 = tpu.memref_slice %arg7[%run_scoped3A, %dma_wait3A_496, %dma_wait3A_497] : memref<2x128x128xf32, #tpu.memory_space<vmem>> -> memref<1x40x128xf32, #tpu.memory_space<vmem>>
        %dma_wait3A_499 = tpu.memref_squeeze %dma_wait3A_498 : memref<1x40x128xf32, #tpu.memory_space<vmem>> -> memref<40x128xf32, #tpu.memory_space<vmem>>
        %dma_wait3A_500 = arith.constant 0 : i32
        %dma_wait3A_501 = tpu.memref_slice %arg8[%mul3A_483, %dma_wait3A_500] : memref<10000x128xf32, #tpu.memory_space<vmem_shared>> -> memref<40x128xf32, #tpu.memory_space<vmem_shared>>
        %dma_wait3A_502 = arith.constant 0 : i32
        %dma_wait3A_503 = tpu.memref_slice %arg8[%mul3A_483, %dma_wait3A_502] : memref<10000x128xf32, #tpu.memory_space<vmem_shared>> -> memref<40x128xf32, #tpu.memory_space<vmem_shared>>
        %dma_wait3A_504 = arith.constant 0 : i32
        %dma_wait3A_505 = arith.constant 0 : i32
        %dma_wait3A_506 = tpu.memref_slice %arg7[%run_scoped3A, %dma_wait3A_504, %dma_wait3A_505] : memref<2x128x128xf32, #tpu.memory_space<vmem>> -> memref<1x40x128xf32, #tpu.memory_space<vmem>>
        %dma_wait3A_507 = tpu.memref_squeeze %dma_wait3A_506 : memref<1x40x128xf32, #tpu.memory_space<vmem>> -> memref<40x128xf32, #tpu.memory_space<vmem>>
        tpu.wait_dma2 semaphore(%run_scoped3A_484 : memref<!tpu.dma_semaphore, #tpu.memory_space<semaphore_mem>>) src(%dma_wait3A_507 : memref<40x128xf32, #tpu.memory_space<vmem>>) dst(%dma_wait3A_503 : memref<40x128xf32, #tpu.memory_space<vmem_shared>>)
        tpu.yield
      }) : () -> ()
    } else {
    }
    %add3A_108 = arith.constant 240 : i32
    %add3A_109 = arith.addi %add3A_108, %arg1 : i32
    %lt3A_110 = arith.constant 250 : i32
    %lt3A_111 = arith.cmpi slt, %add3A_109, %lt3A_110 : i32
    %convert_element_type3A_112 = arith.extui %lt3A_111 : i1 to i32
    %cond3A_113 = arith.constant 0 : i32
    %cond3A_114 = arith.cmpi ne, %convert_element_type3A_112, %cond3A_113 : i32
    scf.if %cond3A_114 {
      %mul3A_482 = arith.constant 40 : i32
      %mul3A_483 = arith.muli %add3A_109, %mul3A_482 : i32
      %run_scoped3A = arith.constant 0 : i32
      "tpu.region"() ({
        %run_scoped3A_484 = tpu.sem_alloc : memref<!tpu.dma_semaphore, #tpu.memory_space<semaphore_mem>>
        %dma_start3A = arith.constant 0 : i32
        %dma_start3A_485 = arith.constant 0 : i32
        %dma_start3A_486 = tpu.memref_slice %arg7[%run_scoped3A, %dma_start3A, %dma_start3A_485] : memref<2x128x128xf32, #tpu.memory_space<vmem>> -> memref<1x40x128xf32, #tpu.memory_space<vmem>>
        %dma_start3A_487 = tpu.memref_squeeze %dma_start3A_486 : memref<1x40x128xf32, #tpu.memory_space<vmem>> -> memref<40x128xf32, #tpu.memory_space<vmem>>
        %dma_start3A_488 = arith.constant 0 : i32
        %dma_start3A_489 = tpu.memref_slice %arg8[%mul3A_483, %dma_start3A_488] : memref<10000x128xf32, #tpu.memory_space<vmem_shared>> -> memref<40x128xf32, #tpu.memory_space<vmem_shared>>
        %dma_start3A_490 = arith.constant 0 : i32
        %dma_start3A_491 = tpu.memref_slice %arg8[%mul3A_483, %dma_start3A_490] : memref<10000x128xf32, #tpu.memory_space<vmem_shared>> -> memref<40x128xf32, #tpu.memory_space<vmem_shared>>
        %dma_start3A_492 = arith.constant 0 : i32
        %dma_start3A_493 = arith.constant 0 : i32
        %dma_start3A_494 = tpu.memref_slice %arg7[%run_scoped3A, %dma_start3A_492, %dma_start3A_493] : memref<2x128x128xf32, #tpu.memory_space<vmem>> -> memref<1x40x128xf32, #tpu.memory_space<vmem>>
        %dma_start3A_495 = tpu.memref_squeeze %dma_start3A_494 : memref<1x40x128xf32, #tpu.memory_space<vmem>> -> memref<40x128xf32, #tpu.memory_space<vmem>>
        tpu.enqueue_dma source(%dma_start3A_495 : memref<40x128xf32, #tpu.memory_space<vmem>>) target(%dma_start3A_491 : memref<40x128xf32, #tpu.memory_space<vmem_shared>>) target_semaphore(%run_scoped3A_484 : memref<!tpu.dma_semaphore, #tpu.memory_space<semaphore_mem>>)
        %dma_wait3A_496 = arith.constant 0 : i32
        %dma_wait3A_497 = arith.constant 0 : i32
        %dma_wait3A_498 = tpu.memref_slice %arg7[%run_scoped3A, %dma_wait3A_496, %dma_wait3A_497] : memref<2x128x128xf32, #tpu.memory_space<vmem>> -> memref<1x40x128xf32, #tpu.memory_space<vmem>>
        %dma_wait3A_499 = tpu.memref_squeeze %dma_wait3A_498 : memref<1x40x128xf32, #tpu.memory_space<vmem>> -> memref<40x128xf32, #tpu.memory_space<vmem>>
        %dma_wait3A_500 = arith.constant 0 : i32
        %dma_wait3A_501 = tpu.memref_slice %arg8[%mul3A_483, %dma_wait3A_500] : memref<10000x128xf32, #tpu.memory_space<vmem_shared>> -> memref<40x128xf32, #tpu.memory_space<vmem_shared>>
        %dma_wait3A_502 = arith.constant 0 : i32
        %dma_wait3A_503 = tpu.memref_slice %arg8[%mul3A_483, %dma_wait3A_502] : memref<10000x128xf32, #tpu.memory_space<vmem_shared>> -> memref<40x128xf32, #tpu.memory_space<vmem_shared>>
        %dma_wait3A_504 = arith.constant 0 : i32
        %dma_wait3A_505 = arith.constant 0 : i32
        %dma_wait3A_506 = tpu.memref_slice %arg7[%run_scoped3A, %dma_wait3A_504, %dma_wait3A_505] : memref<2x128x128xf32, #tpu.memory_space<vmem>> -> memref<1x40x128xf32, #tpu.memory_space<vmem>>
        %dma_wait3A_507 = tpu.memref_squeeze %dma_wait3A_506 : memref<1x40x128xf32, #tpu.memory_space<vmem>> -> memref<40x128xf32, #tpu.memory_space<vmem>>
        tpu.wait_dma2 semaphore(%run_scoped3A_484 : memref<!tpu.dma_semaphore, #tpu.memory_space<semaphore_mem>>) src(%dma_wait3A_507 : memref<40x128xf32, #tpu.memory_space<vmem>>) dst(%dma_wait3A_503 : memref<40x128xf32, #tpu.memory_space<vmem_shared>>)
        tpu.yield
      }) : () -> ()
    } else {
    }
    %barrier3A = arith.constant 0 : index
    tpu.barrier barrier_id(%barrier3A)
    %sub3A = arith.constant 1250 : i32
    %sub3A_115 = arith.subi %sub3A, %arg1 : i32
    %add3A_116 = arith.constant 16 : i32
    %add3A_117 = arith.addi %sub3A_115, %add3A_116 : i32
    %sub3A_118 = arith.constant 1 : i32
    %sub3A_119 = arith.subi %add3A_117, %sub3A_118 : i32
    %jit3A = arith.constant 16 : i32
    %div3A = arith.divsi %sub3A_119, %jit3A : i32
    %sign3A = arith.constant 0 : i32
    %sign3A_120 = arith.cmpi sgt, %sub3A_119, %sign3A : i32
    %sign3A_121 = arith.extui %sign3A_120 : i1 to i32
    %sign3A_122 = arith.constant 0 : i32
    %sign3A_123 = arith.cmpi slt, %sub3A_119, %sign3A_122 : i32
    %sign3A_124 = arith.extui %sign3A_123 : i1 to i32
    %sign3A_125 = arith.subi %sign3A_121, %sign3A_124 : i32
    %sign3A_126 = arith.constant 0 : i32
    %sign3A_127 = arith.cmpi sgt, %jit3A, %sign3A_126 : i32
    %sign3A_128 = arith.extui %sign3A_127 : i1 to i32
    %sign3A_129 = arith.constant 0 : i32
    %sign3A_130 = arith.cmpi slt, %jit3A, %sign3A_129 : i32
    %sign3A_131 = arith.extui %sign3A_130 : i1 to i32
    %sign3A_132 = arith.subi %sign3A_128, %sign3A_131 : i32
    %ne3A = arith.cmpi ne, %sign3A_125, %sign3A_132 : i32
    %rem3A = arith.remsi %sub3A_119, %jit3A : i32
    %ne3A_133 = arith.constant 0 : i32
    %ne3A_134 = arith.cmpi ne, %rem3A, %ne3A_133 : i32
    %and3A = arith.andi %ne3A, %ne3A_134 : i1
    %sub3A_135 = arith.constant 1 : i32
    %sub3A_136 = arith.subi %div3A, %sub3A_135 : i32
    %select_n3A = arith.select %and3A, %sub3A_136, %div3A : i32
    %gt3A = arith.constant 0 : i32
    %gt3A_137 = arith.cmpi sgt, %select_n3A, %gt3A : i32
    %convert_element_type3A_138 = arith.extui %gt3A_137 : i1 to i32
    %cond3A_139 = arith.constant 0 : i32
    %cond3A_140 = arith.cmpi ne, %convert_element_type3A_138, %cond3A_139 : i32
    scf.if %cond3A_140 {
      %add3A_482 = arith.constant 0 : i32
      %add3A_483 = arith.addi %add3A_482, %arg1 : i32
      %mul3A_484 = arith.constant 128 : i32
      %mul3A_485 = arith.muli %add3A_483, %mul3A_484 : i32
      %dma_start3A = arith.constant 0 : i32
      %dma_start3A_486 = arith.constant 0 : i32
      %dma_start3A_487 = tpu.memref_slice %arg6[%dma_start3A, %dma_start3A_486] : memref<2x128xi32, #tpu.memory_space<vmem>> -> memref<1x128xi32, #tpu.memory_space<vmem>>
      %dma_start3A_488 = tpu.memref_squeeze %dma_start3A_487 : memref<1x128xi32, #tpu.memory_space<vmem>> -> memref<128xi32, #tpu.memory_space<vmem>>
      %dma_start3A_489 = tpu.memref_slice %arg3[%mul3A_485] : memref<160000xi32, #tpu.memory_space<hbm>> -> memref<128xi32, #tpu.memory_space<hbm>>
      %dma_start3A_490 = arith.constant 0 : i32
      %dma_start3A_491 = tpu.memref_slice %arg6[%dma_start3A, %dma_start3A_490] : memref<2x128xi32, #tpu.memory_space<vmem>> -> memref<1x128xi32, #tpu.memory_space<vmem>>
      %dma_start3A_492 = tpu.memref_squeeze %dma_start3A_491 : memref<1x128xi32, #tpu.memory_space<vmem>> -> memref<128xi32, #tpu.memory_space<vmem>>
      %dma_start3A_493 = tpu.memref_slice %arg3[%mul3A_485] : memref<160000xi32, #tpu.memory_space<hbm>> -> memref<128xi32, #tpu.memory_space<hbm>>
      tpu.enqueue_dma source(%dma_start3A_493 : memref<128xi32, #tpu.memory_space<hbm>>) target(%dma_start3A_492 : memref<128xi32, #tpu.memory_space<vmem>>) target_semaphore(%arg9 : memref<!tpu.dma_semaphore, #tpu.memory_space<semaphore_mem>>)
      %mul3A_494 = arith.constant 128 : i32
      %mul3A_495 = arith.muli %arg0, %mul3A_494 : i32
      %dma_start3A_496 = arith.constant 0 : i32
      %dma_start3A_497 = arith.constant 0 : i32
      %dma_start3A_498 = arith.constant 0 : i32
      %dma_start3A_499 = tpu.memref_slice %arg7[%dma_start3A_496, %dma_start3A_497, %dma_start3A_498] : memref<2x128x128xf32, #tpu.memory_space<vmem>> -> memref<1x128x128xf32, #tpu.memory_space<vmem>>
      %dma_start3A_500 = tpu.memref_squeeze %dma_start3A_499 : memref<1x128x128xf32, #tpu.memory_space<vmem>> -> memref<128x128xf32, #tpu.memory_space<vmem>>
      %dma_start3A_501 = tpu.memref_slice %arg2[%mul3A_485, %mul3A_495] : memref<160000x256xf32, #tpu.memory_space<hbm>> -> memref<128x128xf32, #tpu.memory_space<hbm>>
      %dma_start3A_502 = arith.constant 0 : i32
      %dma_start3A_503 = arith.constant 0 : i32
      %dma_start3A_504 = tpu.memref_slice %arg7[%dma_start3A_496, %dma_start3A_502, %dma_start3A_503] : memref<2x128x128xf32, #tpu.memory_space<vmem>> -> memref<1x128x128xf32, #tpu.memory_space<vmem>>
      %dma_start3A_505 = tpu.memref_squeeze %dma_start3A_504 : memref<1x128x128xf32, #tpu.memory_space<vmem>> -> memref<128x128xf32, #tpu.memory_space<vmem>>
      %dma_start3A_506 = tpu.memref_slice %arg2[%mul3A_485, %mul3A_495] : memref<160000x256xf32, #tpu.memory_space<hbm>> -> memref<128x128xf32, #tpu.memory_space<hbm>>
      tpu.enqueue_dma source(%dma_start3A_506 : memref<128x128xf32, #tpu.memory_space<hbm>>) target(%dma_start3A_505 : memref<128x128xf32, #tpu.memory_space<vmem>>) target_semaphore(%arg9 : memref<!tpu.dma_semaphore, #tpu.memory_space<semaphore_mem>>)
    } else {
    }
    %scan3A_141 = arith.constant 0 : i32
    %scan3A_142 = arith.constant 0 : i32
    %scan3A_143 = arith.constant 40 : i32
    %scan3A_144 = arith.addi %scan3A_142, %scan3A_143 : i32
    %scan3A_145 = arith.constant 1 : i32
    %scan3A_146 = scf.for %scan3A_482 = %scan3A_142 to %scan3A_144 step %scan3A_145 iter_args(%scan3A_483 = %scan3A_141) -> (i32)  : i32 {
      %mul3A_484 = arith.constant 2 : i32
      %mul3A_485 = arith.muli %scan3A_482, %mul3A_484 : i32
      %add3A_486 = arith.constant 0 : i32
      %add3A_487 = arith.addi %mul3A_485, %add3A_486 : i32
      %lt3A_488 = arith.cmpi slt, %add3A_487, %select_n3A : i32
      %convert_element_type3A_489 = arith.extui %lt3A_488 : i1 to i32
      %cond3A_490 = arith.constant 0 : i32
      %cond3A_491 = arith.cmpi ne, %convert_element_type3A_489, %cond3A_490 : i32
      scf.if %cond3A_491 {
        %dma_wait3A_501 = arith.constant 0 : i32
        %dma_wait3A_502 = arith.constant 0 : i32
        %dma_wait3A_503 = tpu.memref_slice %arg6[%dma_wait3A_501, %dma_wait3A_502] : memref<2x128xi32, #tpu.memory_space<vmem>> -> memref<1x128xi32, #tpu.memory_space<vmem>>
        %dma_wait3A_504 = tpu.memref_squeeze %dma_wait3A_503 : memref<1x128xi32, #tpu.memory_space<vmem>> -> memref<128xi32, #tpu.memory_space<vmem>>
        %dma_wait3A_505 = arith.constant 0 : i32
        %dma_wait3A_506 = tpu.memref_slice %arg3[%dma_wait3A_505] : memref<160000xi32, #tpu.memory_space<hbm>> -> memref<128xi32, #tpu.memory_space<hbm>>
        %dma_wait3A_507 = arith.constant 0 : i32
        %dma_wait3A_508 = tpu.memref_slice %arg6[%dma_wait3A_501, %dma_wait3A_507] : memref<2x128xi32, #tpu.memory_space<vmem>> -> memref<1x128xi32, #tpu.memory_space<vmem>>
        %dma_wait3A_509 = tpu.memref_squeeze %dma_wait3A_508 : memref<1x128xi32, #tpu.memory_space<vmem>> -> memref<128xi32, #tpu.memory_space<vmem>>
        %dma_wait3A_510 = arith.constant 0 : i32
        %dma_wait3A_511 = tpu.memref_slice %arg3[%dma_wait3A_510] : memref<160000xi32, #tpu.memory_space<hbm>> -> memref<128xi32, #tpu.memory_space<hbm>>
        tpu.wait_dma2 semaphore(%arg9 : memref<!tpu.dma_semaphore, #tpu.memory_space<semaphore_mem>>) src(%dma_wait3A_511 : memref<128xi32, #tpu.memory_space<hbm>>) dst(%dma_wait3A_509 : memref<128xi32, #tpu.memory_space<vmem>>)
        %dma_wait3A_512 = arith.constant 0 : i32
        %dma_wait3A_513 = arith.constant 0 : i32
        %dma_wait3A_514 = arith.constant 0 : i32
        %dma_wait3A_515 = tpu.memref_slice %arg7[%dma_wait3A_512, %dma_wait3A_513, %dma_wait3A_514] : memref<2x128x128xf32, #tpu.memory_space<vmem>> -> memref<1x128x128xf32, #tpu.memory_space<vmem>>
        %dma_wait3A_516 = tpu.memref_squeeze %dma_wait3A_515 : memref<1x128x128xf32, #tpu.memory_space<vmem>> -> memref<128x128xf32, #tpu.memory_space<vmem>>
        %dma_wait3A_517 = arith.constant 0 : i32
        %dma_wait3A_518 = arith.constant 0 : i32
        %dma_wait3A_519 = tpu.memref_slice %arg2[%dma_wait3A_517, %dma_wait3A_518] : memref<160000x256xf32, #tpu.memory_space<hbm>> -> memref<128x128xf32, #tpu.memory_space<hbm>>
        %dma_wait3A_520 = arith.constant 0 : i32
        %dma_wait3A_521 = arith.constant 0 : i32
        %dma_wait3A_522 = tpu.memref_slice %arg7[%dma_wait3A_512, %dma_wait3A_520, %dma_wait3A_521] : memref<2x128x128xf32, #tpu.memory_space<vmem>> -> memref<1x128x128xf32, #tpu.memory_space<vmem>>
        %dma_wait3A_523 = tpu.memref_squeeze %dma_wait3A_522 : memref<1x128x128xf32, #tpu.memory_space<vmem>> -> memref<128x128xf32, #tpu.memory_space<vmem>>
        %dma_wait3A_524 = arith.constant 0 : i32
        %dma_wait3A_525 = arith.constant 0 : i32
        %dma_wait3A_526 = tpu.memref_slice %arg2[%dma_wait3A_524, %dma_wait3A_525] : memref<160000x256xf32, #tpu.memory_space<hbm>> -> memref<128x128xf32, #tpu.memory_space<hbm>>
        tpu.wait_dma2 semaphore(%arg9 : memref<!tpu.dma_semaphore, #tpu.memory_space<semaphore_mem>>) src(%dma_wait3A_526 : memref<128x128xf32, #tpu.memory_space<hbm>>) dst(%dma_wait3A_523 : memref<128x128xf32, #tpu.memory_space<vmem>>)
        %dma_start3A = arith.constant 0 : i32
        %dma_start3A_527 = arith.constant 0 : i32
        %dma_start3A_528 = arith.constant 0 : i32
        %dma_start3A_529 = arith.constant 0 : i32
        %dma_start3A_530 = tpu.memref_slice %arg7[%dma_start3A, %dma_start3A_528, %dma_start3A_529] : memref<2x128x128xf32, #tpu.memory_space<vmem>> -> memref<1x128x128xf32, #tpu.memory_space<vmem>>
        %dma_start3A_531 = tpu.memref_squeeze %dma_start3A_530 : memref<1x128x128xf32, #tpu.memory_space<vmem>> -> memref<128x128xf32, #tpu.memory_space<vmem>>
        %dma_start3A_532 = arith.constant 0 : i32
        %dma_start3A_533 = tpu.memref_slice %arg6[%dma_start3A_527, %dma_start3A_532] : memref<2x128xi32, #tpu.memory_space<vmem>> -> memref<1x128xi32, #tpu.memory_space<vmem>>
        %dma_start3A_534 = tpu.memref_squeeze %dma_start3A_533 : memref<1x128xi32, #tpu.memory_space<vmem>> -> memref<128xi32, #tpu.memory_space<vmem>>
        %dma_start3A_535 = arith.constant 0 : i32
        %dma_start3A_536 = arith.constant 0 : i32
        %dma_start3A_537 = tpu.memref_slice %arg8[%dma_start3A_535, %dma_start3A_536] : memref<10000x128xf32, #tpu.memory_space<vmem_shared>> -> memref<10000x128xf32, #tpu.memory_space<vmem_shared>>
        tpu.enqueue_indirect_dma source(%dma_start3A_531 : memref<128x128xf32, #tpu.memory_space<vmem>>) target(%dma_start3A_537 : memref<10000x128xf32, #tpu.memory_space<vmem_shared>>) offsets(%dma_start3A_534 : memref<128xi32, #tpu.memory_space<vmem>>) semaphore(%arg11 : memref<!tpu.dma_semaphore, #tpu.memory_space<semaphore_mem>>) {add = true}
        %add3A_538 = arith.constant 1 : i32
        %add3A_539 = arith.addi %add3A_487, %add3A_538 : i32
        %lt3A_540 = arith.cmpi slt, %add3A_539, %select_n3A : i32
        %convert_element_type3A_541 = arith.extui %lt3A_540 : i1 to i32
        %cond3A_542 = arith.constant 0 : i32
        %cond3A_543 = arith.cmpi ne, %convert_element_type3A_541, %cond3A_542 : i32
        scf.if %cond3A_543 {
          %ge3A = arith.constant 1 : i32
          %ge3A_544 = arith.cmpi sge, %add3A_487, %ge3A : i32
          %convert_element_type3A_545 = arith.extui %ge3A_544 : i1 to i32
          %cond3A_546 = arith.constant 0 : i32
          %cond3A_547 = arith.cmpi ne, %convert_element_type3A_545, %cond3A_546 : i32
          scf.if %cond3A_547 {
            %dma_wait3A_577 = arith.constant 1 : i32
            %dma_wait3A_578 = arith.constant 1 : i32
            %dma_wait3A_579 = arith.constant 0 : i32
            %dma_wait3A_580 = arith.constant 0 : i32
            %dma_wait3A_581 = tpu.memref_slice %arg7[%dma_wait3A_577, %dma_wait3A_579, %dma_wait3A_580] : memref<2x128x128xf32, #tpu.memory_space<vmem>> -> memref<1x128x128xf32, #tpu.memory_space<vmem>>
            %dma_wait3A_582 = tpu.memref_squeeze %dma_wait3A_581 : memref<1x128x128xf32, #tpu.memory_space<vmem>> -> memref<128x128xf32, #tpu.memory_space<vmem>>
            %dma_wait3A_583 = arith.constant 0 : i32
            %dma_wait3A_584 = tpu.memref_slice %arg6[%dma_wait3A_578, %dma_wait3A_583] : memref<2x128xi32, #tpu.memory_space<vmem>> -> memref<1x128xi32, #tpu.memory_space<vmem>>
            %dma_wait3A_585 = tpu.memref_squeeze %dma_wait3A_584 : memref<1x128xi32, #tpu.memory_space<vmem>> -> memref<128xi32, #tpu.memory_space<vmem>>
            %dma_wait3A_586 = arith.constant 0 : i32
            %dma_wait3A_587 = arith.constant 0 : i32
            %dma_wait3A_588 = tpu.memref_slice %arg8[%dma_wait3A_586, %dma_wait3A_587] : memref<10000x128xf32, #tpu.memory_space<vmem_shared>> -> memref<10000x128xf32, #tpu.memory_space<vmem_shared>>
            tpu.wait_indirect_dma semaphore(%arg12 : memref<!tpu.dma_semaphore, #tpu.memory_space<semaphore_mem>>) src(%dma_wait3A_582 : memref<128x128xf32, #tpu.memory_space<vmem>>) dst(%dma_wait3A_588 : memref<10000x128xf32, #tpu.memory_space<vmem_shared>>)
          } else {
          }
          %add3A_548 = arith.constant 1 : i32
          %add3A_549 = arith.addi %add3A_487, %add3A_548 : i32
          %mul3A_550 = arith.constant 16 : i32
          %mul3A_551 = arith.muli %add3A_549, %mul3A_550 : i32
          %add3A_552 = arith.addi %mul3A_551, %arg1 : i32
          %mul3A_553 = arith.constant 128 : i32
          %mul3A_554 = arith.muli %add3A_552, %mul3A_553 : i32
          %dma_start3A_555 = arith.constant 1 : i32
          %dma_start3A_556 = arith.constant 0 : i32
          %dma_start3A_557 = tpu.memref_slice %arg6[%dma_start3A_555, %dma_start3A_556] : memref<2x128xi32, #tpu.memory_space<vmem>> -> memref<1x128xi32, #tpu.memory_space<vmem>>
          %dma_start3A_558 = tpu.memref_squeeze %dma_start3A_557 : memref<1x128xi32, #tpu.memory_space<vmem>> -> memref<128xi32, #tpu.memory_space<vmem>>
          %dma_start3A_559 = tpu.memref_slice %arg3[%mul3A_554] : memref<160000xi32, #tpu.memory_space<hbm>> -> memref<128xi32, #tpu.memory_space<hbm>>
          %dma_start3A_560 = arith.constant 0 : i32
          %dma_start3A_561 = tpu.memref_slice %arg6[%dma_start3A_555, %dma_start3A_560] : memref<2x128xi32, #tpu.memory_space<vmem>> -> memref<1x128xi32, #tpu.memory_space<vmem>>
          %dma_start3A_562 = tpu.memref_squeeze %dma_start3A_561 : memref<1x128xi32, #tpu.memory_space<vmem>> -> memref<128xi32, #tpu.memory_space<vmem>>
          %dma_start3A_563 = tpu.memref_slice %arg3[%mul3A_554] : memref<160000xi32, #tpu.memory_space<hbm>> -> memref<128xi32, #tpu.memory_space<hbm>>
          tpu.enqueue_dma source(%dma_start3A_563 : memref<128xi32, #tpu.memory_space<hbm>>) target(%dma_start3A_562 : memref<128xi32, #tpu.memory_space<vmem>>) target_semaphore(%arg10 : memref<!tpu.dma_semaphore, #tpu.memory_space<semaphore_mem>>)
          %mul3A_564 = arith.constant 128 : i32
          %mul3A_565 = arith.muli %arg0, %mul3A_564 : i32
          %dma_start3A_566 = arith.constant 1 : i32
          %dma_start3A_567 = arith.constant 0 : i32
          %dma_start3A_568 = arith.constant 0 : i32
          %dma_start3A_569 = tpu.memref_slice %arg7[%dma_start3A_566, %dma_start3A_567, %dma_start3A_568] : memref<2x128x128xf32, #tpu.memory_space<vmem>> -> memref<1x128x128xf32, #tpu.memory_space<vmem>>
          %dma_start3A_570 = tpu.memref_squeeze %dma_start3A_569 : memref<1x128x128xf32, #tpu.memory_space<vmem>> -> memref<128x128xf32, #tpu.memory_space<vmem>>
          %dma_start3A_571 = tpu.memref_slice %arg2[%mul3A_554, %mul3A_565] : memref<160000x256xf32, #tpu.memory_space<hbm>> -> memref<128x128xf32, #tpu.memory_space<hbm>>
          %dma_start3A_572 = arith.constant 0 : i32
          %dma_start3A_573 = arith.constant 0 : i32
          %dma_start3A_574 = tpu.memref_slice %arg7[%dma_start3A_566, %dma_start3A_572, %dma_start3A_573] : memref<2x128x128xf32, #tpu.memory_space<vmem>> -> memref<1x128x128xf32, #tpu.memory_space<vmem>>
          %dma_start3A_575 = tpu.memref_squeeze %dma_start3A_574 : memref<1x128x128xf32, #tpu.memory_space<vmem>> -> memref<128x128xf32, #tpu.memory_space<vmem>>
          %dma_start3A_576 = tpu.memref_slice %arg2[%mul3A_554, %mul3A_565] : memref<160000x256xf32, #tpu.memory_space<hbm>> -> memref<128x128xf32, #tpu.memory_space<hbm>>
          tpu.enqueue_dma source(%dma_start3A_576 : memref<128x128xf32, #tpu.memory_space<hbm>>) target(%dma_start3A_575 : memref<128x128xf32, #tpu.memory_space<vmem>>) target_semaphore(%arg10 : memref<!tpu.dma_semaphore, #tpu.memory_space<semaphore_mem>>)
        } else {
        }
      } else {
      }
      %mul3A_492 = arith.constant 2 : i32
      %mul3A_493 = arith.muli %scan3A_482, %mul3A_492 : i32
      %add3A_494 = arith.constant 1 : i32
      %add3A_495 = arith.addi %mul3A_493, %add3A_494 : i32
      %lt3A_496 = arith.cmpi slt, %add3A_495, %select_n3A : i32
      %convert_element_type3A_497 = arith.extui %lt3A_496 : i1 to i32
      %cond3A_498 = arith.constant 0 : i32
      %cond3A_499 = arith.cmpi ne, %convert_element_type3A_497, %cond3A_498 : i32
      scf.if %cond3A_499 {
        %dma_wait3A_501 = arith.constant 1 : i32
        %dma_wait3A_502 = arith.constant 0 : i32
        %dma_wait3A_503 = tpu.memref_slice %arg6[%dma_wait3A_501, %dma_wait3A_502] : memref<2x128xi32, #tpu.memory_space<vmem>> -> memref<1x128xi32, #tpu.memory_space<vmem>>
        %dma_wait3A_504 = tpu.memref_squeeze %dma_wait3A_503 : memref<1x128xi32, #tpu.memory_space<vmem>> -> memref<128xi32, #tpu.memory_space<vmem>>
        %dma_wait3A_505 = arith.constant 0 : i32
        %dma_wait3A_506 = tpu.memref_slice %arg3[%dma_wait3A_505] : memref<160000xi32, #tpu.memory_space<hbm>> -> memref<128xi32, #tpu.memory_space<hbm>>
        %dma_wait3A_507 = arith.constant 0 : i32
        %dma_wait3A_508 = tpu.memref_slice %arg6[%dma_wait3A_501, %dma_wait3A_507] : memref<2x128xi32, #tpu.memory_space<vmem>> -> memref<1x128xi32, #tpu.memory_space<vmem>>
        %dma_wait3A_509 = tpu.memref_squeeze %dma_wait3A_508 : memref<1x128xi32, #tpu.memory_space<vmem>> -> memref<128xi32, #tpu.memory_space<vmem>>
        %dma_wait3A_510 = arith.constant 0 : i32
        %dma_wait3A_511 = tpu.memref_slice %arg3[%dma_wait3A_510] : memref<160000xi32, #tpu.memory_space<hbm>> -> memref<128xi32, #tpu.memory_space<hbm>>
        tpu.wait_dma2 semaphore(%arg10 : memref<!tpu.dma_semaphore, #tpu.memory_space<semaphore_mem>>) src(%dma_wait3A_511 : memref<128xi32, #tpu.memory_space<hbm>>) dst(%dma_wait3A_509 : memref<128xi32, #tpu.memory_space<vmem>>)
        %dma_wait3A_512 = arith.constant 1 : i32
        %dma_wait3A_513 = arith.constant 0 : i32
        %dma_wait3A_514 = arith.constant 0 : i32
        %dma_wait3A_515 = tpu.memref_slice %arg7[%dma_wait3A_512, %dma_wait3A_513, %dma_wait3A_514] : memref<2x128x128xf32, #tpu.memory_space<vmem>> -> memref<1x128x128xf32, #tpu.memory_space<vmem>>
        %dma_wait3A_516 = tpu.memref_squeeze %dma_wait3A_515 : memref<1x128x128xf32, #tpu.memory_space<vmem>> -> memref<128x128xf32, #tpu.memory_space<vmem>>
        %dma_wait3A_517 = arith.constant 0 : i32
        %dma_wait3A_518 = arith.constant 0 : i32
        %dma_wait3A_519 = tpu.memref_slice %arg2[%dma_wait3A_517, %dma_wait3A_518] : memref<160000x256xf32, #tpu.memory_space<hbm>> -> memref<128x128xf32, #tpu.memory_space<hbm>>
        %dma_wait3A_520 = arith.constant 0 : i32
        %dma_wait3A_521 = arith.constant 0 : i32
        %dma_wait3A_522 = tpu.memref_slice %arg7[%dma_wait3A_512, %dma_wait3A_520, %dma_wait3A_521] : memref<2x128x128xf32, #tpu.memory_space<vmem>> -> memref<1x128x128xf32, #tpu.memory_space<vmem>>
        %dma_wait3A_523 = tpu.memref_squeeze %dma_wait3A_522 : memref<1x128x128xf32, #tpu.memory_space<vmem>> -> memref<128x128xf32, #tpu.memory_space<vmem>>
        %dma_wait3A_524 = arith.constant 0 : i32
        %dma_wait3A_525 = arith.constant 0 : i32
        %dma_wait3A_526 = tpu.memref_slice %arg2[%dma_wait3A_524, %dma_wait3A_525] : memref<160000x256xf32, #tpu.memory_space<hbm>> -> memref<128x128xf32, #tpu.memory_space<hbm>>
        tpu.wait_dma2 semaphore(%arg10 : memref<!tpu.dma_semaphore, #tpu.memory_space<semaphore_mem>>) src(%dma_wait3A_526 : memref<128x128xf32, #tpu.memory_space<hbm>>) dst(%dma_wait3A_523 : memref<128x128xf32, #tpu.memory_space<vmem>>)
        %dma_start3A = arith.constant 1 : i32
        %dma_start3A_527 = arith.constant 1 : i32
        %dma_start3A_528 = arith.constant 0 : i32
        %dma_start3A_529 = arith.constant 0 : i32
        %dma_start3A_530 = tpu.memref_slice %arg7[%dma_start3A, %dma_start3A_528, %dma_start3A_529] : memref<2x128x128xf32, #tpu.memory_space<vmem>> -> memref<1x128x128xf32, #tpu.memory_space<vmem>>
        %dma_start3A_531 = tpu.memref_squeeze %dma_start3A_530 : memref<1x128x128xf32, #tpu.memory_space<vmem>> -> memref<128x128xf32, #tpu.memory_space<vmem>>
        %dma_start3A_532 = arith.constant 0 : i32
        %dma_start3A_533 = tpu.memref_slice %arg6[%dma_start3A_527, %dma_start3A_532] : memref<2x128xi32, #tpu.memory_space<vmem>> -> memref<1x128xi32, #tpu.memory_space<vmem>>
        %dma_start3A_534 = tpu.memref_squeeze %dma_start3A_533 : memref<1x128xi32, #tpu.memory_space<vmem>> -> memref<128xi32, #tpu.memory_space<vmem>>
        %dma_start3A_535 = arith.constant 0 : i32
        %dma_start3A_536 = arith.constant 0 : i32
        %dma_start3A_537 = tpu.memref_slice %arg8[%dma_start3A_535, %dma_start3A_536] : memref<10000x128xf32, #tpu.memory_space<vmem_shared>> -> memref<10000x128xf32, #tpu.memory_space<vmem_shared>>
        tpu.enqueue_indirect_dma source(%dma_start3A_531 : memref<128x128xf32, #tpu.memory_space<vmem>>) target(%dma_start3A_537 : memref<10000x128xf32, #tpu.memory_space<vmem_shared>>) offsets(%dma_start3A_534 : memref<128xi32, #tpu.memory_space<vmem>>) semaphore(%arg12 : memref<!tpu.dma_semaphore, #tpu.memory_space<semaphore_mem>>) {add = true}
        %add3A_538 = arith.constant 1 : i32
        %add3A_539 = arith.addi %add3A_495, %add3A_538 : i32
        %lt3A_540 = arith.cmpi slt, %add3A_539, %select_n3A : i32
        %convert_element_type3A_541 = arith.extui %lt3A_540 : i1 to i32
        %cond3A_542 = arith.constant 0 : i32
        %cond3A_543 = arith.cmpi ne, %convert_element_type3A_541, %cond3A_542 : i32
        scf.if %cond3A_543 {
          %ge3A = arith.constant 1 : i32
          %ge3A_544 = arith.cmpi sge, %add3A_495, %ge3A : i32
          %convert_element_type3A_545 = arith.extui %ge3A_544 : i1 to i32
          %cond3A_546 = arith.constant 0 : i32
          %cond3A_547 = arith.cmpi ne, %convert_element_type3A_545, %cond3A_546 : i32
          scf.if %cond3A_547 {
            %dma_wait3A_577 = arith.constant 0 : i32
            %dma_wait3A_578 = arith.constant 0 : i32
            %dma_wait3A_579 = arith.constant 0 : i32
            %dma_wait3A_580 = arith.constant 0 : i32
            %dma_wait3A_581 = tpu.memref_slice %arg7[%dma_wait3A_577, %dma_wait3A_579, %dma_wait3A_580] : memref<2x128x128xf32, #tpu.memory_space<vmem>> -> memref<1x128x128xf32, #tpu.memory_space<vmem>>
            %dma_wait3A_582 = tpu.memref_squeeze %dma_wait3A_581 : memref<1x128x128xf32, #tpu.memory_space<vmem>> -> memref<128x128xf32, #tpu.memory_space<vmem>>
            %dma_wait3A_583 = arith.constant 0 : i32
            %dma_wait3A_584 = tpu.memref_slice %arg6[%dma_wait3A_578, %dma_wait3A_583] : memref<2x128xi32, #tpu.memory_space<vmem>> -> memref<1x128xi32, #tpu.memory_space<vmem>>
            %dma_wait3A_585 = tpu.memref_squeeze %dma_wait3A_584 : memref<1x128xi32, #tpu.memory_space<vmem>> -> memref<128xi32, #tpu.memory_space<vmem>>
            %dma_wait3A_586 = arith.constant 0 : i32
            %dma_wait3A_587 = arith.constant 0 : i32
            %dma_wait3A_588 = tpu.memref_slice %arg8[%dma_wait3A_586, %dma_wait3A_587] : memref<10000x128xf32, #tpu.memory_space<vmem_shared>> -> memref<10000x128xf32, #tpu.memory_space<vmem_shared>>
            tpu.wait_indirect_dma semaphore(%arg11 : memref<!tpu.dma_semaphore, #tpu.memory_space<semaphore_mem>>) src(%dma_wait3A_582 : memref<128x128xf32, #tpu.memory_space<vmem>>) dst(%dma_wait3A_588 : memref<10000x128xf32, #tpu.memory_space<vmem_shared>>)
          } else {
          }
          %add3A_548 = arith.constant 1 : i32
          %add3A_549 = arith.addi %add3A_495, %add3A_548 : i32
          %mul3A_550 = arith.constant 16 : i32
          %mul3A_551 = arith.muli %add3A_549, %mul3A_550 : i32
          %add3A_552 = arith.addi %mul3A_551, %arg1 : i32
          %mul3A_553 = arith.constant 128 : i32
          %mul3A_554 = arith.muli %add3A_552, %mul3A_553 : i32
          %dma_start3A_555 = arith.constant 0 : i32
          %dma_start3A_556 = arith.constant 0 : i32
          %dma_start3A_557 = tpu.memref_slice %arg6[%dma_start3A_555, %dma_start3A_556] : memref<2x128xi32, #tpu.memory_space<vmem>> -> memref<1x128xi32, #tpu.memory_space<vmem>>
          %dma_start3A_558 = tpu.memref_squeeze %dma_start3A_557 : memref<1x128xi32, #tpu.memory_space<vmem>> -> memref<128xi32, #tpu.memory_space<vmem>>
          %dma_start3A_559 = tpu.memref_slice %arg3[%mul3A_554] : memref<160000xi32, #tpu.memory_space<hbm>> -> memref<128xi32, #tpu.memory_space<hbm>>
          %dma_start3A_560 = arith.constant 0 : i32
          %dma_start3A_561 = tpu.memref_slice %arg6[%dma_start3A_555, %dma_start3A_560] : memref<2x128xi32, #tpu.memory_space<vmem>> -> memref<1x128xi32, #tpu.memory_space<vmem>>
          %dma_start3A_562 = tpu.memref_squeeze %dma_start3A_561 : memref<1x128xi32, #tpu.memory_space<vmem>> -> memref<128xi32, #tpu.memory_space<vmem>>
          %dma_start3A_563 = tpu.memref_slice %arg3[%mul3A_554] : memref<160000xi32, #tpu.memory_space<hbm>> -> memref<128xi32, #tpu.memory_space<hbm>>
          tpu.enqueue_dma source(%dma_start3A_563 : memref<128xi32, #tpu.memory_space<hbm>>) target(%dma_start3A_562 : memref<128xi32, #tpu.memory_space<vmem>>) target_semaphore(%arg9 : memref<!tpu.dma_semaphore, #tpu.memory_space<semaphore_mem>>)
          %mul3A_564 = arith.constant 128 : i32
          %mul3A_565 = arith.muli %arg0, %mul3A_564 : i32
          %dma_start3A_566 = arith.constant 0 : i32
          %dma_start3A_567 = arith.constant 0 : i32
          %dma_start3A_568 = arith.constant 0 : i32
          %dma_start3A_569 = tpu.memref_slice %arg7[%dma_start3A_566, %dma_start3A_567, %dma_start3A_568] : memref<2x128x128xf32, #tpu.memory_space<vmem>> -> memref<1x128x128xf32, #tpu.memory_space<vmem>>
          %dma_start3A_570 = tpu.memref_squeeze %dma_start3A_569 : memref<1x128x128xf32, #tpu.memory_space<vmem>> -> memref<128x128xf32, #tpu.memory_space<vmem>>
          %dma_start3A_571 = tpu.memref_slice %arg2[%mul3A_554, %mul3A_565] : memref<160000x256xf32, #tpu.memory_space<hbm>> -> memref<128x128xf32, #tpu.memory_space<hbm>>
          %dma_start3A_572 = arith.constant 0 : i32
          %dma_start3A_573 = arith.constant 0 : i32
          %dma_start3A_574 = tpu.memref_slice %arg7[%dma_start3A_566, %dma_start3A_572, %dma_start3A_573] : memref<2x128x128xf32, #tpu.memory_space<vmem>> -> memref<1x128x128xf32, #tpu.memory_space<vmem>>
          %dma_start3A_575 = tpu.memref_squeeze %dma_start3A_574 : memref<1x128x128xf32, #tpu.memory_space<vmem>> -> memref<128x128xf32, #tpu.memory_space<vmem>>
          %dma_start3A_576 = tpu.memref_slice %arg2[%mul3A_554, %mul3A_565] : memref<160000x256xf32, #tpu.memory_space<hbm>> -> memref<128x128xf32, #tpu.memory_space<hbm>>
          tpu.enqueue_dma source(%dma_start3A_576 : memref<128x128xf32, #tpu.memory_space<hbm>>) target(%dma_start3A_575 : memref<128x128xf32, #tpu.memory_space<vmem>>) target_semaphore(%arg9 : memref<!tpu.dma_semaphore, #tpu.memory_space<semaphore_mem>>)
        } else {
        }
      } else {
      }
      %scan3A_500 = arith.constant 0 : i32
      scf.yield %scan3A_500 : i32
    }
    %scan3A_147 = arith.constant 40 : i32
    %dma_wait3A = arith.constant 0 : i32
    %dma_wait3A_148 = arith.constant 0 : i32
    %dma_wait3A_149 = arith.constant 0 : i32
    %dma_wait3A_150 = arith.constant 0 : i32
    %dma_wait3A_151 = tpu.memref_slice %arg7[%dma_wait3A, %dma_wait3A_149, %dma_wait3A_150] : memref<2x128x128xf32, #tpu.memory_space<vmem>> -> memref<1x128x128xf32, #tpu.memory_space<vmem>>
    %dma_wait3A_152 = tpu.memref_squeeze %dma_wait3A_151 : memref<1x128x128xf32, #tpu.memory_space<vmem>> -> memref<128x128xf32, #tpu.memory_space<vmem>>
    %dma_wait3A_153 = arith.constant 0 : i32
    %dma_wait3A_154 = tpu.memref_slice %arg6[%dma_wait3A_148, %dma_wait3A_153] : memref<2x128xi32, #tpu.memory_space<vmem>> -> memref<1x128xi32, #tpu.memory_space<vmem>>
    %dma_wait3A_155 = tpu.memref_squeeze %dma_wait3A_154 : memref<1x128xi32, #tpu.memory_space<vmem>> -> memref<128xi32, #tpu.memory_space<vmem>>
    %dma_wait3A_156 = arith.constant 0 : i32
    %dma_wait3A_157 = arith.constant 0 : i32
    %dma_wait3A_158 = tpu.memref_slice %arg8[%dma_wait3A_156, %dma_wait3A_157] : memref<10000x128xf32, #tpu.memory_space<vmem_shared>> -> memref<10000x128xf32, #tpu.memory_space<vmem_shared>>
    tpu.wait_indirect_dma semaphore(%arg11 : memref<!tpu.dma_semaphore, #tpu.memory_space<semaphore_mem>>) src(%dma_wait3A_152 : memref<128x128xf32, #tpu.memory_space<vmem>>) dst(%dma_wait3A_158 : memref<10000x128xf32, #tpu.memory_space<vmem_shared>>)
    %dma_wait3A_159 = arith.constant 1 : i32
    %dma_wait3A_160 = arith.constant 1 : i32
    %dma_wait3A_161 = arith.constant 0 : i32
    %dma_wait3A_162 = arith.constant 0 : i32
    %dma_wait3A_163 = tpu.memref_slice %arg7[%dma_wait3A_159, %dma_wait3A_161, %dma_wait3A_162] : memref<2x128x128xf32, #tpu.memory_space<vmem>> -> memref<1x128x128xf32, #tpu.memory_space<vmem>>
    %dma_wait3A_164 = tpu.memref_squeeze %dma_wait3A_163 : memref<1x128x128xf32, #tpu.memory_space<vmem>> -> memref<128x128xf32, #tpu.memory_space<vmem>>
    %dma_wait3A_165 = arith.constant 0 : i32
    %dma_wait3A_166 = tpu.memref_slice %arg6[%dma_wait3A_160, %dma_wait3A_165] : memref<2x128xi32, #tpu.memory_space<vmem>> -> memref<1x128xi32, #tpu.memory_space<vmem>>
    %dma_wait3A_167 = tpu.memref_squeeze %dma_wait3A_166 : memref<1x128xi32, #tpu.memory_space<vmem>> -> memref<128xi32, #tpu.memory_space<vmem>>
    %dma_wait3A_168 = arith.constant 0 : i32
    %dma_wait3A_169 = arith.constant 0 : i32
    %dma_wait3A_170 = tpu.memref_slice %arg8[%dma_wait3A_168, %dma_wait3A_169] : memref<10000x128xf32, #tpu.memory_space<vmem_shared>> -> memref<10000x128xf32, #tpu.memory_space<vmem_shared>>
    tpu.wait_indirect_dma semaphore(%arg12 : memref<!tpu.dma_semaphore, #tpu.memory_space<semaphore_mem>>) src(%dma_wait3A_164 : memref<128x128xf32, #tpu.memory_space<vmem>>) dst(%dma_wait3A_170 : memref<10000x128xf32, #tpu.memory_space<vmem_shared>>)
    %barrier3A_171 = arith.constant 0 : index
    tpu.barrier barrier_id(%barrier3A_171)
    %scan3A_172 = arith.constant 0 : i32
    %scan3A_173 = arith.constant 0 : i32
    %scan3A_174 = arith.constant 40 : i32
    %scan3A_175 = arith.addi %scan3A_173, %scan3A_174 : i32
    %scan3A_176 = arith.constant 1 : i32
    %scan3A_177 = scf.for %scan3A_482 = %scan3A_173 to %scan3A_175 step %scan3A_176 iter_args(%scan3A_483 = %scan3A_172) -> (i32)  : i32 {
      %swap3A = arith.constant 1 : i32
      %swap3A_484 = arith.index_cast %swap3A : i32 to index
      %swap3A_485 = arith.index_cast %scan3A_482 : i32 to index
      %swap3A_486 = arith.constant 0 : index
      %swap3A_487 = tpu.vector_load %arg7[%swap3A_484, %swap3A_485, %swap3A_486] {strides = array<i32>} : memref<2x128x128xf32, #tpu.memory_space<vmem>>, vector<1x1x16xf32>,
      %swap3A_488 = vector.shape_cast %swap3A_487 : vector<1x1x16xf32> to vector<16xf32>
      %swap3A_489 = vector.shape_cast %broadcast_in_dim3A_0 : vector<16xf32> to vector<1x1x16xf32>
      tpu.vector_store %arg7[%swap3A_484, %swap3A_485, %swap3A_486], %swap3A_489 {strides = array<i32>} : memref<2x128x128xf32, #tpu.memory_space<vmem>>, vector<1x1x16xf32>,
      %swap3A_490 = arith.constant 1 : i32
      %swap3A_491 = arith.index_cast %swap3A_490 : i32 to index
      %swap3A_492 = arith.index_cast %scan3A_482 : i32 to index
      %swap3A_493 = arith.constant 16 : index
      %swap3A_494 = tpu.vector_load %arg7[%swap3A_491, %swap3A_492, %swap3A_493] {strides = array<i32>} : memref<2x128x128xf32, #tpu.memory_space<vmem>>, vector<1x1x16xf32>,
      %swap3A_495 = vector.shape_cast %swap3A_494 : vector<1x1x16xf32> to vector<16xf32>
      %swap3A_496 = vector.shape_cast %broadcast_in_dim3A_0 : vector<16xf32> to vector<1x1x16xf32>
      tpu.vector_store %arg7[%swap3A_491, %swap3A_492, %swap3A_493], %swap3A_496 {strides = array<i32>} : memref<2x128x128xf32, #tpu.memory_space<vmem>>, vector<1x1x16xf32>,
      %swap3A_497 = arith.constant 1 : i32
      %swap3A_498 = arith.index_cast %swap3A_497 : i32 to index
      %swap3A_499 = arith.index_cast %scan3A_482 : i32 to index
      %swap3A_500 = arith.constant 32 : index
      %swap3A_501 = tpu.vector_load %arg7[%swap3A_498, %swap3A_499, %swap3A_500] {strides = array<i32>} : memref<2x128x128xf32, #tpu.memory_space<vmem>>, vector<1x1x16xf32>,
      %swap3A_502 = vector.shape_cast %swap3A_501 : vector<1x1x16xf32> to vector<16xf32>
      %swap3A_503 = vector.shape_cast %broadcast_in_dim3A_0 : vector<16xf32> to vector<1x1x16xf32>
      tpu.vector_store %arg7[%swap3A_498, %swap3A_499, %swap3A_500], %swap3A_503 {strides = array<i32>} : memref<2x128x128xf32, #tpu.memory_space<vmem>>, vector<1x1x16xf32>,
      %swap3A_504 = arith.constant 1 : i32
      %swap3A_505 = arith.index_cast %swap3A_504 : i32 to index
      %swap3A_506 = arith.index_cast %scan3A_482 : i32 to index
      %swap3A_507 = arith.constant 48 : index
      %swap3A_508 = tpu.vector_load %arg7[%swap3A_505, %swap3A_506, %swap3A_507] {strides = array<i32>} : memref<2x128x128xf32, #tpu.memory_space<vmem>>, vector<1x1x16xf32>,
      %swap3A_509 = vector.shape_cast %swap3A_508 : vector<1x1x16xf32> to vector<16xf32>
      %swap3A_510 = vector.shape_cast %broadcast_in_dim3A_0 : vector<16xf32> to vector<1x1x16xf32>
      tpu.vector_store %arg7[%swap3A_505, %swap3A_506, %swap3A_507], %swap3A_510 {strides = array<i32>} : memref<2x128x128xf32, #tpu.memory_space<vmem>>, vector<1x1x16xf32>,
      %swap3A_511 = arith.constant 1 : i32
      %swap3A_512 = arith.index_cast %swap3A_511 : i32 to index
      %swap3A_513 = arith.index_cast %scan3A_482 : i32 to index
      %swap3A_514 = arith.constant 64 : index
      %swap3A_515 = tpu.vector_load %arg7[%swap3A_512, %swap3A_513, %swap3A_514] {strides = array<i32>} : memref<2x128x128xf32, #tpu.memory_space<vmem>>, vector<1x1x16xf32>,
      %swap3A_516 = vector.shape_cast %swap3A_515 : vector<1x1x16xf32> to vector<16xf32>
      %swap3A_517 = vector.shape_cast %broadcast_in_dim3A_0 : vector<16xf32> to vector<1x1x16xf32>
      tpu.vector_store %arg7[%swap3A_512, %swap3A_513, %swap3A_514], %swap3A_517 {strides = array<i32>} : memref<2x128x128xf32, #tpu.memory_space<vmem>>, vector<1x1x16xf32>,
      %swap3A_518 = arith.constant 1 : i32
      %swap3A_519 = arith.index_cast %swap3A_518 : i32 to index
      %swap3A_520 = arith.index_cast %scan3A_482 : i32 to index
      %swap3A_521 = arith.constant 80 : index
      %swap3A_522 = tpu.vector_load %arg7[%swap3A_519, %swap3A_520, %swap3A_521] {strides = array<i32>} : memref<2x128x128xf32, #tpu.memory_space<vmem>>, vector<1x1x16xf32>,
      %swap3A_523 = vector.shape_cast %swap3A_522 : vector<1x1x16xf32> to vector<16xf32>
      %swap3A_524 = vector.shape_cast %broadcast_in_dim3A_0 : vector<16xf32> to vector<1x1x16xf32>
      tpu.vector_store %arg7[%swap3A_519, %swap3A_520, %swap3A_521], %swap3A_524 {strides = array<i32>} : memref<2x128x128xf32, #tpu.memory_space<vmem>>, vector<1x1x16xf32>,
      %swap3A_525 = arith.constant 1 : i32
      %swap3A_526 = arith.index_cast %swap3A_525 : i32 to index
      %swap3A_527 = arith.index_cast %scan3A_482 : i32 to index
      %swap3A_528 = arith.constant 96 : index
      %swap3A_529 = tpu.vector_load %arg7[%swap3A_526, %swap3A_527, %swap3A_528] {strides = array<i32>} : memref<2x128x128xf32, #tpu.memory_space<vmem>>, vector<1x1x16xf32>,
      %swap3A_530 = vector.shape_cast %swap3A_529 : vector<1x1x16xf32> to vector<16xf32>
      %swap3A_531 = vector.shape_cast %broadcast_in_dim3A_0 : vector<16xf32> to vector<1x1x16xf32>
      tpu.vector_store %arg7[%swap3A_526, %swap3A_527, %swap3A_528], %swap3A_531 {strides = array<i32>} : memref<2x128x128xf32, #tpu.memory_space<vmem>>, vector<1x1x16xf32>,
      %swap3A_532 = arith.constant 1 : i32
      %swap3A_533 = arith.index_cast %swap3A_532 : i32 to index
      %swap3A_534 = arith.index_cast %scan3A_482 : i32 to index
      %swap3A_535 = arith.constant 112 : index
      %swap3A_536 = tpu.vector_load %arg7[%swap3A_533, %swap3A_534, %swap3A_535] {strides = array<i32>} : memref<2x128x128xf32, #tpu.memory_space<vmem>>, vector<1x1x16xf32>,
      %swap3A_537 = vector.shape_cast %swap3A_536 : vector<1x1x16xf32> to vector<16xf32>
      %swap3A_538 = vector.shape_cast %broadcast_in_dim3A_0 : vector<16xf32> to vector<1x1x16xf32>
      tpu.vector_store %arg7[%swap3A_533, %swap3A_534, %swap3A_535], %swap3A_538 {strides = array<i32>} : memref<2x128x128xf32, #tpu.memory_space<vmem>>, vector<1x1x16xf32>,
      %scan3A_539 = arith.constant 0 : i32
      scf.yield %scan3A_539 : i32
    }
    %scan3A_178 = arith.constant 40 : i32
    %add3A_179 = arith.constant 0 : i32
    %add3A_180 = arith.addi %add3A_179, %arg1 : i32
    %lt3A_181 = arith.constant 250 : i32
    %lt3A_182 = arith.cmpi slt, %add3A_180, %lt3A_181 : i32
    %convert_element_type3A_183 = arith.extui %lt3A_182 : i1 to i32
    %cond3A_184 = arith.constant 0 : i32
    %cond3A_185 = arith.cmpi ne, %convert_element_type3A_183, %cond3A_184 : i32
    scf.if %cond3A_185 {
      %mul3A_482 = arith.constant 40 : i32
      %mul3A_483 = arith.muli %add3A_180, %mul3A_482 : i32
      %run_scoped3A = arith.constant 0 : i32
      "tpu.region"() ({
        %run_scoped3A_488 = tpu.sem_alloc : memref<!tpu.dma_semaphore, #tpu.memory_space<semaphore_mem>>
        %dma_start3A = arith.constant 0 : i32
        %dma_start3A_489 = arith.constant 0 : i32
        %dma_start3A_490 = tpu.memref_slice %arg7[%run_scoped3A, %dma_start3A, %dma_start3A_489] : memref<2x128x128xf32, #tpu.memory_space<vmem>> -> memref<1x40x128xf32, #tpu.memory_space<vmem>>
        %dma_start3A_491 = tpu.memref_squeeze %dma_start3A_490 : memref<1x40x128xf32, #tpu.memory_space<vmem>> -> memref<40x128xf32, #tpu.memory_space<vmem>>
        %dma_start3A_492 = arith.constant 0 : i32
        %dma_start3A_493 = tpu.memref_slice %arg8[%mul3A_483, %dma_start3A_492] : memref<10000x128xf32, #tpu.memory_space<vmem_shared>> -> memref<40x128xf32, #tpu.memory_space<vmem_shared>>
        %dma_start3A_494 = arith.constant 0 : i32
        %dma_start3A_495 = arith.constant 0 : i32
        %dma_start3A_496 = tpu.memref_slice %arg7[%run_scoped3A, %dma_start3A_494, %dma_start3A_495] : memref<2x128x128xf32, #tpu.memory_space<vmem>> -> memref<1x40x128xf32, #tpu.memory_space<vmem>>
        %dma_start3A_497 = tpu.memref_squeeze %dma_start3A_496 : memref<1x40x128xf32, #tpu.memory_space<vmem>> -> memref<40x128xf32, #tpu.memory_space<vmem>>
        %dma_start3A_498 = arith.constant 0 : i32
        %dma_start3A_499 = tpu.memref_slice %arg8[%mul3A_483, %dma_start3A_498] : memref<10000x128xf32, #tpu.memory_space<vmem_shared>> -> memref<40x128xf32, #tpu.memory_space<vmem_shared>>
        tpu.enqueue_dma source(%dma_start3A_499 : memref<40x128xf32, #tpu.memory_space<vmem_shared>>) target(%dma_start3A_497 : memref<40x128xf32, #tpu.memory_space<vmem>>) target_semaphore(%run_scoped3A_488 : memref<!tpu.dma_semaphore, #tpu.memory_space<semaphore_mem>>)
        %dma_wait3A_500 = arith.constant 0 : i32
        %dma_wait3A_501 = arith.constant 0 : i32
        %dma_wait3A_502 = tpu.memref_slice %arg7[%run_scoped3A, %dma_wait3A_500, %dma_wait3A_501] : memref<2x128x128xf32, #tpu.memory_space<vmem>> -> memref<1x40x128xf32, #tpu.memory_space<vmem>>
        %dma_wait3A_503 = tpu.memref_squeeze %dma_wait3A_502 : memref<1x40x128xf32, #tpu.memory_space<vmem>> -> memref<40x128xf32, #tpu.memory_space<vmem>>
        %dma_wait3A_504 = arith.constant 0 : i32
        %dma_wait3A_505 = tpu.memref_slice %arg8[%mul3A_483, %dma_wait3A_504] : memref<10000x128xf32, #tpu.memory_space<vmem_shared>> -> memref<40x128xf32, #tpu.memory_space<vmem_shared>>
        %dma_wait3A_506 = arith.constant 0 : i32
        %dma_wait3A_507 = arith.constant 0 : i32
        %dma_wait3A_508 = tpu.memref_slice %arg7[%run_scoped3A, %dma_wait3A_506, %dma_wait3A_507] : memref<2x128x128xf32, #tpu.memory_space<vmem>> -> memref<1x40x128xf32, #tpu.memory_space<vmem>>
        %dma_wait3A_509 = tpu.memref_squeeze %dma_wait3A_508 : memref<1x40x128xf32, #tpu.memory_space<vmem>> -> memref<40x128xf32, #tpu.memory_space<vmem>>
        %dma_wait3A_510 = arith.constant 0 : i32
        %dma_wait3A_511 = tpu.memref_slice %arg8[%mul3A_483, %dma_wait3A_510] : memref<10000x128xf32, #tpu.memory_space<vmem_shared>> -> memref<40x128xf32, #tpu.memory_space<vmem_shared>>
        tpu.wait_dma2 semaphore(%run_scoped3A_488 : memref<!tpu.dma_semaphore, #tpu.memory_space<semaphore_mem>>) src(%dma_wait3A_511 : memref<40x128xf32, #tpu.memory_space<vmem_shared>>) dst(%dma_wait3A_509 : memref<40x128xf32, #tpu.memory_space<vmem>>)
        tpu.yield
      }) : () -> ()
      %mul3A_484 = arith.constant 128 : i32
      %mul3A_485 = arith.muli %arg0, %mul3A_484 : i32
      %run_scoped3A_486 = arith.constant 0 : i32
      "tpu.region"() ({
        %run_scoped3A_488 = tpu.sem_alloc : memref<!tpu.dma_semaphore, #tpu.memory_space<semaphore_mem>>
        %dma_start3A = arith.constant 0 : i32
        %dma_start3A_489 = arith.constant 0 : i32
        %dma_start3A_490 = tpu.memref_slice %arg7[%run_scoped3A_486, %dma_start3A, %dma_start3A_489] : memref<2x128x128xf32, #tpu.memory_space<vmem>> -> memref<1x40x128xf32, #tpu.memory_space<vmem>>
        %dma_start3A_491 = tpu.memref_squeeze %dma_start3A_490 : memref<1x40x128xf32, #tpu.memory_space<vmem>> -> memref<40x128xf32, #tpu.memory_space<vmem>>
        %dma_start3A_492 = tpu.memref_slice %arg4[%mul3A_483, %mul3A_485] : memref<10000x256xf32, #tpu.memory_space<hbm>> -> memref<40x128xf32, #tpu.memory_space<hbm>>
        %dma_start3A_493 = tpu.memref_slice %arg4[%mul3A_483, %mul3A_485] : memref<10000x256xf32, #tpu.memory_space<hbm>> -> memref<40x128xf32, #tpu.memory_space<hbm>>
        %dma_start3A_494 = arith.constant 0 : i32
        %dma_start3A_495 = arith.constant 0 : i32
        %dma_start3A_496 = tpu.memref_slice %arg7[%run_scoped3A_486, %dma_start3A_494, %dma_start3A_495] : memref<2x128x128xf32, #tpu.memory_space<vmem>> -> memref<1x40x128xf32, #tpu.memory_space<vmem>>
        %dma_start3A_497 = tpu.memref_squeeze %dma_start3A_496 : memref<1x40x128xf32, #tpu.memory_space<vmem>> -> memref<40x128xf32, #tpu.memory_space<vmem>>
        tpu.enqueue_dma source(%dma_start3A_497 : memref<40x128xf32, #tpu.memory_space<vmem>>) target(%dma_start3A_493 : memref<40x128xf32, #tpu.memory_space<hbm>>) target_semaphore(%run_scoped3A_488 : memref<!tpu.dma_semaphore, #tpu.memory_space<semaphore_mem>>)
        %dma_wait3A_498 = arith.constant 0 : i32
        %dma_wait3A_499 = arith.constant 0 : i32
        %dma_wait3A_500 = tpu.memref_slice %arg7[%run_scoped3A_486, %dma_wait3A_498, %dma_wait3A_499] : memref<2x128x128xf32, #tpu.memory_space<vmem>> -> memref<1x40x128xf32, #tpu.memory_space<vmem>>
        %dma_wait3A_501 = tpu.memref_squeeze %dma_wait3A_500 : memref<1x40x128xf32, #tpu.memory_space<vmem>> -> memref<40x128xf32, #tpu.memory_space<vmem>>
        %dma_wait3A_502 = tpu.memref_slice %arg4[%mul3A_483, %mul3A_485] : memref<10000x256xf32, #tpu.memory_space<hbm>> -> memref<40x128xf32, #tpu.memory_space<hbm>>
        %dma_wait3A_503 = tpu.memref_slice %arg4[%mul3A_483, %mul3A_485] : memref<10000x256xf32, #tpu.memory_space<hbm>> -> memref<40x128xf32, #tpu.memory_space<hbm>>
        %dma_wait3A_504 = arith.constant 0 : i32
        %dma_wait3A_505 = arith.constant 0 : i32
        %dma_wait3A_506 = tpu.memref_slice %arg7[%run_scoped3A_486, %dma_wait3A_504, %dma_wait3A_505] : memref<2x128x128xf32, #tpu.memory_space<vmem>> -> memref<1x40x128xf32, #tpu.memory_space<vmem>>
        %dma_wait3A_507 = tpu.memref_squeeze %dma_wait3A_506 : memref<1x40x128xf32, #tpu.memory_space<vmem>> -> memref<40x128xf32, #tpu.memory_space<vmem>>
        tpu.wait_dma2 semaphore(%run_scoped3A_488 : memref<!tpu.dma_semaphore, #tpu.memory_space<semaphore_mem>>) src(%dma_wait3A_507 : memref<40x128xf32, #tpu.memory_space<vmem>>) dst(%dma_wait3A_503 : memref<40x128xf32, #tpu.memory_space<hbm>>)
        tpu.yield
      }) : () -> ()
      %run_scoped3A_487 = arith.constant 1 : i32
      "tpu.region"() ({
        %run_scoped3A_488 = tpu.sem_alloc : memref<!tpu.dma_semaphore, #tpu.memory_space<semaphore_mem>>
        %dma_start3A = arith.constant 0 : i32
        %dma_start3A_489 = arith.constant 0 : i32
        %dma_start3A_490 = tpu.memref_slice %arg7[%run_scoped3A_487, %dma_start3A, %dma_start3A_489] : memref<2x128x128xf32, #tpu.memory_space<vmem>> -> memref<1x40x128xf32, #tpu.memory_space<vmem>>
        %dma_start3A_491 = tpu.memref_squeeze %dma_start3A_490 : memref<1x40x128xf32, #tpu.memory_space<vmem>> -> memref<40x128xf32, #tpu.memory_space<vmem>>
        %dma_start3A_492 = arith.constant 0 : i32
        %dma_start3A_493 = tpu.memref_slice %arg8[%mul3A_483, %dma_start3A_492] : memref<10000x128xf32, #tpu.memory_space<vmem_shared>> -> memref<40x128xf32, #tpu.memory_space<vmem_shared>>
        %dma_start3A_494 = arith.constant 0 : i32
        %dma_start3A_495 = tpu.memref_slice %arg8[%mul3A_483, %dma_start3A_494] : memref<10000x128xf32, #tpu.memory_space<vmem_shared>> -> memref<40x128xf32, #tpu.memory_space<vmem_shared>>
        %dma_start3A_496 = arith.constant 0 : i32
        %dma_start3A_497 = arith.constant 0 : i32
        %dma_start3A_498 = tpu.memref_slice %arg7[%run_scoped3A_487, %dma_start3A_496, %dma_start3A_497] : memref<2x128x128xf32, #tpu.memory_space<vmem>> -> memref<1x40x128xf32, #tpu.memory_space<vmem>>
        %dma_start3A_499 = tpu.memref_squeeze %dma_start3A_498 : memref<1x40x128xf32, #tpu.memory_space<vmem>> -> memref<40x128xf32, #tpu.memory_space<vmem>>
        tpu.enqueue_dma source(%dma_start3A_499 : memref<40x128xf32, #tpu.memory_space<vmem>>) target(%dma_start3A_495 : memref<40x128xf32, #tpu.memory_space<vmem_shared>>) target_semaphore(%run_scoped3A_488 : memref<!tpu.dma_semaphore, #tpu.memory_space<semaphore_mem>>)
        %dma_wait3A_500 = arith.constant 0 : i32
        %dma_wait3A_501 = arith.constant 0 : i32
        %dma_wait3A_502 = tpu.memref_slice %arg7[%run_scoped3A_487, %dma_wait3A_500, %dma_wait3A_501] : memref<2x128x128xf32, #tpu.memory_space<vmem>> -> memref<1x40x128xf32, #tpu.memory_space<vmem>>
        %dma_wait3A_503 = tpu.memref_squeeze %dma_wait3A_502 : memref<1x40x128xf32, #tpu.memory_space<vmem>> -> memref<40x128xf32, #tpu.memory_space<vmem>>
        %dma_wait3A_504 = arith.constant 0 : i32
        %dma_wait3A_505 = tpu.memref_slice %arg8[%mul3A_483, %dma_wait3A_504] : memref<10000x128xf32, #tpu.memory_space<vmem_shared>> -> memref<40x128xf32, #tpu.memory_space<vmem_shared>>
        %dma_wait3A_506 = arith.constant 0 : i32
        %dma_wait3A_507 = tpu.memref_slice %arg8[%mul3A_483, %dma_wait3A_506] : memref<10000x128xf32, #tpu.memory_space<vmem_shared>> -> memref<40x128xf32, #tpu.memory_space<vmem_shared>>
        %dma_wait3A_508 = arith.constant 0 : i32
        %dma_wait3A_509 = arith.constant 0 : i32
        %dma_wait3A_510 = tpu.memref_slice %arg7[%run_scoped3A_487, %dma_wait3A_508, %dma_wait3A_509] : memref<2x128x128xf32, #tpu.memory_space<vmem>> -> memref<1x40x128xf32, #tpu.memory_space<vmem>>
        %dma_wait3A_511 = tpu.memref_squeeze %dma_wait3A_510 : memref<1x40x128xf32, #tpu.memory_space<vmem>> -> memref<40x128xf32, #tpu.memory_space<vmem>>
        tpu.wait_dma2 semaphore(%run_scoped3A_488 : memref<!tpu.dma_semaphore, #tpu.memory_space<semaphore_mem>>) src(%dma_wait3A_511 : memref<40x128xf32, #tpu.memory_space<vmem>>) dst(%dma_wait3A_507 : memref<40x128xf32, #tpu.memory_space<vmem_shared>>)
        tpu.yield
      }) : () -> ()
    } else {
    }
    %add3A_186 = arith.constant 16 : i32
    %add3A_187 = arith.addi %add3A_186, %arg1 : i32
    %lt3A_188 = arith.constant 250 : i32
    %lt3A_189 = arith.cmpi slt, %add3A_187, %lt3A_188 : i32
    %convert_element_type3A_190 = arith.extui %lt3A_189 : i1 to i32
    %cond3A_191 = arith.constant 0 : i32
    %cond3A_192 = arith.cmpi ne, %convert_element_type3A_190, %cond3A_191 : i32
    scf.if %cond3A_192 {
      %mul3A_482 = arith.constant 40 : i32
      %mul3A_483 = arith.muli %add3A_187, %mul3A_482 : i32
      %run_scoped3A = arith.constant 0 : i32
      "tpu.region"() ({
        %run_scoped3A_488 = tpu.sem_alloc : memref<!tpu.dma_semaphore, #tpu.memory_space<semaphore_mem>>
        %dma_start3A = arith.constant 0 : i32
        %dma_start3A_489 = arith.constant 0 : i32
        %dma_start3A_490 = tpu.memref_slice %arg7[%run_scoped3A, %dma_start3A, %dma_start3A_489] : memref<2x128x128xf32, #tpu.memory_space<vmem>> -> memref<1x40x128xf32, #tpu.memory_space<vmem>>
        %dma_start3A_491 = tpu.memref_squeeze %dma_start3A_490 : memref<1x40x128xf32, #tpu.memory_space<vmem>> -> memref<40x128xf32, #tpu.memory_space<vmem>>
        %dma_start3A_492 = arith.constant 0 : i32
        %dma_start3A_493 = tpu.memref_slice %arg8[%mul3A_483, %dma_start3A_492] : memref<10000x128xf32, #tpu.memory_space<vmem_shared>> -> memref<40x128xf32, #tpu.memory_space<vmem_shared>>
        %dma_start3A_494 = arith.constant 0 : i32
        %dma_start3A_495 = arith.constant 0 : i32
        %dma_start3A_496 = tpu.memref_slice %arg7[%run_scoped3A, %dma_start3A_494, %dma_start3A_495] : memref<2x128x128xf32, #tpu.memory_space<vmem>> -> memref<1x40x128xf32, #tpu.memory_space<vmem>>
        %dma_start3A_497 = tpu.memref_squeeze %dma_start3A_496 : memref<1x40x128xf32, #tpu.memory_space<vmem>> -> memref<40x128xf32, #tpu.memory_space<vmem>>
        %dma_start3A_498 = arith.constant 0 : i32
        %dma_start3A_499 = tpu.memref_slice %arg8[%mul3A_483, %dma_start3A_498] : memref<10000x128xf32, #tpu.memory_space<vmem_shared>> -> memref<40x128xf32, #tpu.memory_space<vmem_shared>>
        tpu.enqueue_dma source(%dma_start3A_499 : memref<40x128xf32, #tpu.memory_space<vmem_shared>>) target(%dma_start3A_497 : memref<40x128xf32, #tpu.memory_space<vmem>>) target_semaphore(%run_scoped3A_488 : memref<!tpu.dma_semaphore, #tpu.memory_space<semaphore_mem>>)
        %dma_wait3A_500 = arith.constant 0 : i32
        %dma_wait3A_501 = arith.constant 0 : i32
        %dma_wait3A_502 = tpu.memref_slice %arg7[%run_scoped3A, %dma_wait3A_500, %dma_wait3A_501] : memref<2x128x128xf32, #tpu.memory_space<vmem>> -> memref<1x40x128xf32, #tpu.memory_space<vmem>>
        %dma_wait3A_503 = tpu.memref_squeeze %dma_wait3A_502 : memref<1x40x128xf32, #tpu.memory_space<vmem>> -> memref<40x128xf32, #tpu.memory_space<vmem>>
        %dma_wait3A_504 = arith.constant 0 : i32
        %dma_wait3A_505 = tpu.memref_slice %arg8[%mul3A_483, %dma_wait3A_504] : memref<10000x128xf32, #tpu.memory_space<vmem_shared>> -> memref<40x128xf32, #tpu.memory_space<vmem_shared>>
        %dma_wait3A_506 = arith.constant 0 : i32
        %dma_wait3A_507 = arith.constant 0 : i32
        %dma_wait3A_508 = tpu.memref_slice %arg7[%run_scoped3A, %dma_wait3A_506, %dma_wait3A_507] : memref<2x128x128xf32, #tpu.memory_space<vmem>> -> memref<1x40x128xf32, #tpu.memory_space<vmem>>
        %dma_wait3A_509 = tpu.memref_squeeze %dma_wait3A_508 : memref<1x40x128xf32, #tpu.memory_space<vmem>> -> memref<40x128xf32, #tpu.memory_space<vmem>>
        %dma_wait3A_510 = arith.constant 0 : i32
        %dma_wait3A_511 = tpu.memref_slice %arg8[%mul3A_483, %dma_wait3A_510] : memref<10000x128xf32, #tpu.memory_space<vmem_shared>> -> memref<40x128xf32, #tpu.memory_space<vmem_shared>>
        tpu.wait_dma2 semaphore(%run_scoped3A_488 : memref<!tpu.dma_semaphore, #tpu.memory_space<semaphore_mem>>) src(%dma_wait3A_511 : memref<40x128xf32, #tpu.memory_space<vmem_shared>>) dst(%dma_wait3A_509 : memref<40x128xf32, #tpu.memory_space<vmem>>)
        tpu.yield
      }) : () -> ()
      %mul3A_484 = arith.constant 128 : i32
      %mul3A_485 = arith.muli %arg0, %mul3A_484 : i32
      %run_scoped3A_486 = arith.constant 0 : i32
      "tpu.region"() ({
        %run_scoped3A_488 = tpu.sem_alloc : memref<!tpu.dma_semaphore, #tpu.memory_space<semaphore_mem>>
        %dma_start3A = arith.constant 0 : i32
        %dma_start3A_489 = arith.constant 0 : i32
        %dma_start3A_490 = tpu.memref_slice %arg7[%run_scoped3A_486, %dma_start3A, %dma_start3A_489] : memref<2x128x128xf32, #tpu.memory_space<vmem>> -> memref<1x40x128xf32, #tpu.memory_space<vmem>>
        %dma_start3A_491 = tpu.memref_squeeze %dma_start3A_490 : memref<1x40x128xf32, #tpu.memory_space<vmem>> -> memref<40x128xf32, #tpu.memory_space<vmem>>
        %dma_start3A_492 = tpu.memref_slice %arg4[%mul3A_483, %mul3A_485] : memref<10000x256xf32, #tpu.memory_space<hbm>> -> memref<40x128xf32, #tpu.memory_space<hbm>>
        %dma_start3A_493 = tpu.memref_slice %arg4[%mul3A_483, %mul3A_485] : memref<10000x256xf32, #tpu.memory_space<hbm>> -> memref<40x128xf32, #tpu.memory_space<hbm>>
        %dma_start3A_494 = arith.constant 0 : i32
        %dma_start3A_495 = arith.constant 0 : i32
        %dma_start3A_496 = tpu.memref_slice %arg7[%run_scoped3A_486, %dma_start3A_494, %dma_start3A_495] : memref<2x128x128xf32, #tpu.memory_space<vmem>> -> memref<1x40x128xf32, #tpu.memory_space<vmem>>
        %dma_start3A_497 = tpu.memref_squeeze %dma_start3A_496 : memref<1x40x128xf32, #tpu.memory_space<vmem>> -> memref<40x128xf32, #tpu.memory_space<vmem>>
        tpu.enqueue_dma source(%dma_start3A_497 : memref<40x128xf32, #tpu.memory_space<vmem>>) target(%dma_start3A_493 : memref<40x128xf32, #tpu.memory_space<hbm>>) target_semaphore(%run_scoped3A_488 : memref<!tpu.dma_semaphore, #tpu.memory_space<semaphore_mem>>)
        %dma_wait3A_498 = arith.constant 0 : i32
        %dma_wait3A_499 = arith.constant 0 : i32
        %dma_wait3A_500 = tpu.memref_slice %arg7[%run_scoped3A_486, %dma_wait3A_498, %dma_wait3A_499] : memref<2x128x128xf32, #tpu.memory_space<vmem>> -> memref<1x40x128xf32, #tpu.memory_space<vmem>>
        %dma_wait3A_501 = tpu.memref_squeeze %dma_wait3A_500 : memref<1x40x128xf32, #tpu.memory_space<vmem>> -> memref<40x128xf32, #tpu.memory_space<vmem>>
        %dma_wait3A_502 = tpu.memref_slice %arg4[%mul3A_483, %mul3A_485] : memref<10000x256xf32, #tpu.memory_space<hbm>> -> memref<40x128xf32, #tpu.memory_space<hbm>>
        %dma_wait3A_503 = tpu.memref_slice %arg4[%mul3A_483, %mul3A_485] : memref<10000x256xf32, #tpu.memory_space<hbm>> -> memref<40x128xf32, #tpu.memory_space<hbm>>
        %dma_wait3A_504 = arith.constant 0 : i32
        %dma_wait3A_505 = arith.constant 0 : i32
        %dma_wait3A_506 = tpu.memref_slice %arg7[%run_scoped3A_486, %dma_wait3A_504, %dma_wait3A_505] : memref<2x128x128xf32, #tpu.memory_space<vmem>> -> memref<1x40x128xf32, #tpu.memory_space<vmem>>
        %dma_wait3A_507 = tpu.memref_squeeze %dma_wait3A_506 : memref<1x40x128xf32, #tpu.memory_space<vmem>> -> memref<40x128xf32, #tpu.memory_space<vmem>>
        tpu.wait_dma2 semaphore(%run_scoped3A_488 : memref<!tpu.dma_semaphore, #tpu.memory_space<semaphore_mem>>) src(%dma_wait3A_507 : memref<40x128xf32, #tpu.memory_space<vmem>>) dst(%dma_wait3A_503 : memref<40x128xf32, #tpu.memory_space<hbm>>)
        tpu.yield
      }) : () -> ()
      %run_scoped3A_487 = arith.constant 1 : i32
      "tpu.region"() ({
        %run_scoped3A_488 = tpu.sem_alloc : memref<!tpu.dma_semaphore, #tpu.memory_space<semaphore_mem>>
        %dma_start3A = arith.constant 0 : i32
        %dma_start3A_489 = arith.constant 0 : i32
        %dma_start3A_490 = tpu.memref_slice %arg7[%run_scoped3A_487, %dma_start3A, %dma_start3A_489] : memref<2x128x128xf32, #tpu.memory_space<vmem>> -> memref<1x40x128xf32, #tpu.memory_space<vmem>>
        %dma_start3A_491 = tpu.memref_squeeze %dma_start3A_490 : memref<1x40x128xf32, #tpu.memory_space<vmem>> -> memref<40x128xf32, #tpu.memory_space<vmem>>
        %dma_start3A_492 = arith.constant 0 : i32
        %dma_start3A_493 = tpu.memref_slice %arg8[%mul3A_483, %dma_start3A_492] : memref<10000x128xf32, #tpu.memory_space<vmem_shared>> -> memref<40x128xf32, #tpu.memory_space<vmem_shared>>
        %dma_start3A_494 = arith.constant 0 : i32
        %dma_start3A_495 = tpu.memref_slice %arg8[%mul3A_483, %dma_start3A_494] : memref<10000x128xf32, #tpu.memory_space<vmem_shared>> -> memref<40x128xf32, #tpu.memory_space<vmem_shared>>
        %dma_start3A_496 = arith.constant 0 : i32
        %dma_start3A_497 = arith.constant 0 : i32
        %dma_start3A_498 = tpu.memref_slice %arg7[%run_scoped3A_487, %dma_start3A_496, %dma_start3A_497] : memref<2x128x128xf32, #tpu.memory_space<vmem>> -> memref<1x40x128xf32, #tpu.memory_space<vmem>>
        %dma_start3A_499 = tpu.memref_squeeze %dma_start3A_498 : memref<1x40x128xf32, #tpu.memory_space<vmem>> -> memref<40x128xf32, #tpu.memory_space<vmem>>
        tpu.enqueue_dma source(%dma_start3A_499 : memref<40x128xf32, #tpu.memory_space<vmem>>) target(%dma_start3A_495 : memref<40x128xf32, #tpu.memory_space<vmem_shared>>) target_semaphore(%run_scoped3A_488 : memref<!tpu.dma_semaphore, #tpu.memory_space<semaphore_mem>>)
        %dma_wait3A_500 = arith.constant 0 : i32
        %dma_wait3A_501 = arith.constant 0 : i32
        %dma_wait3A_502 = tpu.memref_slice %arg7[%run_scoped3A_487, %dma_wait3A_500, %dma_wait3A_501] : memref<2x128x128xf32, #tpu.memory_space<vmem>> -> memref<1x40x128xf32, #tpu.memory_space<vmem>>
        %dma_wait3A_503 = tpu.memref_squeeze %dma_wait3A_502 : memref<1x40x128xf32, #tpu.memory_space<vmem>> -> memref<40x128xf32, #tpu.memory_space<vmem>>
        %dma_wait3A_504 = arith.constant 0 : i32
        %dma_wait3A_505 = tpu.memref_slice %arg8[%mul3A_483, %dma_wait3A_504] : memref<10000x128xf32, #tpu.memory_space<vmem_shared>> -> memref<40x128xf32, #tpu.memory_space<vmem_shared>>
        %dma_wait3A_506 = arith.constant 0 : i32
        %dma_wait3A_507 = tpu.memref_slice %arg8[%mul3A_483, %dma_wait3A_506] : memref<10000x128xf32, #tpu.memory_space<vmem_shared>> -> memref<40x128xf32, #tpu.memory_space<vmem_shared>>
        %dma_wait3A_508 = arith.constant 0 : i32
        %dma_wait3A_509 = arith.constant 0 : i32
        %dma_wait3A_510 = tpu.memref_slice %arg7[%run_scoped3A_487, %dma_wait3A_508, %dma_wait3A_509] : memref<2x128x128xf32, #tpu.memory_space<vmem>> -> memref<1x40x128xf32, #tpu.memory_space<vmem>>
        %dma_wait3A_511 = tpu.memref_squeeze %dma_wait3A_510 : memref<1x40x128xf32, #tpu.memory_space<vmem>> -> memref<40x128xf32, #tpu.memory_space<vmem>>
        tpu.wait_dma2 semaphore(%run_scoped3A_488 : memref<!tpu.dma_semaphore, #tpu.memory_space<semaphore_mem>>) src(%dma_wait3A_511 : memref<40x128xf32, #tpu.memory_space<vmem>>) dst(%dma_wait3A_507 : memref<40x128xf32, #tpu.memory_space<vmem_shared>>)
        tpu.yield
      }) : () -> ()
    } else {
    }
    %add3A_193 = arith.constant 32 : i32
    %add3A_194 = arith.addi %add3A_193, %arg1 : i32
    %lt3A_195 = arith.constant 250 : i32
    %lt3A_196 = arith.cmpi slt, %add3A_194, %lt3A_195 : i32
    %convert_element_type3A_197 = arith.extui %lt3A_196 : i1 to i32
    %cond3A_198 = arith.constant 0 : i32
    %cond3A_199 = arith.cmpi ne, %convert_element_type3A_197, %cond3A_198 : i32
    scf.if %cond3A_199 {
      %mul3A_482 = arith.constant 40 : i32
      %mul3A_483 = arith.muli %add3A_194, %mul3A_482 : i32
      %run_scoped3A = arith.constant 0 : i32
      "tpu.region"() ({
        %run_scoped3A_488 = tpu.sem_alloc : memref<!tpu.dma_semaphore, #tpu.memory_space<semaphore_mem>>
        %dma_start3A = arith.constant 0 : i32
        %dma_start3A_489 = arith.constant 0 : i32
        %dma_start3A_490 = tpu.memref_slice %arg7[%run_scoped3A, %dma_start3A, %dma_start3A_489] : memref<2x128x128xf32, #tpu.memory_space<vmem>> -> memref<1x40x128xf32, #tpu.memory_space<vmem>>
        %dma_start3A_491 = tpu.memref_squeeze %dma_start3A_490 : memref<1x40x128xf32, #tpu.memory_space<vmem>> -> memref<40x128xf32, #tpu.memory_space<vmem>>
        %dma_start3A_492 = arith.constant 0 : i32
        %dma_start3A_493 = tpu.memref_slice %arg8[%mul3A_483, %dma_start3A_492] : memref<10000x128xf32, #tpu.memory_space<vmem_shared>> -> memref<40x128xf32, #tpu.memory_space<vmem_shared>>
        %dma_start3A_494 = arith.constant 0 : i32
        %dma_start3A_495 = arith.constant 0 : i32
        %dma_start3A_496 = tpu.memref_slice %arg7[%run_scoped3A, %dma_start3A_494, %dma_start3A_495] : memref<2x128x128xf32, #tpu.memory_space<vmem>> -> memref<1x40x128xf32, #tpu.memory_space<vmem>>
        %dma_start3A_497 = tpu.memref_squeeze %dma_start3A_496 : memref<1x40x128xf32, #tpu.memory_space<vmem>> -> memref<40x128xf32, #tpu.memory_space<vmem>>
        %dma_start3A_498 = arith.constant 0 : i32
        %dma_start3A_499 = tpu.memref_slice %arg8[%mul3A_483, %dma_start3A_498] : memref<10000x128xf32, #tpu.memory_space<vmem_shared>> -> memref<40x128xf32, #tpu.memory_space<vmem_shared>>
        tpu.enqueue_dma source(%dma_start3A_499 : memref<40x128xf32, #tpu.memory_space<vmem_shared>>) target(%dma_start3A_497 : memref<40x128xf32, #tpu.memory_space<vmem>>) target_semaphore(%run_scoped3A_488 : memref<!tpu.dma_semaphore, #tpu.memory_space<semaphore_mem>>)
        %dma_wait3A_500 = arith.constant 0 : i32
        %dma_wait3A_501 = arith.constant 0 : i32
        %dma_wait3A_502 = tpu.memref_slice %arg7[%run_scoped3A, %dma_wait3A_500, %dma_wait3A_501] : memref<2x128x128xf32, #tpu.memory_space<vmem>> -> memref<1x40x128xf32, #tpu.memory_space<vmem>>
        %dma_wait3A_503 = tpu.memref_squeeze %dma_wait3A_502 : memref<1x40x128xf32, #tpu.memory_space<vmem>> -> memref<40x128xf32, #tpu.memory_space<vmem>>
        %dma_wait3A_504 = arith.constant 0 : i32
        %dma_wait3A_505 = tpu.memref_slice %arg8[%mul3A_483, %dma_wait3A_504] : memref<10000x128xf32, #tpu.memory_space<vmem_shared>> -> memref<40x128xf32, #tpu.memory_space<vmem_shared>>
        %dma_wait3A_506 = arith.constant 0 : i32
        %dma_wait3A_507 = arith.constant 0 : i32
        %dma_wait3A_508 = tpu.memref_slice %arg7[%run_scoped3A, %dma_wait3A_506, %dma_wait3A_507] : memref<2x128x128xf32, #tpu.memory_space<vmem>> -> memref<1x40x128xf32, #tpu.memory_space<vmem>>
        %dma_wait3A_509 = tpu.memref_squeeze %dma_wait3A_508 : memref<1x40x128xf32, #tpu.memory_space<vmem>> -> memref<40x128xf32, #tpu.memory_space<vmem>>
        %dma_wait3A_510 = arith.constant 0 : i32
        %dma_wait3A_511 = tpu.memref_slice %arg8[%mul3A_483, %dma_wait3A_510] : memref<10000x128xf32, #tpu.memory_space<vmem_shared>> -> memref<40x128xf32, #tpu.memory_space<vmem_shared>>
        tpu.wait_dma2 semaphore(%run_scoped3A_488 : memref<!tpu.dma_semaphore, #tpu.memory_space<semaphore_mem>>) src(%dma_wait3A_511 : memref<40x128xf32, #tpu.memory_space<vmem_shared>>) dst(%dma_wait3A_509 : memref<40x128xf32, #tpu.memory_space<vmem>>)
        tpu.yield
      }) : () -> ()
      %mul3A_484 = arith.constant 128 : i32
      %mul3A_485 = arith.muli %arg0, %mul3A_484 : i32
      %run_scoped3A_486 = arith.constant 0 : i32
      "tpu.region"() ({
        %run_scoped3A_488 = tpu.sem_alloc : memref<!tpu.dma_semaphore, #tpu.memory_space<semaphore_mem>>
        %dma_start3A = arith.constant 0 : i32
        %dma_start3A_489 = arith.constant 0 : i32
        %dma_start3A_490 = tpu.memref_slice %arg7[%run_scoped3A_486, %dma_start3A, %dma_start3A_489] : memref<2x128x128xf32, #tpu.memory_space<vmem>> -> memref<1x40x128xf32, #tpu.memory_space<vmem>>
        %dma_start3A_491 = tpu.memref_squeeze %dma_start3A_490 : memref<1x40x128xf32, #tpu.memory_space<vmem>> -> memref<40x128xf32, #tpu.memory_space<vmem>>
        %dma_start3A_492 = tpu.memref_slice %arg4[%mul3A_483, %mul3A_485] : memref<10000x256xf32, #tpu.memory_space<hbm>> -> memref<40x128xf32, #tpu.memory_space<hbm>>
        %dma_start3A_493 = tpu.memref_slice %arg4[%mul3A_483, %mul3A_485] : memref<10000x256xf32, #tpu.memory_space<hbm>> -> memref<40x128xf32, #tpu.memory_space<hbm>>
        %dma_start3A_494 = arith.constant 0 : i32
        %dma_start3A_495 = arith.constant 0 : i32
        %dma_start3A_496 = tpu.memref_slice %arg7[%run_scoped3A_486, %dma_start3A_494, %dma_start3A_495] : memref<2x128x128xf32, #tpu.memory_space<vmem>> -> memref<1x40x128xf32, #tpu.memory_space<vmem>>
        %dma_start3A_497 = tpu.memref_squeeze %dma_start3A_496 : memref<1x40x128xf32, #tpu.memory_space<vmem>> -> memref<40x128xf32, #tpu.memory_space<vmem>>
        tpu.enqueue_dma source(%dma_start3A_497 : memref<40x128xf32, #tpu.memory_space<vmem>>) target(%dma_start3A_493 : memref<40x128xf32, #tpu.memory_space<hbm>>) target_semaphore(%run_scoped3A_488 : memref<!tpu.dma_semaphore, #tpu.memory_space<semaphore_mem>>)
        %dma_wait3A_498 = arith.constant 0 : i32
        %dma_wait3A_499 = arith.constant 0 : i32
        %dma_wait3A_500 = tpu.memref_slice %arg7[%run_scoped3A_486, %dma_wait3A_498, %dma_wait3A_499] : memref<2x128x128xf32, #tpu.memory_space<vmem>> -> memref<1x40x128xf32, #tpu.memory_space<vmem>>
        %dma_wait3A_501 = tpu.memref_squeeze %dma_wait3A_500 : memref<1x40x128xf32, #tpu.memory_space<vmem>> -> memref<40x128xf32, #tpu.memory_space<vmem>>
        %dma_wait3A_502 = tpu.memref_slice %arg4[%mul3A_483, %mul3A_485] : memref<10000x256xf32, #tpu.memory_space<hbm>> -> memref<40x128xf32, #tpu.memory_space<hbm>>
        %dma_wait3A_503 = tpu.memref_slice %arg4[%mul3A_483, %mul3A_485] : memref<10000x256xf32, #tpu.memory_space<hbm>> -> memref<40x128xf32, #tpu.memory_space<hbm>>
        %dma_wait3A_504 = arith.constant 0 : i32
        %dma_wait3A_505 = arith.constant 0 : i32
        %dma_wait3A_506 = tpu.memref_slice %arg7[%run_scoped3A_486, %dma_wait3A_504, %dma_wait3A_505] : memref<2x128x128xf32, #tpu.memory_space<vmem>> -> memref<1x40x128xf32, #tpu.memory_space<vmem>>
        %dma_wait3A_507 = tpu.memref_squeeze %dma_wait3A_506 : memref<1x40x128xf32, #tpu.memory_space<vmem>> -> memref<40x128xf32, #tpu.memory_space<vmem>>
        tpu.wait_dma2 semaphore(%run_scoped3A_488 : memref<!tpu.dma_semaphore, #tpu.memory_space<semaphore_mem>>) src(%dma_wait3A_507 : memref<40x128xf32, #tpu.memory_space<vmem>>) dst(%dma_wait3A_503 : memref<40x128xf32, #tpu.memory_space<hbm>>)
        tpu.yield
      }) : () -> ()
      %run_scoped3A_487 = arith.constant 1 : i32
      "tpu.region"() ({
        %run_scoped3A_488 = tpu.sem_alloc : memref<!tpu.dma_semaphore, #tpu.memory_space<semaphore_mem>>
        %dma_start3A = arith.constant 0 : i32
        %dma_start3A_489 = arith.constant 0 : i32
        %dma_start3A_490 = tpu.memref_slice %arg7[%run_scoped3A_487, %dma_start3A, %dma_start3A_489] : memref<2x128x128xf32, #tpu.memory_space<vmem>> -> memref<1x40x128xf32, #tpu.memory_space<vmem>>
        %dma_start3A_491 = tpu.memref_squeeze %dma_start3A_490 : memref<1x40x128xf32, #tpu.memory_space<vmem>> -> memref<40x128xf32, #tpu.memory_space<vmem>>
        %dma_start3A_492 = arith.constant 0 : i32
        %dma_start3A_493 = tpu.memref_slice %arg8[%mul3A_483, %dma_start3A_492] : memref<10000x128xf32, #tpu.memory_space<vmem_shared>> -> memref<40x128xf32, #tpu.memory_space<vmem_shared>>
        %dma_start3A_494 = arith.constant 0 : i32
        %dma_start3A_495 = tpu.memref_slice %arg8[%mul3A_483, %dma_start3A_494] : memref<10000x128xf32, #tpu.memory_space<vmem_shared>> -> memref<40x128xf32, #tpu.memory_space<vmem_shared>>
        %dma_start3A_496 = arith.constant 0 : i32
        %dma_start3A_497 = arith.constant 0 : i32
        %dma_start3A_498 = tpu.memref_slice %arg7[%run_scoped3A_487, %dma_start3A_496, %dma_start3A_497] : memref<2x128x128xf32, #tpu.memory_space<vmem>> -> memref<1x40x128xf32, #tpu.memory_space<vmem>>
        %dma_start3A_499 = tpu.memref_squeeze %dma_start3A_498 : memref<1x40x128xf32, #tpu.memory_space<vmem>> -> memref<40x128xf32, #tpu.memory_space<vmem>>
        tpu.enqueue_dma source(%dma_start3A_499 : memref<40x128xf32, #tpu.memory_space<vmem>>) target(%dma_start3A_495 : memref<40x128xf32, #tpu.memory_space<vmem_shared>>) target_semaphore(%run_scoped3A_488 : memref<!tpu.dma_semaphore, #tpu.memory_space<semaphore_mem>>)
        %dma_wait3A_500 = arith.constant 0 : i32
        %dma_wait3A_501 = arith.constant 0 : i32
        %dma_wait3A_502 = tpu.memref_slice %arg7[%run_scoped3A_487, %dma_wait3A_500, %dma_wait3A_501] : memref<2x128x128xf32, #tpu.memory_space<vmem>> -> memref<1x40x128xf32, #tpu.memory_space<vmem>>
        %dma_wait3A_503 = tpu.memref_squeeze %dma_wait3A_502 : memref<1x40x128xf32, #tpu.memory_space<vmem>> -> memref<40x128xf32, #tpu.memory_space<vmem>>
        %dma_wait3A_504 = arith.constant 0 : i32
        %dma_wait3A_505 = tpu.memref_slice %arg8[%mul3A_483, %dma_wait3A_504] : memref<10000x128xf32, #tpu.memory_space<vmem_shared>> -> memref<40x128xf32, #tpu.memory_space<vmem_shared>>
        %dma_wait3A_506 = arith.constant 0 : i32
        %dma_wait3A_507 = tpu.memref_slice %arg8[%mul3A_483, %dma_wait3A_506] : memref<10000x128xf32, #tpu.memory_space<vmem_shared>> -> memref<40x128xf32, #tpu.memory_space<vmem_shared>>
        %dma_wait3A_508 = arith.constant 0 : i32
        %dma_wait3A_509 = arith.constant 0 : i32
        %dma_wait3A_510 = tpu.memref_slice %arg7[%run_scoped3A_487, %dma_wait3A_508, %dma_wait3A_509] : memref<2x128x128xf32, #tpu.memory_space<vmem>> -> memref<1x40x128xf32, #tpu.memory_space<vmem>>
        %dma_wait3A_511 = tpu.memref_squeeze %dma_wait3A_510 : memref<1x40x128xf32, #tpu.memory_space<vmem>> -> memref<40x128xf32, #tpu.memory_space<vmem>>
        tpu.wait_dma2 semaphore(%run_scoped3A_488 : memref<!tpu.dma_semaphore, #tpu.memory_space<semaphore_mem>>) src(%dma_wait3A_511 : memref<40x128xf32, #tpu.memory_space<vmem>>) dst(%dma_wait3A_507 : memref<40x128xf32, #tpu.memory_space<vmem_shared>>)
        tpu.yield
      }) : () -> ()
    } else {
    }
    %add3A_200 = arith.constant 48 : i32
    %add3A_201 = arith.addi %add3A_200, %arg1 : i32
    %lt3A_202 = arith.constant 250 : i32
    %lt3A_203 = arith.cmpi slt, %add3A_201, %lt3A_202 : i32
    %convert_element_type3A_204 = arith.extui %lt3A_203 : i1 to i32
    %cond3A_205 = arith.constant 0 : i32
    %cond3A_206 = arith.cmpi ne, %convert_element_type3A_204, %cond3A_205 : i32
    scf.if %cond3A_206 {
      %mul3A_482 = arith.constant 40 : i32
      %mul3A_483 = arith.muli %add3A_201, %mul3A_482 : i32
      %run_scoped3A = arith.constant 0 : i32
      "tpu.region"() ({
        %run_scoped3A_488 = tpu.sem_alloc : memref<!tpu.dma_semaphore, #tpu.memory_space<semaphore_mem>>
        %dma_start3A = arith.constant 0 : i32
        %dma_start3A_489 = arith.constant 0 : i32
        %dma_start3A_490 = tpu.memref_slice %arg7[%run_scoped3A, %dma_start3A, %dma_start3A_489] : memref<2x128x128xf32, #tpu.memory_space<vmem>> -> memref<1x40x128xf32, #tpu.memory_space<vmem>>
        %dma_start3A_491 = tpu.memref_squeeze %dma_start3A_490 : memref<1x40x128xf32, #tpu.memory_space<vmem>> -> memref<40x128xf32, #tpu.memory_space<vmem>>
        %dma_start3A_492 = arith.constant 0 : i32
        %dma_start3A_493 = tpu.memref_slice %arg8[%mul3A_483, %dma_start3A_492] : memref<10000x128xf32, #tpu.memory_space<vmem_shared>> -> memref<40x128xf32, #tpu.memory_space<vmem_shared>>
        %dma_start3A_494 = arith.constant 0 : i32
        %dma_start3A_495 = arith.constant 0 : i32
        %dma_start3A_496 = tpu.memref_slice %arg7[%run_scoped3A, %dma_start3A_494, %dma_start3A_495] : memref<2x128x128xf32, #tpu.memory_space<vmem>> -> memref<1x40x128xf32, #tpu.memory_space<vmem>>
        %dma_start3A_497 = tpu.memref_squeeze %dma_start3A_496 : memref<1x40x128xf32, #tpu.memory_space<vmem>> -> memref<40x128xf32, #tpu.memory_space<vmem>>
        %dma_start3A_498 = arith.constant 0 : i32
        %dma_start3A_499 = tpu.memref_slice %arg8[%mul3A_483, %dma_start3A_498] : memref<10000x128xf32, #tpu.memory_space<vmem_shared>> -> memref<40x128xf32, #tpu.memory_space<vmem_shared>>
        tpu.enqueue_dma source(%dma_start3A_499 : memref<40x128xf32, #tpu.memory_space<vmem_shared>>) target(%dma_start3A_497 : memref<40x128xf32, #tpu.memory_space<vmem>>) target_semaphore(%run_scoped3A_488 : memref<!tpu.dma_semaphore, #tpu.memory_space<semaphore_mem>>)
        %dma_wait3A_500 = arith.constant 0 : i32
        %dma_wait3A_501 = arith.constant 0 : i32
        %dma_wait3A_502 = tpu.memref_slice %arg7[%run_scoped3A, %dma_wait3A_500, %dma_wait3A_501] : memref<2x128x128xf32, #tpu.memory_space<vmem>> -> memref<1x40x128xf32, #tpu.memory_space<vmem>>
        %dma_wait3A_503 = tpu.memref_squeeze %dma_wait3A_502 : memref<1x40x128xf32, #tpu.memory_space<vmem>> -> memref<40x128xf32, #tpu.memory_space<vmem>>
        %dma_wait3A_504 = arith.constant 0 : i32
        %dma_wait3A_505 = tpu.memref_slice %arg8[%mul3A_483, %dma_wait3A_504] : memref<10000x128xf32, #tpu.memory_space<vmem_shared>> -> memref<40x128xf32, #tpu.memory_space<vmem_shared>>
        %dma_wait3A_506 = arith.constant 0 : i32
        %dma_wait3A_507 = arith.constant 0 : i32
        %dma_wait3A_508 = tpu.memref_slice %arg7[%run_scoped3A, %dma_wait3A_506, %dma_wait3A_507] : memref<2x128x128xf32, #tpu.memory_space<vmem>> -> memref<1x40x128xf32, #tpu.memory_space<vmem>>
        %dma_wait3A_509 = tpu.memref_squeeze %dma_wait3A_508 : memref<1x40x128xf32, #tpu.memory_space<vmem>> -> memref<40x128xf32, #tpu.memory_space<vmem>>
        %dma_wait3A_510 = arith.constant 0 : i32
        %dma_wait3A_511 = tpu.memref_slice %arg8[%mul3A_483, %dma_wait3A_510] : memref<10000x128xf32, #tpu.memory_space<vmem_shared>> -> memref<40x128xf32, #tpu.memory_space<vmem_shared>>
        tpu.wait_dma2 semaphore(%run_scoped3A_488 : memref<!tpu.dma_semaphore, #tpu.memory_space<semaphore_mem>>) src(%dma_wait3A_511 : memref<40x128xf32, #tpu.memory_space<vmem_shared>>) dst(%dma_wait3A_509 : memref<40x128xf32, #tpu.memory_space<vmem>>)
        tpu.yield
      }) : () -> ()
      %mul3A_484 = arith.constant 128 : i32
      %mul3A_485 = arith.muli %arg0, %mul3A_484 : i32
      %run_scoped3A_486 = arith.constant 0 : i32
      "tpu.region"() ({
        %run_scoped3A_488 = tpu.sem_alloc : memref<!tpu.dma_semaphore, #tpu.memory_space<semaphore_mem>>
        %dma_start3A = arith.constant 0 : i32
        %dma_start3A_489 = arith.constant 0 : i32
        %dma_start3A_490 = tpu.memref_slice %arg7[%run_scoped3A_486, %dma_start3A, %dma_start3A_489] : memref<2x128x128xf32, #tpu.memory_space<vmem>> -> memref<1x40x128xf32, #tpu.memory_space<vmem>>
        %dma_start3A_491 = tpu.memref_squeeze %dma_start3A_490 : memref<1x40x128xf32, #tpu.memory_space<vmem>> -> memref<40x128xf32, #tpu.memory_space<vmem>>
        %dma_start3A_492 = tpu.memref_slice %arg4[%mul3A_483, %mul3A_485] : memref<10000x256xf32, #tpu.memory_space<hbm>> -> memref<40x128xf32, #tpu.memory_space<hbm>>
        %dma_start3A_493 = tpu.memref_slice %arg4[%mul3A_483, %mul3A_485] : memref<10000x256xf32, #tpu.memory_space<hbm>> -> memref<40x128xf32, #tpu.memory_space<hbm>>
        %dma_start3A_494 = arith.constant 0 : i32
        %dma_start3A_495 = arith.constant 0 : i32
        %dma_start3A_496 = tpu.memref_slice %arg7[%run_scoped3A_486, %dma_start3A_494, %dma_start3A_495] : memref<2x128x128xf32, #tpu.memory_space<vmem>> -> memref<1x40x128xf32, #tpu.memory_space<vmem>>
        %dma_start3A_497 = tpu.memref_squeeze %dma_start3A_496 : memref<1x40x128xf32, #tpu.memory_space<vmem>> -> memref<40x128xf32, #tpu.memory_space<vmem>>
        tpu.enqueue_dma source(%dma_start3A_497 : memref<40x128xf32, #tpu.memory_space<vmem>>) target(%dma_start3A_493 : memref<40x128xf32, #tpu.memory_space<hbm>>) target_semaphore(%run_scoped3A_488 : memref<!tpu.dma_semaphore, #tpu.memory_space<semaphore_mem>>)
        %dma_wait3A_498 = arith.constant 0 : i32
        %dma_wait3A_499 = arith.constant 0 : i32
        %dma_wait3A_500 = tpu.memref_slice %arg7[%run_scoped3A_486, %dma_wait3A_498, %dma_wait3A_499] : memref<2x128x128xf32, #tpu.memory_space<vmem>> -> memref<1x40x128xf32, #tpu.memory_space<vmem>>
        %dma_wait3A_501 = tpu.memref_squeeze %dma_wait3A_500 : memref<1x40x128xf32, #tpu.memory_space<vmem>> -> memref<40x128xf32, #tpu.memory_space<vmem>>
        %dma_wait3A_502 = tpu.memref_slice %arg4[%mul3A_483, %mul3A_485] : memref<10000x256xf32, #tpu.memory_space<hbm>> -> memref<40x128xf32, #tpu.memory_space<hbm>>
        %dma_wait3A_503 = tpu.memref_slice %arg4[%mul3A_483, %mul3A_485] : memref<10000x256xf32, #tpu.memory_space<hbm>> -> memref<40x128xf32, #tpu.memory_space<hbm>>
        %dma_wait3A_504 = arith.constant 0 : i32
        %dma_wait3A_505 = arith.constant 0 : i32
        %dma_wait3A_506 = tpu.memref_slice %arg7[%run_scoped3A_486, %dma_wait3A_504, %dma_wait3A_505] : memref<2x128x128xf32, #tpu.memory_space<vmem>> -> memref<1x40x128xf32, #tpu.memory_space<vmem>>
        %dma_wait3A_507 = tpu.memref_squeeze %dma_wait3A_506 : memref<1x40x128xf32, #tpu.memory_space<vmem>> -> memref<40x128xf32, #tpu.memory_space<vmem>>
        tpu.wait_dma2 semaphore(%run_scoped3A_488 : memref<!tpu.dma_semaphore, #tpu.memory_space<semaphore_mem>>) src(%dma_wait3A_507 : memref<40x128xf32, #tpu.memory_space<vmem>>) dst(%dma_wait3A_503 : memref<40x128xf32, #tpu.memory_space<hbm>>)
        tpu.yield
      }) : () -> ()
      %run_scoped3A_487 = arith.constant 1 : i32
      "tpu.region"() ({
        %run_scoped3A_488 = tpu.sem_alloc : memref<!tpu.dma_semaphore, #tpu.memory_space<semaphore_mem>>
        %dma_start3A = arith.constant 0 : i32
        %dma_start3A_489 = arith.constant 0 : i32
        %dma_start3A_490 = tpu.memref_slice %arg7[%run_scoped3A_487, %dma_start3A, %dma_start3A_489] : memref<2x128x128xf32, #tpu.memory_space<vmem>> -> memref<1x40x128xf32, #tpu.memory_space<vmem>>
        %dma_start3A_491 = tpu.memref_squeeze %dma_start3A_490 : memref<1x40x128xf32, #tpu.memory_space<vmem>> -> memref<40x128xf32, #tpu.memory_space<vmem>>
        %dma_start3A_492 = arith.constant 0 : i32
        %dma_start3A_493 = tpu.memref_slice %arg8[%mul3A_483, %dma_start3A_492] : memref<10000x128xf32, #tpu.memory_space<vmem_shared>> -> memref<40x128xf32, #tpu.memory_space<vmem_shared>>
        %dma_start3A_494 = arith.constant 0 : i32
        %dma_start3A_495 = tpu.memref_slice %arg8[%mul3A_483, %dma_start3A_494] : memref<10000x128xf32, #tpu.memory_space<vmem_shared>> -> memref<40x128xf32, #tpu.memory_space<vmem_shared>>
        %dma_start3A_496 = arith.constant 0 : i32
        %dma_start3A_497 = arith.constant 0 : i32
        %dma_start3A_498 = tpu.memref_slice %arg7[%run_scoped3A_487, %dma_start3A_496, %dma_start3A_497] : memref<2x128x128xf32, #tpu.memory_space<vmem>> -> memref<1x40x128xf32, #tpu.memory_space<vmem>>
        %dma_start3A_499 = tpu.memref_squeeze %dma_start3A_498 : memref<1x40x128xf32, #tpu.memory_space<vmem>> -> memref<40x128xf32, #tpu.memory_space<vmem>>
        tpu.enqueue_dma source(%dma_start3A_499 : memref<40x128xf32, #tpu.memory_space<vmem>>) target(%dma_start3A_495 : memref<40x128xf32, #tpu.memory_space<vmem_shared>>) target_semaphore(%run_scoped3A_488 : memref<!tpu.dma_semaphore, #tpu.memory_space<semaphore_mem>>)
        %dma_wait3A_500 = arith.constant 0 : i32
        %dma_wait3A_501 = arith.constant 0 : i32
        %dma_wait3A_502 = tpu.memref_slice %arg7[%run_scoped3A_487, %dma_wait3A_500, %dma_wait3A_501] : memref<2x128x128xf32, #tpu.memory_space<vmem>> -> memref<1x40x128xf32, #tpu.memory_space<vmem>>
        %dma_wait3A_503 = tpu.memref_squeeze %dma_wait3A_502 : memref<1x40x128xf32, #tpu.memory_space<vmem>> -> memref<40x128xf32, #tpu.memory_space<vmem>>
        %dma_wait3A_504 = arith.constant 0 : i32
        %dma_wait3A_505 = tpu.memref_slice %arg8[%mul3A_483, %dma_wait3A_504] : memref<10000x128xf32, #tpu.memory_space<vmem_shared>> -> memref<40x128xf32, #tpu.memory_space<vmem_shared>>
        %dma_wait3A_506 = arith.constant 0 : i32
        %dma_wait3A_507 = tpu.memref_slice %arg8[%mul3A_483, %dma_wait3A_506] : memref<10000x128xf32, #tpu.memory_space<vmem_shared>> -> memref<40x128xf32, #tpu.memory_space<vmem_shared>>
        %dma_wait3A_508 = arith.constant 0 : i32
        %dma_wait3A_509 = arith.constant 0 : i32
        %dma_wait3A_510 = tpu.memref_slice %arg7[%run_scoped3A_487, %dma_wait3A_508, %dma_wait3A_509] : memref<2x128x128xf32, #tpu.memory_space<vmem>> -> memref<1x40x128xf32, #tpu.memory_space<vmem>>
        %dma_wait3A_511 = tpu.memref_squeeze %dma_wait3A_510 : memref<1x40x128xf32, #tpu.memory_space<vmem>> -> memref<40x128xf32, #tpu.memory_space<vmem>>
        tpu.wait_dma2 semaphore(%run_scoped3A_488 : memref<!tpu.dma_semaphore, #tpu.memory_space<semaphore_mem>>) src(%dma_wait3A_511 : memref<40x128xf32, #tpu.memory_space<vmem>>) dst(%dma_wait3A_507 : memref<40x128xf32, #tpu.memory_space<vmem_shared>>)
        tpu.yield
      }) : () -> ()
    } else {
    }
    %add3A_207 = arith.constant 64 : i32
    %add3A_208 = arith.addi %add3A_207, %arg1 : i32
    %lt3A_209 = arith.constant 250 : i32
    %lt3A_210 = arith.cmpi slt, %add3A_208, %lt3A_209 : i32
    %convert_element_type3A_211 = arith.extui %lt3A_210 : i1 to i32
    %cond3A_212 = arith.constant 0 : i32
    %cond3A_213 = arith.cmpi ne, %convert_element_type3A_211, %cond3A_212 : i32
    scf.if %cond3A_213 {
      %mul3A_482 = arith.constant 40 : i32
      %mul3A_483 = arith.muli %add3A_208, %mul3A_482 : i32
      %run_scoped3A = arith.constant 0 : i32
      "tpu.region"() ({
        %run_scoped3A_488 = tpu.sem_alloc : memref<!tpu.dma_semaphore, #tpu.memory_space<semaphore_mem>>
        %dma_start3A = arith.constant 0 : i32
        %dma_start3A_489 = arith.constant 0 : i32
        %dma_start3A_490 = tpu.memref_slice %arg7[%run_scoped3A, %dma_start3A, %dma_start3A_489] : memref<2x128x128xf32, #tpu.memory_space<vmem>> -> memref<1x40x128xf32, #tpu.memory_space<vmem>>
        %dma_start3A_491 = tpu.memref_squeeze %dma_start3A_490 : memref<1x40x128xf32, #tpu.memory_space<vmem>> -> memref<40x128xf32, #tpu.memory_space<vmem>>
        %dma_start3A_492 = arith.constant 0 : i32
        %dma_start3A_493 = tpu.memref_slice %arg8[%mul3A_483, %dma_start3A_492] : memref<10000x128xf32, #tpu.memory_space<vmem_shared>> -> memref<40x128xf32, #tpu.memory_space<vmem_shared>>
        %dma_start3A_494 = arith.constant 0 : i32
        %dma_start3A_495 = arith.constant 0 : i32
        %dma_start3A_496 = tpu.memref_slice %arg7[%run_scoped3A, %dma_start3A_494, %dma_start3A_495] : memref<2x128x128xf32, #tpu.memory_space<vmem>> -> memref<1x40x128xf32, #tpu.memory_space<vmem>>
        %dma_start3A_497 = tpu.memref_squeeze %dma_start3A_496 : memref<1x40x128xf32, #tpu.memory_space<vmem>> -> memref<40x128xf32, #tpu.memory_space<vmem>>
        %dma_start3A_498 = arith.constant 0 : i32
        %dma_start3A_499 = tpu.memref_slice %arg8[%mul3A_483, %dma_start3A_498] : memref<10000x128xf32, #tpu.memory_space<vmem_shared>> -> memref<40x128xf32, #tpu.memory_space<vmem_shared>>
        tpu.enqueue_dma source(%dma_start3A_499 : memref<40x128xf32, #tpu.memory_space<vmem_shared>>) target(%dma_start3A_497 : memref<40x128xf32, #tpu.memory_space<vmem>>) target_semaphore(%run_scoped3A_488 : memref<!tpu.dma_semaphore, #tpu.memory_space<semaphore_mem>>)
        %dma_wait3A_500 = arith.constant 0 : i32
        %dma_wait3A_501 = arith.constant 0 : i32
        %dma_wait3A_502 = tpu.memref_slice %arg7[%run_scoped3A, %dma_wait3A_500, %dma_wait3A_501] : memref<2x128x128xf32, #tpu.memory_space<vmem>> -> memref<1x40x128xf32, #tpu.memory_space<vmem>>
        %dma_wait3A_503 = tpu.memref_squeeze %dma_wait3A_502 : memref<1x40x128xf32, #tpu.memory_space<vmem>> -> memref<40x128xf32, #tpu.memory_space<vmem>>
        %dma_wait3A_504 = arith.constant 0 : i32
        %dma_wait3A_505 = tpu.memref_slice %arg8[%mul3A_483, %dma_wait3A_504] : memref<10000x128xf32, #tpu.memory_space<vmem_shared>> -> memref<40x128xf32, #tpu.memory_space<vmem_shared>>
        %dma_wait3A_506 = arith.constant 0 : i32
        %dma_wait3A_507 = arith.constant 0 : i32
        %dma_wait3A_508 = tpu.memref_slice %arg7[%run_scoped3A, %dma_wait3A_506, %dma_wait3A_507] : memref<2x128x128xf32, #tpu.memory_space<vmem>> -> memref<1x40x128xf32, #tpu.memory_space<vmem>>
        %dma_wait3A_509 = tpu.memref_squeeze %dma_wait3A_508 : memref<1x40x128xf32, #tpu.memory_space<vmem>> -> memref<40x128xf32, #tpu.memory_space<vmem>>
        %dma_wait3A_510 = arith.constant 0 : i32
        %dma_wait3A_511 = tpu.memref_slice %arg8[%mul3A_483, %dma_wait3A_510] : memref<10000x128xf32, #tpu.memory_space<vmem_shared>> -> memref<40x128xf32, #tpu.memory_space<vmem_shared>>
        tpu.wait_dma2 semaphore(%run_scoped3A_488 : memref<!tpu.dma_semaphore, #tpu.memory_space<semaphore_mem>>) src(%dma_wait3A_511 : memref<40x128xf32, #tpu.memory_space<vmem_shared>>) dst(%dma_wait3A_509 : memref<40x128xf32, #tpu.memory_space<vmem>>)
        tpu.yield
      }) : () -> ()
      %mul3A_484 = arith.constant 128 : i32
      %mul3A_485 = arith.muli %arg0, %mul3A_484 : i32
      %run_scoped3A_486 = arith.constant 0 : i32
      "tpu.region"() ({
        %run_scoped3A_488 = tpu.sem_alloc : memref<!tpu.dma_semaphore, #tpu.memory_space<semaphore_mem>>
        %dma_start3A = arith.constant 0 : i32
        %dma_start3A_489 = arith.constant 0 : i32
        %dma_start3A_490 = tpu.memref_slice %arg7[%run_scoped3A_486, %dma_start3A, %dma_start3A_489] : memref<2x128x128xf32, #tpu.memory_space<vmem>> -> memref<1x40x128xf32, #tpu.memory_space<vmem>>
        %dma_start3A_491 = tpu.memref_squeeze %dma_start3A_490 : memref<1x40x128xf32, #tpu.memory_space<vmem>> -> memref<40x128xf32, #tpu.memory_space<vmem>>
        %dma_start3A_492 = tpu.memref_slice %arg4[%mul3A_483, %mul3A_485] : memref<10000x256xf32, #tpu.memory_space<hbm>> -> memref<40x128xf32, #tpu.memory_space<hbm>>
        %dma_start3A_493 = tpu.memref_slice %arg4[%mul3A_483, %mul3A_485] : memref<10000x256xf32, #tpu.memory_space<hbm>> -> memref<40x128xf32, #tpu.memory_space<hbm>>
        %dma_start3A_494 = arith.constant 0 : i32
        %dma_start3A_495 = arith.constant 0 : i32
        %dma_start3A_496 = tpu.memref_slice %arg7[%run_scoped3A_486, %dma_start3A_494, %dma_start3A_495] : memref<2x128x128xf32, #tpu.memory_space<vmem>> -> memref<1x40x128xf32, #tpu.memory_space<vmem>>
        %dma_start3A_497 = tpu.memref_squeeze %dma_start3A_496 : memref<1x40x128xf32, #tpu.memory_space<vmem>> -> memref<40x128xf32, #tpu.memory_space<vmem>>
        tpu.enqueue_dma source(%dma_start3A_497 : memref<40x128xf32, #tpu.memory_space<vmem>>) target(%dma_start3A_493 : memref<40x128xf32, #tpu.memory_space<hbm>>) target_semaphore(%run_scoped3A_488 : memref<!tpu.dma_semaphore, #tpu.memory_space<semaphore_mem>>)
        %dma_wait3A_498 = arith.constant 0 : i32
        %dma_wait3A_499 = arith.constant 0 : i32
        %dma_wait3A_500 = tpu.memref_slice %arg7[%run_scoped3A_486, %dma_wait3A_498, %dma_wait3A_499] : memref<2x128x128xf32, #tpu.memory_space<vmem>> -> memref<1x40x128xf32, #tpu.memory_space<vmem>>
        %dma_wait3A_501 = tpu.memref_squeeze %dma_wait3A_500 : memref<1x40x128xf32, #tpu.memory_space<vmem>> -> memref<40x128xf32, #tpu.memory_space<vmem>>
        %dma_wait3A_502 = tpu.memref_slice %arg4[%mul3A_483, %mul3A_485] : memref<10000x256xf32, #tpu.memory_space<hbm>> -> memref<40x128xf32, #tpu.memory_space<hbm>>
        %dma_wait3A_503 = tpu.memref_slice %arg4[%mul3A_483, %mul3A_485] : memref<10000x256xf32, #tpu.memory_space<hbm>> -> memref<40x128xf32, #tpu.memory_space<hbm>>
        %dma_wait3A_504 = arith.constant 0 : i32
        %dma_wait3A_505 = arith.constant 0 : i32
        %dma_wait3A_506 = tpu.memref_slice %arg7[%run_scoped3A_486, %dma_wait3A_504, %dma_wait3A_505] : memref<2x128x128xf32, #tpu.memory_space<vmem>> -> memref<1x40x128xf32, #tpu.memory_space<vmem>>
        %dma_wait3A_507 = tpu.memref_squeeze %dma_wait3A_506 : memref<1x40x128xf32, #tpu.memory_space<vmem>> -> memref<40x128xf32, #tpu.memory_space<vmem>>
        tpu.wait_dma2 semaphore(%run_scoped3A_488 : memref<!tpu.dma_semaphore, #tpu.memory_space<semaphore_mem>>) src(%dma_wait3A_507 : memref<40x128xf32, #tpu.memory_space<vmem>>) dst(%dma_wait3A_503 : memref<40x128xf32, #tpu.memory_space<hbm>>)
        tpu.yield
      }) : () -> ()
      %run_scoped3A_487 = arith.constant 1 : i32
      "tpu.region"() ({
        %run_scoped3A_488 = tpu.sem_alloc : memref<!tpu.dma_semaphore, #tpu.memory_space<semaphore_mem>>
        %dma_start3A = arith.constant 0 : i32
        %dma_start3A_489 = arith.constant 0 : i32
        %dma_start3A_490 = tpu.memref_slice %arg7[%run_scoped3A_487, %dma_start3A, %dma_start3A_489] : memref<2x128x128xf32, #tpu.memory_space<vmem>> -> memref<1x40x128xf32, #tpu.memory_space<vmem>>
        %dma_start3A_491 = tpu.memref_squeeze %dma_start3A_490 : memref<1x40x128xf32, #tpu.memory_space<vmem>> -> memref<40x128xf32, #tpu.memory_space<vmem>>
        %dma_start3A_492 = arith.constant 0 : i32
        %dma_start3A_493 = tpu.memref_slice %arg8[%mul3A_483, %dma_start3A_492] : memref<10000x128xf32, #tpu.memory_space<vmem_shared>> -> memref<40x128xf32, #tpu.memory_space<vmem_shared>>
        %dma_start3A_494 = arith.constant 0 : i32
        %dma_start3A_495 = tpu.memref_slice %arg8[%mul3A_483, %dma_start3A_494] : memref<10000x128xf32, #tpu.memory_space<vmem_shared>> -> memref<40x128xf32, #tpu.memory_space<vmem_shared>>
        %dma_start3A_496 = arith.constant 0 : i32
        %dma_start3A_497 = arith.constant 0 : i32
        %dma_start3A_498 = tpu.memref_slice %arg7[%run_scoped3A_487, %dma_start3A_496, %dma_start3A_497] : memref<2x128x128xf32, #tpu.memory_space<vmem>> -> memref<1x40x128xf32, #tpu.memory_space<vmem>>
        %dma_start3A_499 = tpu.memref_squeeze %dma_start3A_498 : memref<1x40x128xf32, #tpu.memory_space<vmem>> -> memref<40x128xf32, #tpu.memory_space<vmem>>
        tpu.enqueue_dma source(%dma_start3A_499 : memref<40x128xf32, #tpu.memory_space<vmem>>) target(%dma_start3A_495 : memref<40x128xf32, #tpu.memory_space<vmem_shared>>) target_semaphore(%run_scoped3A_488 : memref<!tpu.dma_semaphore, #tpu.memory_space<semaphore_mem>>)
        %dma_wait3A_500 = arith.constant 0 : i32
        %dma_wait3A_501 = arith.constant 0 : i32
        %dma_wait3A_502 = tpu.memref_slice %arg7[%run_scoped3A_487, %dma_wait3A_500, %dma_wait3A_501] : memref<2x128x128xf32, #tpu.memory_space<vmem>> -> memref<1x40x128xf32, #tpu.memory_space<vmem>>
        %dma_wait3A_503 = tpu.memref_squeeze %dma_wait3A_502 : memref<1x40x128xf32, #tpu.memory_space<vmem>> -> memref<40x128xf32, #tpu.memory_space<vmem>>
        %dma_wait3A_504 = arith.constant 0 : i32
        %dma_wait3A_505 = tpu.memref_slice %arg8[%mul3A_483, %dma_wait3A_504] : memref<10000x128xf32, #tpu.memory_space<vmem_shared>> -> memref<40x128xf32, #tpu.memory_space<vmem_shared>>
        %dma_wait3A_506 = arith.constant 0 : i32
        %dma_wait3A_507 = tpu.memref_slice %arg8[%mul3A_483, %dma_wait3A_506] : memref<10000x128xf32, #tpu.memory_space<vmem_shared>> -> memref<40x128xf32, #tpu.memory_space<vmem_shared>>
        %dma_wait3A_508 = arith.constant 0 : i32
        %dma_wait3A_509 = arith.constant 0 : i32
        %dma_wait3A_510 = tpu.memref_slice %arg7[%run_scoped3A_487, %dma_wait3A_508, %dma_wait3A_509] : memref<2x128x128xf32, #tpu.memory_space<vmem>> -> memref<1x40x128xf32, #tpu.memory_space<vmem>>
        %dma_wait3A_511 = tpu.memref_squeeze %dma_wait3A_510 : memref<1x40x128xf32, #tpu.memory_space<vmem>> -> memref<40x128xf32, #tpu.memory_space<vmem>>
        tpu.wait_dma2 semaphore(%run_scoped3A_488 : memref<!tpu.dma_semaphore, #tpu.memory_space<semaphore_mem>>) src(%dma_wait3A_511 : memref<40x128xf32, #tpu.memory_space<vmem>>) dst(%dma_wait3A_507 : memref<40x128xf32, #tpu.memory_space<vmem_shared>>)
        tpu.yield
      }) : () -> ()
    } else {
    }
    %add3A_214 = arith.constant 80 : i32
    %add3A_215 = arith.addi %add3A_214, %arg1 : i32
    %lt3A_216 = arith.constant 250 : i32
    %lt3A_217 = arith.cmpi slt, %add3A_215, %lt3A_216 : i32
    %convert_element_type3A_218 = arith.extui %lt3A_217 : i1 to i32
    %cond3A_219 = arith.constant 0 : i32
    %cond3A_220 = arith.cmpi ne, %convert_element_type3A_218, %cond3A_219 : i32
    scf.if %cond3A_220 {
      %mul3A_482 = arith.constant 40 : i32
      %mul3A_483 = arith.muli %add3A_215, %mul3A_482 : i32
      %run_scoped3A = arith.constant 0 : i32
      "tpu.region"() ({
        %run_scoped3A_488 = tpu.sem_alloc : memref<!tpu.dma_semaphore, #tpu.memory_space<semaphore_mem>>
        %dma_start3A = arith.constant 0 : i32
        %dma_start3A_489 = arith.constant 0 : i32
        %dma_start3A_490 = tpu.memref_slice %arg7[%run_scoped3A, %dma_start3A, %dma_start3A_489] : memref<2x128x128xf32, #tpu.memory_space<vmem>> -> memref<1x40x128xf32, #tpu.memory_space<vmem>>
        %dma_start3A_491 = tpu.memref_squeeze %dma_start3A_490 : memref<1x40x128xf32, #tpu.memory_space<vmem>> -> memref<40x128xf32, #tpu.memory_space<vmem>>
        %dma_start3A_492 = arith.constant 0 : i32
        %dma_start3A_493 = tpu.memref_slice %arg8[%mul3A_483, %dma_start3A_492] : memref<10000x128xf32, #tpu.memory_space<vmem_shared>> -> memref<40x128xf32, #tpu.memory_space<vmem_shared>>
        %dma_start3A_494 = arith.constant 0 : i32
        %dma_start3A_495 = arith.constant 0 : i32
        %dma_start3A_496 = tpu.memref_slice %arg7[%run_scoped3A, %dma_start3A_494, %dma_start3A_495] : memref<2x128x128xf32, #tpu.memory_space<vmem>> -> memref<1x40x128xf32, #tpu.memory_space<vmem>>
        %dma_start3A_497 = tpu.memref_squeeze %dma_start3A_496 : memref<1x40x128xf32, #tpu.memory_space<vmem>> -> memref<40x128xf32, #tpu.memory_space<vmem>>
        %dma_start3A_498 = arith.constant 0 : i32
        %dma_start3A_499 = tpu.memref_slice %arg8[%mul3A_483, %dma_start3A_498] : memref<10000x128xf32, #tpu.memory_space<vmem_shared>> -> memref<40x128xf32, #tpu.memory_space<vmem_shared>>
        tpu.enqueue_dma source(%dma_start3A_499 : memref<40x128xf32, #tpu.memory_space<vmem_shared>>) target(%dma_start3A_497 : memref<40x128xf32, #tpu.memory_space<vmem>>) target_semaphore(%run_scoped3A_488 : memref<!tpu.dma_semaphore, #tpu.memory_space<semaphore_mem>>)
        %dma_wait3A_500 = arith.constant 0 : i32
        %dma_wait3A_501 = arith.constant 0 : i32
        %dma_wait3A_502 = tpu.memref_slice %arg7[%run_scoped3A, %dma_wait3A_500, %dma_wait3A_501] : memref<2x128x128xf32, #tpu.memory_space<vmem>> -> memref<1x40x128xf32, #tpu.memory_space<vmem>>
        %dma_wait3A_503 = tpu.memref_squeeze %dma_wait3A_502 : memref<1x40x128xf32, #tpu.memory_space<vmem>> -> memref<40x128xf32, #tpu.memory_space<vmem>>
        %dma_wait3A_504 = arith.constant 0 : i32
        %dma_wait3A_505 = tpu.memref_slice %arg8[%mul3A_483, %dma_wait3A_504] : memref<10000x128xf32, #tpu.memory_space<vmem_shared>> -> memref<40x128xf32, #tpu.memory_space<vmem_shared>>
        %dma_wait3A_506 = arith.constant 0 : i32
        %dma_wait3A_507 = arith.constant 0 : i32
        %dma_wait3A_508 = tpu.memref_slice %arg7[%run_scoped3A, %dma_wait3A_506, %dma_wait3A_507] : memref<2x128x128xf32, #tpu.memory_space<vmem>> -> memref<1x40x128xf32, #tpu.memory_space<vmem>>
        %dma_wait3A_509 = tpu.memref_squeeze %dma_wait3A_508 : memref<1x40x128xf32, #tpu.memory_space<vmem>> -> memref<40x128xf32, #tpu.memory_space<vmem>>
        %dma_wait3A_510 = arith.constant 0 : i32
        %dma_wait3A_511 = tpu.memref_slice %arg8[%mul3A_483, %dma_wait3A_510] : memref<10000x128xf32, #tpu.memory_space<vmem_shared>> -> memref<40x128xf32, #tpu.memory_space<vmem_shared>>
        tpu.wait_dma2 semaphore(%run_scoped3A_488 : memref<!tpu.dma_semaphore, #tpu.memory_space<semaphore_mem>>) src(%dma_wait3A_511 : memref<40x128xf32, #tpu.memory_space<vmem_shared>>) dst(%dma_wait3A_509 : memref<40x128xf32, #tpu.memory_space<vmem>>)
        tpu.yield
      }) : () -> ()
      %mul3A_484 = arith.constant 128 : i32
      %mul3A_485 = arith.muli %arg0, %mul3A_484 : i32
      %run_scoped3A_486 = arith.constant 0 : i32
      "tpu.region"() ({
        %run_scoped3A_488 = tpu.sem_alloc : memref<!tpu.dma_semaphore, #tpu.memory_space<semaphore_mem>>
        %dma_start3A = arith.constant 0 : i32
        %dma_start3A_489 = arith.constant 0 : i32
        %dma_start3A_490 = tpu.memref_slice %arg7[%run_scoped3A_486, %dma_start3A, %dma_start3A_489] : memref<2x128x128xf32, #tpu.memory_space<vmem>> -> memref<1x40x128xf32, #tpu.memory_space<vmem>>
        %dma_start3A_491 = tpu.memref_squeeze %dma_start3A_490 : memref<1x40x128xf32, #tpu.memory_space<vmem>> -> memref<40x128xf32, #tpu.memory_space<vmem>>
        %dma_start3A_492 = tpu.memref_slice %arg4[%mul3A_483, %mul3A_485] : memref<10000x256xf32, #tpu.memory_space<hbm>> -> memref<40x128xf32, #tpu.memory_space<hbm>>
        %dma_start3A_493 = tpu.memref_slice %arg4[%mul3A_483, %mul3A_485] : memref<10000x256xf32, #tpu.memory_space<hbm>> -> memref<40x128xf32, #tpu.memory_space<hbm>>
        %dma_start3A_494 = arith.constant 0 : i32
        %dma_start3A_495 = arith.constant 0 : i32
        %dma_start3A_496 = tpu.memref_slice %arg7[%run_scoped3A_486, %dma_start3A_494, %dma_start3A_495] : memref<2x128x128xf32, #tpu.memory_space<vmem>> -> memref<1x40x128xf32, #tpu.memory_space<vmem>>
        %dma_start3A_497 = tpu.memref_squeeze %dma_start3A_496 : memref<1x40x128xf32, #tpu.memory_space<vmem>> -> memref<40x128xf32, #tpu.memory_space<vmem>>
        tpu.enqueue_dma source(%dma_start3A_497 : memref<40x128xf32, #tpu.memory_space<vmem>>) target(%dma_start3A_493 : memref<40x128xf32, #tpu.memory_space<hbm>>) target_semaphore(%run_scoped3A_488 : memref<!tpu.dma_semaphore, #tpu.memory_space<semaphore_mem>>)
        %dma_wait3A_498 = arith.constant 0 : i32
        %dma_wait3A_499 = arith.constant 0 : i32
        %dma_wait3A_500 = tpu.memref_slice %arg7[%run_scoped3A_486, %dma_wait3A_498, %dma_wait3A_499] : memref<2x128x128xf32, #tpu.memory_space<vmem>> -> memref<1x40x128xf32, #tpu.memory_space<vmem>>
        %dma_wait3A_501 = tpu.memref_squeeze %dma_wait3A_500 : memref<1x40x128xf32, #tpu.memory_space<vmem>> -> memref<40x128xf32, #tpu.memory_space<vmem>>
        %dma_wait3A_502 = tpu.memref_slice %arg4[%mul3A_483, %mul3A_485] : memref<10000x256xf32, #tpu.memory_space<hbm>> -> memref<40x128xf32, #tpu.memory_space<hbm>>
        %dma_wait3A_503 = tpu.memref_slice %arg4[%mul3A_483, %mul3A_485] : memref<10000x256xf32, #tpu.memory_space<hbm>> -> memref<40x128xf32, #tpu.memory_space<hbm>>
        %dma_wait3A_504 = arith.constant 0 : i32
        %dma_wait3A_505 = arith.constant 0 : i32
        %dma_wait3A_506 = tpu.memref_slice %arg7[%run_scoped3A_486, %dma_wait3A_504, %dma_wait3A_505] : memref<2x128x128xf32, #tpu.memory_space<vmem>> -> memref<1x40x128xf32, #tpu.memory_space<vmem>>
        %dma_wait3A_507 = tpu.memref_squeeze %dma_wait3A_506 : memref<1x40x128xf32, #tpu.memory_space<vmem>> -> memref<40x128xf32, #tpu.memory_space<vmem>>
        tpu.wait_dma2 semaphore(%run_scoped3A_488 : memref<!tpu.dma_semaphore, #tpu.memory_space<semaphore_mem>>) src(%dma_wait3A_507 : memref<40x128xf32, #tpu.memory_space<vmem>>) dst(%dma_wait3A_503 : memref<40x128xf32, #tpu.memory_space<hbm>>)
        tpu.yield
      }) : () -> ()
      %run_scoped3A_487 = arith.constant 1 : i32
      "tpu.region"() ({
        %run_scoped3A_488 = tpu.sem_alloc : memref<!tpu.dma_semaphore, #tpu.memory_space<semaphore_mem>>
        %dma_start3A = arith.constant 0 : i32
        %dma_start3A_489 = arith.constant 0 : i32
        %dma_start3A_490 = tpu.memref_slice %arg7[%run_scoped3A_487, %dma_start3A, %dma_start3A_489] : memref<2x128x128xf32, #tpu.memory_space<vmem>> -> memref<1x40x128xf32, #tpu.memory_space<vmem>>
        %dma_start3A_491 = tpu.memref_squeeze %dma_start3A_490 : memref<1x40x128xf32, #tpu.memory_space<vmem>> -> memref<40x128xf32, #tpu.memory_space<vmem>>
        %dma_start3A_492 = arith.constant 0 : i32
        %dma_start3A_493 = tpu.memref_slice %arg8[%mul3A_483, %dma_start3A_492] : memref<10000x128xf32, #tpu.memory_space<vmem_shared>> -> memref<40x128xf32, #tpu.memory_space<vmem_shared>>
        %dma_start3A_494 = arith.constant 0 : i32
        %dma_start3A_495 = tpu.memref_slice %arg8[%mul3A_483, %dma_start3A_494] : memref<10000x128xf32, #tpu.memory_space<vmem_shared>> -> memref<40x128xf32, #tpu.memory_space<vmem_shared>>
        %dma_start3A_496 = arith.constant 0 : i32
        %dma_start3A_497 = arith.constant 0 : i32
        %dma_start3A_498 = tpu.memref_slice %arg7[%run_scoped3A_487, %dma_start3A_496, %dma_start3A_497] : memref<2x128x128xf32, #tpu.memory_space<vmem>> -> memref<1x40x128xf32, #tpu.memory_space<vmem>>
        %dma_start3A_499 = tpu.memref_squeeze %dma_start3A_498 : memref<1x40x128xf32, #tpu.memory_space<vmem>> -> memref<40x128xf32, #tpu.memory_space<vmem>>
        tpu.enqueue_dma source(%dma_start3A_499 : memref<40x128xf32, #tpu.memory_space<vmem>>) target(%dma_start3A_495 : memref<40x128xf32, #tpu.memory_space<vmem_shared>>) target_semaphore(%run_scoped3A_488 : memref<!tpu.dma_semaphore, #tpu.memory_space<semaphore_mem>>)
        %dma_wait3A_500 = arith.constant 0 : i32
        %dma_wait3A_501 = arith.constant 0 : i32
        %dma_wait3A_502 = tpu.memref_slice %arg7[%run_scoped3A_487, %dma_wait3A_500, %dma_wait3A_501] : memref<2x128x128xf32, #tpu.memory_space<vmem>> -> memref<1x40x128xf32, #tpu.memory_space<vmem>>
        %dma_wait3A_503 = tpu.memref_squeeze %dma_wait3A_502 : memref<1x40x128xf32, #tpu.memory_space<vmem>> -> memref<40x128xf32, #tpu.memory_space<vmem>>
        %dma_wait3A_504 = arith.constant 0 : i32
        %dma_wait3A_505 = tpu.memref_slice %arg8[%mul3A_483, %dma_wait3A_504] : memref<10000x128xf32, #tpu.memory_space<vmem_shared>> -> memref<40x128xf32, #tpu.memory_space<vmem_shared>>
        %dma_wait3A_506 = arith.constant 0 : i32
        %dma_wait3A_507 = tpu.memref_slice %arg8[%mul3A_483, %dma_wait3A_506] : memref<10000x128xf32, #tpu.memory_space<vmem_shared>> -> memref<40x128xf32, #tpu.memory_space<vmem_shared>>
        %dma_wait3A_508 = arith.constant 0 : i32
        %dma_wait3A_509 = arith.constant 0 : i32
        %dma_wait3A_510 = tpu.memref_slice %arg7[%run_scoped3A_487, %dma_wait3A_508, %dma_wait3A_509] : memref<2x128x128xf32, #tpu.memory_space<vmem>> -> memref<1x40x128xf32, #tpu.memory_space<vmem>>
        %dma_wait3A_511 = tpu.memref_squeeze %dma_wait3A_510 : memref<1x40x128xf32, #tpu.memory_space<vmem>> -> memref<40x128xf32, #tpu.memory_space<vmem>>
        tpu.wait_dma2 semaphore(%run_scoped3A_488 : memref<!tpu.dma_semaphore, #tpu.memory_space<semaphore_mem>>) src(%dma_wait3A_511 : memref<40x128xf32, #tpu.memory_space<vmem>>) dst(%dma_wait3A_507 : memref<40x128xf32, #tpu.memory_space<vmem_shared>>)
        tpu.yield
      }) : () -> ()
    } else {
    }
    %add3A_221 = arith.constant 96 : i32
    %add3A_222 = arith.addi %add3A_221, %arg1 : i32
    %lt3A_223 = arith.constant 250 : i32
    %lt3A_224 = arith.cmpi slt, %add3A_222, %lt3A_223 : i32
    %convert_element_type3A_225 = arith.extui %lt3A_224 : i1 to i32
    %cond3A_226 = arith.constant 0 : i32
    %cond3A_227 = arith.cmpi ne, %convert_element_type3A_225, %cond3A_226 : i32
    scf.if %cond3A_227 {
      %mul3A_482 = arith.constant 40 : i32
      %mul3A_483 = arith.muli %add3A_222, %mul3A_482 : i32
      %run_scoped3A = arith.constant 0 : i32
      "tpu.region"() ({
        %run_scoped3A_488 = tpu.sem_alloc : memref<!tpu.dma_semaphore, #tpu.memory_space<semaphore_mem>>
        %dma_start3A = arith.constant 0 : i32
        %dma_start3A_489 = arith.constant 0 : i32
        %dma_start3A_490 = tpu.memref_slice %arg7[%run_scoped3A, %dma_start3A, %dma_start3A_489] : memref<2x128x128xf32, #tpu.memory_space<vmem>> -> memref<1x40x128xf32, #tpu.memory_space<vmem>>
        %dma_start3A_491 = tpu.memref_squeeze %dma_start3A_490 : memref<1x40x128xf32, #tpu.memory_space<vmem>> -> memref<40x128xf32, #tpu.memory_space<vmem>>
        %dma_start3A_492 = arith.constant 0 : i32
        %dma_start3A_493 = tpu.memref_slice %arg8[%mul3A_483, %dma_start3A_492] : memref<10000x128xf32, #tpu.memory_space<vmem_shared>> -> memref<40x128xf32, #tpu.memory_space<vmem_shared>>
        %dma_start3A_494 = arith.constant 0 : i32
        %dma_start3A_495 = arith.constant 0 : i32
        %dma_start3A_496 = tpu.memref_slice %arg7[%run_scoped3A, %dma_start3A_494, %dma_start3A_495] : memref<2x128x128xf32, #tpu.memory_space<vmem>> -> memref<1x40x128xf32, #tpu.memory_space<vmem>>
        %dma_start3A_497 = tpu.memref_squeeze %dma_start3A_496 : memref<1x40x128xf32, #tpu.memory_space<vmem>> -> memref<40x128xf32, #tpu.memory_space<vmem>>
        %dma_start3A_498 = arith.constant 0 : i32
        %dma_start3A_499 = tpu.memref_slice %arg8[%mul3A_483, %dma_start3A_498] : memref<10000x128xf32, #tpu.memory_space<vmem_shared>> -> memref<40x128xf32, #tpu.memory_space<vmem_shared>>
        tpu.enqueue_dma source(%dma_start3A_499 : memref<40x128xf32, #tpu.memory_space<vmem_shared>>) target(%dma_start3A_497 : memref<40x128xf32, #tpu.memory_space<vmem>>) target_semaphore(%run_scoped3A_488 : memref<!tpu.dma_semaphore, #tpu.memory_space<semaphore_mem>>)
        %dma_wait3A_500 = arith.constant 0 : i32
        %dma_wait3A_501 = arith.constant 0 : i32
        %dma_wait3A_502 = tpu.memref_slice %arg7[%run_scoped3A, %dma_wait3A_500, %dma_wait3A_501] : memref<2x128x128xf32, #tpu.memory_space<vmem>> -> memref<1x40x128xf32, #tpu.memory_space<vmem>>
        %dma_wait3A_503 = tpu.memref_squeeze %dma_wait3A_502 : memref<1x40x128xf32, #tpu.memory_space<vmem>> -> memref<40x128xf32, #tpu.memory_space<vmem>>
        %dma_wait3A_504 = arith.constant 0 : i32
        %dma_wait3A_505 = tpu.memref_slice %arg8[%mul3A_483, %dma_wait3A_504] : memref<10000x128xf32, #tpu.memory_space<vmem_shared>> -> memref<40x128xf32, #tpu.memory_space<vmem_shared>>
        %dma_wait3A_506 = arith.constant 0 : i32
        %dma_wait3A_507 = arith.constant 0 : i32
        %dma_wait3A_508 = tpu.memref_slice %arg7[%run_scoped3A, %dma_wait3A_506, %dma_wait3A_507] : memref<2x128x128xf32, #tpu.memory_space<vmem>> -> memref<1x40x128xf32, #tpu.memory_space<vmem>>
        %dma_wait3A_509 = tpu.memref_squeeze %dma_wait3A_508 : memref<1x40x128xf32, #tpu.memory_space<vmem>> -> memref<40x128xf32, #tpu.memory_space<vmem>>
        %dma_wait3A_510 = arith.constant 0 : i32
        %dma_wait3A_511 = tpu.memref_slice %arg8[%mul3A_483, %dma_wait3A_510] : memref<10000x128xf32, #tpu.memory_space<vmem_shared>> -> memref<40x128xf32, #tpu.memory_space<vmem_shared>>
        tpu.wait_dma2 semaphore(%run_scoped3A_488 : memref<!tpu.dma_semaphore, #tpu.memory_space<semaphore_mem>>) src(%dma_wait3A_511 : memref<40x128xf32, #tpu.memory_space<vmem_shared>>) dst(%dma_wait3A_509 : memref<40x128xf32, #tpu.memory_space<vmem>>)
        tpu.yield
      }) : () -> ()
      %mul3A_484 = arith.constant 128 : i32
      %mul3A_485 = arith.muli %arg0, %mul3A_484 : i32
      %run_scoped3A_486 = arith.constant 0 : i32
      "tpu.region"() ({
        %run_scoped3A_488 = tpu.sem_alloc : memref<!tpu.dma_semaphore, #tpu.memory_space<semaphore_mem>>
        %dma_start3A = arith.constant 0 : i32
        %dma_start3A_489 = arith.constant 0 : i32
        %dma_start3A_490 = tpu.memref_slice %arg7[%run_scoped3A_486, %dma_start3A, %dma_start3A_489] : memref<2x128x128xf32, #tpu.memory_space<vmem>> -> memref<1x40x128xf32, #tpu.memory_space<vmem>>
        %dma_start3A_491 = tpu.memref_squeeze %dma_start3A_490 : memref<1x40x128xf32, #tpu.memory_space<vmem>> -> memref<40x128xf32, #tpu.memory_space<vmem>>
        %dma_start3A_492 = tpu.memref_slice %arg4[%mul3A_483, %mul3A_485] : memref<10000x256xf32, #tpu.memory_space<hbm>> -> memref<40x128xf32, #tpu.memory_space<hbm>>
        %dma_start3A_493 = tpu.memref_slice %arg4[%mul3A_483, %mul3A_485] : memref<10000x256xf32, #tpu.memory_space<hbm>> -> memref<40x128xf32, #tpu.memory_space<hbm>>
        %dma_start3A_494 = arith.constant 0 : i32
        %dma_start3A_495 = arith.constant 0 : i32
        %dma_start3A_496 = tpu.memref_slice %arg7[%run_scoped3A_486, %dma_start3A_494, %dma_start3A_495] : memref<2x128x128xf32, #tpu.memory_space<vmem>> -> memref<1x40x128xf32, #tpu.memory_space<vmem>>
        %dma_start3A_497 = tpu.memref_squeeze %dma_start3A_496 : memref<1x40x128xf32, #tpu.memory_space<vmem>> -> memref<40x128xf32, #tpu.memory_space<vmem>>
        tpu.enqueue_dma source(%dma_start3A_497 : memref<40x128xf32, #tpu.memory_space<vmem>>) target(%dma_start3A_493 : memref<40x128xf32, #tpu.memory_space<hbm>>) target_semaphore(%run_scoped3A_488 : memref<!tpu.dma_semaphore, #tpu.memory_space<semaphore_mem>>)
        %dma_wait3A_498 = arith.constant 0 : i32
        %dma_wait3A_499 = arith.constant 0 : i32
        %dma_wait3A_500 = tpu.memref_slice %arg7[%run_scoped3A_486, %dma_wait3A_498, %dma_wait3A_499] : memref<2x128x128xf32, #tpu.memory_space<vmem>> -> memref<1x40x128xf32, #tpu.memory_space<vmem>>
        %dma_wait3A_501 = tpu.memref_squeeze %dma_wait3A_500 : memref<1x40x128xf32, #tpu.memory_space<vmem>> -> memref<40x128xf32, #tpu.memory_space<vmem>>
        %dma_wait3A_502 = tpu.memref_slice %arg4[%mul3A_483, %mul3A_485] : memref<10000x256xf32, #tpu.memory_space<hbm>> -> memref<40x128xf32, #tpu.memory_space<hbm>>
        %dma_wait3A_503 = tpu.memref_slice %arg4[%mul3A_483, %mul3A_485] : memref<10000x256xf32, #tpu.memory_space<hbm>> -> memref<40x128xf32, #tpu.memory_space<hbm>>
        %dma_wait3A_504 = arith.constant 0 : i32
        %dma_wait3A_505 = arith.constant 0 : i32
        %dma_wait3A_506 = tpu.memref_slice %arg7[%run_scoped3A_486, %dma_wait3A_504, %dma_wait3A_505] : memref<2x128x128xf32, #tpu.memory_space<vmem>> -> memref<1x40x128xf32, #tpu.memory_space<vmem>>
        %dma_wait3A_507 = tpu.memref_squeeze %dma_wait3A_506 : memref<1x40x128xf32, #tpu.memory_space<vmem>> -> memref<40x128xf32, #tpu.memory_space<vmem>>
        tpu.wait_dma2 semaphore(%run_scoped3A_488 : memref<!tpu.dma_semaphore, #tpu.memory_space<semaphore_mem>>) src(%dma_wait3A_507 : memref<40x128xf32, #tpu.memory_space<vmem>>) dst(%dma_wait3A_503 : memref<40x128xf32, #tpu.memory_space<hbm>>)
        tpu.yield
      }) : () -> ()
      %run_scoped3A_487 = arith.constant 1 : i32
      "tpu.region"() ({
        %run_scoped3A_488 = tpu.sem_alloc : memref<!tpu.dma_semaphore, #tpu.memory_space<semaphore_mem>>
        %dma_start3A = arith.constant 0 : i32
        %dma_start3A_489 = arith.constant 0 : i32
        %dma_start3A_490 = tpu.memref_slice %arg7[%run_scoped3A_487, %dma_start3A, %dma_start3A_489] : memref<2x128x128xf32, #tpu.memory_space<vmem>> -> memref<1x40x128xf32, #tpu.memory_space<vmem>>
        %dma_start3A_491 = tpu.memref_squeeze %dma_start3A_490 : memref<1x40x128xf32, #tpu.memory_space<vmem>> -> memref<40x128xf32, #tpu.memory_space<vmem>>
        %dma_start3A_492 = arith.constant 0 : i32
        %dma_start3A_493 = tpu.memref_slice %arg8[%mul3A_483, %dma_start3A_492] : memref<10000x128xf32, #tpu.memory_space<vmem_shared>> -> memref<40x128xf32, #tpu.memory_space<vmem_shared>>
        %dma_start3A_494 = arith.constant 0 : i32
        %dma_start3A_495 = tpu.memref_slice %arg8[%mul3A_483, %dma_start3A_494] : memref<10000x128xf32, #tpu.memory_space<vmem_shared>> -> memref<40x128xf32, #tpu.memory_space<vmem_shared>>
        %dma_start3A_496 = arith.constant 0 : i32
        %dma_start3A_497 = arith.constant 0 : i32
        %dma_start3A_498 = tpu.memref_slice %arg7[%run_scoped3A_487, %dma_start3A_496, %dma_start3A_497] : memref<2x128x128xf32, #tpu.memory_space<vmem>> -> memref<1x40x128xf32, #tpu.memory_space<vmem>>
        %dma_start3A_499 = tpu.memref_squeeze %dma_start3A_498 : memref<1x40x128xf32, #tpu.memory_space<vmem>> -> memref<40x128xf32, #tpu.memory_space<vmem>>
        tpu.enqueue_dma source(%dma_start3A_499 : memref<40x128xf32, #tpu.memory_space<vmem>>) target(%dma_start3A_495 : memref<40x128xf32, #tpu.memory_space<vmem_shared>>) target_semaphore(%run_scoped3A_488 : memref<!tpu.dma_semaphore, #tpu.memory_space<semaphore_mem>>)
        %dma_wait3A_500 = arith.constant 0 : i32
        %dma_wait3A_501 = arith.constant 0 : i32
        %dma_wait3A_502 = tpu.memref_slice %arg7[%run_scoped3A_487, %dma_wait3A_500, %dma_wait3A_501] : memref<2x128x128xf32, #tpu.memory_space<vmem>> -> memref<1x40x128xf32, #tpu.memory_space<vmem>>
        %dma_wait3A_503 = tpu.memref_squeeze %dma_wait3A_502 : memref<1x40x128xf32, #tpu.memory_space<vmem>> -> memref<40x128xf32, #tpu.memory_space<vmem>>
        %dma_wait3A_504 = arith.constant 0 : i32
        %dma_wait3A_505 = tpu.memref_slice %arg8[%mul3A_483, %dma_wait3A_504] : memref<10000x128xf32, #tpu.memory_space<vmem_shared>> -> memref<40x128xf32, #tpu.memory_space<vmem_shared>>
        %dma_wait3A_506 = arith.constant 0 : i32
        %dma_wait3A_507 = tpu.memref_slice %arg8[%mul3A_483, %dma_wait3A_506] : memref<10000x128xf32, #tpu.memory_space<vmem_shared>> -> memref<40x128xf32, #tpu.memory_space<vmem_shared>>
        %dma_wait3A_508 = arith.constant 0 : i32
        %dma_wait3A_509 = arith.constant 0 : i32
        %dma_wait3A_510 = tpu.memref_slice %arg7[%run_scoped3A_487, %dma_wait3A_508, %dma_wait3A_509] : memref<2x128x128xf32, #tpu.memory_space<vmem>> -> memref<1x40x128xf32, #tpu.memory_space<vmem>>
        %dma_wait3A_511 = tpu.memref_squeeze %dma_wait3A_510 : memref<1x40x128xf32, #tpu.memory_space<vmem>> -> memref<40x128xf32, #tpu.memory_space<vmem>>
        tpu.wait_dma2 semaphore(%run_scoped3A_488 : memref<!tpu.dma_semaphore, #tpu.memory_space<semaphore_mem>>) src(%dma_wait3A_511 : memref<40x128xf32, #tpu.memory_space<vmem>>) dst(%dma_wait3A_507 : memref<40x128xf32, #tpu.memory_space<vmem_shared>>)
        tpu.yield
      }) : () -> ()
    } else {
    }
    %add3A_228 = arith.constant 112 : i32
    %add3A_229 = arith.addi %add3A_228, %arg1 : i32
    %lt3A_230 = arith.constant 250 : i32
    %lt3A_231 = arith.cmpi slt, %add3A_229, %lt3A_230 : i32
    %convert_element_type3A_232 = arith.extui %lt3A_231 : i1 to i32
    %cond3A_233 = arith.constant 0 : i32
    %cond3A_234 = arith.cmpi ne, %convert_element_type3A_232, %cond3A_233 : i32
    scf.if %cond3A_234 {
      %mul3A_482 = arith.constant 40 : i32
      %mul3A_483 = arith.muli %add3A_229, %mul3A_482 : i32
      %run_scoped3A = arith.constant 0 : i32
      "tpu.region"() ({
        %run_scoped3A_488 = tpu.sem_alloc : memref<!tpu.dma_semaphore, #tpu.memory_space<semaphore_mem>>
        %dma_start3A = arith.constant 0 : i32
        %dma_start3A_489 = arith.constant 0 : i32
        %dma_start3A_490 = tpu.memref_slice %arg7[%run_scoped3A, %dma_start3A, %dma_start3A_489] : memref<2x128x128xf32, #tpu.memory_space<vmem>> -> memref<1x40x128xf32, #tpu.memory_space<vmem>>
        %dma_start3A_491 = tpu.memref_squeeze %dma_start3A_490 : memref<1x40x128xf32, #tpu.memory_space<vmem>> -> memref<40x128xf32, #tpu.memory_space<vmem>>
        %dma_start3A_492 = arith.constant 0 : i32
        %dma_start3A_493 = tpu.memref_slice %arg8[%mul3A_483, %dma_start3A_492] : memref<10000x128xf32, #tpu.memory_space<vmem_shared>> -> memref<40x128xf32, #tpu.memory_space<vmem_shared>>
        %dma_start3A_494 = arith.constant 0 : i32
        %dma_start3A_495 = arith.constant 0 : i32
        %dma_start3A_496 = tpu.memref_slice %arg7[%run_scoped3A, %dma_start3A_494, %dma_start3A_495] : memref<2x128x128xf32, #tpu.memory_space<vmem>> -> memref<1x40x128xf32, #tpu.memory_space<vmem>>
        %dma_start3A_497 = tpu.memref_squeeze %dma_start3A_496 : memref<1x40x128xf32, #tpu.memory_space<vmem>> -> memref<40x128xf32, #tpu.memory_space<vmem>>
        %dma_start3A_498 = arith.constant 0 : i32
        %dma_start3A_499 = tpu.memref_slice %arg8[%mul3A_483, %dma_start3A_498] : memref<10000x128xf32, #tpu.memory_space<vmem_shared>> -> memref<40x128xf32, #tpu.memory_space<vmem_shared>>
        tpu.enqueue_dma source(%dma_start3A_499 : memref<40x128xf32, #tpu.memory_space<vmem_shared>>) target(%dma_start3A_497 : memref<40x128xf32, #tpu.memory_space<vmem>>) target_semaphore(%run_scoped3A_488 : memref<!tpu.dma_semaphore, #tpu.memory_space<semaphore_mem>>)
        %dma_wait3A_500 = arith.constant 0 : i32
        %dma_wait3A_501 = arith.constant 0 : i32
        %dma_wait3A_502 = tpu.memref_slice %arg7[%run_scoped3A, %dma_wait3A_500, %dma_wait3A_501] : memref<2x128x128xf32, #tpu.memory_space<vmem>> -> memref<1x40x128xf32, #tpu.memory_space<vmem>>
        %dma_wait3A_503 = tpu.memref_squeeze %dma_wait3A_502 : memref<1x40x128xf32, #tpu.memory_space<vmem>> -> memref<40x128xf32, #tpu.memory_space<vmem>>
        %dma_wait3A_504 = arith.constant 0 : i32
        %dma_wait3A_505 = tpu.memref_slice %arg8[%mul3A_483, %dma_wait3A_504] : memref<10000x128xf32, #tpu.memory_space<vmem_shared>> -> memref<40x128xf32, #tpu.memory_space<vmem_shared>>
        %dma_wait3A_506 = arith.constant 0 : i32
        %dma_wait3A_507 = arith.constant 0 : i32
        %dma_wait3A_508 = tpu.memref_slice %arg7[%run_scoped3A, %dma_wait3A_506, %dma_wait3A_507] : memref<2x128x128xf32, #tpu.memory_space<vmem>> -> memref<1x40x128xf32, #tpu.memory_space<vmem>>
        %dma_wait3A_509 = tpu.memref_squeeze %dma_wait3A_508 : memref<1x40x128xf32, #tpu.memory_space<vmem>> -> memref<40x128xf32, #tpu.memory_space<vmem>>
        %dma_wait3A_510 = arith.constant 0 : i32
        %dma_wait3A_511 = tpu.memref_slice %arg8[%mul3A_483, %dma_wait3A_510] : memref<10000x128xf32, #tpu.memory_space<vmem_shared>> -> memref<40x128xf32, #tpu.memory_space<vmem_shared>>
        tpu.wait_dma2 semaphore(%run_scoped3A_488 : memref<!tpu.dma_semaphore, #tpu.memory_space<semaphore_mem>>) src(%dma_wait3A_511 : memref<40x128xf32, #tpu.memory_space<vmem_shared>>) dst(%dma_wait3A_509 : memref<40x128xf32, #tpu.memory_space<vmem>>)
        tpu.yield
      }) : () -> ()
      %mul3A_484 = arith.constant 128 : i32
      %mul3A_485 = arith.muli %arg0, %mul3A_484 : i32
      %run_scoped3A_486 = arith.constant 0 : i32
      "tpu.region"() ({
        %run_scoped3A_488 = tpu.sem_alloc : memref<!tpu.dma_semaphore, #tpu.memory_space<semaphore_mem>>
        %dma_start3A = arith.constant 0 : i32
        %dma_start3A_489 = arith.constant 0 : i32
        %dma_start3A_490 = tpu.memref_slice %arg7[%run_scoped3A_486, %dma_start3A, %dma_start3A_489] : memref<2x128x128xf32, #tpu.memory_space<vmem>> -> memref<1x40x128xf32, #tpu.memory_space<vmem>>
        %dma_start3A_491 = tpu.memref_squeeze %dma_start3A_490 : memref<1x40x128xf32, #tpu.memory_space<vmem>> -> memref<40x128xf32, #tpu.memory_space<vmem>>
        %dma_start3A_492 = tpu.memref_slice %arg4[%mul3A_483, %mul3A_485] : memref<10000x256xf32, #tpu.memory_space<hbm>> -> memref<40x128xf32, #tpu.memory_space<hbm>>
        %dma_start3A_493 = tpu.memref_slice %arg4[%mul3A_483, %mul3A_485] : memref<10000x256xf32, #tpu.memory_space<hbm>> -> memref<40x128xf32, #tpu.memory_space<hbm>>
        %dma_start3A_494 = arith.constant 0 : i32
        %dma_start3A_495 = arith.constant 0 : i32
        %dma_start3A_496 = tpu.memref_slice %arg7[%run_scoped3A_486, %dma_start3A_494, %dma_start3A_495] : memref<2x128x128xf32, #tpu.memory_space<vmem>> -> memref<1x40x128xf32, #tpu.memory_space<vmem>>
        %dma_start3A_497 = tpu.memref_squeeze %dma_start3A_496 : memref<1x40x128xf32, #tpu.memory_space<vmem>> -> memref<40x128xf32, #tpu.memory_space<vmem>>
        tpu.enqueue_dma source(%dma_start3A_497 : memref<40x128xf32, #tpu.memory_space<vmem>>) target(%dma_start3A_493 : memref<40x128xf32, #tpu.memory_space<hbm>>) target_semaphore(%run_scoped3A_488 : memref<!tpu.dma_semaphore, #tpu.memory_space<semaphore_mem>>)
        %dma_wait3A_498 = arith.constant 0 : i32
        %dma_wait3A_499 = arith.constant 0 : i32
        %dma_wait3A_500 = tpu.memref_slice %arg7[%run_scoped3A_486, %dma_wait3A_498, %dma_wait3A_499] : memref<2x128x128xf32, #tpu.memory_space<vmem>> -> memref<1x40x128xf32, #tpu.memory_space<vmem>>
        %dma_wait3A_501 = tpu.memref_squeeze %dma_wait3A_500 : memref<1x40x128xf32, #tpu.memory_space<vmem>> -> memref<40x128xf32, #tpu.memory_space<vmem>>
        %dma_wait3A_502 = tpu.memref_slice %arg4[%mul3A_483, %mul3A_485] : memref<10000x256xf32, #tpu.memory_space<hbm>> -> memref<40x128xf32, #tpu.memory_space<hbm>>
        %dma_wait3A_503 = tpu.memref_slice %arg4[%mul3A_483, %mul3A_485] : memref<10000x256xf32, #tpu.memory_space<hbm>> -> memref<40x128xf32, #tpu.memory_space<hbm>>
        %dma_wait3A_504 = arith.constant 0 : i32
        %dma_wait3A_505 = arith.constant 0 : i32
        %dma_wait3A_506 = tpu.memref_slice %arg7[%run_scoped3A_486, %dma_wait3A_504, %dma_wait3A_505] : memref<2x128x128xf32, #tpu.memory_space<vmem>> -> memref<1x40x128xf32, #tpu.memory_space<vmem>>
        %dma_wait3A_507 = tpu.memref_squeeze %dma_wait3A_506 : memref<1x40x128xf32, #tpu.memory_space<vmem>> -> memref<40x128xf32, #tpu.memory_space<vmem>>
        tpu.wait_dma2 semaphore(%run_scoped3A_488 : memref<!tpu.dma_semaphore, #tpu.memory_space<semaphore_mem>>) src(%dma_wait3A_507 : memref<40x128xf32, #tpu.memory_space<vmem>>) dst(%dma_wait3A_503 : memref<40x128xf32, #tpu.memory_space<hbm>>)
        tpu.yield
      }) : () -> ()
      %run_scoped3A_487 = arith.constant 1 : i32
      "tpu.region"() ({
        %run_scoped3A_488 = tpu.sem_alloc : memref<!tpu.dma_semaphore, #tpu.memory_space<semaphore_mem>>
        %dma_start3A = arith.constant 0 : i32
        %dma_start3A_489 = arith.constant 0 : i32
        %dma_start3A_490 = tpu.memref_slice %arg7[%run_scoped3A_487, %dma_start3A, %dma_start3A_489] : memref<2x128x128xf32, #tpu.memory_space<vmem>> -> memref<1x40x128xf32, #tpu.memory_space<vmem>>
        %dma_start3A_491 = tpu.memref_squeeze %dma_start3A_490 : memref<1x40x128xf32, #tpu.memory_space<vmem>> -> memref<40x128xf32, #tpu.memory_space<vmem>>
        %dma_start3A_492 = arith.constant 0 : i32
        %dma_start3A_493 = tpu.memref_slice %arg8[%mul3A_483, %dma_start3A_492] : memref<10000x128xf32, #tpu.memory_space<vmem_shared>> -> memref<40x128xf32, #tpu.memory_space<vmem_shared>>
        %dma_start3A_494 = arith.constant 0 : i32
        %dma_start3A_495 = tpu.memref_slice %arg8[%mul3A_483, %dma_start3A_494] : memref<10000x128xf32, #tpu.memory_space<vmem_shared>> -> memref<40x128xf32, #tpu.memory_space<vmem_shared>>
        %dma_start3A_496 = arith.constant 0 : i32
        %dma_start3A_497 = arith.constant 0 : i32
        %dma_start3A_498 = tpu.memref_slice %arg7[%run_scoped3A_487, %dma_start3A_496, %dma_start3A_497] : memref<2x128x128xf32, #tpu.memory_space<vmem>> -> memref<1x40x128xf32, #tpu.memory_space<vmem>>
        %dma_start3A_499 = tpu.memref_squeeze %dma_start3A_498 : memref<1x40x128xf32, #tpu.memory_space<vmem>> -> memref<40x128xf32, #tpu.memory_space<vmem>>
        tpu.enqueue_dma source(%dma_start3A_499 : memref<40x128xf32, #tpu.memory_space<vmem>>) target(%dma_start3A_495 : memref<40x128xf32, #tpu.memory_space<vmem_shared>>) target_semaphore(%run_scoped3A_488 : memref<!tpu.dma_semaphore, #tpu.memory_space<semaphore_mem>>)
        %dma_wait3A_500 = arith.constant 0 : i32
        %dma_wait3A_501 = arith.constant 0 : i32
        %dma_wait3A_502 = tpu.memref_slice %arg7[%run_scoped3A_487, %dma_wait3A_500, %dma_wait3A_501] : memref<2x128x128xf32, #tpu.memory_space<vmem>> -> memref<1x40x128xf32, #tpu.memory_space<vmem>>
        %dma_wait3A_503 = tpu.memref_squeeze %dma_wait3A_502 : memref<1x40x128xf32, #tpu.memory_space<vmem>> -> memref<40x128xf32, #tpu.memory_space<vmem>>
        %dma_wait3A_504 = arith.constant 0 : i32
        %dma_wait3A_505 = tpu.memref_slice %arg8[%mul3A_483, %dma_wait3A_504] : memref<10000x128xf32, #tpu.memory_space<vmem_shared>> -> memref<40x128xf32, #tpu.memory_space<vmem_shared>>
        %dma_wait3A_506 = arith.constant 0 : i32
        %dma_wait3A_507 = tpu.memref_slice %arg8[%mul3A_483, %dma_wait3A_506] : memref<10000x128xf32, #tpu.memory_space<vmem_shared>> -> memref<40x128xf32, #tpu.memory_space<vmem_shared>>
        %dma_wait3A_508 = arith.constant 0 : i32
        %dma_wait3A_509 = arith.constant 0 : i32
        %dma_wait3A_510 = tpu.memref_slice %arg7[%run_scoped3A_487, %dma_wait3A_508, %dma_wait3A_509] : memref<2x128x128xf32, #tpu.memory_space<vmem>> -> memref<1x40x128xf32, #tpu.memory_space<vmem>>
        %dma_wait3A_511 = tpu.memref_squeeze %dma_wait3A_510 : memref<1x40x128xf32, #tpu.memory_space<vmem>> -> memref<40x128xf32, #tpu.memory_space<vmem>>
        tpu.wait_dma2 semaphore(%run_scoped3A_488 : memref<!tpu.dma_semaphore, #tpu.memory_space<semaphore_mem>>) src(%dma_wait3A_511 : memref<40x128xf32, #tpu.memory_space<vmem>>) dst(%dma_wait3A_507 : memref<40x128xf32, #tpu.memory_space<vmem_shared>>)
        tpu.yield
      }) : () -> ()
    } else {
    }
    %add3A_235 = arith.constant 128 : i32
    %add3A_236 = arith.addi %add3A_235, %arg1 : i32
    %lt3A_237 = arith.constant 250 : i32
    %lt3A_238 = arith.cmpi slt, %add3A_236, %lt3A_237 : i32
    %convert_element_type3A_239 = arith.extui %lt3A_238 : i1 to i32
    %cond3A_240 = arith.constant 0 : i32
    %cond3A_241 = arith.cmpi ne, %convert_element_type3A_239, %cond3A_240 : i32
    scf.if %cond3A_241 {
      %mul3A_482 = arith.constant 40 : i32
      %mul3A_483 = arith.muli %add3A_236, %mul3A_482 : i32
      %run_scoped3A = arith.constant 0 : i32
      "tpu.region"() ({
        %run_scoped3A_488 = tpu.sem_alloc : memref<!tpu.dma_semaphore, #tpu.memory_space<semaphore_mem>>
        %dma_start3A = arith.constant 0 : i32
        %dma_start3A_489 = arith.constant 0 : i32
        %dma_start3A_490 = tpu.memref_slice %arg7[%run_scoped3A, %dma_start3A, %dma_start3A_489] : memref<2x128x128xf32, #tpu.memory_space<vmem>> -> memref<1x40x128xf32, #tpu.memory_space<vmem>>
        %dma_start3A_491 = tpu.memref_squeeze %dma_start3A_490 : memref<1x40x128xf32, #tpu.memory_space<vmem>> -> memref<40x128xf32, #tpu.memory_space<vmem>>
        %dma_start3A_492 = arith.constant 0 : i32
        %dma_start3A_493 = tpu.memref_slice %arg8[%mul3A_483, %dma_start3A_492] : memref<10000x128xf32, #tpu.memory_space<vmem_shared>> -> memref<40x128xf32, #tpu.memory_space<vmem_shared>>
        %dma_start3A_494 = arith.constant 0 : i32
        %dma_start3A_495 = arith.constant 0 : i32
        %dma_start3A_496 = tpu.memref_slice %arg7[%run_scoped3A, %dma_start3A_494, %dma_start3A_495] : memref<2x128x128xf32, #tpu.memory_space<vmem>> -> memref<1x40x128xf32, #tpu.memory_space<vmem>>
        %dma_start3A_497 = tpu.memref_squeeze %dma_start3A_496 : memref<1x40x128xf32, #tpu.memory_space<vmem>> -> memref<40x128xf32, #tpu.memory_space<vmem>>
        %dma_start3A_498 = arith.constant 0 : i32
        %dma_start3A_499 = tpu.memref_slice %arg8[%mul3A_483, %dma_start3A_498] : memref<10000x128xf32, #tpu.memory_space<vmem_shared>> -> memref<40x128xf32, #tpu.memory_space<vmem_shared>>
        tpu.enqueue_dma source(%dma_start3A_499 : memref<40x128xf32, #tpu.memory_space<vmem_shared>>) target(%dma_start3A_497 : memref<40x128xf32, #tpu.memory_space<vmem>>) target_semaphore(%run_scoped3A_488 : memref<!tpu.dma_semaphore, #tpu.memory_space<semaphore_mem>>)
        %dma_wait3A_500 = arith.constant 0 : i32
        %dma_wait3A_501 = arith.constant 0 : i32
        %dma_wait3A_502 = tpu.memref_slice %arg7[%run_scoped3A, %dma_wait3A_500, %dma_wait3A_501] : memref<2x128x128xf32, #tpu.memory_space<vmem>> -> memref<1x40x128xf32, #tpu.memory_space<vmem>>
        %dma_wait3A_503 = tpu.memref_squeeze %dma_wait3A_502 : memref<1x40x128xf32, #tpu.memory_space<vmem>> -> memref<40x128xf32, #tpu.memory_space<vmem>>
        %dma_wait3A_504 = arith.constant 0 : i32
        %dma_wait3A_505 = tpu.memref_slice %arg8[%mul3A_483, %dma_wait3A_504] : memref<10000x128xf32, #tpu.memory_space<vmem_shared>> -> memref<40x128xf32, #tpu.memory_space<vmem_shared>>
        %dma_wait3A_506 = arith.constant 0 : i32
        %dma_wait3A_507 = arith.constant 0 : i32
        %dma_wait3A_508 = tpu.memref_slice %arg7[%run_scoped3A, %dma_wait3A_506, %dma_wait3A_507] : memref<2x128x128xf32, #tpu.memory_space<vmem>> -> memref<1x40x128xf32, #tpu.memory_space<vmem>>
        %dma_wait3A_509 = tpu.memref_squeeze %dma_wait3A_508 : memref<1x40x128xf32, #tpu.memory_space<vmem>> -> memref<40x128xf32, #tpu.memory_space<vmem>>
        %dma_wait3A_510 = arith.constant 0 : i32
        %dma_wait3A_511 = tpu.memref_slice %arg8[%mul3A_483, %dma_wait3A_510] : memref<10000x128xf32, #tpu.memory_space<vmem_shared>> -> memref<40x128xf32, #tpu.memory_space<vmem_shared>>
        tpu.wait_dma2 semaphore(%run_scoped3A_488 : memref<!tpu.dma_semaphore, #tpu.memory_space<semaphore_mem>>) src(%dma_wait3A_511 : memref<40x128xf32, #tpu.memory_space<vmem_shared>>) dst(%dma_wait3A_509 : memref<40x128xf32, #tpu.memory_space<vmem>>)
        tpu.yield
      }) : () -> ()
      %mul3A_484 = arith.constant 128 : i32
      %mul3A_485 = arith.muli %arg0, %mul3A_484 : i32
      %run_scoped3A_486 = arith.constant 0 : i32
      "tpu.region"() ({
        %run_scoped3A_488 = tpu.sem_alloc : memref<!tpu.dma_semaphore, #tpu.memory_space<semaphore_mem>>
        %dma_start3A = arith.constant 0 : i32
        %dma_start3A_489 = arith.constant 0 : i32
        %dma_start3A_490 = tpu.memref_slice %arg7[%run_scoped3A_486, %dma_start3A, %dma_start3A_489] : memref<2x128x128xf32, #tpu.memory_space<vmem>> -> memref<1x40x128xf32, #tpu.memory_space<vmem>>
        %dma_start3A_491 = tpu.memref_squeeze %dma_start3A_490 : memref<1x40x128xf32, #tpu.memory_space<vmem>> -> memref<40x128xf32, #tpu.memory_space<vmem>>
        %dma_start3A_492 = tpu.memref_slice %arg4[%mul3A_483, %mul3A_485] : memref<10000x256xf32, #tpu.memory_space<hbm>> -> memref<40x128xf32, #tpu.memory_space<hbm>>
        %dma_start3A_493 = tpu.memref_slice %arg4[%mul3A_483, %mul3A_485] : memref<10000x256xf32, #tpu.memory_space<hbm>> -> memref<40x128xf32, #tpu.memory_space<hbm>>
        %dma_start3A_494 = arith.constant 0 : i32
        %dma_start3A_495 = arith.constant 0 : i32
        %dma_start3A_496 = tpu.memref_slice %arg7[%run_scoped3A_486, %dma_start3A_494, %dma_start3A_495] : memref<2x128x128xf32, #tpu.memory_space<vmem>> -> memref<1x40x128xf32, #tpu.memory_space<vmem>>
        %dma_start3A_497 = tpu.memref_squeeze %dma_start3A_496 : memref<1x40x128xf32, #tpu.memory_space<vmem>> -> memref<40x128xf32, #tpu.memory_space<vmem>>
        tpu.enqueue_dma source(%dma_start3A_497 : memref<40x128xf32, #tpu.memory_space<vmem>>) target(%dma_start3A_493 : memref<40x128xf32, #tpu.memory_space<hbm>>) target_semaphore(%run_scoped3A_488 : memref<!tpu.dma_semaphore, #tpu.memory_space<semaphore_mem>>)
        %dma_wait3A_498 = arith.constant 0 : i32
        %dma_wait3A_499 = arith.constant 0 : i32
        %dma_wait3A_500 = tpu.memref_slice %arg7[%run_scoped3A_486, %dma_wait3A_498, %dma_wait3A_499] : memref<2x128x128xf32, #tpu.memory_space<vmem>> -> memref<1x40x128xf32, #tpu.memory_space<vmem>>
        %dma_wait3A_501 = tpu.memref_squeeze %dma_wait3A_500 : memref<1x40x128xf32, #tpu.memory_space<vmem>> -> memref<40x128xf32, #tpu.memory_space<vmem>>
        %dma_wait3A_502 = tpu.memref_slice %arg4[%mul3A_483, %mul3A_485] : memref<10000x256xf32, #tpu.memory_space<hbm>> -> memref<40x128xf32, #tpu.memory_space<hbm>>
        %dma_wait3A_503 = tpu.memref_slice %arg4[%mul3A_483, %mul3A_485] : memref<10000x256xf32, #tpu.memory_space<hbm>> -> memref<40x128xf32, #tpu.memory_space<hbm>>
        %dma_wait3A_504 = arith.constant 0 : i32
        %dma_wait3A_505 = arith.constant 0 : i32
        %dma_wait3A_506 = tpu.memref_slice %arg7[%run_scoped3A_486, %dma_wait3A_504, %dma_wait3A_505] : memref<2x128x128xf32, #tpu.memory_space<vmem>> -> memref<1x40x128xf32, #tpu.memory_space<vmem>>
        %dma_wait3A_507 = tpu.memref_squeeze %dma_wait3A_506 : memref<1x40x128xf32, #tpu.memory_space<vmem>> -> memref<40x128xf32, #tpu.memory_space<vmem>>
        tpu.wait_dma2 semaphore(%run_scoped3A_488 : memref<!tpu.dma_semaphore, #tpu.memory_space<semaphore_mem>>) src(%dma_wait3A_507 : memref<40x128xf32, #tpu.memory_space<vmem>>) dst(%dma_wait3A_503 : memref<40x128xf32, #tpu.memory_space<hbm>>)
        tpu.yield
      }) : () -> ()
      %run_scoped3A_487 = arith.constant 1 : i32
      "tpu.region"() ({
        %run_scoped3A_488 = tpu.sem_alloc : memref<!tpu.dma_semaphore, #tpu.memory_space<semaphore_mem>>
        %dma_start3A = arith.constant 0 : i32
        %dma_start3A_489 = arith.constant 0 : i32
        %dma_start3A_490 = tpu.memref_slice %arg7[%run_scoped3A_487, %dma_start3A, %dma_start3A_489] : memref<2x128x128xf32, #tpu.memory_space<vmem>> -> memref<1x40x128xf32, #tpu.memory_space<vmem>>
        %dma_start3A_491 = tpu.memref_squeeze %dma_start3A_490 : memref<1x40x128xf32, #tpu.memory_space<vmem>> -> memref<40x128xf32, #tpu.memory_space<vmem>>
        %dma_start3A_492 = arith.constant 0 : i32
        %dma_start3A_493 = tpu.memref_slice %arg8[%mul3A_483, %dma_start3A_492] : memref<10000x128xf32, #tpu.memory_space<vmem_shared>> -> memref<40x128xf32, #tpu.memory_space<vmem_shared>>
        %dma_start3A_494 = arith.constant 0 : i32
        %dma_start3A_495 = tpu.memref_slice %arg8[%mul3A_483, %dma_start3A_494] : memref<10000x128xf32, #tpu.memory_space<vmem_shared>> -> memref<40x128xf32, #tpu.memory_space<vmem_shared>>
        %dma_start3A_496 = arith.constant 0 : i32
        %dma_start3A_497 = arith.constant 0 : i32
        %dma_start3A_498 = tpu.memref_slice %arg7[%run_scoped3A_487, %dma_start3A_496, %dma_start3A_497] : memref<2x128x128xf32, #tpu.memory_space<vmem>> -> memref<1x40x128xf32, #tpu.memory_space<vmem>>
        %dma_start3A_499 = tpu.memref_squeeze %dma_start3A_498 : memref<1x40x128xf32, #tpu.memory_space<vmem>> -> memref<40x128xf32, #tpu.memory_space<vmem>>
        tpu.enqueue_dma source(%dma_start3A_499 : memref<40x128xf32, #tpu.memory_space<vmem>>) target(%dma_start3A_495 : memref<40x128xf32, #tpu.memory_space<vmem_shared>>) target_semaphore(%run_scoped3A_488 : memref<!tpu.dma_semaphore, #tpu.memory_space<semaphore_mem>>)
        %dma_wait3A_500 = arith.constant 0 : i32
        %dma_wait3A_501 = arith.constant 0 : i32
        %dma_wait3A_502 = tpu.memref_slice %arg7[%run_scoped3A_487, %dma_wait3A_500, %dma_wait3A_501] : memref<2x128x128xf32, #tpu.memory_space<vmem>> -> memref<1x40x128xf32, #tpu.memory_space<vmem>>
        %dma_wait3A_503 = tpu.memref_squeeze %dma_wait3A_502 : memref<1x40x128xf32, #tpu.memory_space<vmem>> -> memref<40x128xf32, #tpu.memory_space<vmem>>
        %dma_wait3A_504 = arith.constant 0 : i32
        %dma_wait3A_505 = tpu.memref_slice %arg8[%mul3A_483, %dma_wait3A_504] : memref<10000x128xf32, #tpu.memory_space<vmem_shared>> -> memref<40x128xf32, #tpu.memory_space<vmem_shared>>
        %dma_wait3A_506 = arith.constant 0 : i32
        %dma_wait3A_507 = tpu.memref_slice %arg8[%mul3A_483, %dma_wait3A_506] : memref<10000x128xf32, #tpu.memory_space<vmem_shared>> -> memref<40x128xf32, #tpu.memory_space<vmem_shared>>
        %dma_wait3A_508 = arith.constant 0 : i32
        %dma_wait3A_509 = arith.constant 0 : i32
        %dma_wait3A_510 = tpu.memref_slice %arg7[%run_scoped3A_487, %dma_wait3A_508, %dma_wait3A_509] : memref<2x128x128xf32, #tpu.memory_space<vmem>> -> memref<1x40x128xf32, #tpu.memory_space<vmem>>
        %dma_wait3A_511 = tpu.memref_squeeze %dma_wait3A_510 : memref<1x40x128xf32, #tpu.memory_space<vmem>> -> memref<40x128xf32, #tpu.memory_space<vmem>>
        tpu.wait_dma2 semaphore(%run_scoped3A_488 : memref<!tpu.dma_semaphore, #tpu.memory_space<semaphore_mem>>) src(%dma_wait3A_511 : memref<40x128xf32, #tpu.memory_space<vmem>>) dst(%dma_wait3A_507 : memref<40x128xf32, #tpu.memory_space<vmem_shared>>)
        tpu.yield
      }) : () -> ()
    } else {
    }
    %add3A_242 = arith.constant 144 : i32
    %add3A_243 = arith.addi %add3A_242, %arg1 : i32
    %lt3A_244 = arith.constant 250 : i32
    %lt3A_245 = arith.cmpi slt, %add3A_243, %lt3A_244 : i32
    %convert_element_type3A_246 = arith.extui %lt3A_245 : i1 to i32
    %cond3A_247 = arith.constant 0 : i32
    %cond3A_248 = arith.cmpi ne, %convert_element_type3A_246, %cond3A_247 : i32
    scf.if %cond3A_248 {
      %mul3A_482 = arith.constant 40 : i32
      %mul3A_483 = arith.muli %add3A_243, %mul3A_482 : i32
      %run_scoped3A = arith.constant 0 : i32
      "tpu.region"() ({
        %run_scoped3A_488 = tpu.sem_alloc : memref<!tpu.dma_semaphore, #tpu.memory_space<semaphore_mem>>
        %dma_start3A = arith.constant 0 : i32
        %dma_start3A_489 = arith.constant 0 : i32
        %dma_start3A_490 = tpu.memref_slice %arg7[%run_scoped3A, %dma_start3A, %dma_start3A_489] : memref<2x128x128xf32, #tpu.memory_space<vmem>> -> memref<1x40x128xf32, #tpu.memory_space<vmem>>
        %dma_start3A_491 = tpu.memref_squeeze %dma_start3A_490 : memref<1x40x128xf32, #tpu.memory_space<vmem>> -> memref<40x128xf32, #tpu.memory_space<vmem>>
        %dma_start3A_492 = arith.constant 0 : i32
        %dma_start3A_493 = tpu.memref_slice %arg8[%mul3A_483, %dma_start3A_492] : memref<10000x128xf32, #tpu.memory_space<vmem_shared>> -> memref<40x128xf32, #tpu.memory_space<vmem_shared>>
        %dma_start3A_494 = arith.constant 0 : i32
        %dma_start3A_495 = arith.constant 0 : i32
        %dma_start3A_496 = tpu.memref_slice %arg7[%run_scoped3A, %dma_start3A_494, %dma_start3A_495] : memref<2x128x128xf32, #tpu.memory_space<vmem>> -> memref<1x40x128xf32, #tpu.memory_space<vmem>>
        %dma_start3A_497 = tpu.memref_squeeze %dma_start3A_496 : memref<1x40x128xf32, #tpu.memory_space<vmem>> -> memref<40x128xf32, #tpu.memory_space<vmem>>
        %dma_start3A_498 = arith.constant 0 : i32
        %dma_start3A_499 = tpu.memref_slice %arg8[%mul3A_483, %dma_start3A_498] : memref<10000x128xf32, #tpu.memory_space<vmem_shared>> -> memref<40x128xf32, #tpu.memory_space<vmem_shared>>
        tpu.enqueue_dma source(%dma_start3A_499 : memref<40x128xf32, #tpu.memory_space<vmem_shared>>) target(%dma_start3A_497 : memref<40x128xf32, #tpu.memory_space<vmem>>) target_semaphore(%run_scoped3A_488 : memref<!tpu.dma_semaphore, #tpu.memory_space<semaphore_mem>>)
        %dma_wait3A_500 = arith.constant 0 : i32
        %dma_wait3A_501 = arith.constant 0 : i32
        %dma_wait3A_502 = tpu.memref_slice %arg7[%run_scoped3A, %dma_wait3A_500, %dma_wait3A_501] : memref<2x128x128xf32, #tpu.memory_space<vmem>> -> memref<1x40x128xf32, #tpu.memory_space<vmem>>
        %dma_wait3A_503 = tpu.memref_squeeze %dma_wait3A_502 : memref<1x40x128xf32, #tpu.memory_space<vmem>> -> memref<40x128xf32, #tpu.memory_space<vmem>>
        %dma_wait3A_504 = arith.constant 0 : i32
        %dma_wait3A_505 = tpu.memref_slice %arg8[%mul3A_483, %dma_wait3A_504] : memref<10000x128xf32, #tpu.memory_space<vmem_shared>> -> memref<40x128xf32, #tpu.memory_space<vmem_shared>>
        %dma_wait3A_506 = arith.constant 0 : i32
        %dma_wait3A_507 = arith.constant 0 : i32
        %dma_wait3A_508 = tpu.memref_slice %arg7[%run_scoped3A, %dma_wait3A_506, %dma_wait3A_507] : memref<2x128x128xf32, #tpu.memory_space<vmem>> -> memref<1x40x128xf32, #tpu.memory_space<vmem>>
        %dma_wait3A_509 = tpu.memref_squeeze %dma_wait3A_508 : memref<1x40x128xf32, #tpu.memory_space<vmem>> -> memref<40x128xf32, #tpu.memory_space<vmem>>
        %dma_wait3A_510 = arith.constant 0 : i32
        %dma_wait3A_511 = tpu.memref_slice %arg8[%mul3A_483, %dma_wait3A_510] : memref<10000x128xf32, #tpu.memory_space<vmem_shared>> -> memref<40x128xf32, #tpu.memory_space<vmem_shared>>
        tpu.wait_dma2 semaphore(%run_scoped3A_488 : memref<!tpu.dma_semaphore, #tpu.memory_space<semaphore_mem>>) src(%dma_wait3A_511 : memref<40x128xf32, #tpu.memory_space<vmem_shared>>) dst(%dma_wait3A_509 : memref<40x128xf32, #tpu.memory_space<vmem>>)
        tpu.yield
      }) : () -> ()
      %mul3A_484 = arith.constant 128 : i32
      %mul3A_485 = arith.muli %arg0, %mul3A_484 : i32
      %run_scoped3A_486 = arith.constant 0 : i32
      "tpu.region"() ({
        %run_scoped3A_488 = tpu.sem_alloc : memref<!tpu.dma_semaphore, #tpu.memory_space<semaphore_mem>>
        %dma_start3A = arith.constant 0 : i32
        %dma_start3A_489 = arith.constant 0 : i32
        %dma_start3A_490 = tpu.memref_slice %arg7[%run_scoped3A_486, %dma_start3A, %dma_start3A_489] : memref<2x128x128xf32, #tpu.memory_space<vmem>> -> memref<1x40x128xf32, #tpu.memory_space<vmem>>
        %dma_start3A_491 = tpu.memref_squeeze %dma_start3A_490 : memref<1x40x128xf32, #tpu.memory_space<vmem>> -> memref<40x128xf32, #tpu.memory_space<vmem>>
        %dma_start3A_492 = tpu.memref_slice %arg4[%mul3A_483, %mul3A_485] : memref<10000x256xf32, #tpu.memory_space<hbm>> -> memref<40x128xf32, #tpu.memory_space<hbm>>
        %dma_start3A_493 = tpu.memref_slice %arg4[%mul3A_483, %mul3A_485] : memref<10000x256xf32, #tpu.memory_space<hbm>> -> memref<40x128xf32, #tpu.memory_space<hbm>>
        %dma_start3A_494 = arith.constant 0 : i32
        %dma_start3A_495 = arith.constant 0 : i32
        %dma_start3A_496 = tpu.memref_slice %arg7[%run_scoped3A_486, %dma_start3A_494, %dma_start3A_495] : memref<2x128x128xf32, #tpu.memory_space<vmem>> -> memref<1x40x128xf32, #tpu.memory_space<vmem>>
        %dma_start3A_497 = tpu.memref_squeeze %dma_start3A_496 : memref<1x40x128xf32, #tpu.memory_space<vmem>> -> memref<40x128xf32, #tpu.memory_space<vmem>>
        tpu.enqueue_dma source(%dma_start3A_497 : memref<40x128xf32, #tpu.memory_space<vmem>>) target(%dma_start3A_493 : memref<40x128xf32, #tpu.memory_space<hbm>>) target_semaphore(%run_scoped3A_488 : memref<!tpu.dma_semaphore, #tpu.memory_space<semaphore_mem>>)
        %dma_wait3A_498 = arith.constant 0 : i32
        %dma_wait3A_499 = arith.constant 0 : i32
        %dma_wait3A_500 = tpu.memref_slice %arg7[%run_scoped3A_486, %dma_wait3A_498, %dma_wait3A_499] : memref<2x128x128xf32, #tpu.memory_space<vmem>> -> memref<1x40x128xf32, #tpu.memory_space<vmem>>
        %dma_wait3A_501 = tpu.memref_squeeze %dma_wait3A_500 : memref<1x40x128xf32, #tpu.memory_space<vmem>> -> memref<40x128xf32, #tpu.memory_space<vmem>>
        %dma_wait3A_502 = tpu.memref_slice %arg4[%mul3A_483, %mul3A_485] : memref<10000x256xf32, #tpu.memory_space<hbm>> -> memref<40x128xf32, #tpu.memory_space<hbm>>
        %dma_wait3A_503 = tpu.memref_slice %arg4[%mul3A_483, %mul3A_485] : memref<10000x256xf32, #tpu.memory_space<hbm>> -> memref<40x128xf32, #tpu.memory_space<hbm>>
        %dma_wait3A_504 = arith.constant 0 : i32
        %dma_wait3A_505 = arith.constant 0 : i32
        %dma_wait3A_506 = tpu.memref_slice %arg7[%run_scoped3A_486, %dma_wait3A_504, %dma_wait3A_505] : memref<2x128x128xf32, #tpu.memory_space<vmem>> -> memref<1x40x128xf32, #tpu.memory_space<vmem>>
        %dma_wait3A_507 = tpu.memref_squeeze %dma_wait3A_506 : memref<1x40x128xf32, #tpu.memory_space<vmem>> -> memref<40x128xf32, #tpu.memory_space<vmem>>
        tpu.wait_dma2 semaphore(%run_scoped3A_488 : memref<!tpu.dma_semaphore, #tpu.memory_space<semaphore_mem>>) src(%dma_wait3A_507 : memref<40x128xf32, #tpu.memory_space<vmem>>) dst(%dma_wait3A_503 : memref<40x128xf32, #tpu.memory_space<hbm>>)
        tpu.yield
      }) : () -> ()
      %run_scoped3A_487 = arith.constant 1 : i32
      "tpu.region"() ({
        %run_scoped3A_488 = tpu.sem_alloc : memref<!tpu.dma_semaphore, #tpu.memory_space<semaphore_mem>>
        %dma_start3A = arith.constant 0 : i32
        %dma_start3A_489 = arith.constant 0 : i32
        %dma_start3A_490 = tpu.memref_slice %arg7[%run_scoped3A_487, %dma_start3A, %dma_start3A_489] : memref<2x128x128xf32, #tpu.memory_space<vmem>> -> memref<1x40x128xf32, #tpu.memory_space<vmem>>
        %dma_start3A_491 = tpu.memref_squeeze %dma_start3A_490 : memref<1x40x128xf32, #tpu.memory_space<vmem>> -> memref<40x128xf32, #tpu.memory_space<vmem>>
        %dma_start3A_492 = arith.constant 0 : i32
        %dma_start3A_493 = tpu.memref_slice %arg8[%mul3A_483, %dma_start3A_492] : memref<10000x128xf32, #tpu.memory_space<vmem_shared>> -> memref<40x128xf32, #tpu.memory_space<vmem_shared>>
        %dma_start3A_494 = arith.constant 0 : i32
        %dma_start3A_495 = tpu.memref_slice %arg8[%mul3A_483, %dma_start3A_494] : memref<10000x128xf32, #tpu.memory_space<vmem_shared>> -> memref<40x128xf32, #tpu.memory_space<vmem_shared>>
        %dma_start3A_496 = arith.constant 0 : i32
        %dma_start3A_497 = arith.constant 0 : i32
        %dma_start3A_498 = tpu.memref_slice %arg7[%run_scoped3A_487, %dma_start3A_496, %dma_start3A_497] : memref<2x128x128xf32, #tpu.memory_space<vmem>> -> memref<1x40x128xf32, #tpu.memory_space<vmem>>
        %dma_start3A_499 = tpu.memref_squeeze %dma_start3A_498 : memref<1x40x128xf32, #tpu.memory_space<vmem>> -> memref<40x128xf32, #tpu.memory_space<vmem>>
        tpu.enqueue_dma source(%dma_start3A_499 : memref<40x128xf32, #tpu.memory_space<vmem>>) target(%dma_start3A_495 : memref<40x128xf32, #tpu.memory_space<vmem_shared>>) target_semaphore(%run_scoped3A_488 : memref<!tpu.dma_semaphore, #tpu.memory_space<semaphore_mem>>)
        %dma_wait3A_500 = arith.constant 0 : i32
        %dma_wait3A_501 = arith.constant 0 : i32
        %dma_wait3A_502 = tpu.memref_slice %arg7[%run_scoped3A_487, %dma_wait3A_500, %dma_wait3A_501] : memref<2x128x128xf32, #tpu.memory_space<vmem>> -> memref<1x40x128xf32, #tpu.memory_space<vmem>>
        %dma_wait3A_503 = tpu.memref_squeeze %dma_wait3A_502 : memref<1x40x128xf32, #tpu.memory_space<vmem>> -> memref<40x128xf32, #tpu.memory_space<vmem>>
        %dma_wait3A_504 = arith.constant 0 : i32
        %dma_wait3A_505 = tpu.memref_slice %arg8[%mul3A_483, %dma_wait3A_504] : memref<10000x128xf32, #tpu.memory_space<vmem_shared>> -> memref<40x128xf32, #tpu.memory_space<vmem_shared>>
        %dma_wait3A_506 = arith.constant 0 : i32
        %dma_wait3A_507 = tpu.memref_slice %arg8[%mul3A_483, %dma_wait3A_506] : memref<10000x128xf32, #tpu.memory_space<vmem_shared>> -> memref<40x128xf32, #tpu.memory_space<vmem_shared>>
        %dma_wait3A_508 = arith.constant 0 : i32
        %dma_wait3A_509 = arith.constant 0 : i32
        %dma_wait3A_510 = tpu.memref_slice %arg7[%run_scoped3A_487, %dma_wait3A_508, %dma_wait3A_509] : memref<2x128x128xf32, #tpu.memory_space<vmem>> -> memref<1x40x128xf32, #tpu.memory_space<vmem>>
        %dma_wait3A_511 = tpu.memref_squeeze %dma_wait3A_510 : memref<1x40x128xf32, #tpu.memory_space<vmem>> -> memref<40x128xf32, #tpu.memory_space<vmem>>
        tpu.wait_dma2 semaphore(%run_scoped3A_488 : memref<!tpu.dma_semaphore, #tpu.memory_space<semaphore_mem>>) src(%dma_wait3A_511 : memref<40x128xf32, #tpu.memory_space<vmem>>) dst(%dma_wait3A_507 : memref<40x128xf32, #tpu.memory_space<vmem_shared>>)
        tpu.yield
      }) : () -> ()
    } else {
    }
    %add3A_249 = arith.constant 160 : i32
    %add3A_250 = arith.addi %add3A_249, %arg1 : i32
    %lt3A_251 = arith.constant 250 : i32
    %lt3A_252 = arith.cmpi slt, %add3A_250, %lt3A_251 : i32
    %convert_element_type3A_253 = arith.extui %lt3A_252 : i1 to i32
    %cond3A_254 = arith.constant 0 : i32
    %cond3A_255 = arith.cmpi ne, %convert_element_type3A_253, %cond3A_254 : i32
    scf.if %cond3A_255 {
      %mul3A_482 = arith.constant 40 : i32
      %mul3A_483 = arith.muli %add3A_250, %mul3A_482 : i32
      %run_scoped3A = arith.constant 0 : i32
      "tpu.region"() ({
        %run_scoped3A_488 = tpu.sem_alloc : memref<!tpu.dma_semaphore, #tpu.memory_space<semaphore_mem>>
        %dma_start3A = arith.constant 0 : i32
        %dma_start3A_489 = arith.constant 0 : i32
        %dma_start3A_490 = tpu.memref_slice %arg7[%run_scoped3A, %dma_start3A, %dma_start3A_489] : memref<2x128x128xf32, #tpu.memory_space<vmem>> -> memref<1x40x128xf32, #tpu.memory_space<vmem>>
        %dma_start3A_491 = tpu.memref_squeeze %dma_start3A_490 : memref<1x40x128xf32, #tpu.memory_space<vmem>> -> memref<40x128xf32, #tpu.memory_space<vmem>>
        %dma_start3A_492 = arith.constant 0 : i32
        %dma_start3A_493 = tpu.memref_slice %arg8[%mul3A_483, %dma_start3A_492] : memref<10000x128xf32, #tpu.memory_space<vmem_shared>> -> memref<40x128xf32, #tpu.memory_space<vmem_shared>>
        %dma_start3A_494 = arith.constant 0 : i32
        %dma_start3A_495 = arith.constant 0 : i32
        %dma_start3A_496 = tpu.memref_slice %arg7[%run_scoped3A, %dma_start3A_494, %dma_start3A_495] : memref<2x128x128xf32, #tpu.memory_space<vmem>> -> memref<1x40x128xf32, #tpu.memory_space<vmem>>
        %dma_start3A_497 = tpu.memref_squeeze %dma_start3A_496 : memref<1x40x128xf32, #tpu.memory_space<vmem>> -> memref<40x128xf32, #tpu.memory_space<vmem>>
        %dma_start3A_498 = arith.constant 0 : i32
        %dma_start3A_499 = tpu.memref_slice %arg8[%mul3A_483, %dma_start3A_498] : memref<10000x128xf32, #tpu.memory_space<vmem_shared>> -> memref<40x128xf32, #tpu.memory_space<vmem_shared>>
        tpu.enqueue_dma source(%dma_start3A_499 : memref<40x128xf32, #tpu.memory_space<vmem_shared>>) target(%dma_start3A_497 : memref<40x128xf32, #tpu.memory_space<vmem>>) target_semaphore(%run_scoped3A_488 : memref<!tpu.dma_semaphore, #tpu.memory_space<semaphore_mem>>)
        %dma_wait3A_500 = arith.constant 0 : i32
        %dma_wait3A_501 = arith.constant 0 : i32
        %dma_wait3A_502 = tpu.memref_slice %arg7[%run_scoped3A, %dma_wait3A_500, %dma_wait3A_501] : memref<2x128x128xf32, #tpu.memory_space<vmem>> -> memref<1x40x128xf32, #tpu.memory_space<vmem>>
        %dma_wait3A_503 = tpu.memref_squeeze %dma_wait3A_502 : memref<1x40x128xf32, #tpu.memory_space<vmem>> -> memref<40x128xf32, #tpu.memory_space<vmem>>
        %dma_wait3A_504 = arith.constant 0 : i32
        %dma_wait3A_505 = tpu.memref_slice %arg8[%mul3A_483, %dma_wait3A_504] : memref<10000x128xf32, #tpu.memory_space<vmem_shared>> -> memref<40x128xf32, #tpu.memory_space<vmem_shared>>
        %dma_wait3A_506 = arith.constant 0 : i32
        %dma_wait3A_507 = arith.constant 0 : i32
        %dma_wait3A_508 = tpu.memref_slice %arg7[%run_scoped3A, %dma_wait3A_506, %dma_wait3A_507] : memref<2x128x128xf32, #tpu.memory_space<vmem>> -> memref<1x40x128xf32, #tpu.memory_space<vmem>>
        %dma_wait3A_509 = tpu.memref_squeeze %dma_wait3A_508 : memref<1x40x128xf32, #tpu.memory_space<vmem>> -> memref<40x128xf32, #tpu.memory_space<vmem>>
        %dma_wait3A_510 = arith.constant 0 : i32
        %dma_wait3A_511 = tpu.memref_slice %arg8[%mul3A_483, %dma_wait3A_510] : memref<10000x128xf32, #tpu.memory_space<vmem_shared>> -> memref<40x128xf32, #tpu.memory_space<vmem_shared>>
        tpu.wait_dma2 semaphore(%run_scoped3A_488 : memref<!tpu.dma_semaphore, #tpu.memory_space<semaphore_mem>>) src(%dma_wait3A_511 : memref<40x128xf32, #tpu.memory_space<vmem_shared>>) dst(%dma_wait3A_509 : memref<40x128xf32, #tpu.memory_space<vmem>>)
        tpu.yield
      }) : () -> ()
      %mul3A_484 = arith.constant 128 : i32
      %mul3A_485 = arith.muli %arg0, %mul3A_484 : i32
      %run_scoped3A_486 = arith.constant 0 : i32
      "tpu.region"() ({
        %run_scoped3A_488 = tpu.sem_alloc : memref<!tpu.dma_semaphore, #tpu.memory_space<semaphore_mem>>
        %dma_start3A = arith.constant 0 : i32
        %dma_start3A_489 = arith.constant 0 : i32
        %dma_start3A_490 = tpu.memref_slice %arg7[%run_scoped3A_486, %dma_start3A, %dma_start3A_489] : memref<2x128x128xf32, #tpu.memory_space<vmem>> -> memref<1x40x128xf32, #tpu.memory_space<vmem>>
        %dma_start3A_491 = tpu.memref_squeeze %dma_start3A_490 : memref<1x40x128xf32, #tpu.memory_space<vmem>> -> memref<40x128xf32, #tpu.memory_space<vmem>>
        %dma_start3A_492 = tpu.memref_slice %arg4[%mul3A_483, %mul3A_485] : memref<10000x256xf32, #tpu.memory_space<hbm>> -> memref<40x128xf32, #tpu.memory_space<hbm>>
        %dma_start3A_493 = tpu.memref_slice %arg4[%mul3A_483, %mul3A_485] : memref<10000x256xf32, #tpu.memory_space<hbm>> -> memref<40x128xf32, #tpu.memory_space<hbm>>
        %dma_start3A_494 = arith.constant 0 : i32
        %dma_start3A_495 = arith.constant 0 : i32
        %dma_start3A_496 = tpu.memref_slice %arg7[%run_scoped3A_486, %dma_start3A_494, %dma_start3A_495] : memref<2x128x128xf32, #tpu.memory_space<vmem>> -> memref<1x40x128xf32, #tpu.memory_space<vmem>>
        %dma_start3A_497 = tpu.memref_squeeze %dma_start3A_496 : memref<1x40x128xf32, #tpu.memory_space<vmem>> -> memref<40x128xf32, #tpu.memory_space<vmem>>
        tpu.enqueue_dma source(%dma_start3A_497 : memref<40x128xf32, #tpu.memory_space<vmem>>) target(%dma_start3A_493 : memref<40x128xf32, #tpu.memory_space<hbm>>) target_semaphore(%run_scoped3A_488 : memref<!tpu.dma_semaphore, #tpu.memory_space<semaphore_mem>>)
        %dma_wait3A_498 = arith.constant 0 : i32
        %dma_wait3A_499 = arith.constant 0 : i32
        %dma_wait3A_500 = tpu.memref_slice %arg7[%run_scoped3A_486, %dma_wait3A_498, %dma_wait3A_499] : memref<2x128x128xf32, #tpu.memory_space<vmem>> -> memref<1x40x128xf32, #tpu.memory_space<vmem>>
        %dma_wait3A_501 = tpu.memref_squeeze %dma_wait3A_500 : memref<1x40x128xf32, #tpu.memory_space<vmem>> -> memref<40x128xf32, #tpu.memory_space<vmem>>
        %dma_wait3A_502 = tpu.memref_slice %arg4[%mul3A_483, %mul3A_485] : memref<10000x256xf32, #tpu.memory_space<hbm>> -> memref<40x128xf32, #tpu.memory_space<hbm>>
        %dma_wait3A_503 = tpu.memref_slice %arg4[%mul3A_483, %mul3A_485] : memref<10000x256xf32, #tpu.memory_space<hbm>> -> memref<40x128xf32, #tpu.memory_space<hbm>>
        %dma_wait3A_504 = arith.constant 0 : i32
        %dma_wait3A_505 = arith.constant 0 : i32
        %dma_wait3A_506 = tpu.memref_slice %arg7[%run_scoped3A_486, %dma_wait3A_504, %dma_wait3A_505] : memref<2x128x128xf32, #tpu.memory_space<vmem>> -> memref<1x40x128xf32, #tpu.memory_space<vmem>>
        %dma_wait3A_507 = tpu.memref_squeeze %dma_wait3A_506 : memref<1x40x128xf32, #tpu.memory_space<vmem>> -> memref<40x128xf32, #tpu.memory_space<vmem>>
        tpu.wait_dma2 semaphore(%run_scoped3A_488 : memref<!tpu.dma_semaphore, #tpu.memory_space<semaphore_mem>>) src(%dma_wait3A_507 : memref<40x128xf32, #tpu.memory_space<vmem>>) dst(%dma_wait3A_503 : memref<40x128xf32, #tpu.memory_space<hbm>>)
        tpu.yield
      }) : () -> ()
      %run_scoped3A_487 = arith.constant 1 : i32
      "tpu.region"() ({
        %run_scoped3A_488 = tpu.sem_alloc : memref<!tpu.dma_semaphore, #tpu.memory_space<semaphore_mem>>
        %dma_start3A = arith.constant 0 : i32
        %dma_start3A_489 = arith.constant 0 : i32
        %dma_start3A_490 = tpu.memref_slice %arg7[%run_scoped3A_487, %dma_start3A, %dma_start3A_489] : memref<2x128x128xf32, #tpu.memory_space<vmem>> -> memref<1x40x128xf32, #tpu.memory_space<vmem>>
        %dma_start3A_491 = tpu.memref_squeeze %dma_start3A_490 : memref<1x40x128xf32, #tpu.memory_space<vmem>> -> memref<40x128xf32, #tpu.memory_space<vmem>>
        %dma_start3A_492 = arith.constant 0 : i32
        %dma_start3A_493 = tpu.memref_slice %arg8[%mul3A_483, %dma_start3A_492] : memref<10000x128xf32, #tpu.memory_space<vmem_shared>> -> memref<40x128xf32, #tpu.memory_space<vmem_shared>>
        %dma_start3A_494 = arith.constant 0 : i32
        %dma_start3A_495 = tpu.memref_slice %arg8[%mul3A_483, %dma_start3A_494] : memref<10000x128xf32, #tpu.memory_space<vmem_shared>> -> memref<40x128xf32, #tpu.memory_space<vmem_shared>>
        %dma_start3A_496 = arith.constant 0 : i32
        %dma_start3A_497 = arith.constant 0 : i32
        %dma_start3A_498 = tpu.memref_slice %arg7[%run_scoped3A_487, %dma_start3A_496, %dma_start3A_497] : memref<2x128x128xf32, #tpu.memory_space<vmem>> -> memref<1x40x128xf32, #tpu.memory_space<vmem>>
        %dma_start3A_499 = tpu.memref_squeeze %dma_start3A_498 : memref<1x40x128xf32, #tpu.memory_space<vmem>> -> memref<40x128xf32, #tpu.memory_space<vmem>>
        tpu.enqueue_dma source(%dma_start3A_499 : memref<40x128xf32, #tpu.memory_space<vmem>>) target(%dma_start3A_495 : memref<40x128xf32, #tpu.memory_space<vmem_shared>>) target_semaphore(%run_scoped3A_488 : memref<!tpu.dma_semaphore, #tpu.memory_space<semaphore_mem>>)
        %dma_wait3A_500 = arith.constant 0 : i32
        %dma_wait3A_501 = arith.constant 0 : i32
        %dma_wait3A_502 = tpu.memref_slice %arg7[%run_scoped3A_487, %dma_wait3A_500, %dma_wait3A_501] : memref<2x128x128xf32, #tpu.memory_space<vmem>> -> memref<1x40x128xf32, #tpu.memory_space<vmem>>
        %dma_wait3A_503 = tpu.memref_squeeze %dma_wait3A_502 : memref<1x40x128xf32, #tpu.memory_space<vmem>> -> memref<40x128xf32, #tpu.memory_space<vmem>>
        %dma_wait3A_504 = arith.constant 0 : i32
        %dma_wait3A_505 = tpu.memref_slice %arg8[%mul3A_483, %dma_wait3A_504] : memref<10000x128xf32, #tpu.memory_space<vmem_shared>> -> memref<40x128xf32, #tpu.memory_space<vmem_shared>>
        %dma_wait3A_506 = arith.constant 0 : i32
        %dma_wait3A_507 = tpu.memref_slice %arg8[%mul3A_483, %dma_wait3A_506] : memref<10000x128xf32, #tpu.memory_space<vmem_shared>> -> memref<40x128xf32, #tpu.memory_space<vmem_shared>>
        %dma_wait3A_508 = arith.constant 0 : i32
        %dma_wait3A_509 = arith.constant 0 : i32
        %dma_wait3A_510 = tpu.memref_slice %arg7[%run_scoped3A_487, %dma_wait3A_508, %dma_wait3A_509] : memref<2x128x128xf32, #tpu.memory_space<vmem>> -> memref<1x40x128xf32, #tpu.memory_space<vmem>>
        %dma_wait3A_511 = tpu.memref_squeeze %dma_wait3A_510 : memref<1x40x128xf32, #tpu.memory_space<vmem>> -> memref<40x128xf32, #tpu.memory_space<vmem>>
        tpu.wait_dma2 semaphore(%run_scoped3A_488 : memref<!tpu.dma_semaphore, #tpu.memory_space<semaphore_mem>>) src(%dma_wait3A_511 : memref<40x128xf32, #tpu.memory_space<vmem>>) dst(%dma_wait3A_507 : memref<40x128xf32, #tpu.memory_space<vmem_shared>>)
        tpu.yield
      }) : () -> ()
    } else {
    }
    %add3A_256 = arith.constant 176 : i32
    %add3A_257 = arith.addi %add3A_256, %arg1 : i32
    %lt3A_258 = arith.constant 250 : i32
    %lt3A_259 = arith.cmpi slt, %add3A_257, %lt3A_258 : i32
    %convert_element_type3A_260 = arith.extui %lt3A_259 : i1 to i32
    %cond3A_261 = arith.constant 0 : i32
    %cond3A_262 = arith.cmpi ne, %convert_element_type3A_260, %cond3A_261 : i32
    scf.if %cond3A_262 {
      %mul3A_482 = arith.constant 40 : i32
      %mul3A_483 = arith.muli %add3A_257, %mul3A_482 : i32
      %run_scoped3A = arith.constant 0 : i32
      "tpu.region"() ({
        %run_scoped3A_488 = tpu.sem_alloc : memref<!tpu.dma_semaphore, #tpu.memory_space<semaphore_mem>>
        %dma_start3A = arith.constant 0 : i32
        %dma_start3A_489 = arith.constant 0 : i32
        %dma_start3A_490 = tpu.memref_slice %arg7[%run_scoped3A, %dma_start3A, %dma_start3A_489] : memref<2x128x128xf32, #tpu.memory_space<vmem>> -> memref<1x40x128xf32, #tpu.memory_space<vmem>>
        %dma_start3A_491 = tpu.memref_squeeze %dma_start3A_490 : memref<1x40x128xf32, #tpu.memory_space<vmem>> -> memref<40x128xf32, #tpu.memory_space<vmem>>
        %dma_start3A_492 = arith.constant 0 : i32
        %dma_start3A_493 = tpu.memref_slice %arg8[%mul3A_483, %dma_start3A_492] : memref<10000x128xf32, #tpu.memory_space<vmem_shared>> -> memref<40x128xf32, #tpu.memory_space<vmem_shared>>
        %dma_start3A_494 = arith.constant 0 : i32
        %dma_start3A_495 = arith.constant 0 : i32
        %dma_start3A_496 = tpu.memref_slice %arg7[%run_scoped3A, %dma_start3A_494, %dma_start3A_495] : memref<2x128x128xf32, #tpu.memory_space<vmem>> -> memref<1x40x128xf32, #tpu.memory_space<vmem>>
        %dma_start3A_497 = tpu.memref_squeeze %dma_start3A_496 : memref<1x40x128xf32, #tpu.memory_space<vmem>> -> memref<40x128xf32, #tpu.memory_space<vmem>>
        %dma_start3A_498 = arith.constant 0 : i32
        %dma_start3A_499 = tpu.memref_slice %arg8[%mul3A_483, %dma_start3A_498] : memref<10000x128xf32, #tpu.memory_space<vmem_shared>> -> memref<40x128xf32, #tpu.memory_space<vmem_shared>>
        tpu.enqueue_dma source(%dma_start3A_499 : memref<40x128xf32, #tpu.memory_space<vmem_shared>>) target(%dma_start3A_497 : memref<40x128xf32, #tpu.memory_space<vmem>>) target_semaphore(%run_scoped3A_488 : memref<!tpu.dma_semaphore, #tpu.memory_space<semaphore_mem>>)
        %dma_wait3A_500 = arith.constant 0 : i32
        %dma_wait3A_501 = arith.constant 0 : i32
        %dma_wait3A_502 = tpu.memref_slice %arg7[%run_scoped3A, %dma_wait3A_500, %dma_wait3A_501] : memref<2x128x128xf32, #tpu.memory_space<vmem>> -> memref<1x40x128xf32, #tpu.memory_space<vmem>>
        %dma_wait3A_503 = tpu.memref_squeeze %dma_wait3A_502 : memref<1x40x128xf32, #tpu.memory_space<vmem>> -> memref<40x128xf32, #tpu.memory_space<vmem>>
        %dma_wait3A_504 = arith.constant 0 : i32
        %dma_wait3A_505 = tpu.memref_slice %arg8[%mul3A_483, %dma_wait3A_504] : memref<10000x128xf32, #tpu.memory_space<vmem_shared>> -> memref<40x128xf32, #tpu.memory_space<vmem_shared>>
        %dma_wait3A_506 = arith.constant 0 : i32
        %dma_wait3A_507 = arith.constant 0 : i32
        %dma_wait3A_508 = tpu.memref_slice %arg7[%run_scoped3A, %dma_wait3A_506, %dma_wait3A_507] : memref<2x128x128xf32, #tpu.memory_space<vmem>> -> memref<1x40x128xf32, #tpu.memory_space<vmem>>
        %dma_wait3A_509 = tpu.memref_squeeze %dma_wait3A_508 : memref<1x40x128xf32, #tpu.memory_space<vmem>> -> memref<40x128xf32, #tpu.memory_space<vmem>>
        %dma_wait3A_510 = arith.constant 0 : i32
        %dma_wait3A_511 = tpu.memref_slice %arg8[%mul3A_483, %dma_wait3A_510] : memref<10000x128xf32, #tpu.memory_space<vmem_shared>> -> memref<40x128xf32, #tpu.memory_space<vmem_shared>>
        tpu.wait_dma2 semaphore(%run_scoped3A_488 : memref<!tpu.dma_semaphore, #tpu.memory_space<semaphore_mem>>) src(%dma_wait3A_511 : memref<40x128xf32, #tpu.memory_space<vmem_shared>>) dst(%dma_wait3A_509 : memref<40x128xf32, #tpu.memory_space<vmem>>)
        tpu.yield
      }) : () -> ()
      %mul3A_484 = arith.constant 128 : i32
      %mul3A_485 = arith.muli %arg0, %mul3A_484 : i32
      %run_scoped3A_486 = arith.constant 0 : i32
      "tpu.region"() ({
        %run_scoped3A_488 = tpu.sem_alloc : memref<!tpu.dma_semaphore, #tpu.memory_space<semaphore_mem>>
        %dma_start3A = arith.constant 0 : i32
        %dma_start3A_489 = arith.constant 0 : i32
        %dma_start3A_490 = tpu.memref_slice %arg7[%run_scoped3A_486, %dma_start3A, %dma_start3A_489] : memref<2x128x128xf32, #tpu.memory_space<vmem>> -> memref<1x40x128xf32, #tpu.memory_space<vmem>>
        %dma_start3A_491 = tpu.memref_squeeze %dma_start3A_490 : memref<1x40x128xf32, #tpu.memory_space<vmem>> -> memref<40x128xf32, #tpu.memory_space<vmem>>
        %dma_start3A_492 = tpu.memref_slice %arg4[%mul3A_483, %mul3A_485] : memref<10000x256xf32, #tpu.memory_space<hbm>> -> memref<40x128xf32, #tpu.memory_space<hbm>>
        %dma_start3A_493 = tpu.memref_slice %arg4[%mul3A_483, %mul3A_485] : memref<10000x256xf32, #tpu.memory_space<hbm>> -> memref<40x128xf32, #tpu.memory_space<hbm>>
        %dma_start3A_494 = arith.constant 0 : i32
        %dma_start3A_495 = arith.constant 0 : i32
        %dma_start3A_496 = tpu.memref_slice %arg7[%run_scoped3A_486, %dma_start3A_494, %dma_start3A_495] : memref<2x128x128xf32, #tpu.memory_space<vmem>> -> memref<1x40x128xf32, #tpu.memory_space<vmem>>
        %dma_start3A_497 = tpu.memref_squeeze %dma_start3A_496 : memref<1x40x128xf32, #tpu.memory_space<vmem>> -> memref<40x128xf32, #tpu.memory_space<vmem>>
        tpu.enqueue_dma source(%dma_start3A_497 : memref<40x128xf32, #tpu.memory_space<vmem>>) target(%dma_start3A_493 : memref<40x128xf32, #tpu.memory_space<hbm>>) target_semaphore(%run_scoped3A_488 : memref<!tpu.dma_semaphore, #tpu.memory_space<semaphore_mem>>)
        %dma_wait3A_498 = arith.constant 0 : i32
        %dma_wait3A_499 = arith.constant 0 : i32
        %dma_wait3A_500 = tpu.memref_slice %arg7[%run_scoped3A_486, %dma_wait3A_498, %dma_wait3A_499] : memref<2x128x128xf32, #tpu.memory_space<vmem>> -> memref<1x40x128xf32, #tpu.memory_space<vmem>>
        %dma_wait3A_501 = tpu.memref_squeeze %dma_wait3A_500 : memref<1x40x128xf32, #tpu.memory_space<vmem>> -> memref<40x128xf32, #tpu.memory_space<vmem>>
        %dma_wait3A_502 = tpu.memref_slice %arg4[%mul3A_483, %mul3A_485] : memref<10000x256xf32, #tpu.memory_space<hbm>> -> memref<40x128xf32, #tpu.memory_space<hbm>>
        %dma_wait3A_503 = tpu.memref_slice %arg4[%mul3A_483, %mul3A_485] : memref<10000x256xf32, #tpu.memory_space<hbm>> -> memref<40x128xf32, #tpu.memory_space<hbm>>
        %dma_wait3A_504 = arith.constant 0 : i32
        %dma_wait3A_505 = arith.constant 0 : i32
        %dma_wait3A_506 = tpu.memref_slice %arg7[%run_scoped3A_486, %dma_wait3A_504, %dma_wait3A_505] : memref<2x128x128xf32, #tpu.memory_space<vmem>> -> memref<1x40x128xf32, #tpu.memory_space<vmem>>
        %dma_wait3A_507 = tpu.memref_squeeze %dma_wait3A_506 : memref<1x40x128xf32, #tpu.memory_space<vmem>> -> memref<40x128xf32, #tpu.memory_space<vmem>>
        tpu.wait_dma2 semaphore(%run_scoped3A_488 : memref<!tpu.dma_semaphore, #tpu.memory_space<semaphore_mem>>) src(%dma_wait3A_507 : memref<40x128xf32, #tpu.memory_space<vmem>>) dst(%dma_wait3A_503 : memref<40x128xf32, #tpu.memory_space<hbm>>)
        tpu.yield
      }) : () -> ()
      %run_scoped3A_487 = arith.constant 1 : i32
      "tpu.region"() ({
        %run_scoped3A_488 = tpu.sem_alloc : memref<!tpu.dma_semaphore, #tpu.memory_space<semaphore_mem>>
        %dma_start3A = arith.constant 0 : i32
        %dma_start3A_489 = arith.constant 0 : i32
        %dma_start3A_490 = tpu.memref_slice %arg7[%run_scoped3A_487, %dma_start3A, %dma_start3A_489] : memref<2x128x128xf32, #tpu.memory_space<vmem>> -> memref<1x40x128xf32, #tpu.memory_space<vmem>>
        %dma_start3A_491 = tpu.memref_squeeze %dma_start3A_490 : memref<1x40x128xf32, #tpu.memory_space<vmem>> -> memref<40x128xf32, #tpu.memory_space<vmem>>
        %dma_start3A_492 = arith.constant 0 : i32
        %dma_start3A_493 = tpu.memref_slice %arg8[%mul3A_483, %dma_start3A_492] : memref<10000x128xf32, #tpu.memory_space<vmem_shared>> -> memref<40x128xf32, #tpu.memory_space<vmem_shared>>
        %dma_start3A_494 = arith.constant 0 : i32
        %dma_start3A_495 = tpu.memref_slice %arg8[%mul3A_483, %dma_start3A_494] : memref<10000x128xf32, #tpu.memory_space<vmem_shared>> -> memref<40x128xf32, #tpu.memory_space<vmem_shared>>
        %dma_start3A_496 = arith.constant 0 : i32
        %dma_start3A_497 = arith.constant 0 : i32
        %dma_start3A_498 = tpu.memref_slice %arg7[%run_scoped3A_487, %dma_start3A_496, %dma_start3A_497] : memref<2x128x128xf32, #tpu.memory_space<vmem>> -> memref<1x40x128xf32, #tpu.memory_space<vmem>>
        %dma_start3A_499 = tpu.memref_squeeze %dma_start3A_498 : memref<1x40x128xf32, #tpu.memory_space<vmem>> -> memref<40x128xf32, #tpu.memory_space<vmem>>
        tpu.enqueue_dma source(%dma_start3A_499 : memref<40x128xf32, #tpu.memory_space<vmem>>) target(%dma_start3A_495 : memref<40x128xf32, #tpu.memory_space<vmem_shared>>) target_semaphore(%run_scoped3A_488 : memref<!tpu.dma_semaphore, #tpu.memory_space<semaphore_mem>>)
        %dma_wait3A_500 = arith.constant 0 : i32
        %dma_wait3A_501 = arith.constant 0 : i32
        %dma_wait3A_502 = tpu.memref_slice %arg7[%run_scoped3A_487, %dma_wait3A_500, %dma_wait3A_501] : memref<2x128x128xf32, #tpu.memory_space<vmem>> -> memref<1x40x128xf32, #tpu.memory_space<vmem>>
        %dma_wait3A_503 = tpu.memref_squeeze %dma_wait3A_502 : memref<1x40x128xf32, #tpu.memory_space<vmem>> -> memref<40x128xf32, #tpu.memory_space<vmem>>
        %dma_wait3A_504 = arith.constant 0 : i32
        %dma_wait3A_505 = tpu.memref_slice %arg8[%mul3A_483, %dma_wait3A_504] : memref<10000x128xf32, #tpu.memory_space<vmem_shared>> -> memref<40x128xf32, #tpu.memory_space<vmem_shared>>
        %dma_wait3A_506 = arith.constant 0 : i32
        %dma_wait3A_507 = tpu.memref_slice %arg8[%mul3A_483, %dma_wait3A_506] : memref<10000x128xf32, #tpu.memory_space<vmem_shared>> -> memref<40x128xf32, #tpu.memory_space<vmem_shared>>
        %dma_wait3A_508 = arith.constant 0 : i32
        %dma_wait3A_509 = arith.constant 0 : i32
        %dma_wait3A_510 = tpu.memref_slice %arg7[%run_scoped3A_487, %dma_wait3A_508, %dma_wait3A_509] : memref<2x128x128xf32, #tpu.memory_space<vmem>> -> memref<1x40x128xf32, #tpu.memory_space<vmem>>
        %dma_wait3A_511 = tpu.memref_squeeze %dma_wait3A_510 : memref<1x40x128xf32, #tpu.memory_space<vmem>> -> memref<40x128xf32, #tpu.memory_space<vmem>>
        tpu.wait_dma2 semaphore(%run_scoped3A_488 : memref<!tpu.dma_semaphore, #tpu.memory_space<semaphore_mem>>) src(%dma_wait3A_511 : memref<40x128xf32, #tpu.memory_space<vmem>>) dst(%dma_wait3A_507 : memref<40x128xf32, #tpu.memory_space<vmem_shared>>)
        tpu.yield
      }) : () -> ()
    } else {
    }
    %add3A_263 = arith.constant 192 : i32
    %add3A_264 = arith.addi %add3A_263, %arg1 : i32
    %lt3A_265 = arith.constant 250 : i32
    %lt3A_266 = arith.cmpi slt, %add3A_264, %lt3A_265 : i32
    %convert_element_type3A_267 = arith.extui %lt3A_266 : i1 to i32
    %cond3A_268 = arith.constant 0 : i32
    %cond3A_269 = arith.cmpi ne, %convert_element_type3A_267, %cond3A_268 : i32
    scf.if %cond3A_269 {
      %mul3A_482 = arith.constant 40 : i32
      %mul3A_483 = arith.muli %add3A_264, %mul3A_482 : i32
      %run_scoped3A = arith.constant 0 : i32
      "tpu.region"() ({
        %run_scoped3A_488 = tpu.sem_alloc : memref<!tpu.dma_semaphore, #tpu.memory_space<semaphore_mem>>
        %dma_start3A = arith.constant 0 : i32
        %dma_start3A_489 = arith.constant 0 : i32
        %dma_start3A_490 = tpu.memref_slice %arg7[%run_scoped3A, %dma_start3A, %dma_start3A_489] : memref<2x128x128xf32, #tpu.memory_space<vmem>> -> memref<1x40x128xf32, #tpu.memory_space<vmem>>
        %dma_start3A_491 = tpu.memref_squeeze %dma_start3A_490 : memref<1x40x128xf32, #tpu.memory_space<vmem>> -> memref<40x128xf32, #tpu.memory_space<vmem>>
        %dma_start3A_492 = arith.constant 0 : i32
        %dma_start3A_493 = tpu.memref_slice %arg8[%mul3A_483, %dma_start3A_492] : memref<10000x128xf32, #tpu.memory_space<vmem_shared>> -> memref<40x128xf32, #tpu.memory_space<vmem_shared>>
        %dma_start3A_494 = arith.constant 0 : i32
        %dma_start3A_495 = arith.constant 0 : i32
        %dma_start3A_496 = tpu.memref_slice %arg7[%run_scoped3A, %dma_start3A_494, %dma_start3A_495] : memref<2x128x128xf32, #tpu.memory_space<vmem>> -> memref<1x40x128xf32, #tpu.memory_space<vmem>>
        %dma_start3A_497 = tpu.memref_squeeze %dma_start3A_496 : memref<1x40x128xf32, #tpu.memory_space<vmem>> -> memref<40x128xf32, #tpu.memory_space<vmem>>
        %dma_start3A_498 = arith.constant 0 : i32
        %dma_start3A_499 = tpu.memref_slice %arg8[%mul3A_483, %dma_start3A_498] : memref<10000x128xf32, #tpu.memory_space<vmem_shared>> -> memref<40x128xf32, #tpu.memory_space<vmem_shared>>
        tpu.enqueue_dma source(%dma_start3A_499 : memref<40x128xf32, #tpu.memory_space<vmem_shared>>) target(%dma_start3A_497 : memref<40x128xf32, #tpu.memory_space<vmem>>) target_semaphore(%run_scoped3A_488 : memref<!tpu.dma_semaphore, #tpu.memory_space<semaphore_mem>>)
        %dma_wait3A_500 = arith.constant 0 : i32
        %dma_wait3A_501 = arith.constant 0 : i32
        %dma_wait3A_502 = tpu.memref_slice %arg7[%run_scoped3A, %dma_wait3A_500, %dma_wait3A_501] : memref<2x128x128xf32, #tpu.memory_space<vmem>> -> memref<1x40x128xf32, #tpu.memory_space<vmem>>
        %dma_wait3A_503 = tpu.memref_squeeze %dma_wait3A_502 : memref<1x40x128xf32, #tpu.memory_space<vmem>> -> memref<40x128xf32, #tpu.memory_space<vmem>>
        %dma_wait3A_504 = arith.constant 0 : i32
        %dma_wait3A_505 = tpu.memref_slice %arg8[%mul3A_483, %dma_wait3A_504] : memref<10000x128xf32, #tpu.memory_space<vmem_shared>> -> memref<40x128xf32, #tpu.memory_space<vmem_shared>>
        %dma_wait3A_506 = arith.constant 0 : i32
        %dma_wait3A_507 = arith.constant 0 : i32
        %dma_wait3A_508 = tpu.memref_slice %arg7[%run_scoped3A, %dma_wait3A_506, %dma_wait3A_507] : memref<2x128x128xf32, #tpu.memory_space<vmem>> -> memref<1x40x128xf32, #tpu.memory_space<vmem>>
        %dma_wait3A_509 = tpu.memref_squeeze %dma_wait3A_508 : memref<1x40x128xf32, #tpu.memory_space<vmem>> -> memref<40x128xf32, #tpu.memory_space<vmem>>
        %dma_wait3A_510 = arith.constant 0 : i32
        %dma_wait3A_511 = tpu.memref_slice %arg8[%mul3A_483, %dma_wait3A_510] : memref<10000x128xf32, #tpu.memory_space<vmem_shared>> -> memref<40x128xf32, #tpu.memory_space<vmem_shared>>
        tpu.wait_dma2 semaphore(%run_scoped3A_488 : memref<!tpu.dma_semaphore, #tpu.memory_space<semaphore_mem>>) src(%dma_wait3A_511 : memref<40x128xf32, #tpu.memory_space<vmem_shared>>) dst(%dma_wait3A_509 : memref<40x128xf32, #tpu.memory_space<vmem>>)
        tpu.yield
      }) : () -> ()
      %mul3A_484 = arith.constant 128 : i32
      %mul3A_485 = arith.muli %arg0, %mul3A_484 : i32
      %run_scoped3A_486 = arith.constant 0 : i32
      "tpu.region"() ({
        %run_scoped3A_488 = tpu.sem_alloc : memref<!tpu.dma_semaphore, #tpu.memory_space<semaphore_mem>>
        %dma_start3A = arith.constant 0 : i32
        %dma_start3A_489 = arith.constant 0 : i32
        %dma_start3A_490 = tpu.memref_slice %arg7[%run_scoped3A_486, %dma_start3A, %dma_start3A_489] : memref<2x128x128xf32, #tpu.memory_space<vmem>> -> memref<1x40x128xf32, #tpu.memory_space<vmem>>
        %dma_start3A_491 = tpu.memref_squeeze %dma_start3A_490 : memref<1x40x128xf32, #tpu.memory_space<vmem>> -> memref<40x128xf32, #tpu.memory_space<vmem>>
        %dma_start3A_492 = tpu.memref_slice %arg4[%mul3A_483, %mul3A_485] : memref<10000x256xf32, #tpu.memory_space<hbm>> -> memref<40x128xf32, #tpu.memory_space<hbm>>
        %dma_start3A_493 = tpu.memref_slice %arg4[%mul3A_483, %mul3A_485] : memref<10000x256xf32, #tpu.memory_space<hbm>> -> memref<40x128xf32, #tpu.memory_space<hbm>>
        %dma_start3A_494 = arith.constant 0 : i32
        %dma_start3A_495 = arith.constant 0 : i32
        %dma_start3A_496 = tpu.memref_slice %arg7[%run_scoped3A_486, %dma_start3A_494, %dma_start3A_495] : memref<2x128x128xf32, #tpu.memory_space<vmem>> -> memref<1x40x128xf32, #tpu.memory_space<vmem>>
        %dma_start3A_497 = tpu.memref_squeeze %dma_start3A_496 : memref<1x40x128xf32, #tpu.memory_space<vmem>> -> memref<40x128xf32, #tpu.memory_space<vmem>>
        tpu.enqueue_dma source(%dma_start3A_497 : memref<40x128xf32, #tpu.memory_space<vmem>>) target(%dma_start3A_493 : memref<40x128xf32, #tpu.memory_space<hbm>>) target_semaphore(%run_scoped3A_488 : memref<!tpu.dma_semaphore, #tpu.memory_space<semaphore_mem>>)
        %dma_wait3A_498 = arith.constant 0 : i32
        %dma_wait3A_499 = arith.constant 0 : i32
        %dma_wait3A_500 = tpu.memref_slice %arg7[%run_scoped3A_486, %dma_wait3A_498, %dma_wait3A_499] : memref<2x128x128xf32, #tpu.memory_space<vmem>> -> memref<1x40x128xf32, #tpu.memory_space<vmem>>
        %dma_wait3A_501 = tpu.memref_squeeze %dma_wait3A_500 : memref<1x40x128xf32, #tpu.memory_space<vmem>> -> memref<40x128xf32, #tpu.memory_space<vmem>>
        %dma_wait3A_502 = tpu.memref_slice %arg4[%mul3A_483, %mul3A_485] : memref<10000x256xf32, #tpu.memory_space<hbm>> -> memref<40x128xf32, #tpu.memory_space<hbm>>
        %dma_wait3A_503 = tpu.memref_slice %arg4[%mul3A_483, %mul3A_485] : memref<10000x256xf32, #tpu.memory_space<hbm>> -> memref<40x128xf32, #tpu.memory_space<hbm>>
        %dma_wait3A_504 = arith.constant 0 : i32
        %dma_wait3A_505 = arith.constant 0 : i32
        %dma_wait3A_506 = tpu.memref_slice %arg7[%run_scoped3A_486, %dma_wait3A_504, %dma_wait3A_505] : memref<2x128x128xf32, #tpu.memory_space<vmem>> -> memref<1x40x128xf32, #tpu.memory_space<vmem>>
        %dma_wait3A_507 = tpu.memref_squeeze %dma_wait3A_506 : memref<1x40x128xf32, #tpu.memory_space<vmem>> -> memref<40x128xf32, #tpu.memory_space<vmem>>
        tpu.wait_dma2 semaphore(%run_scoped3A_488 : memref<!tpu.dma_semaphore, #tpu.memory_space<semaphore_mem>>) src(%dma_wait3A_507 : memref<40x128xf32, #tpu.memory_space<vmem>>) dst(%dma_wait3A_503 : memref<40x128xf32, #tpu.memory_space<hbm>>)
        tpu.yield
      }) : () -> ()
      %run_scoped3A_487 = arith.constant 1 : i32
      "tpu.region"() ({
        %run_scoped3A_488 = tpu.sem_alloc : memref<!tpu.dma_semaphore, #tpu.memory_space<semaphore_mem>>
        %dma_start3A = arith.constant 0 : i32
        %dma_start3A_489 = arith.constant 0 : i32
        %dma_start3A_490 = tpu.memref_slice %arg7[%run_scoped3A_487, %dma_start3A, %dma_start3A_489] : memref<2x128x128xf32, #tpu.memory_space<vmem>> -> memref<1x40x128xf32, #tpu.memory_space<vmem>>
        %dma_start3A_491 = tpu.memref_squeeze %dma_start3A_490 : memref<1x40x128xf32, #tpu.memory_space<vmem>> -> memref<40x128xf32, #tpu.memory_space<vmem>>
        %dma_start3A_492 = arith.constant 0 : i32
        %dma_start3A_493 = tpu.memref_slice %arg8[%mul3A_483, %dma_start3A_492] : memref<10000x128xf32, #tpu.memory_space<vmem_shared>> -> memref<40x128xf32, #tpu.memory_space<vmem_shared>>
        %dma_start3A_494 = arith.constant 0 : i32
        %dma_start3A_495 = tpu.memref_slice %arg8[%mul3A_483, %dma_start3A_494] : memref<10000x128xf32, #tpu.memory_space<vmem_shared>> -> memref<40x128xf32, #tpu.memory_space<vmem_shared>>
        %dma_start3A_496 = arith.constant 0 : i32
        %dma_start3A_497 = arith.constant 0 : i32
        %dma_start3A_498 = tpu.memref_slice %arg7[%run_scoped3A_487, %dma_start3A_496, %dma_start3A_497] : memref<2x128x128xf32, #tpu.memory_space<vmem>> -> memref<1x40x128xf32, #tpu.memory_space<vmem>>
        %dma_start3A_499 = tpu.memref_squeeze %dma_start3A_498 : memref<1x40x128xf32, #tpu.memory_space<vmem>> -> memref<40x128xf32, #tpu.memory_space<vmem>>
        tpu.enqueue_dma source(%dma_start3A_499 : memref<40x128xf32, #tpu.memory_space<vmem>>) target(%dma_start3A_495 : memref<40x128xf32, #tpu.memory_space<vmem_shared>>) target_semaphore(%run_scoped3A_488 : memref<!tpu.dma_semaphore, #tpu.memory_space<semaphore_mem>>)
        %dma_wait3A_500 = arith.constant 0 : i32
        %dma_wait3A_501 = arith.constant 0 : i32
        %dma_wait3A_502 = tpu.memref_slice %arg7[%run_scoped3A_487, %dma_wait3A_500, %dma_wait3A_501] : memref<2x128x128xf32, #tpu.memory_space<vmem>> -> memref<1x40x128xf32, #tpu.memory_space<vmem>>
        %dma_wait3A_503 = tpu.memref_squeeze %dma_wait3A_502 : memref<1x40x128xf32, #tpu.memory_space<vmem>> -> memref<40x128xf32, #tpu.memory_space<vmem>>
        %dma_wait3A_504 = arith.constant 0 : i32
        %dma_wait3A_505 = tpu.memref_slice %arg8[%mul3A_483, %dma_wait3A_504] : memref<10000x128xf32, #tpu.memory_space<vmem_shared>> -> memref<40x128xf32, #tpu.memory_space<vmem_shared>>
        %dma_wait3A_506 = arith.constant 0 : i32
        %dma_wait3A_507 = tpu.memref_slice %arg8[%mul3A_483, %dma_wait3A_506] : memref<10000x128xf32, #tpu.memory_space<vmem_shared>> -> memref<40x128xf32, #tpu.memory_space<vmem_shared>>
        %dma_wait3A_508 = arith.constant 0 : i32
        %dma_wait3A_509 = arith.constant 0 : i32
        %dma_wait3A_510 = tpu.memref_slice %arg7[%run_scoped3A_487, %dma_wait3A_508, %dma_wait3A_509] : memref<2x128x128xf32, #tpu.memory_space<vmem>> -> memref<1x40x128xf32, #tpu.memory_space<vmem>>
        %dma_wait3A_511 = tpu.memref_squeeze %dma_wait3A_510 : memref<1x40x128xf32, #tpu.memory_space<vmem>> -> memref<40x128xf32, #tpu.memory_space<vmem>>
        tpu.wait_dma2 semaphore(%run_scoped3A_488 : memref<!tpu.dma_semaphore, #tpu.memory_space<semaphore_mem>>) src(%dma_wait3A_511 : memref<40x128xf32, #tpu.memory_space<vmem>>) dst(%dma_wait3A_507 : memref<40x128xf32, #tpu.memory_space<vmem_shared>>)
        tpu.yield
      }) : () -> ()
    } else {
    }
    %add3A_270 = arith.constant 208 : i32
    %add3A_271 = arith.addi %add3A_270, %arg1 : i32
    %lt3A_272 = arith.constant 250 : i32
    %lt3A_273 = arith.cmpi slt, %add3A_271, %lt3A_272 : i32
    %convert_element_type3A_274 = arith.extui %lt3A_273 : i1 to i32
    %cond3A_275 = arith.constant 0 : i32
    %cond3A_276 = arith.cmpi ne, %convert_element_type3A_274, %cond3A_275 : i32
    scf.if %cond3A_276 {
      %mul3A_482 = arith.constant 40 : i32
      %mul3A_483 = arith.muli %add3A_271, %mul3A_482 : i32
      %run_scoped3A = arith.constant 0 : i32
      "tpu.region"() ({
        %run_scoped3A_488 = tpu.sem_alloc : memref<!tpu.dma_semaphore, #tpu.memory_space<semaphore_mem>>
        %dma_start3A = arith.constant 0 : i32
        %dma_start3A_489 = arith.constant 0 : i32
        %dma_start3A_490 = tpu.memref_slice %arg7[%run_scoped3A, %dma_start3A, %dma_start3A_489] : memref<2x128x128xf32, #tpu.memory_space<vmem>> -> memref<1x40x128xf32, #tpu.memory_space<vmem>>
        %dma_start3A_491 = tpu.memref_squeeze %dma_start3A_490 : memref<1x40x128xf32, #tpu.memory_space<vmem>> -> memref<40x128xf32, #tpu.memory_space<vmem>>
        %dma_start3A_492 = arith.constant 0 : i32
        %dma_start3A_493 = tpu.memref_slice %arg8[%mul3A_483, %dma_start3A_492] : memref<10000x128xf32, #tpu.memory_space<vmem_shared>> -> memref<40x128xf32, #tpu.memory_space<vmem_shared>>
        %dma_start3A_494 = arith.constant 0 : i32
        %dma_start3A_495 = arith.constant 0 : i32
        %dma_start3A_496 = tpu.memref_slice %arg7[%run_scoped3A, %dma_start3A_494, %dma_start3A_495] : memref<2x128x128xf32, #tpu.memory_space<vmem>> -> memref<1x40x128xf32, #tpu.memory_space<vmem>>
        %dma_start3A_497 = tpu.memref_squeeze %dma_start3A_496 : memref<1x40x128xf32, #tpu.memory_space<vmem>> -> memref<40x128xf32, #tpu.memory_space<vmem>>
        %dma_start3A_498 = arith.constant 0 : i32
        %dma_start3A_499 = tpu.memref_slice %arg8[%mul3A_483, %dma_start3A_498] : memref<10000x128xf32, #tpu.memory_space<vmem_shared>> -> memref<40x128xf32, #tpu.memory_space<vmem_shared>>
        tpu.enqueue_dma source(%dma_start3A_499 : memref<40x128xf32, #tpu.memory_space<vmem_shared>>) target(%dma_start3A_497 : memref<40x128xf32, #tpu.memory_space<vmem>>) target_semaphore(%run_scoped3A_488 : memref<!tpu.dma_semaphore, #tpu.memory_space<semaphore_mem>>)
        %dma_wait3A_500 = arith.constant 0 : i32
        %dma_wait3A_501 = arith.constant 0 : i32
        %dma_wait3A_502 = tpu.memref_slice %arg7[%run_scoped3A, %dma_wait3A_500, %dma_wait3A_501] : memref<2x128x128xf32, #tpu.memory_space<vmem>> -> memref<1x40x128xf32, #tpu.memory_space<vmem>>
        %dma_wait3A_503 = tpu.memref_squeeze %dma_wait3A_502 : memref<1x40x128xf32, #tpu.memory_space<vmem>> -> memref<40x128xf32, #tpu.memory_space<vmem>>
        %dma_wait3A_504 = arith.constant 0 : i32
        %dma_wait3A_505 = tpu.memref_slice %arg8[%mul3A_483, %dma_wait3A_504] : memref<10000x128xf32, #tpu.memory_space<vmem_shared>> -> memref<40x128xf32, #tpu.memory_space<vmem_shared>>
        %dma_wait3A_506 = arith.constant 0 : i32
        %dma_wait3A_507 = arith.constant 0 : i32
        %dma_wait3A_508 = tpu.memref_slice %arg7[%run_scoped3A, %dma_wait3A_506, %dma_wait3A_507] : memref<2x128x128xf32, #tpu.memory_space<vmem>> -> memref<1x40x128xf32, #tpu.memory_space<vmem>>
        %dma_wait3A_509 = tpu.memref_squeeze %dma_wait3A_508 : memref<1x40x128xf32, #tpu.memory_space<vmem>> -> memref<40x128xf32, #tpu.memory_space<vmem>>
        %dma_wait3A_510 = arith.constant 0 : i32
        %dma_wait3A_511 = tpu.memref_slice %arg8[%mul3A_483, %dma_wait3A_510] : memref<10000x128xf32, #tpu.memory_space<vmem_shared>> -> memref<40x128xf32, #tpu.memory_space<vmem_shared>>
        tpu.wait_dma2 semaphore(%run_scoped3A_488 : memref<!tpu.dma_semaphore, #tpu.memory_space<semaphore_mem>>) src(%dma_wait3A_511 : memref<40x128xf32, #tpu.memory_space<vmem_shared>>) dst(%dma_wait3A_509 : memref<40x128xf32, #tpu.memory_space<vmem>>)
        tpu.yield
      }) : () -> ()
      %mul3A_484 = arith.constant 128 : i32
      %mul3A_485 = arith.muli %arg0, %mul3A_484 : i32
      %run_scoped3A_486 = arith.constant 0 : i32
      "tpu.region"() ({
        %run_scoped3A_488 = tpu.sem_alloc : memref<!tpu.dma_semaphore, #tpu.memory_space<semaphore_mem>>
        %dma_start3A = arith.constant 0 : i32
        %dma_start3A_489 = arith.constant 0 : i32
        %dma_start3A_490 = tpu.memref_slice %arg7[%run_scoped3A_486, %dma_start3A, %dma_start3A_489] : memref<2x128x128xf32, #tpu.memory_space<vmem>> -> memref<1x40x128xf32, #tpu.memory_space<vmem>>
        %dma_start3A_491 = tpu.memref_squeeze %dma_start3A_490 : memref<1x40x128xf32, #tpu.memory_space<vmem>> -> memref<40x128xf32, #tpu.memory_space<vmem>>
        %dma_start3A_492 = tpu.memref_slice %arg4[%mul3A_483, %mul3A_485] : memref<10000x256xf32, #tpu.memory_space<hbm>> -> memref<40x128xf32, #tpu.memory_space<hbm>>
        %dma_start3A_493 = tpu.memref_slice %arg4[%mul3A_483, %mul3A_485] : memref<10000x256xf32, #tpu.memory_space<hbm>> -> memref<40x128xf32, #tpu.memory_space<hbm>>
        %dma_start3A_494 = arith.constant 0 : i32
        %dma_start3A_495 = arith.constant 0 : i32
        %dma_start3A_496 = tpu.memref_slice %arg7[%run_scoped3A_486, %dma_start3A_494, %dma_start3A_495] : memref<2x128x128xf32, #tpu.memory_space<vmem>> -> memref<1x40x128xf32, #tpu.memory_space<vmem>>
        %dma_start3A_497 = tpu.memref_squeeze %dma_start3A_496 : memref<1x40x128xf32, #tpu.memory_space<vmem>> -> memref<40x128xf32, #tpu.memory_space<vmem>>
        tpu.enqueue_dma source(%dma_start3A_497 : memref<40x128xf32, #tpu.memory_space<vmem>>) target(%dma_start3A_493 : memref<40x128xf32, #tpu.memory_space<hbm>>) target_semaphore(%run_scoped3A_488 : memref<!tpu.dma_semaphore, #tpu.memory_space<semaphore_mem>>)
        %dma_wait3A_498 = arith.constant 0 : i32
        %dma_wait3A_499 = arith.constant 0 : i32
        %dma_wait3A_500 = tpu.memref_slice %arg7[%run_scoped3A_486, %dma_wait3A_498, %dma_wait3A_499] : memref<2x128x128xf32, #tpu.memory_space<vmem>> -> memref<1x40x128xf32, #tpu.memory_space<vmem>>
        %dma_wait3A_501 = tpu.memref_squeeze %dma_wait3A_500 : memref<1x40x128xf32, #tpu.memory_space<vmem>> -> memref<40x128xf32, #tpu.memory_space<vmem>>
        %dma_wait3A_502 = tpu.memref_slice %arg4[%mul3A_483, %mul3A_485] : memref<10000x256xf32, #tpu.memory_space<hbm>> -> memref<40x128xf32, #tpu.memory_space<hbm>>
        %dma_wait3A_503 = tpu.memref_slice %arg4[%mul3A_483, %mul3A_485] : memref<10000x256xf32, #tpu.memory_space<hbm>> -> memref<40x128xf32, #tpu.memory_space<hbm>>
        %dma_wait3A_504 = arith.constant 0 : i32
        %dma_wait3A_505 = arith.constant 0 : i32
        %dma_wait3A_506 = tpu.memref_slice %arg7[%run_scoped3A_486, %dma_wait3A_504, %dma_wait3A_505] : memref<2x128x128xf32, #tpu.memory_space<vmem>> -> memref<1x40x128xf32, #tpu.memory_space<vmem>>
        %dma_wait3A_507 = tpu.memref_squeeze %dma_wait3A_506 : memref<1x40x128xf32, #tpu.memory_space<vmem>> -> memref<40x128xf32, #tpu.memory_space<vmem>>
        tpu.wait_dma2 semaphore(%run_scoped3A_488 : memref<!tpu.dma_semaphore, #tpu.memory_space<semaphore_mem>>) src(%dma_wait3A_507 : memref<40x128xf32, #tpu.memory_space<vmem>>) dst(%dma_wait3A_503 : memref<40x128xf32, #tpu.memory_space<hbm>>)
        tpu.yield
      }) : () -> ()
      %run_scoped3A_487 = arith.constant 1 : i32
      "tpu.region"() ({
        %run_scoped3A_488 = tpu.sem_alloc : memref<!tpu.dma_semaphore, #tpu.memory_space<semaphore_mem>>
        %dma_start3A = arith.constant 0 : i32
        %dma_start3A_489 = arith.constant 0 : i32
        %dma_start3A_490 = tpu.memref_slice %arg7[%run_scoped3A_487, %dma_start3A, %dma_start3A_489] : memref<2x128x128xf32, #tpu.memory_space<vmem>> -> memref<1x40x128xf32, #tpu.memory_space<vmem>>
        %dma_start3A_491 = tpu.memref_squeeze %dma_start3A_490 : memref<1x40x128xf32, #tpu.memory_space<vmem>> -> memref<40x128xf32, #tpu.memory_space<vmem>>
        %dma_start3A_492 = arith.constant 0 : i32
        %dma_start3A_493 = tpu.memref_slice %arg8[%mul3A_483, %dma_start3A_492] : memref<10000x128xf32, #tpu.memory_space<vmem_shared>> -> memref<40x128xf32, #tpu.memory_space<vmem_shared>>
        %dma_start3A_494 = arith.constant 0 : i32
        %dma_start3A_495 = tpu.memref_slice %arg8[%mul3A_483, %dma_start3A_494] : memref<10000x128xf32, #tpu.memory_space<vmem_shared>> -> memref<40x128xf32, #tpu.memory_space<vmem_shared>>
        %dma_start3A_496 = arith.constant 0 : i32
        %dma_start3A_497 = arith.constant 0 : i32
        %dma_start3A_498 = tpu.memref_slice %arg7[%run_scoped3A_487, %dma_start3A_496, %dma_start3A_497] : memref<2x128x128xf32, #tpu.memory_space<vmem>> -> memref<1x40x128xf32, #tpu.memory_space<vmem>>
        %dma_start3A_499 = tpu.memref_squeeze %dma_start3A_498 : memref<1x40x128xf32, #tpu.memory_space<vmem>> -> memref<40x128xf32, #tpu.memory_space<vmem>>
        tpu.enqueue_dma source(%dma_start3A_499 : memref<40x128xf32, #tpu.memory_space<vmem>>) target(%dma_start3A_495 : memref<40x128xf32, #tpu.memory_space<vmem_shared>>) target_semaphore(%run_scoped3A_488 : memref<!tpu.dma_semaphore, #tpu.memory_space<semaphore_mem>>)
        %dma_wait3A_500 = arith.constant 0 : i32
        %dma_wait3A_501 = arith.constant 0 : i32
        %dma_wait3A_502 = tpu.memref_slice %arg7[%run_scoped3A_487, %dma_wait3A_500, %dma_wait3A_501] : memref<2x128x128xf32, #tpu.memory_space<vmem>> -> memref<1x40x128xf32, #tpu.memory_space<vmem>>
        %dma_wait3A_503 = tpu.memref_squeeze %dma_wait3A_502 : memref<1x40x128xf32, #tpu.memory_space<vmem>> -> memref<40x128xf32, #tpu.memory_space<vmem>>
        %dma_wait3A_504 = arith.constant 0 : i32
        %dma_wait3A_505 = tpu.memref_slice %arg8[%mul3A_483, %dma_wait3A_504] : memref<10000x128xf32, #tpu.memory_space<vmem_shared>> -> memref<40x128xf32, #tpu.memory_space<vmem_shared>>
        %dma_wait3A_506 = arith.constant 0 : i32
        %dma_wait3A_507 = tpu.memref_slice %arg8[%mul3A_483, %dma_wait3A_506] : memref<10000x128xf32, #tpu.memory_space<vmem_shared>> -> memref<40x128xf32, #tpu.memory_space<vmem_shared>>
        %dma_wait3A_508 = arith.constant 0 : i32
        %dma_wait3A_509 = arith.constant 0 : i32
        %dma_wait3A_510 = tpu.memref_slice %arg7[%run_scoped3A_487, %dma_wait3A_508, %dma_wait3A_509] : memref<2x128x128xf32, #tpu.memory_space<vmem>> -> memref<1x40x128xf32, #tpu.memory_space<vmem>>
        %dma_wait3A_511 = tpu.memref_squeeze %dma_wait3A_510 : memref<1x40x128xf32, #tpu.memory_space<vmem>> -> memref<40x128xf32, #tpu.memory_space<vmem>>
        tpu.wait_dma2 semaphore(%run_scoped3A_488 : memref<!tpu.dma_semaphore, #tpu.memory_space<semaphore_mem>>) src(%dma_wait3A_511 : memref<40x128xf32, #tpu.memory_space<vmem>>) dst(%dma_wait3A_507 : memref<40x128xf32, #tpu.memory_space<vmem_shared>>)
        tpu.yield
      }) : () -> ()
    } else {
    }
    %add3A_277 = arith.constant 224 : i32
    %add3A_278 = arith.addi %add3A_277, %arg1 : i32
    %lt3A_279 = arith.constant 250 : i32
    %lt3A_280 = arith.cmpi slt, %add3A_278, %lt3A_279 : i32
    %convert_element_type3A_281 = arith.extui %lt3A_280 : i1 to i32
    %cond3A_282 = arith.constant 0 : i32
    %cond3A_283 = arith.cmpi ne, %convert_element_type3A_281, %cond3A_282 : i32
    scf.if %cond3A_283 {
      %mul3A_482 = arith.constant 40 : i32
      %mul3A_483 = arith.muli %add3A_278, %mul3A_482 : i32
      %run_scoped3A = arith.constant 0 : i32
      "tpu.region"() ({
        %run_scoped3A_488 = tpu.sem_alloc : memref<!tpu.dma_semaphore, #tpu.memory_space<semaphore_mem>>
        %dma_start3A = arith.constant 0 : i32
        %dma_start3A_489 = arith.constant 0 : i32
        %dma_start3A_490 = tpu.memref_slice %arg7[%run_scoped3A, %dma_start3A, %dma_start3A_489] : memref<2x128x128xf32, #tpu.memory_space<vmem>> -> memref<1x40x128xf32, #tpu.memory_space<vmem>>
        %dma_start3A_491 = tpu.memref_squeeze %dma_start3A_490 : memref<1x40x128xf32, #tpu.memory_space<vmem>> -> memref<40x128xf32, #tpu.memory_space<vmem>>
        %dma_start3A_492 = arith.constant 0 : i32
        %dma_start3A_493 = tpu.memref_slice %arg8[%mul3A_483, %dma_start3A_492] : memref<10000x128xf32, #tpu.memory_space<vmem_shared>> -> memref<40x128xf32, #tpu.memory_space<vmem_shared>>
        %dma_start3A_494 = arith.constant 0 : i32
        %dma_start3A_495 = arith.constant 0 : i32
        %dma_start3A_496 = tpu.memref_slice %arg7[%run_scoped3A, %dma_start3A_494, %dma_start3A_495] : memref<2x128x128xf32, #tpu.memory_space<vmem>> -> memref<1x40x128xf32, #tpu.memory_space<vmem>>
        %dma_start3A_497 = tpu.memref_squeeze %dma_start3A_496 : memref<1x40x128xf32, #tpu.memory_space<vmem>> -> memref<40x128xf32, #tpu.memory_space<vmem>>
        %dma_start3A_498 = arith.constant 0 : i32
        %dma_start3A_499 = tpu.memref_slice %arg8[%mul3A_483, %dma_start3A_498] : memref<10000x128xf32, #tpu.memory_space<vmem_shared>> -> memref<40x128xf32, #tpu.memory_space<vmem_shared>>
        tpu.enqueue_dma source(%dma_start3A_499 : memref<40x128xf32, #tpu.memory_space<vmem_shared>>) target(%dma_start3A_497 : memref<40x128xf32, #tpu.memory_space<vmem>>) target_semaphore(%run_scoped3A_488 : memref<!tpu.dma_semaphore, #tpu.memory_space<semaphore_mem>>)
        %dma_wait3A_500 = arith.constant 0 : i32
        %dma_wait3A_501 = arith.constant 0 : i32
        %dma_wait3A_502 = tpu.memref_slice %arg7[%run_scoped3A, %dma_wait3A_500, %dma_wait3A_501] : memref<2x128x128xf32, #tpu.memory_space<vmem>> -> memref<1x40x128xf32, #tpu.memory_space<vmem>>
        %dma_wait3A_503 = tpu.memref_squeeze %dma_wait3A_502 : memref<1x40x128xf32, #tpu.memory_space<vmem>> -> memref<40x128xf32, #tpu.memory_space<vmem>>
        %dma_wait3A_504 = arith.constant 0 : i32
        %dma_wait3A_505 = tpu.memref_slice %arg8[%mul3A_483, %dma_wait3A_504] : memref<10000x128xf32, #tpu.memory_space<vmem_shared>> -> memref<40x128xf32, #tpu.memory_space<vmem_shared>>
        %dma_wait3A_506 = arith.constant 0 : i32
        %dma_wait3A_507 = arith.constant 0 : i32
        %dma_wait3A_508 = tpu.memref_slice %arg7[%run_scoped3A, %dma_wait3A_506, %dma_wait3A_507] : memref<2x128x128xf32, #tpu.memory_space<vmem>> -> memref<1x40x128xf32, #tpu.memory_space<vmem>>
        %dma_wait3A_509 = tpu.memref_squeeze %dma_wait3A_508 : memref<1x40x128xf32, #tpu.memory_space<vmem>> -> memref<40x128xf32, #tpu.memory_space<vmem>>
        %dma_wait3A_510 = arith.constant 0 : i32
        %dma_wait3A_511 = tpu.memref_slice %arg8[%mul3A_483, %dma_wait3A_510] : memref<10000x128xf32, #tpu.memory_space<vmem_shared>> -> memref<40x128xf32, #tpu.memory_space<vmem_shared>>
        tpu.wait_dma2 semaphore(%run_scoped3A_488 : memref<!tpu.dma_semaphore, #tpu.memory_space<semaphore_mem>>) src(%dma_wait3A_511 : memref<40x128xf32, #tpu.memory_space<vmem_shared>>) dst(%dma_wait3A_509 : memref<40x128xf32, #tpu.memory_space<vmem>>)
        tpu.yield
      }) : () -> ()
      %mul3A_484 = arith.constant 128 : i32
      %mul3A_485 = arith.muli %arg0, %mul3A_484 : i32
      %run_scoped3A_486 = arith.constant 0 : i32
      "tpu.region"() ({
        %run_scoped3A_488 = tpu.sem_alloc : memref<!tpu.dma_semaphore, #tpu.memory_space<semaphore_mem>>
        %dma_start3A = arith.constant 0 : i32
        %dma_start3A_489 = arith.constant 0 : i32
        %dma_start3A_490 = tpu.memref_slice %arg7[%run_scoped3A_486, %dma_start3A, %dma_start3A_489] : memref<2x128x128xf32, #tpu.memory_space<vmem>> -> memref<1x40x128xf32, #tpu.memory_space<vmem>>
        %dma_start3A_491 = tpu.memref_squeeze %dma_start3A_490 : memref<1x40x128xf32, #tpu.memory_space<vmem>> -> memref<40x128xf32, #tpu.memory_space<vmem>>
        %dma_start3A_492 = tpu.memref_slice %arg4[%mul3A_483, %mul3A_485] : memref<10000x256xf32, #tpu.memory_space<hbm>> -> memref<40x128xf32, #tpu.memory_space<hbm>>
        %dma_start3A_493 = tpu.memref_slice %arg4[%mul3A_483, %mul3A_485] : memref<10000x256xf32, #tpu.memory_space<hbm>> -> memref<40x128xf32, #tpu.memory_space<hbm>>
        %dma_start3A_494 = arith.constant 0 : i32
        %dma_start3A_495 = arith.constant 0 : i32
        %dma_start3A_496 = tpu.memref_slice %arg7[%run_scoped3A_486, %dma_start3A_494, %dma_start3A_495] : memref<2x128x128xf32, #tpu.memory_space<vmem>> -> memref<1x40x128xf32, #tpu.memory_space<vmem>>
        %dma_start3A_497 = tpu.memref_squeeze %dma_start3A_496 : memref<1x40x128xf32, #tpu.memory_space<vmem>> -> memref<40x128xf32, #tpu.memory_space<vmem>>
        tpu.enqueue_dma source(%dma_start3A_497 : memref<40x128xf32, #tpu.memory_space<vmem>>) target(%dma_start3A_493 : memref<40x128xf32, #tpu.memory_space<hbm>>) target_semaphore(%run_scoped3A_488 : memref<!tpu.dma_semaphore, #tpu.memory_space<semaphore_mem>>)
        %dma_wait3A_498 = arith.constant 0 : i32
        %dma_wait3A_499 = arith.constant 0 : i32
        %dma_wait3A_500 = tpu.memref_slice %arg7[%run_scoped3A_486, %dma_wait3A_498, %dma_wait3A_499] : memref<2x128x128xf32, #tpu.memory_space<vmem>> -> memref<1x40x128xf32, #tpu.memory_space<vmem>>
        %dma_wait3A_501 = tpu.memref_squeeze %dma_wait3A_500 : memref<1x40x128xf32, #tpu.memory_space<vmem>> -> memref<40x128xf32, #tpu.memory_space<vmem>>
        %dma_wait3A_502 = tpu.memref_slice %arg4[%mul3A_483, %mul3A_485] : memref<10000x256xf32, #tpu.memory_space<hbm>> -> memref<40x128xf32, #tpu.memory_space<hbm>>
        %dma_wait3A_503 = tpu.memref_slice %arg4[%mul3A_483, %mul3A_485] : memref<10000x256xf32, #tpu.memory_space<hbm>> -> memref<40x128xf32, #tpu.memory_space<hbm>>
        %dma_wait3A_504 = arith.constant 0 : i32
        %dma_wait3A_505 = arith.constant 0 : i32
        %dma_wait3A_506 = tpu.memref_slice %arg7[%run_scoped3A_486, %dma_wait3A_504, %dma_wait3A_505] : memref<2x128x128xf32, #tpu.memory_space<vmem>> -> memref<1x40x128xf32, #tpu.memory_space<vmem>>
        %dma_wait3A_507 = tpu.memref_squeeze %dma_wait3A_506 : memref<1x40x128xf32, #tpu.memory_space<vmem>> -> memref<40x128xf32, #tpu.memory_space<vmem>>
        tpu.wait_dma2 semaphore(%run_scoped3A_488 : memref<!tpu.dma_semaphore, #tpu.memory_space<semaphore_mem>>) src(%dma_wait3A_507 : memref<40x128xf32, #tpu.memory_space<vmem>>) dst(%dma_wait3A_503 : memref<40x128xf32, #tpu.memory_space<hbm>>)
        tpu.yield
      }) : () -> ()
      %run_scoped3A_487 = arith.constant 1 : i32
      "tpu.region"() ({
        %run_scoped3A_488 = tpu.sem_alloc : memref<!tpu.dma_semaphore, #tpu.memory_space<semaphore_mem>>
        %dma_start3A = arith.constant 0 : i32
        %dma_start3A_489 = arith.constant 0 : i32
        %dma_start3A_490 = tpu.memref_slice %arg7[%run_scoped3A_487, %dma_start3A, %dma_start3A_489] : memref<2x128x128xf32, #tpu.memory_space<vmem>> -> memref<1x40x128xf32, #tpu.memory_space<vmem>>
        %dma_start3A_491 = tpu.memref_squeeze %dma_start3A_490 : memref<1x40x128xf32, #tpu.memory_space<vmem>> -> memref<40x128xf32, #tpu.memory_space<vmem>>
        %dma_start3A_492 = arith.constant 0 : i32
        %dma_start3A_493 = tpu.memref_slice %arg8[%mul3A_483, %dma_start3A_492] : memref<10000x128xf32, #tpu.memory_space<vmem_shared>> -> memref<40x128xf32, #tpu.memory_space<vmem_shared>>
        %dma_start3A_494 = arith.constant 0 : i32
        %dma_start3A_495 = tpu.memref_slice %arg8[%mul3A_483, %dma_start3A_494] : memref<10000x128xf32, #tpu.memory_space<vmem_shared>> -> memref<40x128xf32, #tpu.memory_space<vmem_shared>>
        %dma_start3A_496 = arith.constant 0 : i32
        %dma_start3A_497 = arith.constant 0 : i32
        %dma_start3A_498 = tpu.memref_slice %arg7[%run_scoped3A_487, %dma_start3A_496, %dma_start3A_497] : memref<2x128x128xf32, #tpu.memory_space<vmem>> -> memref<1x40x128xf32, #tpu.memory_space<vmem>>
        %dma_start3A_499 = tpu.memref_squeeze %dma_start3A_498 : memref<1x40x128xf32, #tpu.memory_space<vmem>> -> memref<40x128xf32, #tpu.memory_space<vmem>>
        tpu.enqueue_dma source(%dma_start3A_499 : memref<40x128xf32, #tpu.memory_space<vmem>>) target(%dma_start3A_495 : memref<40x128xf32, #tpu.memory_space<vmem_shared>>) target_semaphore(%run_scoped3A_488 : memref<!tpu.dma_semaphore, #tpu.memory_space<semaphore_mem>>)
        %dma_wait3A_500 = arith.constant 0 : i32
        %dma_wait3A_501 = arith.constant 0 : i32
        %dma_wait3A_502 = tpu.memref_slice %arg7[%run_scoped3A_487, %dma_wait3A_500, %dma_wait3A_501] : memref<2x128x128xf32, #tpu.memory_space<vmem>> -> memref<1x40x128xf32, #tpu.memory_space<vmem>>
        %dma_wait3A_503 = tpu.memref_squeeze %dma_wait3A_502 : memref<1x40x128xf32, #tpu.memory_space<vmem>> -> memref<40x128xf32, #tpu.memory_space<vmem>>
        %dma_wait3A_504 = arith.constant 0 : i32
        %dma_wait3A_505 = tpu.memref_slice %arg8[%mul3A_483, %dma_wait3A_504] : memref<10000x128xf32, #tpu.memory_space<vmem_shared>> -> memref<40x128xf32, #tpu.memory_space<vmem_shared>>
        %dma_wait3A_506 = arith.constant 0 : i32
        %dma_wait3A_507 = tpu.memref_slice %arg8[%mul3A_483, %dma_wait3A_506] : memref<10000x128xf32, #tpu.memory_space<vmem_shared>> -> memref<40x128xf32, #tpu.memory_space<vmem_shared>>
        %dma_wait3A_508 = arith.constant 0 : i32
        %dma_wait3A_509 = arith.constant 0 : i32
        %dma_wait3A_510 = tpu.memref_slice %arg7[%run_scoped3A_487, %dma_wait3A_508, %dma_wait3A_509] : memref<2x128x128xf32, #tpu.memory_space<vmem>> -> memref<1x40x128xf32, #tpu.memory_space<vmem>>
        %dma_wait3A_511 = tpu.memref_squeeze %dma_wait3A_510 : memref<1x40x128xf32, #tpu.memory_space<vmem>> -> memref<40x128xf32, #tpu.memory_space<vmem>>
        tpu.wait_dma2 semaphore(%run_scoped3A_488 : memref<!tpu.dma_semaphore, #tpu.memory_space<semaphore_mem>>) src(%dma_wait3A_511 : memref<40x128xf32, #tpu.memory_space<vmem>>) dst(%dma_wait3A_507 : memref<40x128xf32, #tpu.memory_space<vmem_shared>>)
        tpu.yield
      }) : () -> ()
    } else {
    }
    %add3A_284 = arith.constant 240 : i32
    %add3A_285 = arith.addi %add3A_284, %arg1 : i32
    %lt3A_286 = arith.constant 250 : i32
    %lt3A_287 = arith.cmpi slt, %add3A_285, %lt3A_286 : i32
    %convert_element_type3A_288 = arith.extui %lt3A_287 : i1 to i32
    %cond3A_289 = arith.constant 0 : i32
    %cond3A_290 = arith.cmpi ne, %convert_element_type3A_288, %cond3A_289 : i32
    scf.if %cond3A_290 {
      %mul3A_482 = arith.constant 40 : i32
      %mul3A_483 = arith.muli %add3A_285, %mul3A_482 : i32
      %run_scoped3A = arith.constant 0 : i32
      "tpu.region"() ({
        %run_scoped3A_488 = tpu.sem_alloc : memref<!tpu.dma_semaphore, #tpu.memory_space<semaphore_mem>>
        %dma_start3A = arith.constant 0 : i32
        %dma_start3A_489 = arith.constant 0 : i32
        %dma_start3A_490 = tpu.memref_slice %arg7[%run_scoped3A, %dma_start3A, %dma_start3A_489] : memref<2x128x128xf32, #tpu.memory_space<vmem>> -> memref<1x40x128xf32, #tpu.memory_space<vmem>>
        %dma_start3A_491 = tpu.memref_squeeze %dma_start3A_490 : memref<1x40x128xf32, #tpu.memory_space<vmem>> -> memref<40x128xf32, #tpu.memory_space<vmem>>
        %dma_start3A_492 = arith.constant 0 : i32
        %dma_start3A_493 = tpu.memref_slice %arg8[%mul3A_483, %dma_start3A_492] : memref<10000x128xf32, #tpu.memory_space<vmem_shared>> -> memref<40x128xf32, #tpu.memory_space<vmem_shared>>
        %dma_start3A_494 = arith.constant 0 : i32
        %dma_start3A_495 = arith.constant 0 : i32
        %dma_start3A_496 = tpu.memref_slice %arg7[%run_scoped3A, %dma_start3A_494, %dma_start3A_495] : memref<2x128x128xf32, #tpu.memory_space<vmem>> -> memref<1x40x128xf32, #tpu.memory_space<vmem>>
        %dma_start3A_497 = tpu.memref_squeeze %dma_start3A_496 : memref<1x40x128xf32, #tpu.memory_space<vmem>> -> memref<40x128xf32, #tpu.memory_space<vmem>>
        %dma_start3A_498 = arith.constant 0 : i32
        %dma_start3A_499 = tpu.memref_slice %arg8[%mul3A_483, %dma_start3A_498] : memref<10000x128xf32, #tpu.memory_space<vmem_shared>> -> memref<40x128xf32, #tpu.memory_space<vmem_shared>>
        tpu.enqueue_dma source(%dma_start3A_499 : memref<40x128xf32, #tpu.memory_space<vmem_shared>>) target(%dma_start3A_497 : memref<40x128xf32, #tpu.memory_space<vmem>>) target_semaphore(%run_scoped3A_488 : memref<!tpu.dma_semaphore, #tpu.memory_space<semaphore_mem>>)
        %dma_wait3A_500 = arith.constant 0 : i32
        %dma_wait3A_501 = arith.constant 0 : i32
        %dma_wait3A_502 = tpu.memref_slice %arg7[%run_scoped3A, %dma_wait3A_500, %dma_wait3A_501] : memref<2x128x128xf32, #tpu.memory_space<vmem>> -> memref<1x40x128xf32, #tpu.memory_space<vmem>>
        %dma_wait3A_503 = tpu.memref_squeeze %dma_wait3A_502 : memref<1x40x128xf32, #tpu.memory_space<vmem>> -> memref<40x128xf32, #tpu.memory_space<vmem>>
        %dma_wait3A_504 = arith.constant 0 : i32
        %dma_wait3A_505 = tpu.memref_slice %arg8[%mul3A_483, %dma_wait3A_504] : memref<10000x128xf32, #tpu.memory_space<vmem_shared>> -> memref<40x128xf32, #tpu.memory_space<vmem_shared>>
        %dma_wait3A_506 = arith.constant 0 : i32
        %dma_wait3A_507 = arith.constant 0 : i32
        %dma_wait3A_508 = tpu.memref_slice %arg7[%run_scoped3A, %dma_wait3A_506, %dma_wait3A_507] : memref<2x128x128xf32, #tpu.memory_space<vmem>> -> memref<1x40x128xf32, #tpu.memory_space<vmem>>
        %dma_wait3A_509 = tpu.memref_squeeze %dma_wait3A_508 : memref<1x40x128xf32, #tpu.memory_space<vmem>> -> memref<40x128xf32, #tpu.memory_space<vmem>>
        %dma_wait3A_510 = arith.constant 0 : i32
        %dma_wait3A_511 = tpu.memref_slice %arg8[%mul3A_483, %dma_wait3A_510] : memref<10000x128xf32, #tpu.memory_space<vmem_shared>> -> memref<40x128xf32, #tpu.memory_space<vmem_shared>>
        tpu.wait_dma2 semaphore(%run_scoped3A_488 : memref<!tpu.dma_semaphore, #tpu.memory_space<semaphore_mem>>) src(%dma_wait3A_511 : memref<40x128xf32, #tpu.memory_space<vmem_shared>>) dst(%dma_wait3A_509 : memref<40x128xf32, #tpu.memory_space<vmem>>)
        tpu.yield
      }) : () -> ()
      %mul3A_484 = arith.constant 128 : i32
      %mul3A_485 = arith.muli %arg0, %mul3A_484 : i32
      %run_scoped3A_486 = arith.constant 0 : i32
      "tpu.region"() ({
        %run_scoped3A_488 = tpu.sem_alloc : memref<!tpu.dma_semaphore, #tpu.memory_space<semaphore_mem>>
        %dma_start3A = arith.constant 0 : i32
        %dma_start3A_489 = arith.constant 0 : i32
        %dma_start3A_490 = tpu.memref_slice %arg7[%run_scoped3A_486, %dma_start3A, %dma_start3A_489] : memref<2x128x128xf32, #tpu.memory_space<vmem>> -> memref<1x40x128xf32, #tpu.memory_space<vmem>>
        %dma_start3A_491 = tpu.memref_squeeze %dma_start3A_490 : memref<1x40x128xf32, #tpu.memory_space<vmem>> -> memref<40x128xf32, #tpu.memory_space<vmem>>
        %dma_start3A_492 = tpu.memref_slice %arg4[%mul3A_483, %mul3A_485] : memref<10000x256xf32, #tpu.memory_space<hbm>> -> memref<40x128xf32, #tpu.memory_space<hbm>>
        %dma_start3A_493 = tpu.memref_slice %arg4[%mul3A_483, %mul3A_485] : memref<10000x256xf32, #tpu.memory_space<hbm>> -> memref<40x128xf32, #tpu.memory_space<hbm>>
        %dma_start3A_494 = arith.constant 0 : i32
        %dma_start3A_495 = arith.constant 0 : i32
        %dma_start3A_496 = tpu.memref_slice %arg7[%run_scoped3A_486, %dma_start3A_494, %dma_start3A_495] : memref<2x128x128xf32, #tpu.memory_space<vmem>> -> memref<1x40x128xf32, #tpu.memory_space<vmem>>
        %dma_start3A_497 = tpu.memref_squeeze %dma_start3A_496 : memref<1x40x128xf32, #tpu.memory_space<vmem>> -> memref<40x128xf32, #tpu.memory_space<vmem>>
        tpu.enqueue_dma source(%dma_start3A_497 : memref<40x128xf32, #tpu.memory_space<vmem>>) target(%dma_start3A_493 : memref<40x128xf32, #tpu.memory_space<hbm>>) target_semaphore(%run_scoped3A_488 : memref<!tpu.dma_semaphore, #tpu.memory_space<semaphore_mem>>)
        %dma_wait3A_498 = arith.constant 0 : i32
        %dma_wait3A_499 = arith.constant 0 : i32
        %dma_wait3A_500 = tpu.memref_slice %arg7[%run_scoped3A_486, %dma_wait3A_498, %dma_wait3A_499] : memref<2x128x128xf32, #tpu.memory_space<vmem>> -> memref<1x40x128xf32, #tpu.memory_space<vmem>>
        %dma_wait3A_501 = tpu.memref_squeeze %dma_wait3A_500 : memref<1x40x128xf32, #tpu.memory_space<vmem>> -> memref<40x128xf32, #tpu.memory_space<vmem>>
        %dma_wait3A_502 = tpu.memref_slice %arg4[%mul3A_483, %mul3A_485] : memref<10000x256xf32, #tpu.memory_space<hbm>> -> memref<40x128xf32, #tpu.memory_space<hbm>>
        %dma_wait3A_503 = tpu.memref_slice %arg4[%mul3A_483, %mul3A_485] : memref<10000x256xf32, #tpu.memory_space<hbm>> -> memref<40x128xf32, #tpu.memory_space<hbm>>
        %dma_wait3A_504 = arith.constant 0 : i32
        %dma_wait3A_505 = arith.constant 0 : i32
        %dma_wait3A_506 = tpu.memref_slice %arg7[%run_scoped3A_486, %dma_wait3A_504, %dma_wait3A_505] : memref<2x128x128xf32, #tpu.memory_space<vmem>> -> memref<1x40x128xf32, #tpu.memory_space<vmem>>
        %dma_wait3A_507 = tpu.memref_squeeze %dma_wait3A_506 : memref<1x40x128xf32, #tpu.memory_space<vmem>> -> memref<40x128xf32, #tpu.memory_space<vmem>>
        tpu.wait_dma2 semaphore(%run_scoped3A_488 : memref<!tpu.dma_semaphore, #tpu.memory_space<semaphore_mem>>) src(%dma_wait3A_507 : memref<40x128xf32, #tpu.memory_space<vmem>>) dst(%dma_wait3A_503 : memref<40x128xf32, #tpu.memory_space<hbm>>)
        tpu.yield
      }) : () -> ()
      %run_scoped3A_487 = arith.constant 1 : i32
      "tpu.region"() ({
        %run_scoped3A_488 = tpu.sem_alloc : memref<!tpu.dma_semaphore, #tpu.memory_space<semaphore_mem>>
        %dma_start3A = arith.constant 0 : i32
        %dma_start3A_489 = arith.constant 0 : i32
        %dma_start3A_490 = tpu.memref_slice %arg7[%run_scoped3A_487, %dma_start3A, %dma_start3A_489] : memref<2x128x128xf32, #tpu.memory_space<vmem>> -> memref<1x40x128xf32, #tpu.memory_space<vmem>>
        %dma_start3A_491 = tpu.memref_squeeze %dma_start3A_490 : memref<1x40x128xf32, #tpu.memory_space<vmem>> -> memref<40x128xf32, #tpu.memory_space<vmem>>
        %dma_start3A_492 = arith.constant 0 : i32
        %dma_start3A_493 = tpu.memref_slice %arg8[%mul3A_483, %dma_start3A_492] : memref<10000x128xf32, #tpu.memory_space<vmem_shared>> -> memref<40x128xf32, #tpu.memory_space<vmem_shared>>
        %dma_start3A_494 = arith.constant 0 : i32
        %dma_start3A_495 = tpu.memref_slice %arg8[%mul3A_483, %dma_start3A_494] : memref<10000x128xf32, #tpu.memory_space<vmem_shared>> -> memref<40x128xf32, #tpu.memory_space<vmem_shared>>
        %dma_start3A_496 = arith.constant 0 : i32
        %dma_start3A_497 = arith.constant 0 : i32
        %dma_start3A_498 = tpu.memref_slice %arg7[%run_scoped3A_487, %dma_start3A_496, %dma_start3A_497] : memref<2x128x128xf32, #tpu.memory_space<vmem>> -> memref<1x40x128xf32, #tpu.memory_space<vmem>>
        %dma_start3A_499 = tpu.memref_squeeze %dma_start3A_498 : memref<1x40x128xf32, #tpu.memory_space<vmem>> -> memref<40x128xf32, #tpu.memory_space<vmem>>
        tpu.enqueue_dma source(%dma_start3A_499 : memref<40x128xf32, #tpu.memory_space<vmem>>) target(%dma_start3A_495 : memref<40x128xf32, #tpu.memory_space<vmem_shared>>) target_semaphore(%run_scoped3A_488 : memref<!tpu.dma_semaphore, #tpu.memory_space<semaphore_mem>>)
        %dma_wait3A_500 = arith.constant 0 : i32
        %dma_wait3A_501 = arith.constant 0 : i32
        %dma_wait3A_502 = tpu.memref_slice %arg7[%run_scoped3A_487, %dma_wait3A_500, %dma_wait3A_501] : memref<2x128x128xf32, #tpu.memory_space<vmem>> -> memref<1x40x128xf32, #tpu.memory_space<vmem>>
        %dma_wait3A_503 = tpu.memref_squeeze %dma_wait3A_502 : memref<1x40x128xf32, #tpu.memory_space<vmem>> -> memref<40x128xf32, #tpu.memory_space<vmem>>
        %dma_wait3A_504 = arith.constant 0 : i32
        %dma_wait3A_505 = tpu.memref_slice %arg8[%mul3A_483, %dma_wait3A_504] : memref<10000x128xf32, #tpu.memory_space<vmem_shared>> -> memref<40x128xf32, #tpu.memory_space<vmem_shared>>
        %dma_wait3A_506 = arith.constant 0 : i32
        %dma_wait3A_507 = tpu.memref_slice %arg8[%mul3A_483, %dma_wait3A_506] : memref<10000x128xf32, #tpu.memory_space<vmem_shared>> -> memref<40x128xf32, #tpu.memory_space<vmem_shared>>
        %dma_wait3A_508 = arith.constant 0 : i32
        %dma_wait3A_509 = arith.constant 0 : i32
        %dma_wait3A_510 = tpu.memref_slice %arg7[%run_scoped3A_487, %dma_wait3A_508, %dma_wait3A_509] : memref<2x128x128xf32, #tpu.memory_space<vmem>> -> memref<1x40x128xf32, #tpu.memory_space<vmem>>
        %dma_wait3A_511 = tpu.memref_squeeze %dma_wait3A_510 : memref<1x40x128xf32, #tpu.memory_space<vmem>> -> memref<40x128xf32, #tpu.memory_space<vmem>>
        tpu.wait_dma2 semaphore(%run_scoped3A_488 : memref<!tpu.dma_semaphore, #tpu.memory_space<semaphore_mem>>) src(%dma_wait3A_511 : memref<40x128xf32, #tpu.memory_space<vmem>>) dst(%dma_wait3A_507 : memref<40x128xf32, #tpu.memory_space<vmem_shared>>)
        tpu.yield
      }) : () -> ()
    } else {
    }
    %broadcast_in_dim3A_291 = arith.constant 1.000000e+00 : f32
    %broadcast_in_dim3A_292 = vector.broadcast %broadcast_in_dim3A_291 : f32 to vector<16xf32>
    %scan3A_293 = arith.constant 0 : i32
    %scan3A_294 = arith.constant 0 : i32
    %scan3A_295 = arith.constant 128 : i32
    %scan3A_296 = arith.addi %scan3A_294, %scan3A_295 : i32
    %scan3A_297 = arith.constant 1 : i32
    %scan3A_298 = scf.for %scan3A_482 = %scan3A_294 to %scan3A_296 step %scan3A_297 iter_args(%scan3A_483 = %scan3A_293) -> (i32)  : i32 {
      %swap3A = arith.constant 0 : i32
      %swap3A_484 = arith.index_cast %swap3A : i32 to index
      %swap3A_485 = arith.index_cast %scan3A_482 : i32 to index
      %swap3A_486 = arith.constant 0 : index
      %swap3A_487 = tpu.vector_load %arg7[%swap3A_484, %swap3A_485, %swap3A_486] {strides = array<i32>} : memref<2x128x128xf32, #tpu.memory_space<vmem>>, vector<1x1x16xf32>,
      %swap3A_488 = vector.shape_cast %swap3A_487 : vector<1x1x16xf32> to vector<16xf32>
      %swap3A_489 = vector.shape_cast %broadcast_in_dim3A_292 : vector<16xf32> to vector<1x1x16xf32>
      tpu.vector_store %arg7[%swap3A_484, %swap3A_485, %swap3A_486], %swap3A_489 {strides = array<i32>} : memref<2x128x128xf32, #tpu.memory_space<vmem>>, vector<1x1x16xf32>,
      %swap3A_490 = arith.constant 0 : i32
      %swap3A_491 = arith.index_cast %swap3A_490 : i32 to index
      %swap3A_492 = arith.index_cast %scan3A_482 : i32 to index
      %swap3A_493 = arith.constant 16 : index
      %swap3A_494 = tpu.vector_load %arg7[%swap3A_491, %swap3A_492, %swap3A_493] {strides = array<i32>} : memref<2x128x128xf32, #tpu.memory_space<vmem>>, vector<1x1x16xf32>,
      %swap3A_495 = vector.shape_cast %swap3A_494 : vector<1x1x16xf32> to vector<16xf32>
      %swap3A_496 = vector.shape_cast %broadcast_in_dim3A_292 : vector<16xf32> to vector<1x1x16xf32>
      tpu.vector_store %arg7[%swap3A_491, %swap3A_492, %swap3A_493], %swap3A_496 {strides = array<i32>} : memref<2x128x128xf32, #tpu.memory_space<vmem>>, vector<1x1x16xf32>,
      %swap3A_497 = arith.constant 0 : i32
      %swap3A_498 = arith.index_cast %swap3A_497 : i32 to index
      %swap3A_499 = arith.index_cast %scan3A_482 : i32 to index
      %swap3A_500 = arith.constant 32 : index
      %swap3A_501 = tpu.vector_load %arg7[%swap3A_498, %swap3A_499, %swap3A_500] {strides = array<i32>} : memref<2x128x128xf32, #tpu.memory_space<vmem>>, vector<1x1x16xf32>,
      %swap3A_502 = vector.shape_cast %swap3A_501 : vector<1x1x16xf32> to vector<16xf32>
      %swap3A_503 = vector.shape_cast %broadcast_in_dim3A_292 : vector<16xf32> to vector<1x1x16xf32>
      tpu.vector_store %arg7[%swap3A_498, %swap3A_499, %swap3A_500], %swap3A_503 {strides = array<i32>} : memref<2x128x128xf32, #tpu.memory_space<vmem>>, vector<1x1x16xf32>,
      %swap3A_504 = arith.constant 0 : i32
      %swap3A_505 = arith.index_cast %swap3A_504 : i32 to index
      %swap3A_506 = arith.index_cast %scan3A_482 : i32 to index
      %swap3A_507 = arith.constant 48 : index
      %swap3A_508 = tpu.vector_load %arg7[%swap3A_505, %swap3A_506, %swap3A_507] {strides = array<i32>} : memref<2x128x128xf32, #tpu.memory_space<vmem>>, vector<1x1x16xf32>,
      %swap3A_509 = vector.shape_cast %swap3A_508 : vector<1x1x16xf32> to vector<16xf32>
      %swap3A_510 = vector.shape_cast %broadcast_in_dim3A_292 : vector<16xf32> to vector<1x1x16xf32>
      tpu.vector_store %arg7[%swap3A_505, %swap3A_506, %swap3A_507], %swap3A_510 {strides = array<i32>} : memref<2x128x128xf32, #tpu.memory_space<vmem>>, vector<1x1x16xf32>,
      %swap3A_511 = arith.constant 0 : i32
      %swap3A_512 = arith.index_cast %swap3A_511 : i32 to index
      %swap3A_513 = arith.index_cast %scan3A_482 : i32 to index
      %swap3A_514 = arith.constant 64 : index
      %swap3A_515 = tpu.vector_load %arg7[%swap3A_512, %swap3A_513, %swap3A_514] {strides = array<i32>} : memref<2x128x128xf32, #tpu.memory_space<vmem>>, vector<1x1x16xf32>,
      %swap3A_516 = vector.shape_cast %swap3A_515 : vector<1x1x16xf32> to vector<16xf32>
      %swap3A_517 = vector.shape_cast %broadcast_in_dim3A_292 : vector<16xf32> to vector<1x1x16xf32>
      tpu.vector_store %arg7[%swap3A_512, %swap3A_513, %swap3A_514], %swap3A_517 {strides = array<i32>} : memref<2x128x128xf32, #tpu.memory_space<vmem>>, vector<1x1x16xf32>,
      %swap3A_518 = arith.constant 0 : i32
      %swap3A_519 = arith.index_cast %swap3A_518 : i32 to index
      %swap3A_520 = arith.index_cast %scan3A_482 : i32 to index
      %swap3A_521 = arith.constant 80 : index
      %swap3A_522 = tpu.vector_load %arg7[%swap3A_519, %swap3A_520, %swap3A_521] {strides = array<i32>} : memref<2x128x128xf32, #tpu.memory_space<vmem>>, vector<1x1x16xf32>,
      %swap3A_523 = vector.shape_cast %swap3A_522 : vector<1x1x16xf32> to vector<16xf32>
      %swap3A_524 = vector.shape_cast %broadcast_in_dim3A_292 : vector<16xf32> to vector<1x1x16xf32>
      tpu.vector_store %arg7[%swap3A_519, %swap3A_520, %swap3A_521], %swap3A_524 {strides = array<i32>} : memref<2x128x128xf32, #tpu.memory_space<vmem>>, vector<1x1x16xf32>,
      %swap3A_525 = arith.constant 0 : i32
      %swap3A_526 = arith.index_cast %swap3A_525 : i32 to index
      %swap3A_527 = arith.index_cast %scan3A_482 : i32 to index
      %swap3A_528 = arith.constant 96 : index
      %swap3A_529 = tpu.vector_load %arg7[%swap3A_526, %swap3A_527, %swap3A_528] {strides = array<i32>} : memref<2x128x128xf32, #tpu.memory_space<vmem>>, vector<1x1x16xf32>,
      %swap3A_530 = vector.shape_cast %swap3A_529 : vector<1x1x16xf32> to vector<16xf32>
      %swap3A_531 = vector.shape_cast %broadcast_in_dim3A_292 : vector<16xf32> to vector<1x1x16xf32>
      tpu.vector_store %arg7[%swap3A_526, %swap3A_527, %swap3A_528], %swap3A_531 {strides = array<i32>} : memref<2x128x128xf32, #tpu.memory_space<vmem>>, vector<1x1x16xf32>,
      %swap3A_532 = arith.constant 0 : i32
      %swap3A_533 = arith.index_cast %swap3A_532 : i32 to index
      %swap3A_534 = arith.index_cast %scan3A_482 : i32 to index
      %swap3A_535 = arith.constant 112 : index
      %swap3A_536 = tpu.vector_load %arg7[%swap3A_533, %swap3A_534, %swap3A_535] {strides = array<i32>} : memref<2x128x128xf32, #tpu.memory_space<vmem>>, vector<1x1x16xf32>,
      %swap3A_537 = vector.shape_cast %swap3A_536 : vector<1x1x16xf32> to vector<16xf32>
      %swap3A_538 = vector.shape_cast %broadcast_in_dim3A_292 : vector<16xf32> to vector<1x1x16xf32>
      tpu.vector_store %arg7[%swap3A_533, %swap3A_534, %swap3A_535], %swap3A_538 {strides = array<i32>} : memref<2x128x128xf32, #tpu.memory_space<vmem>>, vector<1x1x16xf32>,
      %scan3A_539 = arith.constant 0 : i32
      scf.yield %scan3A_539 : i32
    }
    %scan3A_299 = arith.constant 128 : i32
    %barrier3A_300 = arith.constant 0 : index
    tpu.barrier barrier_id(%barrier3A_300)
    %mul3A = arith.constant 2 : i32
    %mul3A_301 = arith.muli %arg1, %mul3A : i32
    %add3A_302 = arith.addi %mul3A_301, %arg0 : i32
    %sub3A_303 = arith.constant 1250 : i32
    %sub3A_304 = arith.subi %sub3A_303, %add3A_302 : i32
    %add3A_305 = arith.constant 32 : i32
    %add3A_306 = arith.addi %sub3A_304, %add3A_305 : i32
    %sub3A_307 = arith.constant 1 : i32
    %sub3A_308 = arith.subi %add3A_306, %sub3A_307 : i32
    %jit3A_309 = arith.constant 32 : i32
    %div3A_310 = arith.divsi %sub3A_308, %jit3A_309 : i32
    %sign3A_311 = arith.constant 0 : i32
    %sign3A_312 = arith.cmpi sgt, %sub3A_308, %sign3A_311 : i32
    %sign3A_313 = arith.extui %sign3A_312 : i1 to i32
    %sign3A_314 = arith.constant 0 : i32
    %sign3A_315 = arith.cmpi slt, %sub3A_308, %sign3A_314 : i32
    %sign3A_316 = arith.extui %sign3A_315 : i1 to i32
    %sign3A_317 = arith.subi %sign3A_313, %sign3A_316 : i32
    %sign3A_318 = arith.constant 0 : i32
    %sign3A_319 = arith.cmpi sgt, %jit3A_309, %sign3A_318 : i32
    %sign3A_320 = arith.extui %sign3A_319 : i1 to i32
    %sign3A_321 = arith.constant 0 : i32
    %sign3A_322 = arith.cmpi slt, %jit3A_309, %sign3A_321 : i32
    %sign3A_323 = arith.extui %sign3A_322 : i1 to i32
    %sign3A_324 = arith.subi %sign3A_320, %sign3A_323 : i32
    %ne3A_325 = arith.cmpi ne, %sign3A_317, %sign3A_324 : i32
    %rem3A_326 = arith.remsi %sub3A_308, %jit3A_309 : i32
    %ne3A_327 = arith.constant 0 : i32
    %ne3A_328 = arith.cmpi ne, %rem3A_326, %ne3A_327 : i32
    %and3A_329 = arith.andi %ne3A_325, %ne3A_328 : i1
    %sub3A_330 = arith.constant 1 : i32
    %sub3A_331 = arith.subi %div3A_310, %sub3A_330 : i32
    %select_n3A_332 = arith.select %and3A_329, %sub3A_331, %div3A_310 : i32
    %gt3A_333 = arith.constant 0 : i32
    %gt3A_334 = arith.cmpi sgt, %select_n3A_332, %gt3A_333 : i32
    %convert_element_type3A_335 = arith.extui %gt3A_334 : i1 to i32
    %cond3A_336 = arith.constant 0 : i32
    %cond3A_337 = arith.cmpi ne, %convert_element_type3A_335, %cond3A_336 : i32
    scf.if %cond3A_337 {
      %add3A_482 = arith.constant 0 : i32
      %add3A_483 = arith.addi %add3A_482, %add3A_302 : i32
      %mul3A_484 = arith.constant 128 : i32
      %mul3A_485 = arith.muli %add3A_483, %mul3A_484 : i32
      %dma_start3A = arith.constant 0 : i32
      %dma_start3A_486 = arith.constant 0 : i32
      %dma_start3A_487 = tpu.memref_slice %arg6[%dma_start3A, %dma_start3A_486] : memref<2x128xi32, #tpu.memory_space<vmem>> -> memref<1x128xi32, #tpu.memory_space<vmem>>
      %dma_start3A_488 = tpu.memref_squeeze %dma_start3A_487 : memref<1x128xi32, #tpu.memory_space<vmem>> -> memref<128xi32, #tpu.memory_space<vmem>>
      %dma_start3A_489 = tpu.memref_slice %arg3[%mul3A_485] : memref<160000xi32, #tpu.memory_space<hbm>> -> memref<128xi32, #tpu.memory_space<hbm>>
      %dma_start3A_490 = arith.constant 0 : i32
      %dma_start3A_491 = tpu.memref_slice %arg6[%dma_start3A, %dma_start3A_490] : memref<2x128xi32, #tpu.memory_space<vmem>> -> memref<1x128xi32, #tpu.memory_space<vmem>>
      %dma_start3A_492 = tpu.memref_squeeze %dma_start3A_491 : memref<1x128xi32, #tpu.memory_space<vmem>> -> memref<128xi32, #tpu.memory_space<vmem>>
      %dma_start3A_493 = tpu.memref_slice %arg3[%mul3A_485] : memref<160000xi32, #tpu.memory_space<hbm>> -> memref<128xi32, #tpu.memory_space<hbm>>
      tpu.enqueue_dma source(%dma_start3A_493 : memref<128xi32, #tpu.memory_space<hbm>>) target(%dma_start3A_492 : memref<128xi32, #tpu.memory_space<vmem>>) target_semaphore(%arg9 : memref<!tpu.dma_semaphore, #tpu.memory_space<semaphore_mem>>)
    } else {
    }
    %scan3A_338 = arith.constant 0 : i32
    %scan3A_339 = arith.constant 0 : i32
    %scan3A_340 = arith.constant 20 : i32
    %scan3A_341 = arith.addi %scan3A_339, %scan3A_340 : i32
    %scan3A_342 = arith.constant 1 : i32
    %scan3A_343 = scf.for %scan3A_482 = %scan3A_339 to %scan3A_341 step %scan3A_342 iter_args(%scan3A_483 = %scan3A_338) -> (i32)  : i32 {
      %mul3A_484 = arith.constant 2 : i32
      %mul3A_485 = arith.muli %scan3A_482, %mul3A_484 : i32
      %add3A_486 = arith.constant 0 : i32
      %add3A_487 = arith.addi %mul3A_485, %add3A_486 : i32
      %lt3A_488 = arith.cmpi slt, %add3A_487, %select_n3A_332 : i32
      %convert_element_type3A_489 = arith.extui %lt3A_488 : i1 to i32
      %cond3A_490 = arith.constant 0 : i32
      %cond3A_491 = arith.cmpi ne, %convert_element_type3A_489, %cond3A_490 : i32
      scf.if %cond3A_491 {
        %dma_wait3A_501 = arith.constant 0 : i32
        %dma_wait3A_502 = arith.constant 0 : i32
        %dma_wait3A_503 = tpu.memref_slice %arg6[%dma_wait3A_501, %dma_wait3A_502] : memref<2x128xi32, #tpu.memory_space<vmem>> -> memref<1x128xi32, #tpu.memory_space<vmem>>
        %dma_wait3A_504 = tpu.memref_squeeze %dma_wait3A_503 : memref<1x128xi32, #tpu.memory_space<vmem>> -> memref<128xi32, #tpu.memory_space<vmem>>
        %dma_wait3A_505 = arith.constant 0 : i32
        %dma_wait3A_506 = tpu.memref_slice %arg3[%dma_wait3A_505] : memref<160000xi32, #tpu.memory_space<hbm>> -> memref<128xi32, #tpu.memory_space<hbm>>
        %dma_wait3A_507 = arith.constant 0 : i32
        %dma_wait3A_508 = tpu.memref_slice %arg6[%dma_wait3A_501, %dma_wait3A_507] : memref<2x128xi32, #tpu.memory_space<vmem>> -> memref<1x128xi32, #tpu.memory_space<vmem>>
        %dma_wait3A_509 = tpu.memref_squeeze %dma_wait3A_508 : memref<1x128xi32, #tpu.memory_space<vmem>> -> memref<128xi32, #tpu.memory_space<vmem>>
        %dma_wait3A_510 = arith.constant 0 : i32
        %dma_wait3A_511 = tpu.memref_slice %arg3[%dma_wait3A_510] : memref<160000xi32, #tpu.memory_space<hbm>> -> memref<128xi32, #tpu.memory_space<hbm>>
        tpu.wait_dma2 semaphore(%arg9 : memref<!tpu.dma_semaphore, #tpu.memory_space<semaphore_mem>>) src(%dma_wait3A_511 : memref<128xi32, #tpu.memory_space<hbm>>) dst(%dma_wait3A_509 : memref<128xi32, #tpu.memory_space<vmem>>)
        %dma_start3A = arith.constant 0 : i32
        %dma_start3A_512 = arith.constant 0 : i32
        %dma_start3A_513 = arith.constant 0 : i32
        %dma_start3A_514 = arith.constant 0 : i32
        %dma_start3A_515 = tpu.memref_slice %arg7[%dma_start3A, %dma_start3A_513, %dma_start3A_514] : memref<2x128x128xf32, #tpu.memory_space<vmem>> -> memref<1x128x128xf32, #tpu.memory_space<vmem>>
        %dma_start3A_516 = tpu.memref_squeeze %dma_start3A_515 : memref<1x128x128xf32, #tpu.memory_space<vmem>> -> memref<128x128xf32, #tpu.memory_space<vmem>>
        %dma_start3A_517 = arith.constant 0 : i32
        %dma_start3A_518 = tpu.memref_slice %arg6[%dma_start3A_512, %dma_start3A_517] : memref<2x128xi32, #tpu.memory_space<vmem>> -> memref<1x128xi32, #tpu.memory_space<vmem>>
        %dma_start3A_519 = tpu.memref_squeeze %dma_start3A_518 : memref<1x128xi32, #tpu.memory_space<vmem>> -> memref<128xi32, #tpu.memory_space<vmem>>
        %dma_start3A_520 = arith.constant 0 : i32
        %dma_start3A_521 = arith.constant 0 : i32
        %dma_start3A_522 = tpu.memref_slice %arg8[%dma_start3A_520, %dma_start3A_521] : memref<10000x128xf32, #tpu.memory_space<vmem_shared>> -> memref<10000x128xf32, #tpu.memory_space<vmem_shared>>
        tpu.enqueue_indirect_dma source(%dma_start3A_516 : memref<128x128xf32, #tpu.memory_space<vmem>>) target(%dma_start3A_522 : memref<10000x128xf32, #tpu.memory_space<vmem_shared>>) offsets(%dma_start3A_519 : memref<128xi32, #tpu.memory_space<vmem>>) semaphore(%arg11 : memref<!tpu.dma_semaphore, #tpu.memory_space<semaphore_mem>>) {add = true}
        %add3A_523 = arith.constant 1 : i32
        %add3A_524 = arith.addi %add3A_487, %add3A_523 : i32
        %lt3A_525 = arith.cmpi slt, %add3A_524, %select_n3A_332 : i32
        %convert_element_type3A_526 = arith.extui %lt3A_525 : i1 to i32
        %cond3A_527 = arith.constant 0 : i32
        %cond3A_528 = arith.cmpi ne, %convert_element_type3A_526, %cond3A_527 : i32
        scf.if %cond3A_528 {
          %ge3A = arith.constant 1 : i32
          %ge3A_529 = arith.cmpi sge, %add3A_487, %ge3A : i32
          %convert_element_type3A_530 = arith.extui %ge3A_529 : i1 to i32
          %cond3A_531 = arith.constant 0 : i32
          %cond3A_532 = arith.cmpi ne, %convert_element_type3A_530, %cond3A_531 : i32
          scf.if %cond3A_532 {
            %dma_wait3A_549 = arith.constant 0 : i32
            %dma_wait3A_550 = arith.constant 1 : i32
            %dma_wait3A_551 = arith.constant 0 : i32
            %dma_wait3A_552 = arith.constant 0 : i32
            %dma_wait3A_553 = tpu.memref_slice %arg7[%dma_wait3A_549, %dma_wait3A_551, %dma_wait3A_552] : memref<2x128x128xf32, #tpu.memory_space<vmem>> -> memref<1x128x128xf32, #tpu.memory_space<vmem>>
            %dma_wait3A_554 = tpu.memref_squeeze %dma_wait3A_553 : memref<1x128x128xf32, #tpu.memory_space<vmem>> -> memref<128x128xf32, #tpu.memory_space<vmem>>
            %dma_wait3A_555 = arith.constant 0 : i32
            %dma_wait3A_556 = tpu.memref_slice %arg6[%dma_wait3A_550, %dma_wait3A_555] : memref<2x128xi32, #tpu.memory_space<vmem>> -> memref<1x128xi32, #tpu.memory_space<vmem>>
            %dma_wait3A_557 = tpu.memref_squeeze %dma_wait3A_556 : memref<1x128xi32, #tpu.memory_space<vmem>> -> memref<128xi32, #tpu.memory_space<vmem>>
            %dma_wait3A_558 = arith.constant 0 : i32
            %dma_wait3A_559 = arith.constant 0 : i32
            %dma_wait3A_560 = tpu.memref_slice %arg8[%dma_wait3A_558, %dma_wait3A_559] : memref<10000x128xf32, #tpu.memory_space<vmem_shared>> -> memref<10000x128xf32, #tpu.memory_space<vmem_shared>>
            tpu.wait_indirect_dma semaphore(%arg12 : memref<!tpu.dma_semaphore, #tpu.memory_space<semaphore_mem>>) src(%dma_wait3A_554 : memref<128x128xf32, #tpu.memory_space<vmem>>) dst(%dma_wait3A_560 : memref<10000x128xf32, #tpu.memory_space<vmem_shared>>)
          } else {
          }
          %add3A_533 = arith.constant 1 : i32
          %add3A_534 = arith.addi %add3A_487, %add3A_533 : i32
          %mul3A_535 = arith.constant 32 : i32
          %mul3A_536 = arith.muli %add3A_534, %mul3A_535 : i32
          %add3A_537 = arith.addi %mul3A_536, %add3A_302 : i32
          %mul3A_538 = arith.constant 128 : i32
          %mul3A_539 = arith.muli %add3A_537, %mul3A_538 : i32
          %dma_start3A_540 = arith.constant 1 : i32
          %dma_start3A_541 = arith.constant 0 : i32
          %dma_start3A_542 = tpu.memref_slice %arg6[%dma_start3A_540, %dma_start3A_541] : memref<2x128xi32, #tpu.memory_space<vmem>> -> memref<1x128xi32, #tpu.memory_space<vmem>>
          %dma_start3A_543 = tpu.memref_squeeze %dma_start3A_542 : memref<1x128xi32, #tpu.memory_space<vmem>> -> memref<128xi32, #tpu.memory_space<vmem>>
          %dma_start3A_544 = tpu.memref_slice %arg3[%mul3A_539] : memref<160000xi32, #tpu.memory_space<hbm>> -> memref<128xi32, #tpu.memory_space<hbm>>
          %dma_start3A_545 = arith.constant 0 : i32
          %dma_start3A_546 = tpu.memref_slice %arg6[%dma_start3A_540, %dma_start3A_545] : memref<2x128xi32, #tpu.memory_space<vmem>> -> memref<1x128xi32, #tpu.memory_space<vmem>>
          %dma_start3A_547 = tpu.memref_squeeze %dma_start3A_546 : memref<1x128xi32, #tpu.memory_space<vmem>> -> memref<128xi32, #tpu.memory_space<vmem>>
          %dma_start3A_548 = tpu.memref_slice %arg3[%mul3A_539] : memref<160000xi32, #tpu.memory_space<hbm>> -> memref<128xi32, #tpu.memory_space<hbm>>
          tpu.enqueue_dma source(%dma_start3A_548 : memref<128xi32, #tpu.memory_space<hbm>>) target(%dma_start3A_547 : memref<128xi32, #tpu.memory_space<vmem>>) target_semaphore(%arg10 : memref<!tpu.dma_semaphore, #tpu.memory_space<semaphore_mem>>)
        } else {
        }
      } else {
      }
      %mul3A_492 = arith.constant 2 : i32
      %mul3A_493 = arith.muli %scan3A_482, %mul3A_492 : i32
      %add3A_494 = arith.constant 1 : i32
      %add3A_495 = arith.addi %mul3A_493, %add3A_494 : i32
      %lt3A_496 = arith.cmpi slt, %add3A_495, %select_n3A_332 : i32
      %convert_element_type3A_497 = arith.extui %lt3A_496 : i1 to i32
      %cond3A_498 = arith.constant 0 : i32
      %cond3A_499 = arith.cmpi ne, %convert_element_type3A_497, %cond3A_498 : i32
      scf.if %cond3A_499 {
        %dma_wait3A_501 = arith.constant 1 : i32
        %dma_wait3A_502 = arith.constant 0 : i32
        %dma_wait3A_503 = tpu.memref_slice %arg6[%dma_wait3A_501, %dma_wait3A_502] : memref<2x128xi32, #tpu.memory_space<vmem>> -> memref<1x128xi32, #tpu.memory_space<vmem>>
        %dma_wait3A_504 = tpu.memref_squeeze %dma_wait3A_503 : memref<1x128xi32, #tpu.memory_space<vmem>> -> memref<128xi32, #tpu.memory_space<vmem>>
        %dma_wait3A_505 = arith.constant 0 : i32
        %dma_wait3A_506 = tpu.memref_slice %arg3[%dma_wait3A_505] : memref<160000xi32, #tpu.memory_space<hbm>> -> memref<128xi32, #tpu.memory_space<hbm>>
        %dma_wait3A_507 = arith.constant 0 : i32
        %dma_wait3A_508 = tpu.memref_slice %arg6[%dma_wait3A_501, %dma_wait3A_507] : memref<2x128xi32, #tpu.memory_space<vmem>> -> memref<1x128xi32, #tpu.memory_space<vmem>>
        %dma_wait3A_509 = tpu.memref_squeeze %dma_wait3A_508 : memref<1x128xi32, #tpu.memory_space<vmem>> -> memref<128xi32, #tpu.memory_space<vmem>>
        %dma_wait3A_510 = arith.constant 0 : i32
        %dma_wait3A_511 = tpu.memref_slice %arg3[%dma_wait3A_510] : memref<160000xi32, #tpu.memory_space<hbm>> -> memref<128xi32, #tpu.memory_space<hbm>>
        tpu.wait_dma2 semaphore(%arg10 : memref<!tpu.dma_semaphore, #tpu.memory_space<semaphore_mem>>) src(%dma_wait3A_511 : memref<128xi32, #tpu.memory_space<hbm>>) dst(%dma_wait3A_509 : memref<128xi32, #tpu.memory_space<vmem>>)
        %dma_start3A = arith.constant 0 : i32
        %dma_start3A_512 = arith.constant 1 : i32
        %dma_start3A_513 = arith.constant 0 : i32
        %dma_start3A_514 = arith.constant 0 : i32
        %dma_start3A_515 = tpu.memref_slice %arg7[%dma_start3A, %dma_start3A_513, %dma_start3A_514] : memref<2x128x128xf32, #tpu.memory_space<vmem>> -> memref<1x128x128xf32, #tpu.memory_space<vmem>>
        %dma_start3A_516 = tpu.memref_squeeze %dma_start3A_515 : memref<1x128x128xf32, #tpu.memory_space<vmem>> -> memref<128x128xf32, #tpu.memory_space<vmem>>
        %dma_start3A_517 = arith.constant 0 : i32
        %dma_start3A_518 = tpu.memref_slice %arg6[%dma_start3A_512, %dma_start3A_517] : memref<2x128xi32, #tpu.memory_space<vmem>> -> memref<1x128xi32, #tpu.memory_space<vmem>>
        %dma_start3A_519 = tpu.memref_squeeze %dma_start3A_518 : memref<1x128xi32, #tpu.memory_space<vmem>> -> memref<128xi32, #tpu.memory_space<vmem>>
        %dma_start3A_520 = arith.constant 0 : i32
        %dma_start3A_521 = arith.constant 0 : i32
        %dma_start3A_522 = tpu.memref_slice %arg8[%dma_start3A_520, %dma_start3A_521] : memref<10000x128xf32, #tpu.memory_space<vmem_shared>> -> memref<10000x128xf32, #tpu.memory_space<vmem_shared>>
        tpu.enqueue_indirect_dma source(%dma_start3A_516 : memref<128x128xf32, #tpu.memory_space<vmem>>) target(%dma_start3A_522 : memref<10000x128xf32, #tpu.memory_space<vmem_shared>>) offsets(%dma_start3A_519 : memref<128xi32, #tpu.memory_space<vmem>>) semaphore(%arg12 : memref<!tpu.dma_semaphore, #tpu.memory_space<semaphore_mem>>) {add = true}
        %add3A_523 = arith.constant 1 : i32
        %add3A_524 = arith.addi %add3A_495, %add3A_523 : i32
        %lt3A_525 = arith.cmpi slt, %add3A_524, %select_n3A_332 : i32
        %convert_element_type3A_526 = arith.extui %lt3A_525 : i1 to i32
        %cond3A_527 = arith.constant 0 : i32
        %cond3A_528 = arith.cmpi ne, %convert_element_type3A_526, %cond3A_527 : i32
        scf.if %cond3A_528 {
          %ge3A = arith.constant 1 : i32
          %ge3A_529 = arith.cmpi sge, %add3A_495, %ge3A : i32
          %convert_element_type3A_530 = arith.extui %ge3A_529 : i1 to i32
          %cond3A_531 = arith.constant 0 : i32
          %cond3A_532 = arith.cmpi ne, %convert_element_type3A_530, %cond3A_531 : i32
          scf.if %cond3A_532 {
            %dma_wait3A_549 = arith.constant 0 : i32
            %dma_wait3A_550 = arith.constant 0 : i32
            %dma_wait3A_551 = arith.constant 0 : i32
            %dma_wait3A_552 = arith.constant 0 : i32
            %dma_wait3A_553 = tpu.memref_slice %arg7[%dma_wait3A_549, %dma_wait3A_551, %dma_wait3A_552] : memref<2x128x128xf32, #tpu.memory_space<vmem>> -> memref<1x128x128xf32, #tpu.memory_space<vmem>>
            %dma_wait3A_554 = tpu.memref_squeeze %dma_wait3A_553 : memref<1x128x128xf32, #tpu.memory_space<vmem>> -> memref<128x128xf32, #tpu.memory_space<vmem>>
            %dma_wait3A_555 = arith.constant 0 : i32
            %dma_wait3A_556 = tpu.memref_slice %arg6[%dma_wait3A_550, %dma_wait3A_555] : memref<2x128xi32, #tpu.memory_space<vmem>> -> memref<1x128xi32, #tpu.memory_space<vmem>>
            %dma_wait3A_557 = tpu.memref_squeeze %dma_wait3A_556 : memref<1x128xi32, #tpu.memory_space<vmem>> -> memref<128xi32, #tpu.memory_space<vmem>>
            %dma_wait3A_558 = arith.constant 0 : i32
            %dma_wait3A_559 = arith.constant 0 : i32
            %dma_wait3A_560 = tpu.memref_slice %arg8[%dma_wait3A_558, %dma_wait3A_559] : memref<10000x128xf32, #tpu.memory_space<vmem_shared>> -> memref<10000x128xf32, #tpu.memory_space<vmem_shared>>
            tpu.wait_indirect_dma semaphore(%arg11 : memref<!tpu.dma_semaphore, #tpu.memory_space<semaphore_mem>>) src(%dma_wait3A_554 : memref<128x128xf32, #tpu.memory_space<vmem>>) dst(%dma_wait3A_560 : memref<10000x128xf32, #tpu.memory_space<vmem_shared>>)
          } else {
          }
          %add3A_533 = arith.constant 1 : i32
          %add3A_534 = arith.addi %add3A_495, %add3A_533 : i32
          %mul3A_535 = arith.constant 32 : i32
          %mul3A_536 = arith.muli %add3A_534, %mul3A_535 : i32
          %add3A_537 = arith.addi %mul3A_536, %add3A_302 : i32
          %mul3A_538 = arith.constant 128 : i32
          %mul3A_539 = arith.muli %add3A_537, %mul3A_538 : i32
          %dma_start3A_540 = arith.constant 0 : i32
          %dma_start3A_541 = arith.constant 0 : i32
          %dma_start3A_542 = tpu.memref_slice %arg6[%dma_start3A_540, %dma_start3A_541] : memref<2x128xi32, #tpu.memory_space<vmem>> -> memref<1x128xi32, #tpu.memory_space<vmem>>
          %dma_start3A_543 = tpu.memref_squeeze %dma_start3A_542 : memref<1x128xi32, #tpu.memory_space<vmem>> -> memref<128xi32, #tpu.memory_space<vmem>>
          %dma_start3A_544 = tpu.memref_slice %arg3[%mul3A_539] : memref<160000xi32, #tpu.memory_space<hbm>> -> memref<128xi32, #tpu.memory_space<hbm>>
          %dma_start3A_545 = arith.constant 0 : i32
          %dma_start3A_546 = tpu.memref_slice %arg6[%dma_start3A_540, %dma_start3A_545] : memref<2x128xi32, #tpu.memory_space<vmem>> -> memref<1x128xi32, #tpu.memory_space<vmem>>
          %dma_start3A_547 = tpu.memref_squeeze %dma_start3A_546 : memref<1x128xi32, #tpu.memory_space<vmem>> -> memref<128xi32, #tpu.memory_space<vmem>>
          %dma_start3A_548 = tpu.memref_slice %arg3[%mul3A_539] : memref<160000xi32, #tpu.memory_space<hbm>> -> memref<128xi32, #tpu.memory_space<hbm>>
          tpu.enqueue_dma source(%dma_start3A_548 : memref<128xi32, #tpu.memory_space<hbm>>) target(%dma_start3A_547 : memref<128xi32, #tpu.memory_space<vmem>>) target_semaphore(%arg9 : memref<!tpu.dma_semaphore, #tpu.memory_space<semaphore_mem>>)
        } else {
        }
      } else {
      }
      %scan3A_500 = arith.constant 0 : i32
      scf.yield %scan3A_500 : i32
    }
    %scan3A_344 = arith.constant 20 : i32
    %dma_wait3A_345 = arith.constant 0 : i32
    %dma_wait3A_346 = arith.constant 0 : i32
    %dma_wait3A_347 = arith.constant 0 : i32
    %dma_wait3A_348 = arith.constant 0 : i32
    %dma_wait3A_349 = tpu.memref_slice %arg7[%dma_wait3A_345, %dma_wait3A_347, %dma_wait3A_348] : memref<2x128x128xf32, #tpu.memory_space<vmem>> -> memref<1x128x128xf32, #tpu.memory_space<vmem>>
    %dma_wait3A_350 = tpu.memref_squeeze %dma_wait3A_349 : memref<1x128x128xf32, #tpu.memory_space<vmem>> -> memref<128x128xf32, #tpu.memory_space<vmem>>
    %dma_wait3A_351 = arith.constant 0 : i32
    %dma_wait3A_352 = tpu.memref_slice %arg6[%dma_wait3A_346, %dma_wait3A_351] : memref<2x128xi32, #tpu.memory_space<vmem>> -> memref<1x128xi32, #tpu.memory_space<vmem>>
    %dma_wait3A_353 = tpu.memref_squeeze %dma_wait3A_352 : memref<1x128xi32, #tpu.memory_space<vmem>> -> memref<128xi32, #tpu.memory_space<vmem>>
    %dma_wait3A_354 = arith.constant 0 : i32
    %dma_wait3A_355 = arith.constant 0 : i32
    %dma_wait3A_356 = tpu.memref_slice %arg8[%dma_wait3A_354, %dma_wait3A_355] : memref<10000x128xf32, #tpu.memory_space<vmem_shared>> -> memref<10000x128xf32, #tpu.memory_space<vmem_shared>>
    tpu.wait_indirect_dma semaphore(%arg11 : memref<!tpu.dma_semaphore, #tpu.memory_space<semaphore_mem>>) src(%dma_wait3A_350 : memref<128x128xf32, #tpu.memory_space<vmem>>) dst(%dma_wait3A_356 : memref<10000x128xf32, #tpu.memory_space<vmem_shared>>)
    %dma_wait3A_357 = arith.constant 0 : i32
    %dma_wait3A_358 = arith.constant 1 : i32
    %dma_wait3A_359 = arith.constant 0 : i32
    %dma_wait3A_360 = arith.constant 0 : i32
    %dma_wait3A_361 = tpu.memref_slice %arg7[%dma_wait3A_357, %dma_wait3A_359, %dma_wait3A_360] : memref<2x128x128xf32, #tpu.memory_space<vmem>> -> memref<1x128x128xf32, #tpu.memory_space<vmem>>
    %dma_wait3A_362 = tpu.memref_squeeze %dma_wait3A_361 : memref<1x128x128xf32, #tpu.memory_space<vmem>> -> memref<128x128xf32, #tpu.memory_space<vmem>>
    %dma_wait3A_363 = arith.constant 0 : i32
    %dma_wait3A_364 = tpu.memref_slice %arg6[%dma_wait3A_358, %dma_wait3A_363] : memref<2x128xi32, #tpu.memory_space<vmem>> -> memref<1x128xi32, #tpu.memory_space<vmem>>
    %dma_wait3A_365 = tpu.memref_squeeze %dma_wait3A_364 : memref<1x128xi32, #tpu.memory_space<vmem>> -> memref<128xi32, #tpu.memory_space<vmem>>
    %dma_wait3A_366 = arith.constant 0 : i32
    %dma_wait3A_367 = arith.constant 0 : i32
    %dma_wait3A_368 = tpu.memref_slice %arg8[%dma_wait3A_366, %dma_wait3A_367] : memref<10000x128xf32, #tpu.memory_space<vmem_shared>> -> memref<10000x128xf32, #tpu.memory_space<vmem_shared>>
    tpu.wait_indirect_dma semaphore(%arg12 : memref<!tpu.dma_semaphore, #tpu.memory_space<semaphore_mem>>) src(%dma_wait3A_362 : memref<128x128xf32, #tpu.memory_space<vmem>>) dst(%dma_wait3A_368 : memref<10000x128xf32, #tpu.memory_space<vmem_shared>>)
    %barrier3A_369 = arith.constant 0 : index
    tpu.barrier barrier_id(%barrier3A_369)
    %add3A_370 = arith.constant 0 : i32
    %add3A_371 = arith.addi %add3A_370, %arg1 : i32
    %lt3A_372 = arith.constant 250 : i32
    %lt3A_373 = arith.cmpi slt, %add3A_371, %lt3A_372 : i32
    %convert_element_type3A_374 = arith.extui %lt3A_373 : i1 to i32
    %cond3A_375 = arith.constant 0 : i32
    %cond3A_376 = arith.cmpi ne, %convert_element_type3A_374, %cond3A_375 : i32
    scf.if %cond3A_376 {
      %mul3A_482 = arith.constant 40 : i32
      %mul3A_483 = arith.muli %add3A_371, %mul3A_482 : i32
      %run_scoped3A = arith.constant 1 : i32
      "tpu.region"() ({
        %run_scoped3A_488 = tpu.sem_alloc : memref<!tpu.dma_semaphore, #tpu.memory_space<semaphore_mem>>
        %dma_start3A = arith.constant 0 : i32
        %dma_start3A_489 = arith.constant 0 : i32
        %dma_start3A_490 = tpu.memref_slice %arg7[%run_scoped3A, %dma_start3A, %dma_start3A_489] : memref<2x128x128xf32, #tpu.memory_space<vmem>> -> memref<1x40x128xf32, #tpu.memory_space<vmem>>
        %dma_start3A_491 = tpu.memref_squeeze %dma_start3A_490 : memref<1x40x128xf32, #tpu.memory_space<vmem>> -> memref<40x128xf32, #tpu.memory_space<vmem>>
        %dma_start3A_492 = arith.constant 0 : i32
        %dma_start3A_493 = tpu.memref_slice %arg8[%mul3A_483, %dma_start3A_492] : memref<10000x128xf32, #tpu.memory_space<vmem_shared>> -> memref<40x128xf32, #tpu.memory_space<vmem_shared>>
        %dma_start3A_494 = arith.constant 0 : i32
        %dma_start3A_495 = arith.constant 0 : i32
        %dma_start3A_496 = tpu.memref_slice %arg7[%run_scoped3A, %dma_start3A_494, %dma_start3A_495] : memref<2x128x128xf32, #tpu.memory_space<vmem>> -> memref<1x40x128xf32, #tpu.memory_space<vmem>>
        %dma_start3A_497 = tpu.memref_squeeze %dma_start3A_496 : memref<1x40x128xf32, #tpu.memory_space<vmem>> -> memref<40x128xf32, #tpu.memory_space<vmem>>
        %dma_start3A_498 = arith.constant 0 : i32
        %dma_start3A_499 = tpu.memref_slice %arg8[%mul3A_483, %dma_start3A_498] : memref<10000x128xf32, #tpu.memory_space<vmem_shared>> -> memref<40x128xf32, #tpu.memory_space<vmem_shared>>
        tpu.enqueue_dma source(%dma_start3A_499 : memref<40x128xf32, #tpu.memory_space<vmem_shared>>) target(%dma_start3A_497 : memref<40x128xf32, #tpu.memory_space<vmem>>) target_semaphore(%run_scoped3A_488 : memref<!tpu.dma_semaphore, #tpu.memory_space<semaphore_mem>>)
        %dma_wait3A_500 = arith.constant 0 : i32
        %dma_wait3A_501 = arith.constant 0 : i32
        %dma_wait3A_502 = tpu.memref_slice %arg7[%run_scoped3A, %dma_wait3A_500, %dma_wait3A_501] : memref<2x128x128xf32, #tpu.memory_space<vmem>> -> memref<1x40x128xf32, #tpu.memory_space<vmem>>
        %dma_wait3A_503 = tpu.memref_squeeze %dma_wait3A_502 : memref<1x40x128xf32, #tpu.memory_space<vmem>> -> memref<40x128xf32, #tpu.memory_space<vmem>>
        %dma_wait3A_504 = arith.constant 0 : i32
        %dma_wait3A_505 = tpu.memref_slice %arg8[%mul3A_483, %dma_wait3A_504] : memref<10000x128xf32, #tpu.memory_space<vmem_shared>> -> memref<40x128xf32, #tpu.memory_space<vmem_shared>>
        %dma_wait3A_506 = arith.constant 0 : i32
        %dma_wait3A_507 = arith.constant 0 : i32
        %dma_wait3A_508 = tpu.memref_slice %arg7[%run_scoped3A, %dma_wait3A_506, %dma_wait3A_507] : memref<2x128x128xf32, #tpu.memory_space<vmem>> -> memref<1x40x128xf32, #tpu.memory_space<vmem>>
        %dma_wait3A_509 = tpu.memref_squeeze %dma_wait3A_508 : memref<1x40x128xf32, #tpu.memory_space<vmem>> -> memref<40x128xf32, #tpu.memory_space<vmem>>
        %dma_wait3A_510 = arith.constant 0 : i32
        %dma_wait3A_511 = tpu.memref_slice %arg8[%mul3A_483, %dma_wait3A_510] : memref<10000x128xf32, #tpu.memory_space<vmem_shared>> -> memref<40x128xf32, #tpu.memory_space<vmem_shared>>
        tpu.wait_dma2 semaphore(%run_scoped3A_488 : memref<!tpu.dma_semaphore, #tpu.memory_space<semaphore_mem>>) src(%dma_wait3A_511 : memref<40x128xf32, #tpu.memory_space<vmem_shared>>) dst(%dma_wait3A_509 : memref<40x128xf32, #tpu.memory_space<vmem>>)
        tpu.yield
      }) : () -> ()
      %mul3A_484 = arith.constant 10000 : i32
      %mul3A_485 = arith.muli %arg0, %mul3A_484 : i32
      %add3A_486 = arith.addi %mul3A_485, %mul3A_483 : i32
      %run_scoped3A_487 = arith.constant 1 : i32
      "tpu.region"() ({
        %run_scoped3A_488 = tpu.sem_alloc : memref<!tpu.dma_semaphore, #tpu.memory_space<semaphore_mem>>
        %dma_start3A = arith.constant 0 : i32
        %dma_start3A_489 = arith.constant 0 : i32
        %dma_start3A_490 = tpu.memref_slice %arg7[%run_scoped3A_487, %dma_start3A, %dma_start3A_489] : memref<2x128x128xf32, #tpu.memory_space<vmem>> -> memref<1x40x128xf32, #tpu.memory_space<vmem>>
        %dma_start3A_491 = tpu.memref_squeeze %dma_start3A_490 : memref<1x40x128xf32, #tpu.memory_space<vmem>> -> memref<40x128xf32, #tpu.memory_space<vmem>>
        %dma_start3A_492 = arith.constant 0 : i32
        %dma_start3A_493 = tpu.memref_slice %arg5[%add3A_486, %dma_start3A_492] : memref<20000x128xf32, #tpu.memory_space<hbm>> -> memref<40x128xf32, #tpu.memory_space<hbm>>
        %dma_start3A_494 = arith.constant 0 : i32
        %dma_start3A_495 = tpu.memref_slice %arg5[%add3A_486, %dma_start3A_494] : memref<20000x128xf32, #tpu.memory_space<hbm>> -> memref<40x128xf32, #tpu.memory_space<hbm>>
        %dma_start3A_496 = arith.constant 0 : i32
        %dma_start3A_497 = arith.constant 0 : i32
        %dma_start3A_498 = tpu.memref_slice %arg7[%run_scoped3A_487, %dma_start3A_496, %dma_start3A_497] : memref<2x128x128xf32, #tpu.memory_space<vmem>> -> memref<1x40x128xf32, #tpu.memory_space<vmem>>
        %dma_start3A_499 = tpu.memref_squeeze %dma_start3A_498 : memref<1x40x128xf32, #tpu.memory_space<vmem>> -> memref<40x128xf32, #tpu.memory_space<vmem>>
        tpu.enqueue_dma source(%dma_start3A_499 : memref<40x128xf32, #tpu.memory_space<vmem>>) target(%dma_start3A_495 : memref<40x128xf32, #tpu.memory_space<hbm>>) target_semaphore(%run_scoped3A_488 : memref<!tpu.dma_semaphore, #tpu.memory_space<semaphore_mem>>)
        %dma_wait3A_500 = arith.constant 0 : i32
        %dma_wait3A_501 = arith.constant 0 : i32
        %dma_wait3A_502 = tpu.memref_slice %arg7[%run_scoped3A_487, %dma_wait3A_500, %dma_wait3A_501] : memref<2x128x128xf32, #tpu.memory_space<vmem>> -> memref<1x40x128xf32, #tpu.memory_space<vmem>>
        %dma_wait3A_503 = tpu.memref_squeeze %dma_wait3A_502 : memref<1x40x128xf32, #tpu.memory_space<vmem>> -> memref<40x128xf32, #tpu.memory_space<vmem>>
        %dma_wait3A_504 = arith.constant 0 : i32
        %dma_wait3A_505 = tpu.memref_slice %arg5[%add3A_486, %dma_wait3A_504] : memref<20000x128xf32, #tpu.memory_space<hbm>> -> memref<40x128xf32, #tpu.memory_space<hbm>>
        %dma_wait3A_506 = arith.constant 0 : i32
        %dma_wait3A_507 = tpu.memref_slice %arg5[%add3A_486, %dma_wait3A_506] : memref<20000x128xf32, #tpu.memory_space<hbm>> -> memref<40x128xf32, #tpu.memory_space<hbm>>
        %dma_wait3A_508 = arith.constant 0 : i32
        %dma_wait3A_509 = arith.constant 0 : i32
        %dma_wait3A_510 = tpu.memref_slice %arg7[%run_scoped3A_487, %dma_wait3A_508, %dma_wait3A_509] : memref<2x128x128xf32, #tpu.memory_space<vmem>> -> memref<1x40x128xf32, #tpu.memory_space<vmem>>
        %dma_wait3A_511 = tpu.memref_squeeze %dma_wait3A_510 : memref<1x40x128xf32, #tpu.memory_space<vmem>> -> memref<40x128xf32, #tpu.memory_space<vmem>>
        tpu.wait_dma2 semaphore(%run_scoped3A_488 : memref<!tpu.dma_semaphore, #tpu.memory_space<semaphore_mem>>) src(%dma_wait3A_511 : memref<40x128xf32, #tpu.memory_space<vmem>>) dst(%dma_wait3A_507 : memref<40x128xf32, #tpu.memory_space<hbm>>)
        tpu.yield
      }) : () -> ()
    } else {
    }
    %add3A_377 = arith.constant 16 : i32
    %add3A_378 = arith.addi %add3A_377, %arg1 : i32
    %lt3A_379 = arith.constant 250 : i32
    %lt3A_380 = arith.cmpi slt, %add3A_378, %lt3A_379 : i32
    %convert_element_type3A_381 = arith.extui %lt3A_380 : i1 to i32
    %cond3A_382 = arith.constant 0 : i32
    %cond3A_383 = arith.cmpi ne, %convert_element_type3A_381, %cond3A_382 : i32
    scf.if %cond3A_383 {
      %mul3A_482 = arith.constant 40 : i32
      %mul3A_483 = arith.muli %add3A_378, %mul3A_482 : i32
      %run_scoped3A = arith.constant 1 : i32
      "tpu.region"() ({
        %run_scoped3A_488 = tpu.sem_alloc : memref<!tpu.dma_semaphore, #tpu.memory_space<semaphore_mem>>
        %dma_start3A = arith.constant 0 : i32
        %dma_start3A_489 = arith.constant 0 : i32
        %dma_start3A_490 = tpu.memref_slice %arg7[%run_scoped3A, %dma_start3A, %dma_start3A_489] : memref<2x128x128xf32, #tpu.memory_space<vmem>> -> memref<1x40x128xf32, #tpu.memory_space<vmem>>
        %dma_start3A_491 = tpu.memref_squeeze %dma_start3A_490 : memref<1x40x128xf32, #tpu.memory_space<vmem>> -> memref<40x128xf32, #tpu.memory_space<vmem>>
        %dma_start3A_492 = arith.constant 0 : i32
        %dma_start3A_493 = tpu.memref_slice %arg8[%mul3A_483, %dma_start3A_492] : memref<10000x128xf32, #tpu.memory_space<vmem_shared>> -> memref<40x128xf32, #tpu.memory_space<vmem_shared>>
        %dma_start3A_494 = arith.constant 0 : i32
        %dma_start3A_495 = arith.constant 0 : i32
        %dma_start3A_496 = tpu.memref_slice %arg7[%run_scoped3A, %dma_start3A_494, %dma_start3A_495] : memref<2x128x128xf32, #tpu.memory_space<vmem>> -> memref<1x40x128xf32, #tpu.memory_space<vmem>>
        %dma_start3A_497 = tpu.memref_squeeze %dma_start3A_496 : memref<1x40x128xf32, #tpu.memory_space<vmem>> -> memref<40x128xf32, #tpu.memory_space<vmem>>
        %dma_start3A_498 = arith.constant 0 : i32
        %dma_start3A_499 = tpu.memref_slice %arg8[%mul3A_483, %dma_start3A_498] : memref<10000x128xf32, #tpu.memory_space<vmem_shared>> -> memref<40x128xf32, #tpu.memory_space<vmem_shared>>
        tpu.enqueue_dma source(%dma_start3A_499 : memref<40x128xf32, #tpu.memory_space<vmem_shared>>) target(%dma_start3A_497 : memref<40x128xf32, #tpu.memory_space<vmem>>) target_semaphore(%run_scoped3A_488 : memref<!tpu.dma_semaphore, #tpu.memory_space<semaphore_mem>>)
        %dma_wait3A_500 = arith.constant 0 : i32
        %dma_wait3A_501 = arith.constant 0 : i32
        %dma_wait3A_502 = tpu.memref_slice %arg7[%run_scoped3A, %dma_wait3A_500, %dma_wait3A_501] : memref<2x128x128xf32, #tpu.memory_space<vmem>> -> memref<1x40x128xf32, #tpu.memory_space<vmem>>
        %dma_wait3A_503 = tpu.memref_squeeze %dma_wait3A_502 : memref<1x40x128xf32, #tpu.memory_space<vmem>> -> memref<40x128xf32, #tpu.memory_space<vmem>>
        %dma_wait3A_504 = arith.constant 0 : i32
        %dma_wait3A_505 = tpu.memref_slice %arg8[%mul3A_483, %dma_wait3A_504] : memref<10000x128xf32, #tpu.memory_space<vmem_shared>> -> memref<40x128xf32, #tpu.memory_space<vmem_shared>>
        %dma_wait3A_506 = arith.constant 0 : i32
        %dma_wait3A_507 = arith.constant 0 : i32
        %dma_wait3A_508 = tpu.memref_slice %arg7[%run_scoped3A, %dma_wait3A_506, %dma_wait3A_507] : memref<2x128x128xf32, #tpu.memory_space<vmem>> -> memref<1x40x128xf32, #tpu.memory_space<vmem>>
        %dma_wait3A_509 = tpu.memref_squeeze %dma_wait3A_508 : memref<1x40x128xf32, #tpu.memory_space<vmem>> -> memref<40x128xf32, #tpu.memory_space<vmem>>
        %dma_wait3A_510 = arith.constant 0 : i32
        %dma_wait3A_511 = tpu.memref_slice %arg8[%mul3A_483, %dma_wait3A_510] : memref<10000x128xf32, #tpu.memory_space<vmem_shared>> -> memref<40x128xf32, #tpu.memory_space<vmem_shared>>
        tpu.wait_dma2 semaphore(%run_scoped3A_488 : memref<!tpu.dma_semaphore, #tpu.memory_space<semaphore_mem>>) src(%dma_wait3A_511 : memref<40x128xf32, #tpu.memory_space<vmem_shared>>) dst(%dma_wait3A_509 : memref<40x128xf32, #tpu.memory_space<vmem>>)
        tpu.yield
      }) : () -> ()
      %mul3A_484 = arith.constant 10000 : i32
      %mul3A_485 = arith.muli %arg0, %mul3A_484 : i32
      %add3A_486 = arith.addi %mul3A_485, %mul3A_483 : i32
      %run_scoped3A_487 = arith.constant 1 : i32
      "tpu.region"() ({
        %run_scoped3A_488 = tpu.sem_alloc : memref<!tpu.dma_semaphore, #tpu.memory_space<semaphore_mem>>
        %dma_start3A = arith.constant 0 : i32
        %dma_start3A_489 = arith.constant 0 : i32
        %dma_start3A_490 = tpu.memref_slice %arg7[%run_scoped3A_487, %dma_start3A, %dma_start3A_489] : memref<2x128x128xf32, #tpu.memory_space<vmem>> -> memref<1x40x128xf32, #tpu.memory_space<vmem>>
        %dma_start3A_491 = tpu.memref_squeeze %dma_start3A_490 : memref<1x40x128xf32, #tpu.memory_space<vmem>> -> memref<40x128xf32, #tpu.memory_space<vmem>>
        %dma_start3A_492 = arith.constant 0 : i32
        %dma_start3A_493 = tpu.memref_slice %arg5[%add3A_486, %dma_start3A_492] : memref<20000x128xf32, #tpu.memory_space<hbm>> -> memref<40x128xf32, #tpu.memory_space<hbm>>
        %dma_start3A_494 = arith.constant 0 : i32
        %dma_start3A_495 = tpu.memref_slice %arg5[%add3A_486, %dma_start3A_494] : memref<20000x128xf32, #tpu.memory_space<hbm>> -> memref<40x128xf32, #tpu.memory_space<hbm>>
        %dma_start3A_496 = arith.constant 0 : i32
        %dma_start3A_497 = arith.constant 0 : i32
        %dma_start3A_498 = tpu.memref_slice %arg7[%run_scoped3A_487, %dma_start3A_496, %dma_start3A_497] : memref<2x128x128xf32, #tpu.memory_space<vmem>> -> memref<1x40x128xf32, #tpu.memory_space<vmem>>
        %dma_start3A_499 = tpu.memref_squeeze %dma_start3A_498 : memref<1x40x128xf32, #tpu.memory_space<vmem>> -> memref<40x128xf32, #tpu.memory_space<vmem>>
        tpu.enqueue_dma source(%dma_start3A_499 : memref<40x128xf32, #tpu.memory_space<vmem>>) target(%dma_start3A_495 : memref<40x128xf32, #tpu.memory_space<hbm>>) target_semaphore(%run_scoped3A_488 : memref<!tpu.dma_semaphore, #tpu.memory_space<semaphore_mem>>)
        %dma_wait3A_500 = arith.constant 0 : i32
        %dma_wait3A_501 = arith.constant 0 : i32
        %dma_wait3A_502 = tpu.memref_slice %arg7[%run_scoped3A_487, %dma_wait3A_500, %dma_wait3A_501] : memref<2x128x128xf32, #tpu.memory_space<vmem>> -> memref<1x40x128xf32, #tpu.memory_space<vmem>>
        %dma_wait3A_503 = tpu.memref_squeeze %dma_wait3A_502 : memref<1x40x128xf32, #tpu.memory_space<vmem>> -> memref<40x128xf32, #tpu.memory_space<vmem>>
        %dma_wait3A_504 = arith.constant 0 : i32
        %dma_wait3A_505 = tpu.memref_slice %arg5[%add3A_486, %dma_wait3A_504] : memref<20000x128xf32, #tpu.memory_space<hbm>> -> memref<40x128xf32, #tpu.memory_space<hbm>>
        %dma_wait3A_506 = arith.constant 0 : i32
        %dma_wait3A_507 = tpu.memref_slice %arg5[%add3A_486, %dma_wait3A_506] : memref<20000x128xf32, #tpu.memory_space<hbm>> -> memref<40x128xf32, #tpu.memory_space<hbm>>
        %dma_wait3A_508 = arith.constant 0 : i32
        %dma_wait3A_509 = arith.constant 0 : i32
        %dma_wait3A_510 = tpu.memref_slice %arg7[%run_scoped3A_487, %dma_wait3A_508, %dma_wait3A_509] : memref<2x128x128xf32, #tpu.memory_space<vmem>> -> memref<1x40x128xf32, #tpu.memory_space<vmem>>
        %dma_wait3A_511 = tpu.memref_squeeze %dma_wait3A_510 : memref<1x40x128xf32, #tpu.memory_space<vmem>> -> memref<40x128xf32, #tpu.memory_space<vmem>>
        tpu.wait_dma2 semaphore(%run_scoped3A_488 : memref<!tpu.dma_semaphore, #tpu.memory_space<semaphore_mem>>) src(%dma_wait3A_511 : memref<40x128xf32, #tpu.memory_space<vmem>>) dst(%dma_wait3A_507 : memref<40x128xf32, #tpu.memory_space<hbm>>)
        tpu.yield
      }) : () -> ()
    } else {
    }
    %add3A_384 = arith.constant 32 : i32
    %add3A_385 = arith.addi %add3A_384, %arg1 : i32
    %lt3A_386 = arith.constant 250 : i32
    %lt3A_387 = arith.cmpi slt, %add3A_385, %lt3A_386 : i32
    %convert_element_type3A_388 = arith.extui %lt3A_387 : i1 to i32
    %cond3A_389 = arith.constant 0 : i32
    %cond3A_390 = arith.cmpi ne, %convert_element_type3A_388, %cond3A_389 : i32
    scf.if %cond3A_390 {
      %mul3A_482 = arith.constant 40 : i32
      %mul3A_483 = arith.muli %add3A_385, %mul3A_482 : i32
      %run_scoped3A = arith.constant 1 : i32
      "tpu.region"() ({
        %run_scoped3A_488 = tpu.sem_alloc : memref<!tpu.dma_semaphore, #tpu.memory_space<semaphore_mem>>
        %dma_start3A = arith.constant 0 : i32
        %dma_start3A_489 = arith.constant 0 : i32
        %dma_start3A_490 = tpu.memref_slice %arg7[%run_scoped3A, %dma_start3A, %dma_start3A_489] : memref<2x128x128xf32, #tpu.memory_space<vmem>> -> memref<1x40x128xf32, #tpu.memory_space<vmem>>
        %dma_start3A_491 = tpu.memref_squeeze %dma_start3A_490 : memref<1x40x128xf32, #tpu.memory_space<vmem>> -> memref<40x128xf32, #tpu.memory_space<vmem>>
        %dma_start3A_492 = arith.constant 0 : i32
        %dma_start3A_493 = tpu.memref_slice %arg8[%mul3A_483, %dma_start3A_492] : memref<10000x128xf32, #tpu.memory_space<vmem_shared>> -> memref<40x128xf32, #tpu.memory_space<vmem_shared>>
        %dma_start3A_494 = arith.constant 0 : i32
        %dma_start3A_495 = arith.constant 0 : i32
        %dma_start3A_496 = tpu.memref_slice %arg7[%run_scoped3A, %dma_start3A_494, %dma_start3A_495] : memref<2x128x128xf32, #tpu.memory_space<vmem>> -> memref<1x40x128xf32, #tpu.memory_space<vmem>>
        %dma_start3A_497 = tpu.memref_squeeze %dma_start3A_496 : memref<1x40x128xf32, #tpu.memory_space<vmem>> -> memref<40x128xf32, #tpu.memory_space<vmem>>
        %dma_start3A_498 = arith.constant 0 : i32
        %dma_start3A_499 = tpu.memref_slice %arg8[%mul3A_483, %dma_start3A_498] : memref<10000x128xf32, #tpu.memory_space<vmem_shared>> -> memref<40x128xf32, #tpu.memory_space<vmem_shared>>
        tpu.enqueue_dma source(%dma_start3A_499 : memref<40x128xf32, #tpu.memory_space<vmem_shared>>) target(%dma_start3A_497 : memref<40x128xf32, #tpu.memory_space<vmem>>) target_semaphore(%run_scoped3A_488 : memref<!tpu.dma_semaphore, #tpu.memory_space<semaphore_mem>>)
        %dma_wait3A_500 = arith.constant 0 : i32
        %dma_wait3A_501 = arith.constant 0 : i32
        %dma_wait3A_502 = tpu.memref_slice %arg7[%run_scoped3A, %dma_wait3A_500, %dma_wait3A_501] : memref<2x128x128xf32, #tpu.memory_space<vmem>> -> memref<1x40x128xf32, #tpu.memory_space<vmem>>
        %dma_wait3A_503 = tpu.memref_squeeze %dma_wait3A_502 : memref<1x40x128xf32, #tpu.memory_space<vmem>> -> memref<40x128xf32, #tpu.memory_space<vmem>>
        %dma_wait3A_504 = arith.constant 0 : i32
        %dma_wait3A_505 = tpu.memref_slice %arg8[%mul3A_483, %dma_wait3A_504] : memref<10000x128xf32, #tpu.memory_space<vmem_shared>> -> memref<40x128xf32, #tpu.memory_space<vmem_shared>>
        %dma_wait3A_506 = arith.constant 0 : i32
        %dma_wait3A_507 = arith.constant 0 : i32
        %dma_wait3A_508 = tpu.memref_slice %arg7[%run_scoped3A, %dma_wait3A_506, %dma_wait3A_507] : memref<2x128x128xf32, #tpu.memory_space<vmem>> -> memref<1x40x128xf32, #tpu.memory_space<vmem>>
        %dma_wait3A_509 = tpu.memref_squeeze %dma_wait3A_508 : memref<1x40x128xf32, #tpu.memory_space<vmem>> -> memref<40x128xf32, #tpu.memory_space<vmem>>
        %dma_wait3A_510 = arith.constant 0 : i32
        %dma_wait3A_511 = tpu.memref_slice %arg8[%mul3A_483, %dma_wait3A_510] : memref<10000x128xf32, #tpu.memory_space<vmem_shared>> -> memref<40x128xf32, #tpu.memory_space<vmem_shared>>
        tpu.wait_dma2 semaphore(%run_scoped3A_488 : memref<!tpu.dma_semaphore, #tpu.memory_space<semaphore_mem>>) src(%dma_wait3A_511 : memref<40x128xf32, #tpu.memory_space<vmem_shared>>) dst(%dma_wait3A_509 : memref<40x128xf32, #tpu.memory_space<vmem>>)
        tpu.yield
      }) : () -> ()
      %mul3A_484 = arith.constant 10000 : i32
      %mul3A_485 = arith.muli %arg0, %mul3A_484 : i32
      %add3A_486 = arith.addi %mul3A_485, %mul3A_483 : i32
      %run_scoped3A_487 = arith.constant 1 : i32
      "tpu.region"() ({
        %run_scoped3A_488 = tpu.sem_alloc : memref<!tpu.dma_semaphore, #tpu.memory_space<semaphore_mem>>
        %dma_start3A = arith.constant 0 : i32
        %dma_start3A_489 = arith.constant 0 : i32
        %dma_start3A_490 = tpu.memref_slice %arg7[%run_scoped3A_487, %dma_start3A, %dma_start3A_489] : memref<2x128x128xf32, #tpu.memory_space<vmem>> -> memref<1x40x128xf32, #tpu.memory_space<vmem>>
        %dma_start3A_491 = tpu.memref_squeeze %dma_start3A_490 : memref<1x40x128xf32, #tpu.memory_space<vmem>> -> memref<40x128xf32, #tpu.memory_space<vmem>>
        %dma_start3A_492 = arith.constant 0 : i32
        %dma_start3A_493 = tpu.memref_slice %arg5[%add3A_486, %dma_start3A_492] : memref<20000x128xf32, #tpu.memory_space<hbm>> -> memref<40x128xf32, #tpu.memory_space<hbm>>
        %dma_start3A_494 = arith.constant 0 : i32
        %dma_start3A_495 = tpu.memref_slice %arg5[%add3A_486, %dma_start3A_494] : memref<20000x128xf32, #tpu.memory_space<hbm>> -> memref<40x128xf32, #tpu.memory_space<hbm>>
        %dma_start3A_496 = arith.constant 0 : i32
        %dma_start3A_497 = arith.constant 0 : i32
        %dma_start3A_498 = tpu.memref_slice %arg7[%run_scoped3A_487, %dma_start3A_496, %dma_start3A_497] : memref<2x128x128xf32, #tpu.memory_space<vmem>> -> memref<1x40x128xf32, #tpu.memory_space<vmem>>
        %dma_start3A_499 = tpu.memref_squeeze %dma_start3A_498 : memref<1x40x128xf32, #tpu.memory_space<vmem>> -> memref<40x128xf32, #tpu.memory_space<vmem>>
        tpu.enqueue_dma source(%dma_start3A_499 : memref<40x128xf32, #tpu.memory_space<vmem>>) target(%dma_start3A_495 : memref<40x128xf32, #tpu.memory_space<hbm>>) target_semaphore(%run_scoped3A_488 : memref<!tpu.dma_semaphore, #tpu.memory_space<semaphore_mem>>)
        %dma_wait3A_500 = arith.constant 0 : i32
        %dma_wait3A_501 = arith.constant 0 : i32
        %dma_wait3A_502 = tpu.memref_slice %arg7[%run_scoped3A_487, %dma_wait3A_500, %dma_wait3A_501] : memref<2x128x128xf32, #tpu.memory_space<vmem>> -> memref<1x40x128xf32, #tpu.memory_space<vmem>>
        %dma_wait3A_503 = tpu.memref_squeeze %dma_wait3A_502 : memref<1x40x128xf32, #tpu.memory_space<vmem>> -> memref<40x128xf32, #tpu.memory_space<vmem>>
        %dma_wait3A_504 = arith.constant 0 : i32
        %dma_wait3A_505 = tpu.memref_slice %arg5[%add3A_486, %dma_wait3A_504] : memref<20000x128xf32, #tpu.memory_space<hbm>> -> memref<40x128xf32, #tpu.memory_space<hbm>>
        %dma_wait3A_506 = arith.constant 0 : i32
        %dma_wait3A_507 = tpu.memref_slice %arg5[%add3A_486, %dma_wait3A_506] : memref<20000x128xf32, #tpu.memory_space<hbm>> -> memref<40x128xf32, #tpu.memory_space<hbm>>
        %dma_wait3A_508 = arith.constant 0 : i32
        %dma_wait3A_509 = arith.constant 0 : i32
        %dma_wait3A_510 = tpu.memref_slice %arg7[%run_scoped3A_487, %dma_wait3A_508, %dma_wait3A_509] : memref<2x128x128xf32, #tpu.memory_space<vmem>> -> memref<1x40x128xf32, #tpu.memory_space<vmem>>
        %dma_wait3A_511 = tpu.memref_squeeze %dma_wait3A_510 : memref<1x40x128xf32, #tpu.memory_space<vmem>> -> memref<40x128xf32, #tpu.memory_space<vmem>>
        tpu.wait_dma2 semaphore(%run_scoped3A_488 : memref<!tpu.dma_semaphore, #tpu.memory_space<semaphore_mem>>) src(%dma_wait3A_511 : memref<40x128xf32, #tpu.memory_space<vmem>>) dst(%dma_wait3A_507 : memref<40x128xf32, #tpu.memory_space<hbm>>)
        tpu.yield
      }) : () -> ()
    } else {
    }
    %add3A_391 = arith.constant 48 : i32
    %add3A_392 = arith.addi %add3A_391, %arg1 : i32
    %lt3A_393 = arith.constant 250 : i32
    %lt3A_394 = arith.cmpi slt, %add3A_392, %lt3A_393 : i32
    %convert_element_type3A_395 = arith.extui %lt3A_394 : i1 to i32
    %cond3A_396 = arith.constant 0 : i32
    %cond3A_397 = arith.cmpi ne, %convert_element_type3A_395, %cond3A_396 : i32
    scf.if %cond3A_397 {
      %mul3A_482 = arith.constant 40 : i32
      %mul3A_483 = arith.muli %add3A_392, %mul3A_482 : i32
      %run_scoped3A = arith.constant 1 : i32
      "tpu.region"() ({
        %run_scoped3A_488 = tpu.sem_alloc : memref<!tpu.dma_semaphore, #tpu.memory_space<semaphore_mem>>
        %dma_start3A = arith.constant 0 : i32
        %dma_start3A_489 = arith.constant 0 : i32
        %dma_start3A_490 = tpu.memref_slice %arg7[%run_scoped3A, %dma_start3A, %dma_start3A_489] : memref<2x128x128xf32, #tpu.memory_space<vmem>> -> memref<1x40x128xf32, #tpu.memory_space<vmem>>
        %dma_start3A_491 = tpu.memref_squeeze %dma_start3A_490 : memref<1x40x128xf32, #tpu.memory_space<vmem>> -> memref<40x128xf32, #tpu.memory_space<vmem>>
        %dma_start3A_492 = arith.constant 0 : i32
        %dma_start3A_493 = tpu.memref_slice %arg8[%mul3A_483, %dma_start3A_492] : memref<10000x128xf32, #tpu.memory_space<vmem_shared>> -> memref<40x128xf32, #tpu.memory_space<vmem_shared>>
        %dma_start3A_494 = arith.constant 0 : i32
        %dma_start3A_495 = arith.constant 0 : i32
        %dma_start3A_496 = tpu.memref_slice %arg7[%run_scoped3A, %dma_start3A_494, %dma_start3A_495] : memref<2x128x128xf32, #tpu.memory_space<vmem>> -> memref<1x40x128xf32, #tpu.memory_space<vmem>>
        %dma_start3A_497 = tpu.memref_squeeze %dma_start3A_496 : memref<1x40x128xf32, #tpu.memory_space<vmem>> -> memref<40x128xf32, #tpu.memory_space<vmem>>
        %dma_start3A_498 = arith.constant 0 : i32
        %dma_start3A_499 = tpu.memref_slice %arg8[%mul3A_483, %dma_start3A_498] : memref<10000x128xf32, #tpu.memory_space<vmem_shared>> -> memref<40x128xf32, #tpu.memory_space<vmem_shared>>
        tpu.enqueue_dma source(%dma_start3A_499 : memref<40x128xf32, #tpu.memory_space<vmem_shared>>) target(%dma_start3A_497 : memref<40x128xf32, #tpu.memory_space<vmem>>) target_semaphore(%run_scoped3A_488 : memref<!tpu.dma_semaphore, #tpu.memory_space<semaphore_mem>>)
        %dma_wait3A_500 = arith.constant 0 : i32
        %dma_wait3A_501 = arith.constant 0 : i32
        %dma_wait3A_502 = tpu.memref_slice %arg7[%run_scoped3A, %dma_wait3A_500, %dma_wait3A_501] : memref<2x128x128xf32, #tpu.memory_space<vmem>> -> memref<1x40x128xf32, #tpu.memory_space<vmem>>
        %dma_wait3A_503 = tpu.memref_squeeze %dma_wait3A_502 : memref<1x40x128xf32, #tpu.memory_space<vmem>> -> memref<40x128xf32, #tpu.memory_space<vmem>>
        %dma_wait3A_504 = arith.constant 0 : i32
        %dma_wait3A_505 = tpu.memref_slice %arg8[%mul3A_483, %dma_wait3A_504] : memref<10000x128xf32, #tpu.memory_space<vmem_shared>> -> memref<40x128xf32, #tpu.memory_space<vmem_shared>>
        %dma_wait3A_506 = arith.constant 0 : i32
        %dma_wait3A_507 = arith.constant 0 : i32
        %dma_wait3A_508 = tpu.memref_slice %arg7[%run_scoped3A, %dma_wait3A_506, %dma_wait3A_507] : memref<2x128x128xf32, #tpu.memory_space<vmem>> -> memref<1x40x128xf32, #tpu.memory_space<vmem>>
        %dma_wait3A_509 = tpu.memref_squeeze %dma_wait3A_508 : memref<1x40x128xf32, #tpu.memory_space<vmem>> -> memref<40x128xf32, #tpu.memory_space<vmem>>
        %dma_wait3A_510 = arith.constant 0 : i32
        %dma_wait3A_511 = tpu.memref_slice %arg8[%mul3A_483, %dma_wait3A_510] : memref<10000x128xf32, #tpu.memory_space<vmem_shared>> -> memref<40x128xf32, #tpu.memory_space<vmem_shared>>
        tpu.wait_dma2 semaphore(%run_scoped3A_488 : memref<!tpu.dma_semaphore, #tpu.memory_space<semaphore_mem>>) src(%dma_wait3A_511 : memref<40x128xf32, #tpu.memory_space<vmem_shared>>) dst(%dma_wait3A_509 : memref<40x128xf32, #tpu.memory_space<vmem>>)
        tpu.yield
      }) : () -> ()
      %mul3A_484 = arith.constant 10000 : i32
      %mul3A_485 = arith.muli %arg0, %mul3A_484 : i32
      %add3A_486 = arith.addi %mul3A_485, %mul3A_483 : i32
      %run_scoped3A_487 = arith.constant 1 : i32
      "tpu.region"() ({
        %run_scoped3A_488 = tpu.sem_alloc : memref<!tpu.dma_semaphore, #tpu.memory_space<semaphore_mem>>
        %dma_start3A = arith.constant 0 : i32
        %dma_start3A_489 = arith.constant 0 : i32
        %dma_start3A_490 = tpu.memref_slice %arg7[%run_scoped3A_487, %dma_start3A, %dma_start3A_489] : memref<2x128x128xf32, #tpu.memory_space<vmem>> -> memref<1x40x128xf32, #tpu.memory_space<vmem>>
        %dma_start3A_491 = tpu.memref_squeeze %dma_start3A_490 : memref<1x40x128xf32, #tpu.memory_space<vmem>> -> memref<40x128xf32, #tpu.memory_space<vmem>>
        %dma_start3A_492 = arith.constant 0 : i32
        %dma_start3A_493 = tpu.memref_slice %arg5[%add3A_486, %dma_start3A_492] : memref<20000x128xf32, #tpu.memory_space<hbm>> -> memref<40x128xf32, #tpu.memory_space<hbm>>
        %dma_start3A_494 = arith.constant 0 : i32
        %dma_start3A_495 = tpu.memref_slice %arg5[%add3A_486, %dma_start3A_494] : memref<20000x128xf32, #tpu.memory_space<hbm>> -> memref<40x128xf32, #tpu.memory_space<hbm>>
        %dma_start3A_496 = arith.constant 0 : i32
        %dma_start3A_497 = arith.constant 0 : i32
        %dma_start3A_498 = tpu.memref_slice %arg7[%run_scoped3A_487, %dma_start3A_496, %dma_start3A_497] : memref<2x128x128xf32, #tpu.memory_space<vmem>> -> memref<1x40x128xf32, #tpu.memory_space<vmem>>
        %dma_start3A_499 = tpu.memref_squeeze %dma_start3A_498 : memref<1x40x128xf32, #tpu.memory_space<vmem>> -> memref<40x128xf32, #tpu.memory_space<vmem>>
        tpu.enqueue_dma source(%dma_start3A_499 : memref<40x128xf32, #tpu.memory_space<vmem>>) target(%dma_start3A_495 : memref<40x128xf32, #tpu.memory_space<hbm>>) target_semaphore(%run_scoped3A_488 : memref<!tpu.dma_semaphore, #tpu.memory_space<semaphore_mem>>)
        %dma_wait3A_500 = arith.constant 0 : i32
        %dma_wait3A_501 = arith.constant 0 : i32
        %dma_wait3A_502 = tpu.memref_slice %arg7[%run_scoped3A_487, %dma_wait3A_500, %dma_wait3A_501] : memref<2x128x128xf32, #tpu.memory_space<vmem>> -> memref<1x40x128xf32, #tpu.memory_space<vmem>>
        %dma_wait3A_503 = tpu.memref_squeeze %dma_wait3A_502 : memref<1x40x128xf32, #tpu.memory_space<vmem>> -> memref<40x128xf32, #tpu.memory_space<vmem>>
        %dma_wait3A_504 = arith.constant 0 : i32
        %dma_wait3A_505 = tpu.memref_slice %arg5[%add3A_486, %dma_wait3A_504] : memref<20000x128xf32, #tpu.memory_space<hbm>> -> memref<40x128xf32, #tpu.memory_space<hbm>>
        %dma_wait3A_506 = arith.constant 0 : i32
        %dma_wait3A_507 = tpu.memref_slice %arg5[%add3A_486, %dma_wait3A_506] : memref<20000x128xf32, #tpu.memory_space<hbm>> -> memref<40x128xf32, #tpu.memory_space<hbm>>
        %dma_wait3A_508 = arith.constant 0 : i32
        %dma_wait3A_509 = arith.constant 0 : i32
        %dma_wait3A_510 = tpu.memref_slice %arg7[%run_scoped3A_487, %dma_wait3A_508, %dma_wait3A_509] : memref<2x128x128xf32, #tpu.memory_space<vmem>> -> memref<1x40x128xf32, #tpu.memory_space<vmem>>
        %dma_wait3A_511 = tpu.memref_squeeze %dma_wait3A_510 : memref<1x40x128xf32, #tpu.memory_space<vmem>> -> memref<40x128xf32, #tpu.memory_space<vmem>>
        tpu.wait_dma2 semaphore(%run_scoped3A_488 : memref<!tpu.dma_semaphore, #tpu.memory_space<semaphore_mem>>) src(%dma_wait3A_511 : memref<40x128xf32, #tpu.memory_space<vmem>>) dst(%dma_wait3A_507 : memref<40x128xf32, #tpu.memory_space<hbm>>)
        tpu.yield
      }) : () -> ()
    } else {
    }
    %add3A_398 = arith.constant 64 : i32
    %add3A_399 = arith.addi %add3A_398, %arg1 : i32
    %lt3A_400 = arith.constant 250 : i32
    %lt3A_401 = arith.cmpi slt, %add3A_399, %lt3A_400 : i32
    %convert_element_type3A_402 = arith.extui %lt3A_401 : i1 to i32
    %cond3A_403 = arith.constant 0 : i32
    %cond3A_404 = arith.cmpi ne, %convert_element_type3A_402, %cond3A_403 : i32
    scf.if %cond3A_404 {
      %mul3A_482 = arith.constant 40 : i32
      %mul3A_483 = arith.muli %add3A_399, %mul3A_482 : i32
      %run_scoped3A = arith.constant 1 : i32
      "tpu.region"() ({
        %run_scoped3A_488 = tpu.sem_alloc : memref<!tpu.dma_semaphore, #tpu.memory_space<semaphore_mem>>
        %dma_start3A = arith.constant 0 : i32
        %dma_start3A_489 = arith.constant 0 : i32
        %dma_start3A_490 = tpu.memref_slice %arg7[%run_scoped3A, %dma_start3A, %dma_start3A_489] : memref<2x128x128xf32, #tpu.memory_space<vmem>> -> memref<1x40x128xf32, #tpu.memory_space<vmem>>
        %dma_start3A_491 = tpu.memref_squeeze %dma_start3A_490 : memref<1x40x128xf32, #tpu.memory_space<vmem>> -> memref<40x128xf32, #tpu.memory_space<vmem>>
        %dma_start3A_492 = arith.constant 0 : i32
        %dma_start3A_493 = tpu.memref_slice %arg8[%mul3A_483, %dma_start3A_492] : memref<10000x128xf32, #tpu.memory_space<vmem_shared>> -> memref<40x128xf32, #tpu.memory_space<vmem_shared>>
        %dma_start3A_494 = arith.constant 0 : i32
        %dma_start3A_495 = arith.constant 0 : i32
        %dma_start3A_496 = tpu.memref_slice %arg7[%run_scoped3A, %dma_start3A_494, %dma_start3A_495] : memref<2x128x128xf32, #tpu.memory_space<vmem>> -> memref<1x40x128xf32, #tpu.memory_space<vmem>>
        %dma_start3A_497 = tpu.memref_squeeze %dma_start3A_496 : memref<1x40x128xf32, #tpu.memory_space<vmem>> -> memref<40x128xf32, #tpu.memory_space<vmem>>
        %dma_start3A_498 = arith.constant 0 : i32
        %dma_start3A_499 = tpu.memref_slice %arg8[%mul3A_483, %dma_start3A_498] : memref<10000x128xf32, #tpu.memory_space<vmem_shared>> -> memref<40x128xf32, #tpu.memory_space<vmem_shared>>
        tpu.enqueue_dma source(%dma_start3A_499 : memref<40x128xf32, #tpu.memory_space<vmem_shared>>) target(%dma_start3A_497 : memref<40x128xf32, #tpu.memory_space<vmem>>) target_semaphore(%run_scoped3A_488 : memref<!tpu.dma_semaphore, #tpu.memory_space<semaphore_mem>>)
        %dma_wait3A_500 = arith.constant 0 : i32
        %dma_wait3A_501 = arith.constant 0 : i32
        %dma_wait3A_502 = tpu.memref_slice %arg7[%run_scoped3A, %dma_wait3A_500, %dma_wait3A_501] : memref<2x128x128xf32, #tpu.memory_space<vmem>> -> memref<1x40x128xf32, #tpu.memory_space<vmem>>
        %dma_wait3A_503 = tpu.memref_squeeze %dma_wait3A_502 : memref<1x40x128xf32, #tpu.memory_space<vmem>> -> memref<40x128xf32, #tpu.memory_space<vmem>>
        %dma_wait3A_504 = arith.constant 0 : i32
        %dma_wait3A_505 = tpu.memref_slice %arg8[%mul3A_483, %dma_wait3A_504] : memref<10000x128xf32, #tpu.memory_space<vmem_shared>> -> memref<40x128xf32, #tpu.memory_space<vmem_shared>>
        %dma_wait3A_506 = arith.constant 0 : i32
        %dma_wait3A_507 = arith.constant 0 : i32
        %dma_wait3A_508 = tpu.memref_slice %arg7[%run_scoped3A, %dma_wait3A_506, %dma_wait3A_507] : memref<2x128x128xf32, #tpu.memory_space<vmem>> -> memref<1x40x128xf32, #tpu.memory_space<vmem>>
        %dma_wait3A_509 = tpu.memref_squeeze %dma_wait3A_508 : memref<1x40x128xf32, #tpu.memory_space<vmem>> -> memref<40x128xf32, #tpu.memory_space<vmem>>
        %dma_wait3A_510 = arith.constant 0 : i32
        %dma_wait3A_511 = tpu.memref_slice %arg8[%mul3A_483, %dma_wait3A_510] : memref<10000x128xf32, #tpu.memory_space<vmem_shared>> -> memref<40x128xf32, #tpu.memory_space<vmem_shared>>
        tpu.wait_dma2 semaphore(%run_scoped3A_488 : memref<!tpu.dma_semaphore, #tpu.memory_space<semaphore_mem>>) src(%dma_wait3A_511 : memref<40x128xf32, #tpu.memory_space<vmem_shared>>) dst(%dma_wait3A_509 : memref<40x128xf32, #tpu.memory_space<vmem>>)
        tpu.yield
      }) : () -> ()
      %mul3A_484 = arith.constant 10000 : i32
      %mul3A_485 = arith.muli %arg0, %mul3A_484 : i32
      %add3A_486 = arith.addi %mul3A_485, %mul3A_483 : i32
      %run_scoped3A_487 = arith.constant 1 : i32
      "tpu.region"() ({
        %run_scoped3A_488 = tpu.sem_alloc : memref<!tpu.dma_semaphore, #tpu.memory_space<semaphore_mem>>
        %dma_start3A = arith.constant 0 : i32
        %dma_start3A_489 = arith.constant 0 : i32
        %dma_start3A_490 = tpu.memref_slice %arg7[%run_scoped3A_487, %dma_start3A, %dma_start3A_489] : memref<2x128x128xf32, #tpu.memory_space<vmem>> -> memref<1x40x128xf32, #tpu.memory_space<vmem>>
        %dma_start3A_491 = tpu.memref_squeeze %dma_start3A_490 : memref<1x40x128xf32, #tpu.memory_space<vmem>> -> memref<40x128xf32, #tpu.memory_space<vmem>>
        %dma_start3A_492 = arith.constant 0 : i32
        %dma_start3A_493 = tpu.memref_slice %arg5[%add3A_486, %dma_start3A_492] : memref<20000x128xf32, #tpu.memory_space<hbm>> -> memref<40x128xf32, #tpu.memory_space<hbm>>
        %dma_start3A_494 = arith.constant 0 : i32
        %dma_start3A_495 = tpu.memref_slice %arg5[%add3A_486, %dma_start3A_494] : memref<20000x128xf32, #tpu.memory_space<hbm>> -> memref<40x128xf32, #tpu.memory_space<hbm>>
        %dma_start3A_496 = arith.constant 0 : i32
        %dma_start3A_497 = arith.constant 0 : i32
        %dma_start3A_498 = tpu.memref_slice %arg7[%run_scoped3A_487, %dma_start3A_496, %dma_start3A_497] : memref<2x128x128xf32, #tpu.memory_space<vmem>> -> memref<1x40x128xf32, #tpu.memory_space<vmem>>
        %dma_start3A_499 = tpu.memref_squeeze %dma_start3A_498 : memref<1x40x128xf32, #tpu.memory_space<vmem>> -> memref<40x128xf32, #tpu.memory_space<vmem>>
        tpu.enqueue_dma source(%dma_start3A_499 : memref<40x128xf32, #tpu.memory_space<vmem>>) target(%dma_start3A_495 : memref<40x128xf32, #tpu.memory_space<hbm>>) target_semaphore(%run_scoped3A_488 : memref<!tpu.dma_semaphore, #tpu.memory_space<semaphore_mem>>)
        %dma_wait3A_500 = arith.constant 0 : i32
        %dma_wait3A_501 = arith.constant 0 : i32
        %dma_wait3A_502 = tpu.memref_slice %arg7[%run_scoped3A_487, %dma_wait3A_500, %dma_wait3A_501] : memref<2x128x128xf32, #tpu.memory_space<vmem>> -> memref<1x40x128xf32, #tpu.memory_space<vmem>>
        %dma_wait3A_503 = tpu.memref_squeeze %dma_wait3A_502 : memref<1x40x128xf32, #tpu.memory_space<vmem>> -> memref<40x128xf32, #tpu.memory_space<vmem>>
        %dma_wait3A_504 = arith.constant 0 : i32
        %dma_wait3A_505 = tpu.memref_slice %arg5[%add3A_486, %dma_wait3A_504] : memref<20000x128xf32, #tpu.memory_space<hbm>> -> memref<40x128xf32, #tpu.memory_space<hbm>>
        %dma_wait3A_506 = arith.constant 0 : i32
        %dma_wait3A_507 = tpu.memref_slice %arg5[%add3A_486, %dma_wait3A_506] : memref<20000x128xf32, #tpu.memory_space<hbm>> -> memref<40x128xf32, #tpu.memory_space<hbm>>
        %dma_wait3A_508 = arith.constant 0 : i32
        %dma_wait3A_509 = arith.constant 0 : i32
        %dma_wait3A_510 = tpu.memref_slice %arg7[%run_scoped3A_487, %dma_wait3A_508, %dma_wait3A_509] : memref<2x128x128xf32, #tpu.memory_space<vmem>> -> memref<1x40x128xf32, #tpu.memory_space<vmem>>
        %dma_wait3A_511 = tpu.memref_squeeze %dma_wait3A_510 : memref<1x40x128xf32, #tpu.memory_space<vmem>> -> memref<40x128xf32, #tpu.memory_space<vmem>>
        tpu.wait_dma2 semaphore(%run_scoped3A_488 : memref<!tpu.dma_semaphore, #tpu.memory_space<semaphore_mem>>) src(%dma_wait3A_511 : memref<40x128xf32, #tpu.memory_space<vmem>>) dst(%dma_wait3A_507 : memref<40x128xf32, #tpu.memory_space<hbm>>)
        tpu.yield
      }) : () -> ()
    } else {
    }
    %add3A_405 = arith.constant 80 : i32
    %add3A_406 = arith.addi %add3A_405, %arg1 : i32
    %lt3A_407 = arith.constant 250 : i32
    %lt3A_408 = arith.cmpi slt, %add3A_406, %lt3A_407 : i32
    %convert_element_type3A_409 = arith.extui %lt3A_408 : i1 to i32
    %cond3A_410 = arith.constant 0 : i32
    %cond3A_411 = arith.cmpi ne, %convert_element_type3A_409, %cond3A_410 : i32
    scf.if %cond3A_411 {
      %mul3A_482 = arith.constant 40 : i32
      %mul3A_483 = arith.muli %add3A_406, %mul3A_482 : i32
      %run_scoped3A = arith.constant 1 : i32
      "tpu.region"() ({
        %run_scoped3A_488 = tpu.sem_alloc : memref<!tpu.dma_semaphore, #tpu.memory_space<semaphore_mem>>
        %dma_start3A = arith.constant 0 : i32
        %dma_start3A_489 = arith.constant 0 : i32
        %dma_start3A_490 = tpu.memref_slice %arg7[%run_scoped3A, %dma_start3A, %dma_start3A_489] : memref<2x128x128xf32, #tpu.memory_space<vmem>> -> memref<1x40x128xf32, #tpu.memory_space<vmem>>
        %dma_start3A_491 = tpu.memref_squeeze %dma_start3A_490 : memref<1x40x128xf32, #tpu.memory_space<vmem>> -> memref<40x128xf32, #tpu.memory_space<vmem>>
        %dma_start3A_492 = arith.constant 0 : i32
        %dma_start3A_493 = tpu.memref_slice %arg8[%mul3A_483, %dma_start3A_492] : memref<10000x128xf32, #tpu.memory_space<vmem_shared>> -> memref<40x128xf32, #tpu.memory_space<vmem_shared>>
        %dma_start3A_494 = arith.constant 0 : i32
        %dma_start3A_495 = arith.constant 0 : i32
        %dma_start3A_496 = tpu.memref_slice %arg7[%run_scoped3A, %dma_start3A_494, %dma_start3A_495] : memref<2x128x128xf32, #tpu.memory_space<vmem>> -> memref<1x40x128xf32, #tpu.memory_space<vmem>>
        %dma_start3A_497 = tpu.memref_squeeze %dma_start3A_496 : memref<1x40x128xf32, #tpu.memory_space<vmem>> -> memref<40x128xf32, #tpu.memory_space<vmem>>
        %dma_start3A_498 = arith.constant 0 : i32
        %dma_start3A_499 = tpu.memref_slice %arg8[%mul3A_483, %dma_start3A_498] : memref<10000x128xf32, #tpu.memory_space<vmem_shared>> -> memref<40x128xf32, #tpu.memory_space<vmem_shared>>
        tpu.enqueue_dma source(%dma_start3A_499 : memref<40x128xf32, #tpu.memory_space<vmem_shared>>) target(%dma_start3A_497 : memref<40x128xf32, #tpu.memory_space<vmem>>) target_semaphore(%run_scoped3A_488 : memref<!tpu.dma_semaphore, #tpu.memory_space<semaphore_mem>>)
        %dma_wait3A_500 = arith.constant 0 : i32
        %dma_wait3A_501 = arith.constant 0 : i32
        %dma_wait3A_502 = tpu.memref_slice %arg7[%run_scoped3A, %dma_wait3A_500, %dma_wait3A_501] : memref<2x128x128xf32, #tpu.memory_space<vmem>> -> memref<1x40x128xf32, #tpu.memory_space<vmem>>
        %dma_wait3A_503 = tpu.memref_squeeze %dma_wait3A_502 : memref<1x40x128xf32, #tpu.memory_space<vmem>> -> memref<40x128xf32, #tpu.memory_space<vmem>>
        %dma_wait3A_504 = arith.constant 0 : i32
        %dma_wait3A_505 = tpu.memref_slice %arg8[%mul3A_483, %dma_wait3A_504] : memref<10000x128xf32, #tpu.memory_space<vmem_shared>> -> memref<40x128xf32, #tpu.memory_space<vmem_shared>>
        %dma_wait3A_506 = arith.constant 0 : i32
        %dma_wait3A_507 = arith.constant 0 : i32
        %dma_wait3A_508 = tpu.memref_slice %arg7[%run_scoped3A, %dma_wait3A_506, %dma_wait3A_507] : memref<2x128x128xf32, #tpu.memory_space<vmem>> -> memref<1x40x128xf32, #tpu.memory_space<vmem>>
        %dma_wait3A_509 = tpu.memref_squeeze %dma_wait3A_508 : memref<1x40x128xf32, #tpu.memory_space<vmem>> -> memref<40x128xf32, #tpu.memory_space<vmem>>
        %dma_wait3A_510 = arith.constant 0 : i32
        %dma_wait3A_511 = tpu.memref_slice %arg8[%mul3A_483, %dma_wait3A_510] : memref<10000x128xf32, #tpu.memory_space<vmem_shared>> -> memref<40x128xf32, #tpu.memory_space<vmem_shared>>
        tpu.wait_dma2 semaphore(%run_scoped3A_488 : memref<!tpu.dma_semaphore, #tpu.memory_space<semaphore_mem>>) src(%dma_wait3A_511 : memref<40x128xf32, #tpu.memory_space<vmem_shared>>) dst(%dma_wait3A_509 : memref<40x128xf32, #tpu.memory_space<vmem>>)
        tpu.yield
      }) : () -> ()
      %mul3A_484 = arith.constant 10000 : i32
      %mul3A_485 = arith.muli %arg0, %mul3A_484 : i32
      %add3A_486 = arith.addi %mul3A_485, %mul3A_483 : i32
      %run_scoped3A_487 = arith.constant 1 : i32
      "tpu.region"() ({
        %run_scoped3A_488 = tpu.sem_alloc : memref<!tpu.dma_semaphore, #tpu.memory_space<semaphore_mem>>
        %dma_start3A = arith.constant 0 : i32
        %dma_start3A_489 = arith.constant 0 : i32
        %dma_start3A_490 = tpu.memref_slice %arg7[%run_scoped3A_487, %dma_start3A, %dma_start3A_489] : memref<2x128x128xf32, #tpu.memory_space<vmem>> -> memref<1x40x128xf32, #tpu.memory_space<vmem>>
        %dma_start3A_491 = tpu.memref_squeeze %dma_start3A_490 : memref<1x40x128xf32, #tpu.memory_space<vmem>> -> memref<40x128xf32, #tpu.memory_space<vmem>>
        %dma_start3A_492 = arith.constant 0 : i32
        %dma_start3A_493 = tpu.memref_slice %arg5[%add3A_486, %dma_start3A_492] : memref<20000x128xf32, #tpu.memory_space<hbm>> -> memref<40x128xf32, #tpu.memory_space<hbm>>
        %dma_start3A_494 = arith.constant 0 : i32
        %dma_start3A_495 = tpu.memref_slice %arg5[%add3A_486, %dma_start3A_494] : memref<20000x128xf32, #tpu.memory_space<hbm>> -> memref<40x128xf32, #tpu.memory_space<hbm>>
        %dma_start3A_496 = arith.constant 0 : i32
        %dma_start3A_497 = arith.constant 0 : i32
        %dma_start3A_498 = tpu.memref_slice %arg7[%run_scoped3A_487, %dma_start3A_496, %dma_start3A_497] : memref<2x128x128xf32, #tpu.memory_space<vmem>> -> memref<1x40x128xf32, #tpu.memory_space<vmem>>
        %dma_start3A_499 = tpu.memref_squeeze %dma_start3A_498 : memref<1x40x128xf32, #tpu.memory_space<vmem>> -> memref<40x128xf32, #tpu.memory_space<vmem>>
        tpu.enqueue_dma source(%dma_start3A_499 : memref<40x128xf32, #tpu.memory_space<vmem>>) target(%dma_start3A_495 : memref<40x128xf32, #tpu.memory_space<hbm>>) target_semaphore(%run_scoped3A_488 : memref<!tpu.dma_semaphore, #tpu.memory_space<semaphore_mem>>)
        %dma_wait3A_500 = arith.constant 0 : i32
        %dma_wait3A_501 = arith.constant 0 : i32
        %dma_wait3A_502 = tpu.memref_slice %arg7[%run_scoped3A_487, %dma_wait3A_500, %dma_wait3A_501] : memref<2x128x128xf32, #tpu.memory_space<vmem>> -> memref<1x40x128xf32, #tpu.memory_space<vmem>>
        %dma_wait3A_503 = tpu.memref_squeeze %dma_wait3A_502 : memref<1x40x128xf32, #tpu.memory_space<vmem>> -> memref<40x128xf32, #tpu.memory_space<vmem>>
        %dma_wait3A_504 = arith.constant 0 : i32
        %dma_wait3A_505 = tpu.memref_slice %arg5[%add3A_486, %dma_wait3A_504] : memref<20000x128xf32, #tpu.memory_space<hbm>> -> memref<40x128xf32, #tpu.memory_space<hbm>>
        %dma_wait3A_506 = arith.constant 0 : i32
        %dma_wait3A_507 = tpu.memref_slice %arg5[%add3A_486, %dma_wait3A_506] : memref<20000x128xf32, #tpu.memory_space<hbm>> -> memref<40x128xf32, #tpu.memory_space<hbm>>
        %dma_wait3A_508 = arith.constant 0 : i32
        %dma_wait3A_509 = arith.constant 0 : i32
        %dma_wait3A_510 = tpu.memref_slice %arg7[%run_scoped3A_487, %dma_wait3A_508, %dma_wait3A_509] : memref<2x128x128xf32, #tpu.memory_space<vmem>> -> memref<1x40x128xf32, #tpu.memory_space<vmem>>
        %dma_wait3A_511 = tpu.memref_squeeze %dma_wait3A_510 : memref<1x40x128xf32, #tpu.memory_space<vmem>> -> memref<40x128xf32, #tpu.memory_space<vmem>>
        tpu.wait_dma2 semaphore(%run_scoped3A_488 : memref<!tpu.dma_semaphore, #tpu.memory_space<semaphore_mem>>) src(%dma_wait3A_511 : memref<40x128xf32, #tpu.memory_space<vmem>>) dst(%dma_wait3A_507 : memref<40x128xf32, #tpu.memory_space<hbm>>)
        tpu.yield
      }) : () -> ()
    } else {
    }
    %add3A_412 = arith.constant 96 : i32
    %add3A_413 = arith.addi %add3A_412, %arg1 : i32
    %lt3A_414 = arith.constant 250 : i32
    %lt3A_415 = arith.cmpi slt, %add3A_413, %lt3A_414 : i32
    %convert_element_type3A_416 = arith.extui %lt3A_415 : i1 to i32
    %cond3A_417 = arith.constant 0 : i32
    %cond3A_418 = arith.cmpi ne, %convert_element_type3A_416, %cond3A_417 : i32
    scf.if %cond3A_418 {
      %mul3A_482 = arith.constant 40 : i32
      %mul3A_483 = arith.muli %add3A_413, %mul3A_482 : i32
      %run_scoped3A = arith.constant 1 : i32
      "tpu.region"() ({
        %run_scoped3A_488 = tpu.sem_alloc : memref<!tpu.dma_semaphore, #tpu.memory_space<semaphore_mem>>
        %dma_start3A = arith.constant 0 : i32
        %dma_start3A_489 = arith.constant 0 : i32
        %dma_start3A_490 = tpu.memref_slice %arg7[%run_scoped3A, %dma_start3A, %dma_start3A_489] : memref<2x128x128xf32, #tpu.memory_space<vmem>> -> memref<1x40x128xf32, #tpu.memory_space<vmem>>
        %dma_start3A_491 = tpu.memref_squeeze %dma_start3A_490 : memref<1x40x128xf32, #tpu.memory_space<vmem>> -> memref<40x128xf32, #tpu.memory_space<vmem>>
        %dma_start3A_492 = arith.constant 0 : i32
        %dma_start3A_493 = tpu.memref_slice %arg8[%mul3A_483, %dma_start3A_492] : memref<10000x128xf32, #tpu.memory_space<vmem_shared>> -> memref<40x128xf32, #tpu.memory_space<vmem_shared>>
        %dma_start3A_494 = arith.constant 0 : i32
        %dma_start3A_495 = arith.constant 0 : i32
        %dma_start3A_496 = tpu.memref_slice %arg7[%run_scoped3A, %dma_start3A_494, %dma_start3A_495] : memref<2x128x128xf32, #tpu.memory_space<vmem>> -> memref<1x40x128xf32, #tpu.memory_space<vmem>>
        %dma_start3A_497 = tpu.memref_squeeze %dma_start3A_496 : memref<1x40x128xf32, #tpu.memory_space<vmem>> -> memref<40x128xf32, #tpu.memory_space<vmem>>
        %dma_start3A_498 = arith.constant 0 : i32
        %dma_start3A_499 = tpu.memref_slice %arg8[%mul3A_483, %dma_start3A_498] : memref<10000x128xf32, #tpu.memory_space<vmem_shared>> -> memref<40x128xf32, #tpu.memory_space<vmem_shared>>
        tpu.enqueue_dma source(%dma_start3A_499 : memref<40x128xf32, #tpu.memory_space<vmem_shared>>) target(%dma_start3A_497 : memref<40x128xf32, #tpu.memory_space<vmem>>) target_semaphore(%run_scoped3A_488 : memref<!tpu.dma_semaphore, #tpu.memory_space<semaphore_mem>>)
        %dma_wait3A_500 = arith.constant 0 : i32
        %dma_wait3A_501 = arith.constant 0 : i32
        %dma_wait3A_502 = tpu.memref_slice %arg7[%run_scoped3A, %dma_wait3A_500, %dma_wait3A_501] : memref<2x128x128xf32, #tpu.memory_space<vmem>> -> memref<1x40x128xf32, #tpu.memory_space<vmem>>
        %dma_wait3A_503 = tpu.memref_squeeze %dma_wait3A_502 : memref<1x40x128xf32, #tpu.memory_space<vmem>> -> memref<40x128xf32, #tpu.memory_space<vmem>>
        %dma_wait3A_504 = arith.constant 0 : i32
        %dma_wait3A_505 = tpu.memref_slice %arg8[%mul3A_483, %dma_wait3A_504] : memref<10000x128xf32, #tpu.memory_space<vmem_shared>> -> memref<40x128xf32, #tpu.memory_space<vmem_shared>>
        %dma_wait3A_506 = arith.constant 0 : i32
        %dma_wait3A_507 = arith.constant 0 : i32
        %dma_wait3A_508 = tpu.memref_slice %arg7[%run_scoped3A, %dma_wait3A_506, %dma_wait3A_507] : memref<2x128x128xf32, #tpu.memory_space<vmem>> -> memref<1x40x128xf32, #tpu.memory_space<vmem>>
        %dma_wait3A_509 = tpu.memref_squeeze %dma_wait3A_508 : memref<1x40x128xf32, #tpu.memory_space<vmem>> -> memref<40x128xf32, #tpu.memory_space<vmem>>
        %dma_wait3A_510 = arith.constant 0 : i32
        %dma_wait3A_511 = tpu.memref_slice %arg8[%mul3A_483, %dma_wait3A_510] : memref<10000x128xf32, #tpu.memory_space<vmem_shared>> -> memref<40x128xf32, #tpu.memory_space<vmem_shared>>
        tpu.wait_dma2 semaphore(%run_scoped3A_488 : memref<!tpu.dma_semaphore, #tpu.memory_space<semaphore_mem>>) src(%dma_wait3A_511 : memref<40x128xf32, #tpu.memory_space<vmem_shared>>) dst(%dma_wait3A_509 : memref<40x128xf32, #tpu.memory_space<vmem>>)
        tpu.yield
      }) : () -> ()
      %mul3A_484 = arith.constant 10000 : i32
      %mul3A_485 = arith.muli %arg0, %mul3A_484 : i32
      %add3A_486 = arith.addi %mul3A_485, %mul3A_483 : i32
      %run_scoped3A_487 = arith.constant 1 : i32
      "tpu.region"() ({
        %run_scoped3A_488 = tpu.sem_alloc : memref<!tpu.dma_semaphore, #tpu.memory_space<semaphore_mem>>
        %dma_start3A = arith.constant 0 : i32
        %dma_start3A_489 = arith.constant 0 : i32
        %dma_start3A_490 = tpu.memref_slice %arg7[%run_scoped3A_487, %dma_start3A, %dma_start3A_489] : memref<2x128x128xf32, #tpu.memory_space<vmem>> -> memref<1x40x128xf32, #tpu.memory_space<vmem>>
        %dma_start3A_491 = tpu.memref_squeeze %dma_start3A_490 : memref<1x40x128xf32, #tpu.memory_space<vmem>> -> memref<40x128xf32, #tpu.memory_space<vmem>>
        %dma_start3A_492 = arith.constant 0 : i32
        %dma_start3A_493 = tpu.memref_slice %arg5[%add3A_486, %dma_start3A_492] : memref<20000x128xf32, #tpu.memory_space<hbm>> -> memref<40x128xf32, #tpu.memory_space<hbm>>
        %dma_start3A_494 = arith.constant 0 : i32
        %dma_start3A_495 = tpu.memref_slice %arg5[%add3A_486, %dma_start3A_494] : memref<20000x128xf32, #tpu.memory_space<hbm>> -> memref<40x128xf32, #tpu.memory_space<hbm>>
        %dma_start3A_496 = arith.constant 0 : i32
        %dma_start3A_497 = arith.constant 0 : i32
        %dma_start3A_498 = tpu.memref_slice %arg7[%run_scoped3A_487, %dma_start3A_496, %dma_start3A_497] : memref<2x128x128xf32, #tpu.memory_space<vmem>> -> memref<1x40x128xf32, #tpu.memory_space<vmem>>
        %dma_start3A_499 = tpu.memref_squeeze %dma_start3A_498 : memref<1x40x128xf32, #tpu.memory_space<vmem>> -> memref<40x128xf32, #tpu.memory_space<vmem>>
        tpu.enqueue_dma source(%dma_start3A_499 : memref<40x128xf32, #tpu.memory_space<vmem>>) target(%dma_start3A_495 : memref<40x128xf32, #tpu.memory_space<hbm>>) target_semaphore(%run_scoped3A_488 : memref<!tpu.dma_semaphore, #tpu.memory_space<semaphore_mem>>)
        %dma_wait3A_500 = arith.constant 0 : i32
        %dma_wait3A_501 = arith.constant 0 : i32
        %dma_wait3A_502 = tpu.memref_slice %arg7[%run_scoped3A_487, %dma_wait3A_500, %dma_wait3A_501] : memref<2x128x128xf32, #tpu.memory_space<vmem>> -> memref<1x40x128xf32, #tpu.memory_space<vmem>>
        %dma_wait3A_503 = tpu.memref_squeeze %dma_wait3A_502 : memref<1x40x128xf32, #tpu.memory_space<vmem>> -> memref<40x128xf32, #tpu.memory_space<vmem>>
        %dma_wait3A_504 = arith.constant 0 : i32
        %dma_wait3A_505 = tpu.memref_slice %arg5[%add3A_486, %dma_wait3A_504] : memref<20000x128xf32, #tpu.memory_space<hbm>> -> memref<40x128xf32, #tpu.memory_space<hbm>>
        %dma_wait3A_506 = arith.constant 0 : i32
        %dma_wait3A_507 = tpu.memref_slice %arg5[%add3A_486, %dma_wait3A_506] : memref<20000x128xf32, #tpu.memory_space<hbm>> -> memref<40x128xf32, #tpu.memory_space<hbm>>
        %dma_wait3A_508 = arith.constant 0 : i32
        %dma_wait3A_509 = arith.constant 0 : i32
        %dma_wait3A_510 = tpu.memref_slice %arg7[%run_scoped3A_487, %dma_wait3A_508, %dma_wait3A_509] : memref<2x128x128xf32, #tpu.memory_space<vmem>> -> memref<1x40x128xf32, #tpu.memory_space<vmem>>
        %dma_wait3A_511 = tpu.memref_squeeze %dma_wait3A_510 : memref<1x40x128xf32, #tpu.memory_space<vmem>> -> memref<40x128xf32, #tpu.memory_space<vmem>>
        tpu.wait_dma2 semaphore(%run_scoped3A_488 : memref<!tpu.dma_semaphore, #tpu.memory_space<semaphore_mem>>) src(%dma_wait3A_511 : memref<40x128xf32, #tpu.memory_space<vmem>>) dst(%dma_wait3A_507 : memref<40x128xf32, #tpu.memory_space<hbm>>)
        tpu.yield
      }) : () -> ()
    } else {
    }
    %add3A_419 = arith.constant 112 : i32
    %add3A_420 = arith.addi %add3A_419, %arg1 : i32
    %lt3A_421 = arith.constant 250 : i32
    %lt3A_422 = arith.cmpi slt, %add3A_420, %lt3A_421 : i32
    %convert_element_type3A_423 = arith.extui %lt3A_422 : i1 to i32
    %cond3A_424 = arith.constant 0 : i32
    %cond3A_425 = arith.cmpi ne, %convert_element_type3A_423, %cond3A_424 : i32
    scf.if %cond3A_425 {
      %mul3A_482 = arith.constant 40 : i32
      %mul3A_483 = arith.muli %add3A_420, %mul3A_482 : i32
      %run_scoped3A = arith.constant 1 : i32
      "tpu.region"() ({
        %run_scoped3A_488 = tpu.sem_alloc : memref<!tpu.dma_semaphore, #tpu.memory_space<semaphore_mem>>
        %dma_start3A = arith.constant 0 : i32
        %dma_start3A_489 = arith.constant 0 : i32
        %dma_start3A_490 = tpu.memref_slice %arg7[%run_scoped3A, %dma_start3A, %dma_start3A_489] : memref<2x128x128xf32, #tpu.memory_space<vmem>> -> memref<1x40x128xf32, #tpu.memory_space<vmem>>
        %dma_start3A_491 = tpu.memref_squeeze %dma_start3A_490 : memref<1x40x128xf32, #tpu.memory_space<vmem>> -> memref<40x128xf32, #tpu.memory_space<vmem>>
        %dma_start3A_492 = arith.constant 0 : i32
        %dma_start3A_493 = tpu.memref_slice %arg8[%mul3A_483, %dma_start3A_492] : memref<10000x128xf32, #tpu.memory_space<vmem_shared>> -> memref<40x128xf32, #tpu.memory_space<vmem_shared>>
        %dma_start3A_494 = arith.constant 0 : i32
        %dma_start3A_495 = arith.constant 0 : i32
        %dma_start3A_496 = tpu.memref_slice %arg7[%run_scoped3A, %dma_start3A_494, %dma_start3A_495] : memref<2x128x128xf32, #tpu.memory_space<vmem>> -> memref<1x40x128xf32, #tpu.memory_space<vmem>>
        %dma_start3A_497 = tpu.memref_squeeze %dma_start3A_496 : memref<1x40x128xf32, #tpu.memory_space<vmem>> -> memref<40x128xf32, #tpu.memory_space<vmem>>
        %dma_start3A_498 = arith.constant 0 : i32
        %dma_start3A_499 = tpu.memref_slice %arg8[%mul3A_483, %dma_start3A_498] : memref<10000x128xf32, #tpu.memory_space<vmem_shared>> -> memref<40x128xf32, #tpu.memory_space<vmem_shared>>
        tpu.enqueue_dma source(%dma_start3A_499 : memref<40x128xf32, #tpu.memory_space<vmem_shared>>) target(%dma_start3A_497 : memref<40x128xf32, #tpu.memory_space<vmem>>) target_semaphore(%run_scoped3A_488 : memref<!tpu.dma_semaphore, #tpu.memory_space<semaphore_mem>>)
        %dma_wait3A_500 = arith.constant 0 : i32
        %dma_wait3A_501 = arith.constant 0 : i32
        %dma_wait3A_502 = tpu.memref_slice %arg7[%run_scoped3A, %dma_wait3A_500, %dma_wait3A_501] : memref<2x128x128xf32, #tpu.memory_space<vmem>> -> memref<1x40x128xf32, #tpu.memory_space<vmem>>
        %dma_wait3A_503 = tpu.memref_squeeze %dma_wait3A_502 : memref<1x40x128xf32, #tpu.memory_space<vmem>> -> memref<40x128xf32, #tpu.memory_space<vmem>>
        %dma_wait3A_504 = arith.constant 0 : i32
        %dma_wait3A_505 = tpu.memref_slice %arg8[%mul3A_483, %dma_wait3A_504] : memref<10000x128xf32, #tpu.memory_space<vmem_shared>> -> memref<40x128xf32, #tpu.memory_space<vmem_shared>>
        %dma_wait3A_506 = arith.constant 0 : i32
        %dma_wait3A_507 = arith.constant 0 : i32
        %dma_wait3A_508 = tpu.memref_slice %arg7[%run_scoped3A, %dma_wait3A_506, %dma_wait3A_507] : memref<2x128x128xf32, #tpu.memory_space<vmem>> -> memref<1x40x128xf32, #tpu.memory_space<vmem>>
        %dma_wait3A_509 = tpu.memref_squeeze %dma_wait3A_508 : memref<1x40x128xf32, #tpu.memory_space<vmem>> -> memref<40x128xf32, #tpu.memory_space<vmem>>
        %dma_wait3A_510 = arith.constant 0 : i32
        %dma_wait3A_511 = tpu.memref_slice %arg8[%mul3A_483, %dma_wait3A_510] : memref<10000x128xf32, #tpu.memory_space<vmem_shared>> -> memref<40x128xf32, #tpu.memory_space<vmem_shared>>
        tpu.wait_dma2 semaphore(%run_scoped3A_488 : memref<!tpu.dma_semaphore, #tpu.memory_space<semaphore_mem>>) src(%dma_wait3A_511 : memref<40x128xf32, #tpu.memory_space<vmem_shared>>) dst(%dma_wait3A_509 : memref<40x128xf32, #tpu.memory_space<vmem>>)
        tpu.yield
      }) : () -> ()
      %mul3A_484 = arith.constant 10000 : i32
      %mul3A_485 = arith.muli %arg0, %mul3A_484 : i32
      %add3A_486 = arith.addi %mul3A_485, %mul3A_483 : i32
      %run_scoped3A_487 = arith.constant 1 : i32
      "tpu.region"() ({
        %run_scoped3A_488 = tpu.sem_alloc : memref<!tpu.dma_semaphore, #tpu.memory_space<semaphore_mem>>
        %dma_start3A = arith.constant 0 : i32
        %dma_start3A_489 = arith.constant 0 : i32
        %dma_start3A_490 = tpu.memref_slice %arg7[%run_scoped3A_487, %dma_start3A, %dma_start3A_489] : memref<2x128x128xf32, #tpu.memory_space<vmem>> -> memref<1x40x128xf32, #tpu.memory_space<vmem>>
        %dma_start3A_491 = tpu.memref_squeeze %dma_start3A_490 : memref<1x40x128xf32, #tpu.memory_space<vmem>> -> memref<40x128xf32, #tpu.memory_space<vmem>>
        %dma_start3A_492 = arith.constant 0 : i32
        %dma_start3A_493 = tpu.memref_slice %arg5[%add3A_486, %dma_start3A_492] : memref<20000x128xf32, #tpu.memory_space<hbm>> -> memref<40x128xf32, #tpu.memory_space<hbm>>
        %dma_start3A_494 = arith.constant 0 : i32
        %dma_start3A_495 = tpu.memref_slice %arg5[%add3A_486, %dma_start3A_494] : memref<20000x128xf32, #tpu.memory_space<hbm>> -> memref<40x128xf32, #tpu.memory_space<hbm>>
        %dma_start3A_496 = arith.constant 0 : i32
        %dma_start3A_497 = arith.constant 0 : i32
        %dma_start3A_498 = tpu.memref_slice %arg7[%run_scoped3A_487, %dma_start3A_496, %dma_start3A_497] : memref<2x128x128xf32, #tpu.memory_space<vmem>> -> memref<1x40x128xf32, #tpu.memory_space<vmem>>
        %dma_start3A_499 = tpu.memref_squeeze %dma_start3A_498 : memref<1x40x128xf32, #tpu.memory_space<vmem>> -> memref<40x128xf32, #tpu.memory_space<vmem>>
        tpu.enqueue_dma source(%dma_start3A_499 : memref<40x128xf32, #tpu.memory_space<vmem>>) target(%dma_start3A_495 : memref<40x128xf32, #tpu.memory_space<hbm>>) target_semaphore(%run_scoped3A_488 : memref<!tpu.dma_semaphore, #tpu.memory_space<semaphore_mem>>)
        %dma_wait3A_500 = arith.constant 0 : i32
        %dma_wait3A_501 = arith.constant 0 : i32
        %dma_wait3A_502 = tpu.memref_slice %arg7[%run_scoped3A_487, %dma_wait3A_500, %dma_wait3A_501] : memref<2x128x128xf32, #tpu.memory_space<vmem>> -> memref<1x40x128xf32, #tpu.memory_space<vmem>>
        %dma_wait3A_503 = tpu.memref_squeeze %dma_wait3A_502 : memref<1x40x128xf32, #tpu.memory_space<vmem>> -> memref<40x128xf32, #tpu.memory_space<vmem>>
        %dma_wait3A_504 = arith.constant 0 : i32
        %dma_wait3A_505 = tpu.memref_slice %arg5[%add3A_486, %dma_wait3A_504] : memref<20000x128xf32, #tpu.memory_space<hbm>> -> memref<40x128xf32, #tpu.memory_space<hbm>>
        %dma_wait3A_506 = arith.constant 0 : i32
        %dma_wait3A_507 = tpu.memref_slice %arg5[%add3A_486, %dma_wait3A_506] : memref<20000x128xf32, #tpu.memory_space<hbm>> -> memref<40x128xf32, #tpu.memory_space<hbm>>
        %dma_wait3A_508 = arith.constant 0 : i32
        %dma_wait3A_509 = arith.constant 0 : i32
        %dma_wait3A_510 = tpu.memref_slice %arg7[%run_scoped3A_487, %dma_wait3A_508, %dma_wait3A_509] : memref<2x128x128xf32, #tpu.memory_space<vmem>> -> memref<1x40x128xf32, #tpu.memory_space<vmem>>
        %dma_wait3A_511 = tpu.memref_squeeze %dma_wait3A_510 : memref<1x40x128xf32, #tpu.memory_space<vmem>> -> memref<40x128xf32, #tpu.memory_space<vmem>>
        tpu.wait_dma2 semaphore(%run_scoped3A_488 : memref<!tpu.dma_semaphore, #tpu.memory_space<semaphore_mem>>) src(%dma_wait3A_511 : memref<40x128xf32, #tpu.memory_space<vmem>>) dst(%dma_wait3A_507 : memref<40x128xf32, #tpu.memory_space<hbm>>)
        tpu.yield
      }) : () -> ()
    } else {
    }
    %add3A_426 = arith.constant 128 : i32
    %add3A_427 = arith.addi %add3A_426, %arg1 : i32
    %lt3A_428 = arith.constant 250 : i32
    %lt3A_429 = arith.cmpi slt, %add3A_427, %lt3A_428 : i32
    %convert_element_type3A_430 = arith.extui %lt3A_429 : i1 to i32
    %cond3A_431 = arith.constant 0 : i32
    %cond3A_432 = arith.cmpi ne, %convert_element_type3A_430, %cond3A_431 : i32
    scf.if %cond3A_432 {
      %mul3A_482 = arith.constant 40 : i32
      %mul3A_483 = arith.muli %add3A_427, %mul3A_482 : i32
      %run_scoped3A = arith.constant 1 : i32
      "tpu.region"() ({
        %run_scoped3A_488 = tpu.sem_alloc : memref<!tpu.dma_semaphore, #tpu.memory_space<semaphore_mem>>
        %dma_start3A = arith.constant 0 : i32
        %dma_start3A_489 = arith.constant 0 : i32
        %dma_start3A_490 = tpu.memref_slice %arg7[%run_scoped3A, %dma_start3A, %dma_start3A_489] : memref<2x128x128xf32, #tpu.memory_space<vmem>> -> memref<1x40x128xf32, #tpu.memory_space<vmem>>
        %dma_start3A_491 = tpu.memref_squeeze %dma_start3A_490 : memref<1x40x128xf32, #tpu.memory_space<vmem>> -> memref<40x128xf32, #tpu.memory_space<vmem>>
        %dma_start3A_492 = arith.constant 0 : i32
        %dma_start3A_493 = tpu.memref_slice %arg8[%mul3A_483, %dma_start3A_492] : memref<10000x128xf32, #tpu.memory_space<vmem_shared>> -> memref<40x128xf32, #tpu.memory_space<vmem_shared>>
        %dma_start3A_494 = arith.constant 0 : i32
        %dma_start3A_495 = arith.constant 0 : i32
        %dma_start3A_496 = tpu.memref_slice %arg7[%run_scoped3A, %dma_start3A_494, %dma_start3A_495] : memref<2x128x128xf32, #tpu.memory_space<vmem>> -> memref<1x40x128xf32, #tpu.memory_space<vmem>>
        %dma_start3A_497 = tpu.memref_squeeze %dma_start3A_496 : memref<1x40x128xf32, #tpu.memory_space<vmem>> -> memref<40x128xf32, #tpu.memory_space<vmem>>
        %dma_start3A_498 = arith.constant 0 : i32
        %dma_start3A_499 = tpu.memref_slice %arg8[%mul3A_483, %dma_start3A_498] : memref<10000x128xf32, #tpu.memory_space<vmem_shared>> -> memref<40x128xf32, #tpu.memory_space<vmem_shared>>
        tpu.enqueue_dma source(%dma_start3A_499 : memref<40x128xf32, #tpu.memory_space<vmem_shared>>) target(%dma_start3A_497 : memref<40x128xf32, #tpu.memory_space<vmem>>) target_semaphore(%run_scoped3A_488 : memref<!tpu.dma_semaphore, #tpu.memory_space<semaphore_mem>>)
        %dma_wait3A_500 = arith.constant 0 : i32
        %dma_wait3A_501 = arith.constant 0 : i32
        %dma_wait3A_502 = tpu.memref_slice %arg7[%run_scoped3A, %dma_wait3A_500, %dma_wait3A_501] : memref<2x128x128xf32, #tpu.memory_space<vmem>> -> memref<1x40x128xf32, #tpu.memory_space<vmem>>
        %dma_wait3A_503 = tpu.memref_squeeze %dma_wait3A_502 : memref<1x40x128xf32, #tpu.memory_space<vmem>> -> memref<40x128xf32, #tpu.memory_space<vmem>>
        %dma_wait3A_504 = arith.constant 0 : i32
        %dma_wait3A_505 = tpu.memref_slice %arg8[%mul3A_483, %dma_wait3A_504] : memref<10000x128xf32, #tpu.memory_space<vmem_shared>> -> memref<40x128xf32, #tpu.memory_space<vmem_shared>>
        %dma_wait3A_506 = arith.constant 0 : i32
        %dma_wait3A_507 = arith.constant 0 : i32
        %dma_wait3A_508 = tpu.memref_slice %arg7[%run_scoped3A, %dma_wait3A_506, %dma_wait3A_507] : memref<2x128x128xf32, #tpu.memory_space<vmem>> -> memref<1x40x128xf32, #tpu.memory_space<vmem>>
        %dma_wait3A_509 = tpu.memref_squeeze %dma_wait3A_508 : memref<1x40x128xf32, #tpu.memory_space<vmem>> -> memref<40x128xf32, #tpu.memory_space<vmem>>
        %dma_wait3A_510 = arith.constant 0 : i32
        %dma_wait3A_511 = tpu.memref_slice %arg8[%mul3A_483, %dma_wait3A_510] : memref<10000x128xf32, #tpu.memory_space<vmem_shared>> -> memref<40x128xf32, #tpu.memory_space<vmem_shared>>
        tpu.wait_dma2 semaphore(%run_scoped3A_488 : memref<!tpu.dma_semaphore, #tpu.memory_space<semaphore_mem>>) src(%dma_wait3A_511 : memref<40x128xf32, #tpu.memory_space<vmem_shared>>) dst(%dma_wait3A_509 : memref<40x128xf32, #tpu.memory_space<vmem>>)
        tpu.yield
      }) : () -> ()
      %mul3A_484 = arith.constant 10000 : i32
      %mul3A_485 = arith.muli %arg0, %mul3A_484 : i32
      %add3A_486 = arith.addi %mul3A_485, %mul3A_483 : i32
      %run_scoped3A_487 = arith.constant 1 : i32
      "tpu.region"() ({
        %run_scoped3A_488 = tpu.sem_alloc : memref<!tpu.dma_semaphore, #tpu.memory_space<semaphore_mem>>
        %dma_start3A = arith.constant 0 : i32
        %dma_start3A_489 = arith.constant 0 : i32
        %dma_start3A_490 = tpu.memref_slice %arg7[%run_scoped3A_487, %dma_start3A, %dma_start3A_489] : memref<2x128x128xf32, #tpu.memory_space<vmem>> -> memref<1x40x128xf32, #tpu.memory_space<vmem>>
        %dma_start3A_491 = tpu.memref_squeeze %dma_start3A_490 : memref<1x40x128xf32, #tpu.memory_space<vmem>> -> memref<40x128xf32, #tpu.memory_space<vmem>>
        %dma_start3A_492 = arith.constant 0 : i32
        %dma_start3A_493 = tpu.memref_slice %arg5[%add3A_486, %dma_start3A_492] : memref<20000x128xf32, #tpu.memory_space<hbm>> -> memref<40x128xf32, #tpu.memory_space<hbm>>
        %dma_start3A_494 = arith.constant 0 : i32
        %dma_start3A_495 = tpu.memref_slice %arg5[%add3A_486, %dma_start3A_494] : memref<20000x128xf32, #tpu.memory_space<hbm>> -> memref<40x128xf32, #tpu.memory_space<hbm>>
        %dma_start3A_496 = arith.constant 0 : i32
        %dma_start3A_497 = arith.constant 0 : i32
        %dma_start3A_498 = tpu.memref_slice %arg7[%run_scoped3A_487, %dma_start3A_496, %dma_start3A_497] : memref<2x128x128xf32, #tpu.memory_space<vmem>> -> memref<1x40x128xf32, #tpu.memory_space<vmem>>
        %dma_start3A_499 = tpu.memref_squeeze %dma_start3A_498 : memref<1x40x128xf32, #tpu.memory_space<vmem>> -> memref<40x128xf32, #tpu.memory_space<vmem>>
        tpu.enqueue_dma source(%dma_start3A_499 : memref<40x128xf32, #tpu.memory_space<vmem>>) target(%dma_start3A_495 : memref<40x128xf32, #tpu.memory_space<hbm>>) target_semaphore(%run_scoped3A_488 : memref<!tpu.dma_semaphore, #tpu.memory_space<semaphore_mem>>)
        %dma_wait3A_500 = arith.constant 0 : i32
        %dma_wait3A_501 = arith.constant 0 : i32
        %dma_wait3A_502 = tpu.memref_slice %arg7[%run_scoped3A_487, %dma_wait3A_500, %dma_wait3A_501] : memref<2x128x128xf32, #tpu.memory_space<vmem>> -> memref<1x40x128xf32, #tpu.memory_space<vmem>>
        %dma_wait3A_503 = tpu.memref_squeeze %dma_wait3A_502 : memref<1x40x128xf32, #tpu.memory_space<vmem>> -> memref<40x128xf32, #tpu.memory_space<vmem>>
        %dma_wait3A_504 = arith.constant 0 : i32
        %dma_wait3A_505 = tpu.memref_slice %arg5[%add3A_486, %dma_wait3A_504] : memref<20000x128xf32, #tpu.memory_space<hbm>> -> memref<40x128xf32, #tpu.memory_space<hbm>>
        %dma_wait3A_506 = arith.constant 0 : i32
        %dma_wait3A_507 = tpu.memref_slice %arg5[%add3A_486, %dma_wait3A_506] : memref<20000x128xf32, #tpu.memory_space<hbm>> -> memref<40x128xf32, #tpu.memory_space<hbm>>
        %dma_wait3A_508 = arith.constant 0 : i32
        %dma_wait3A_509 = arith.constant 0 : i32
        %dma_wait3A_510 = tpu.memref_slice %arg7[%run_scoped3A_487, %dma_wait3A_508, %dma_wait3A_509] : memref<2x128x128xf32, #tpu.memory_space<vmem>> -> memref<1x40x128xf32, #tpu.memory_space<vmem>>
        %dma_wait3A_511 = tpu.memref_squeeze %dma_wait3A_510 : memref<1x40x128xf32, #tpu.memory_space<vmem>> -> memref<40x128xf32, #tpu.memory_space<vmem>>
        tpu.wait_dma2 semaphore(%run_scoped3A_488 : memref<!tpu.dma_semaphore, #tpu.memory_space<semaphore_mem>>) src(%dma_wait3A_511 : memref<40x128xf32, #tpu.memory_space<vmem>>) dst(%dma_wait3A_507 : memref<40x128xf32, #tpu.memory_space<hbm>>)
        tpu.yield
      }) : () -> ()
    } else {
    }
    %add3A_433 = arith.constant 144 : i32
    %add3A_434 = arith.addi %add3A_433, %arg1 : i32
    %lt3A_435 = arith.constant 250 : i32
    %lt3A_436 = arith.cmpi slt, %add3A_434, %lt3A_435 : i32
    %convert_element_type3A_437 = arith.extui %lt3A_436 : i1 to i32
    %cond3A_438 = arith.constant 0 : i32
    %cond3A_439 = arith.cmpi ne, %convert_element_type3A_437, %cond3A_438 : i32
    scf.if %cond3A_439 {
      %mul3A_482 = arith.constant 40 : i32
      %mul3A_483 = arith.muli %add3A_434, %mul3A_482 : i32
      %run_scoped3A = arith.constant 1 : i32
      "tpu.region"() ({
        %run_scoped3A_488 = tpu.sem_alloc : memref<!tpu.dma_semaphore, #tpu.memory_space<semaphore_mem>>
        %dma_start3A = arith.constant 0 : i32
        %dma_start3A_489 = arith.constant 0 : i32
        %dma_start3A_490 = tpu.memref_slice %arg7[%run_scoped3A, %dma_start3A, %dma_start3A_489] : memref<2x128x128xf32, #tpu.memory_space<vmem>> -> memref<1x40x128xf32, #tpu.memory_space<vmem>>
        %dma_start3A_491 = tpu.memref_squeeze %dma_start3A_490 : memref<1x40x128xf32, #tpu.memory_space<vmem>> -> memref<40x128xf32, #tpu.memory_space<vmem>>
        %dma_start3A_492 = arith.constant 0 : i32
        %dma_start3A_493 = tpu.memref_slice %arg8[%mul3A_483, %dma_start3A_492] : memref<10000x128xf32, #tpu.memory_space<vmem_shared>> -> memref<40x128xf32, #tpu.memory_space<vmem_shared>>
        %dma_start3A_494 = arith.constant 0 : i32
        %dma_start3A_495 = arith.constant 0 : i32
        %dma_start3A_496 = tpu.memref_slice %arg7[%run_scoped3A, %dma_start3A_494, %dma_start3A_495] : memref<2x128x128xf32, #tpu.memory_space<vmem>> -> memref<1x40x128xf32, #tpu.memory_space<vmem>>
        %dma_start3A_497 = tpu.memref_squeeze %dma_start3A_496 : memref<1x40x128xf32, #tpu.memory_space<vmem>> -> memref<40x128xf32, #tpu.memory_space<vmem>>
        %dma_start3A_498 = arith.constant 0 : i32
        %dma_start3A_499 = tpu.memref_slice %arg8[%mul3A_483, %dma_start3A_498] : memref<10000x128xf32, #tpu.memory_space<vmem_shared>> -> memref<40x128xf32, #tpu.memory_space<vmem_shared>>
        tpu.enqueue_dma source(%dma_start3A_499 : memref<40x128xf32, #tpu.memory_space<vmem_shared>>) target(%dma_start3A_497 : memref<40x128xf32, #tpu.memory_space<vmem>>) target_semaphore(%run_scoped3A_488 : memref<!tpu.dma_semaphore, #tpu.memory_space<semaphore_mem>>)
        %dma_wait3A_500 = arith.constant 0 : i32
        %dma_wait3A_501 = arith.constant 0 : i32
        %dma_wait3A_502 = tpu.memref_slice %arg7[%run_scoped3A, %dma_wait3A_500, %dma_wait3A_501] : memref<2x128x128xf32, #tpu.memory_space<vmem>> -> memref<1x40x128xf32, #tpu.memory_space<vmem>>
        %dma_wait3A_503 = tpu.memref_squeeze %dma_wait3A_502 : memref<1x40x128xf32, #tpu.memory_space<vmem>> -> memref<40x128xf32, #tpu.memory_space<vmem>>
        %dma_wait3A_504 = arith.constant 0 : i32
        %dma_wait3A_505 = tpu.memref_slice %arg8[%mul3A_483, %dma_wait3A_504] : memref<10000x128xf32, #tpu.memory_space<vmem_shared>> -> memref<40x128xf32, #tpu.memory_space<vmem_shared>>
        %dma_wait3A_506 = arith.constant 0 : i32
        %dma_wait3A_507 = arith.constant 0 : i32
        %dma_wait3A_508 = tpu.memref_slice %arg7[%run_scoped3A, %dma_wait3A_506, %dma_wait3A_507] : memref<2x128x128xf32, #tpu.memory_space<vmem>> -> memref<1x40x128xf32, #tpu.memory_space<vmem>>
        %dma_wait3A_509 = tpu.memref_squeeze %dma_wait3A_508 : memref<1x40x128xf32, #tpu.memory_space<vmem>> -> memref<40x128xf32, #tpu.memory_space<vmem>>
        %dma_wait3A_510 = arith.constant 0 : i32
        %dma_wait3A_511 = tpu.memref_slice %arg8[%mul3A_483, %dma_wait3A_510] : memref<10000x128xf32, #tpu.memory_space<vmem_shared>> -> memref<40x128xf32, #tpu.memory_space<vmem_shared>>
        tpu.wait_dma2 semaphore(%run_scoped3A_488 : memref<!tpu.dma_semaphore, #tpu.memory_space<semaphore_mem>>) src(%dma_wait3A_511 : memref<40x128xf32, #tpu.memory_space<vmem_shared>>) dst(%dma_wait3A_509 : memref<40x128xf32, #tpu.memory_space<vmem>>)
        tpu.yield
      }) : () -> ()
      %mul3A_484 = arith.constant 10000 : i32
      %mul3A_485 = arith.muli %arg0, %mul3A_484 : i32
      %add3A_486 = arith.addi %mul3A_485, %mul3A_483 : i32
      %run_scoped3A_487 = arith.constant 1 : i32
      "tpu.region"() ({
        %run_scoped3A_488 = tpu.sem_alloc : memref<!tpu.dma_semaphore, #tpu.memory_space<semaphore_mem>>
        %dma_start3A = arith.constant 0 : i32
        %dma_start3A_489 = arith.constant 0 : i32
        %dma_start3A_490 = tpu.memref_slice %arg7[%run_scoped3A_487, %dma_start3A, %dma_start3A_489] : memref<2x128x128xf32, #tpu.memory_space<vmem>> -> memref<1x40x128xf32, #tpu.memory_space<vmem>>
        %dma_start3A_491 = tpu.memref_squeeze %dma_start3A_490 : memref<1x40x128xf32, #tpu.memory_space<vmem>> -> memref<40x128xf32, #tpu.memory_space<vmem>>
        %dma_start3A_492 = arith.constant 0 : i32
        %dma_start3A_493 = tpu.memref_slice %arg5[%add3A_486, %dma_start3A_492] : memref<20000x128xf32, #tpu.memory_space<hbm>> -> memref<40x128xf32, #tpu.memory_space<hbm>>
        %dma_start3A_494 = arith.constant 0 : i32
        %dma_start3A_495 = tpu.memref_slice %arg5[%add3A_486, %dma_start3A_494] : memref<20000x128xf32, #tpu.memory_space<hbm>> -> memref<40x128xf32, #tpu.memory_space<hbm>>
        %dma_start3A_496 = arith.constant 0 : i32
        %dma_start3A_497 = arith.constant 0 : i32
        %dma_start3A_498 = tpu.memref_slice %arg7[%run_scoped3A_487, %dma_start3A_496, %dma_start3A_497] : memref<2x128x128xf32, #tpu.memory_space<vmem>> -> memref<1x40x128xf32, #tpu.memory_space<vmem>>
        %dma_start3A_499 = tpu.memref_squeeze %dma_start3A_498 : memref<1x40x128xf32, #tpu.memory_space<vmem>> -> memref<40x128xf32, #tpu.memory_space<vmem>>
        tpu.enqueue_dma source(%dma_start3A_499 : memref<40x128xf32, #tpu.memory_space<vmem>>) target(%dma_start3A_495 : memref<40x128xf32, #tpu.memory_space<hbm>>) target_semaphore(%run_scoped3A_488 : memref<!tpu.dma_semaphore, #tpu.memory_space<semaphore_mem>>)
        %dma_wait3A_500 = arith.constant 0 : i32
        %dma_wait3A_501 = arith.constant 0 : i32
        %dma_wait3A_502 = tpu.memref_slice %arg7[%run_scoped3A_487, %dma_wait3A_500, %dma_wait3A_501] : memref<2x128x128xf32, #tpu.memory_space<vmem>> -> memref<1x40x128xf32, #tpu.memory_space<vmem>>
        %dma_wait3A_503 = tpu.memref_squeeze %dma_wait3A_502 : memref<1x40x128xf32, #tpu.memory_space<vmem>> -> memref<40x128xf32, #tpu.memory_space<vmem>>
        %dma_wait3A_504 = arith.constant 0 : i32
        %dma_wait3A_505 = tpu.memref_slice %arg5[%add3A_486, %dma_wait3A_504] : memref<20000x128xf32, #tpu.memory_space<hbm>> -> memref<40x128xf32, #tpu.memory_space<hbm>>
        %dma_wait3A_506 = arith.constant 0 : i32
        %dma_wait3A_507 = tpu.memref_slice %arg5[%add3A_486, %dma_wait3A_506] : memref<20000x128xf32, #tpu.memory_space<hbm>> -> memref<40x128xf32, #tpu.memory_space<hbm>>
        %dma_wait3A_508 = arith.constant 0 : i32
        %dma_wait3A_509 = arith.constant 0 : i32
        %dma_wait3A_510 = tpu.memref_slice %arg7[%run_scoped3A_487, %dma_wait3A_508, %dma_wait3A_509] : memref<2x128x128xf32, #tpu.memory_space<vmem>> -> memref<1x40x128xf32, #tpu.memory_space<vmem>>
        %dma_wait3A_511 = tpu.memref_squeeze %dma_wait3A_510 : memref<1x40x128xf32, #tpu.memory_space<vmem>> -> memref<40x128xf32, #tpu.memory_space<vmem>>
        tpu.wait_dma2 semaphore(%run_scoped3A_488 : memref<!tpu.dma_semaphore, #tpu.memory_space<semaphore_mem>>) src(%dma_wait3A_511 : memref<40x128xf32, #tpu.memory_space<vmem>>) dst(%dma_wait3A_507 : memref<40x128xf32, #tpu.memory_space<hbm>>)
        tpu.yield
      }) : () -> ()
    } else {
    }
    %add3A_440 = arith.constant 160 : i32
    %add3A_441 = arith.addi %add3A_440, %arg1 : i32
    %lt3A_442 = arith.constant 250 : i32
    %lt3A_443 = arith.cmpi slt, %add3A_441, %lt3A_442 : i32
    %convert_element_type3A_444 = arith.extui %lt3A_443 : i1 to i32
    %cond3A_445 = arith.constant 0 : i32
    %cond3A_446 = arith.cmpi ne, %convert_element_type3A_444, %cond3A_445 : i32
    scf.if %cond3A_446 {
      %mul3A_482 = arith.constant 40 : i32
      %mul3A_483 = arith.muli %add3A_441, %mul3A_482 : i32
      %run_scoped3A = arith.constant 1 : i32
      "tpu.region"() ({
        %run_scoped3A_488 = tpu.sem_alloc : memref<!tpu.dma_semaphore, #tpu.memory_space<semaphore_mem>>
        %dma_start3A = arith.constant 0 : i32
        %dma_start3A_489 = arith.constant 0 : i32
        %dma_start3A_490 = tpu.memref_slice %arg7[%run_scoped3A, %dma_start3A, %dma_start3A_489] : memref<2x128x128xf32, #tpu.memory_space<vmem>> -> memref<1x40x128xf32, #tpu.memory_space<vmem>>
        %dma_start3A_491 = tpu.memref_squeeze %dma_start3A_490 : memref<1x40x128xf32, #tpu.memory_space<vmem>> -> memref<40x128xf32, #tpu.memory_space<vmem>>
        %dma_start3A_492 = arith.constant 0 : i32
        %dma_start3A_493 = tpu.memref_slice %arg8[%mul3A_483, %dma_start3A_492] : memref<10000x128xf32, #tpu.memory_space<vmem_shared>> -> memref<40x128xf32, #tpu.memory_space<vmem_shared>>
        %dma_start3A_494 = arith.constant 0 : i32
        %dma_start3A_495 = arith.constant 0 : i32
        %dma_start3A_496 = tpu.memref_slice %arg7[%run_scoped3A, %dma_start3A_494, %dma_start3A_495] : memref<2x128x128xf32, #tpu.memory_space<vmem>> -> memref<1x40x128xf32, #tpu.memory_space<vmem>>
        %dma_start3A_497 = tpu.memref_squeeze %dma_start3A_496 : memref<1x40x128xf32, #tpu.memory_space<vmem>> -> memref<40x128xf32, #tpu.memory_space<vmem>>
        %dma_start3A_498 = arith.constant 0 : i32
        %dma_start3A_499 = tpu.memref_slice %arg8[%mul3A_483, %dma_start3A_498] : memref<10000x128xf32, #tpu.memory_space<vmem_shared>> -> memref<40x128xf32, #tpu.memory_space<vmem_shared>>
        tpu.enqueue_dma source(%dma_start3A_499 : memref<40x128xf32, #tpu.memory_space<vmem_shared>>) target(%dma_start3A_497 : memref<40x128xf32, #tpu.memory_space<vmem>>) target_semaphore(%run_scoped3A_488 : memref<!tpu.dma_semaphore, #tpu.memory_space<semaphore_mem>>)
        %dma_wait3A_500 = arith.constant 0 : i32
        %dma_wait3A_501 = arith.constant 0 : i32
        %dma_wait3A_502 = tpu.memref_slice %arg7[%run_scoped3A, %dma_wait3A_500, %dma_wait3A_501] : memref<2x128x128xf32, #tpu.memory_space<vmem>> -> memref<1x40x128xf32, #tpu.memory_space<vmem>>
        %dma_wait3A_503 = tpu.memref_squeeze %dma_wait3A_502 : memref<1x40x128xf32, #tpu.memory_space<vmem>> -> memref<40x128xf32, #tpu.memory_space<vmem>>
        %dma_wait3A_504 = arith.constant 0 : i32
        %dma_wait3A_505 = tpu.memref_slice %arg8[%mul3A_483, %dma_wait3A_504] : memref<10000x128xf32, #tpu.memory_space<vmem_shared>> -> memref<40x128xf32, #tpu.memory_space<vmem_shared>>
        %dma_wait3A_506 = arith.constant 0 : i32
        %dma_wait3A_507 = arith.constant 0 : i32
        %dma_wait3A_508 = tpu.memref_slice %arg7[%run_scoped3A, %dma_wait3A_506, %dma_wait3A_507] : memref<2x128x128xf32, #tpu.memory_space<vmem>> -> memref<1x40x128xf32, #tpu.memory_space<vmem>>
        %dma_wait3A_509 = tpu.memref_squeeze %dma_wait3A_508 : memref<1x40x128xf32, #tpu.memory_space<vmem>> -> memref<40x128xf32, #tpu.memory_space<vmem>>
        %dma_wait3A_510 = arith.constant 0 : i32
        %dma_wait3A_511 = tpu.memref_slice %arg8[%mul3A_483, %dma_wait3A_510] : memref<10000x128xf32, #tpu.memory_space<vmem_shared>> -> memref<40x128xf32, #tpu.memory_space<vmem_shared>>
        tpu.wait_dma2 semaphore(%run_scoped3A_488 : memref<!tpu.dma_semaphore, #tpu.memory_space<semaphore_mem>>) src(%dma_wait3A_511 : memref<40x128xf32, #tpu.memory_space<vmem_shared>>) dst(%dma_wait3A_509 : memref<40x128xf32, #tpu.memory_space<vmem>>)
        tpu.yield
      }) : () -> ()
      %mul3A_484 = arith.constant 10000 : i32
      %mul3A_485 = arith.muli %arg0, %mul3A_484 : i32
      %add3A_486 = arith.addi %mul3A_485, %mul3A_483 : i32
      %run_scoped3A_487 = arith.constant 1 : i32
      "tpu.region"() ({
        %run_scoped3A_488 = tpu.sem_alloc : memref<!tpu.dma_semaphore, #tpu.memory_space<semaphore_mem>>
        %dma_start3A = arith.constant 0 : i32
        %dma_start3A_489 = arith.constant 0 : i32
        %dma_start3A_490 = tpu.memref_slice %arg7[%run_scoped3A_487, %dma_start3A, %dma_start3A_489] : memref<2x128x128xf32, #tpu.memory_space<vmem>> -> memref<1x40x128xf32, #tpu.memory_space<vmem>>
        %dma_start3A_491 = tpu.memref_squeeze %dma_start3A_490 : memref<1x40x128xf32, #tpu.memory_space<vmem>> -> memref<40x128xf32, #tpu.memory_space<vmem>>
        %dma_start3A_492 = arith.constant 0 : i32
        %dma_start3A_493 = tpu.memref_slice %arg5[%add3A_486, %dma_start3A_492] : memref<20000x128xf32, #tpu.memory_space<hbm>> -> memref<40x128xf32, #tpu.memory_space<hbm>>
        %dma_start3A_494 = arith.constant 0 : i32
        %dma_start3A_495 = tpu.memref_slice %arg5[%add3A_486, %dma_start3A_494] : memref<20000x128xf32, #tpu.memory_space<hbm>> -> memref<40x128xf32, #tpu.memory_space<hbm>>
        %dma_start3A_496 = arith.constant 0 : i32
        %dma_start3A_497 = arith.constant 0 : i32
        %dma_start3A_498 = tpu.memref_slice %arg7[%run_scoped3A_487, %dma_start3A_496, %dma_start3A_497] : memref<2x128x128xf32, #tpu.memory_space<vmem>> -> memref<1x40x128xf32, #tpu.memory_space<vmem>>
        %dma_start3A_499 = tpu.memref_squeeze %dma_start3A_498 : memref<1x40x128xf32, #tpu.memory_space<vmem>> -> memref<40x128xf32, #tpu.memory_space<vmem>>
        tpu.enqueue_dma source(%dma_start3A_499 : memref<40x128xf32, #tpu.memory_space<vmem>>) target(%dma_start3A_495 : memref<40x128xf32, #tpu.memory_space<hbm>>) target_semaphore(%run_scoped3A_488 : memref<!tpu.dma_semaphore, #tpu.memory_space<semaphore_mem>>)
        %dma_wait3A_500 = arith.constant 0 : i32
        %dma_wait3A_501 = arith.constant 0 : i32
        %dma_wait3A_502 = tpu.memref_slice %arg7[%run_scoped3A_487, %dma_wait3A_500, %dma_wait3A_501] : memref<2x128x128xf32, #tpu.memory_space<vmem>> -> memref<1x40x128xf32, #tpu.memory_space<vmem>>
        %dma_wait3A_503 = tpu.memref_squeeze %dma_wait3A_502 : memref<1x40x128xf32, #tpu.memory_space<vmem>> -> memref<40x128xf32, #tpu.memory_space<vmem>>
        %dma_wait3A_504 = arith.constant 0 : i32
        %dma_wait3A_505 = tpu.memref_slice %arg5[%add3A_486, %dma_wait3A_504] : memref<20000x128xf32, #tpu.memory_space<hbm>> -> memref<40x128xf32, #tpu.memory_space<hbm>>
        %dma_wait3A_506 = arith.constant 0 : i32
        %dma_wait3A_507 = tpu.memref_slice %arg5[%add3A_486, %dma_wait3A_506] : memref<20000x128xf32, #tpu.memory_space<hbm>> -> memref<40x128xf32, #tpu.memory_space<hbm>>
        %dma_wait3A_508 = arith.constant 0 : i32
        %dma_wait3A_509 = arith.constant 0 : i32
        %dma_wait3A_510 = tpu.memref_slice %arg7[%run_scoped3A_487, %dma_wait3A_508, %dma_wait3A_509] : memref<2x128x128xf32, #tpu.memory_space<vmem>> -> memref<1x40x128xf32, #tpu.memory_space<vmem>>
        %dma_wait3A_511 = tpu.memref_squeeze %dma_wait3A_510 : memref<1x40x128xf32, #tpu.memory_space<vmem>> -> memref<40x128xf32, #tpu.memory_space<vmem>>
        tpu.wait_dma2 semaphore(%run_scoped3A_488 : memref<!tpu.dma_semaphore, #tpu.memory_space<semaphore_mem>>) src(%dma_wait3A_511 : memref<40x128xf32, #tpu.memory_space<vmem>>) dst(%dma_wait3A_507 : memref<40x128xf32, #tpu.memory_space<hbm>>)
        tpu.yield
      }) : () -> ()
    } else {
    }
    %add3A_447 = arith.constant 176 : i32
    %add3A_448 = arith.addi %add3A_447, %arg1 : i32
    %lt3A_449 = arith.constant 250 : i32
    %lt3A_450 = arith.cmpi slt, %add3A_448, %lt3A_449 : i32
    %convert_element_type3A_451 = arith.extui %lt3A_450 : i1 to i32
    %cond3A_452 = arith.constant 0 : i32
    %cond3A_453 = arith.cmpi ne, %convert_element_type3A_451, %cond3A_452 : i32
    scf.if %cond3A_453 {
      %mul3A_482 = arith.constant 40 : i32
      %mul3A_483 = arith.muli %add3A_448, %mul3A_482 : i32
      %run_scoped3A = arith.constant 1 : i32
      "tpu.region"() ({
        %run_scoped3A_488 = tpu.sem_alloc : memref<!tpu.dma_semaphore, #tpu.memory_space<semaphore_mem>>
        %dma_start3A = arith.constant 0 : i32
        %dma_start3A_489 = arith.constant 0 : i32
        %dma_start3A_490 = tpu.memref_slice %arg7[%run_scoped3A, %dma_start3A, %dma_start3A_489] : memref<2x128x128xf32, #tpu.memory_space<vmem>> -> memref<1x40x128xf32, #tpu.memory_space<vmem>>
        %dma_start3A_491 = tpu.memref_squeeze %dma_start3A_490 : memref<1x40x128xf32, #tpu.memory_space<vmem>> -> memref<40x128xf32, #tpu.memory_space<vmem>>
        %dma_start3A_492 = arith.constant 0 : i32
        %dma_start3A_493 = tpu.memref_slice %arg8[%mul3A_483, %dma_start3A_492] : memref<10000x128xf32, #tpu.memory_space<vmem_shared>> -> memref<40x128xf32, #tpu.memory_space<vmem_shared>>
        %dma_start3A_494 = arith.constant 0 : i32
        %dma_start3A_495 = arith.constant 0 : i32
        %dma_start3A_496 = tpu.memref_slice %arg7[%run_scoped3A, %dma_start3A_494, %dma_start3A_495] : memref<2x128x128xf32, #tpu.memory_space<vmem>> -> memref<1x40x128xf32, #tpu.memory_space<vmem>>
        %dma_start3A_497 = tpu.memref_squeeze %dma_start3A_496 : memref<1x40x128xf32, #tpu.memory_space<vmem>> -> memref<40x128xf32, #tpu.memory_space<vmem>>
        %dma_start3A_498 = arith.constant 0 : i32
        %dma_start3A_499 = tpu.memref_slice %arg8[%mul3A_483, %dma_start3A_498] : memref<10000x128xf32, #tpu.memory_space<vmem_shared>> -> memref<40x128xf32, #tpu.memory_space<vmem_shared>>
        tpu.enqueue_dma source(%dma_start3A_499 : memref<40x128xf32, #tpu.memory_space<vmem_shared>>) target(%dma_start3A_497 : memref<40x128xf32, #tpu.memory_space<vmem>>) target_semaphore(%run_scoped3A_488 : memref<!tpu.dma_semaphore, #tpu.memory_space<semaphore_mem>>)
        %dma_wait3A_500 = arith.constant 0 : i32
        %dma_wait3A_501 = arith.constant 0 : i32
        %dma_wait3A_502 = tpu.memref_slice %arg7[%run_scoped3A, %dma_wait3A_500, %dma_wait3A_501] : memref<2x128x128xf32, #tpu.memory_space<vmem>> -> memref<1x40x128xf32, #tpu.memory_space<vmem>>
        %dma_wait3A_503 = tpu.memref_squeeze %dma_wait3A_502 : memref<1x40x128xf32, #tpu.memory_space<vmem>> -> memref<40x128xf32, #tpu.memory_space<vmem>>
        %dma_wait3A_504 = arith.constant 0 : i32
        %dma_wait3A_505 = tpu.memref_slice %arg8[%mul3A_483, %dma_wait3A_504] : memref<10000x128xf32, #tpu.memory_space<vmem_shared>> -> memref<40x128xf32, #tpu.memory_space<vmem_shared>>
        %dma_wait3A_506 = arith.constant 0 : i32
        %dma_wait3A_507 = arith.constant 0 : i32
        %dma_wait3A_508 = tpu.memref_slice %arg7[%run_scoped3A, %dma_wait3A_506, %dma_wait3A_507] : memref<2x128x128xf32, #tpu.memory_space<vmem>> -> memref<1x40x128xf32, #tpu.memory_space<vmem>>
        %dma_wait3A_509 = tpu.memref_squeeze %dma_wait3A_508 : memref<1x40x128xf32, #tpu.memory_space<vmem>> -> memref<40x128xf32, #tpu.memory_space<vmem>>
        %dma_wait3A_510 = arith.constant 0 : i32
        %dma_wait3A_511 = tpu.memref_slice %arg8[%mul3A_483, %dma_wait3A_510] : memref<10000x128xf32, #tpu.memory_space<vmem_shared>> -> memref<40x128xf32, #tpu.memory_space<vmem_shared>>
        tpu.wait_dma2 semaphore(%run_scoped3A_488 : memref<!tpu.dma_semaphore, #tpu.memory_space<semaphore_mem>>) src(%dma_wait3A_511 : memref<40x128xf32, #tpu.memory_space<vmem_shared>>) dst(%dma_wait3A_509 : memref<40x128xf32, #tpu.memory_space<vmem>>)
        tpu.yield
      }) : () -> ()
      %mul3A_484 = arith.constant 10000 : i32
      %mul3A_485 = arith.muli %arg0, %mul3A_484 : i32
      %add3A_486 = arith.addi %mul3A_485, %mul3A_483 : i32
      %run_scoped3A_487 = arith.constant 1 : i32
      "tpu.region"() ({
        %run_scoped3A_488 = tpu.sem_alloc : memref<!tpu.dma_semaphore, #tpu.memory_space<semaphore_mem>>
        %dma_start3A = arith.constant 0 : i32
        %dma_start3A_489 = arith.constant 0 : i32
        %dma_start3A_490 = tpu.memref_slice %arg7[%run_scoped3A_487, %dma_start3A, %dma_start3A_489] : memref<2x128x128xf32, #tpu.memory_space<vmem>> -> memref<1x40x128xf32, #tpu.memory_space<vmem>>
        %dma_start3A_491 = tpu.memref_squeeze %dma_start3A_490 : memref<1x40x128xf32, #tpu.memory_space<vmem>> -> memref<40x128xf32, #tpu.memory_space<vmem>>
        %dma_start3A_492 = arith.constant 0 : i32
        %dma_start3A_493 = tpu.memref_slice %arg5[%add3A_486, %dma_start3A_492] : memref<20000x128xf32, #tpu.memory_space<hbm>> -> memref<40x128xf32, #tpu.memory_space<hbm>>
        %dma_start3A_494 = arith.constant 0 : i32
        %dma_start3A_495 = tpu.memref_slice %arg5[%add3A_486, %dma_start3A_494] : memref<20000x128xf32, #tpu.memory_space<hbm>> -> memref<40x128xf32, #tpu.memory_space<hbm>>
        %dma_start3A_496 = arith.constant 0 : i32
        %dma_start3A_497 = arith.constant 0 : i32
        %dma_start3A_498 = tpu.memref_slice %arg7[%run_scoped3A_487, %dma_start3A_496, %dma_start3A_497] : memref<2x128x128xf32, #tpu.memory_space<vmem>> -> memref<1x40x128xf32, #tpu.memory_space<vmem>>
        %dma_start3A_499 = tpu.memref_squeeze %dma_start3A_498 : memref<1x40x128xf32, #tpu.memory_space<vmem>> -> memref<40x128xf32, #tpu.memory_space<vmem>>
        tpu.enqueue_dma source(%dma_start3A_499 : memref<40x128xf32, #tpu.memory_space<vmem>>) target(%dma_start3A_495 : memref<40x128xf32, #tpu.memory_space<hbm>>) target_semaphore(%run_scoped3A_488 : memref<!tpu.dma_semaphore, #tpu.memory_space<semaphore_mem>>)
        %dma_wait3A_500 = arith.constant 0 : i32
        %dma_wait3A_501 = arith.constant 0 : i32
        %dma_wait3A_502 = tpu.memref_slice %arg7[%run_scoped3A_487, %dma_wait3A_500, %dma_wait3A_501] : memref<2x128x128xf32, #tpu.memory_space<vmem>> -> memref<1x40x128xf32, #tpu.memory_space<vmem>>
        %dma_wait3A_503 = tpu.memref_squeeze %dma_wait3A_502 : memref<1x40x128xf32, #tpu.memory_space<vmem>> -> memref<40x128xf32, #tpu.memory_space<vmem>>
        %dma_wait3A_504 = arith.constant 0 : i32
        %dma_wait3A_505 = tpu.memref_slice %arg5[%add3A_486, %dma_wait3A_504] : memref<20000x128xf32, #tpu.memory_space<hbm>> -> memref<40x128xf32, #tpu.memory_space<hbm>>
        %dma_wait3A_506 = arith.constant 0 : i32
        %dma_wait3A_507 = tpu.memref_slice %arg5[%add3A_486, %dma_wait3A_506] : memref<20000x128xf32, #tpu.memory_space<hbm>> -> memref<40x128xf32, #tpu.memory_space<hbm>>
        %dma_wait3A_508 = arith.constant 0 : i32
        %dma_wait3A_509 = arith.constant 0 : i32
        %dma_wait3A_510 = tpu.memref_slice %arg7[%run_scoped3A_487, %dma_wait3A_508, %dma_wait3A_509] : memref<2x128x128xf32, #tpu.memory_space<vmem>> -> memref<1x40x128xf32, #tpu.memory_space<vmem>>
        %dma_wait3A_511 = tpu.memref_squeeze %dma_wait3A_510 : memref<1x40x128xf32, #tpu.memory_space<vmem>> -> memref<40x128xf32, #tpu.memory_space<vmem>>
        tpu.wait_dma2 semaphore(%run_scoped3A_488 : memref<!tpu.dma_semaphore, #tpu.memory_space<semaphore_mem>>) src(%dma_wait3A_511 : memref<40x128xf32, #tpu.memory_space<vmem>>) dst(%dma_wait3A_507 : memref<40x128xf32, #tpu.memory_space<hbm>>)
        tpu.yield
      }) : () -> ()
    } else {
    }
    %add3A_454 = arith.constant 192 : i32
    %add3A_455 = arith.addi %add3A_454, %arg1 : i32
    %lt3A_456 = arith.constant 250 : i32
    %lt3A_457 = arith.cmpi slt, %add3A_455, %lt3A_456 : i32
    %convert_element_type3A_458 = arith.extui %lt3A_457 : i1 to i32
    %cond3A_459 = arith.constant 0 : i32
    %cond3A_460 = arith.cmpi ne, %convert_element_type3A_458, %cond3A_459 : i32
    scf.if %cond3A_460 {
      %mul3A_482 = arith.constant 40 : i32
      %mul3A_483 = arith.muli %add3A_455, %mul3A_482 : i32
      %run_scoped3A = arith.constant 1 : i32
      "tpu.region"() ({
        %run_scoped3A_488 = tpu.sem_alloc : memref<!tpu.dma_semaphore, #tpu.memory_space<semaphore_mem>>
        %dma_start3A = arith.constant 0 : i32
        %dma_start3A_489 = arith.constant 0 : i32
        %dma_start3A_490 = tpu.memref_slice %arg7[%run_scoped3A, %dma_start3A, %dma_start3A_489] : memref<2x128x128xf32, #tpu.memory_space<vmem>> -> memref<1x40x128xf32, #tpu.memory_space<vmem>>
        %dma_start3A_491 = tpu.memref_squeeze %dma_start3A_490 : memref<1x40x128xf32, #tpu.memory_space<vmem>> -> memref<40x128xf32, #tpu.memory_space<vmem>>
        %dma_start3A_492 = arith.constant 0 : i32
        %dma_start3A_493 = tpu.memref_slice %arg8[%mul3A_483, %dma_start3A_492] : memref<10000x128xf32, #tpu.memory_space<vmem_shared>> -> memref<40x128xf32, #tpu.memory_space<vmem_shared>>
        %dma_start3A_494 = arith.constant 0 : i32
        %dma_start3A_495 = arith.constant 0 : i32
        %dma_start3A_496 = tpu.memref_slice %arg7[%run_scoped3A, %dma_start3A_494, %dma_start3A_495] : memref<2x128x128xf32, #tpu.memory_space<vmem>> -> memref<1x40x128xf32, #tpu.memory_space<vmem>>
        %dma_start3A_497 = tpu.memref_squeeze %dma_start3A_496 : memref<1x40x128xf32, #tpu.memory_space<vmem>> -> memref<40x128xf32, #tpu.memory_space<vmem>>
        %dma_start3A_498 = arith.constant 0 : i32
        %dma_start3A_499 = tpu.memref_slice %arg8[%mul3A_483, %dma_start3A_498] : memref<10000x128xf32, #tpu.memory_space<vmem_shared>> -> memref<40x128xf32, #tpu.memory_space<vmem_shared>>
        tpu.enqueue_dma source(%dma_start3A_499 : memref<40x128xf32, #tpu.memory_space<vmem_shared>>) target(%dma_start3A_497 : memref<40x128xf32, #tpu.memory_space<vmem>>) target_semaphore(%run_scoped3A_488 : memref<!tpu.dma_semaphore, #tpu.memory_space<semaphore_mem>>)
        %dma_wait3A_500 = arith.constant 0 : i32
        %dma_wait3A_501 = arith.constant 0 : i32
        %dma_wait3A_502 = tpu.memref_slice %arg7[%run_scoped3A, %dma_wait3A_500, %dma_wait3A_501] : memref<2x128x128xf32, #tpu.memory_space<vmem>> -> memref<1x40x128xf32, #tpu.memory_space<vmem>>
        %dma_wait3A_503 = tpu.memref_squeeze %dma_wait3A_502 : memref<1x40x128xf32, #tpu.memory_space<vmem>> -> memref<40x128xf32, #tpu.memory_space<vmem>>
        %dma_wait3A_504 = arith.constant 0 : i32
        %dma_wait3A_505 = tpu.memref_slice %arg8[%mul3A_483, %dma_wait3A_504] : memref<10000x128xf32, #tpu.memory_space<vmem_shared>> -> memref<40x128xf32, #tpu.memory_space<vmem_shared>>
        %dma_wait3A_506 = arith.constant 0 : i32
        %dma_wait3A_507 = arith.constant 0 : i32
        %dma_wait3A_508 = tpu.memref_slice %arg7[%run_scoped3A, %dma_wait3A_506, %dma_wait3A_507] : memref<2x128x128xf32, #tpu.memory_space<vmem>> -> memref<1x40x128xf32, #tpu.memory_space<vmem>>
        %dma_wait3A_509 = tpu.memref_squeeze %dma_wait3A_508 : memref<1x40x128xf32, #tpu.memory_space<vmem>> -> memref<40x128xf32, #tpu.memory_space<vmem>>
        %dma_wait3A_510 = arith.constant 0 : i32
        %dma_wait3A_511 = tpu.memref_slice %arg8[%mul3A_483, %dma_wait3A_510] : memref<10000x128xf32, #tpu.memory_space<vmem_shared>> -> memref<40x128xf32, #tpu.memory_space<vmem_shared>>
        tpu.wait_dma2 semaphore(%run_scoped3A_488 : memref<!tpu.dma_semaphore, #tpu.memory_space<semaphore_mem>>) src(%dma_wait3A_511 : memref<40x128xf32, #tpu.memory_space<vmem_shared>>) dst(%dma_wait3A_509 : memref<40x128xf32, #tpu.memory_space<vmem>>)
        tpu.yield
      }) : () -> ()
      %mul3A_484 = arith.constant 10000 : i32
      %mul3A_485 = arith.muli %arg0, %mul3A_484 : i32
      %add3A_486 = arith.addi %mul3A_485, %mul3A_483 : i32
      %run_scoped3A_487 = arith.constant 1 : i32
      "tpu.region"() ({
        %run_scoped3A_488 = tpu.sem_alloc : memref<!tpu.dma_semaphore, #tpu.memory_space<semaphore_mem>>
        %dma_start3A = arith.constant 0 : i32
        %dma_start3A_489 = arith.constant 0 : i32
        %dma_start3A_490 = tpu.memref_slice %arg7[%run_scoped3A_487, %dma_start3A, %dma_start3A_489] : memref<2x128x128xf32, #tpu.memory_space<vmem>> -> memref<1x40x128xf32, #tpu.memory_space<vmem>>
        %dma_start3A_491 = tpu.memref_squeeze %dma_start3A_490 : memref<1x40x128xf32, #tpu.memory_space<vmem>> -> memref<40x128xf32, #tpu.memory_space<vmem>>
        %dma_start3A_492 = arith.constant 0 : i32
        %dma_start3A_493 = tpu.memref_slice %arg5[%add3A_486, %dma_start3A_492] : memref<20000x128xf32, #tpu.memory_space<hbm>> -> memref<40x128xf32, #tpu.memory_space<hbm>>
        %dma_start3A_494 = arith.constant 0 : i32
        %dma_start3A_495 = tpu.memref_slice %arg5[%add3A_486, %dma_start3A_494] : memref<20000x128xf32, #tpu.memory_space<hbm>> -> memref<40x128xf32, #tpu.memory_space<hbm>>
        %dma_start3A_496 = arith.constant 0 : i32
        %dma_start3A_497 = arith.constant 0 : i32
        %dma_start3A_498 = tpu.memref_slice %arg7[%run_scoped3A_487, %dma_start3A_496, %dma_start3A_497] : memref<2x128x128xf32, #tpu.memory_space<vmem>> -> memref<1x40x128xf32, #tpu.memory_space<vmem>>
        %dma_start3A_499 = tpu.memref_squeeze %dma_start3A_498 : memref<1x40x128xf32, #tpu.memory_space<vmem>> -> memref<40x128xf32, #tpu.memory_space<vmem>>
        tpu.enqueue_dma source(%dma_start3A_499 : memref<40x128xf32, #tpu.memory_space<vmem>>) target(%dma_start3A_495 : memref<40x128xf32, #tpu.memory_space<hbm>>) target_semaphore(%run_scoped3A_488 : memref<!tpu.dma_semaphore, #tpu.memory_space<semaphore_mem>>)
        %dma_wait3A_500 = arith.constant 0 : i32
        %dma_wait3A_501 = arith.constant 0 : i32
        %dma_wait3A_502 = tpu.memref_slice %arg7[%run_scoped3A_487, %dma_wait3A_500, %dma_wait3A_501] : memref<2x128x128xf32, #tpu.memory_space<vmem>> -> memref<1x40x128xf32, #tpu.memory_space<vmem>>
        %dma_wait3A_503 = tpu.memref_squeeze %dma_wait3A_502 : memref<1x40x128xf32, #tpu.memory_space<vmem>> -> memref<40x128xf32, #tpu.memory_space<vmem>>
        %dma_wait3A_504 = arith.constant 0 : i32
        %dma_wait3A_505 = tpu.memref_slice %arg5[%add3A_486, %dma_wait3A_504] : memref<20000x128xf32, #tpu.memory_space<hbm>> -> memref<40x128xf32, #tpu.memory_space<hbm>>
        %dma_wait3A_506 = arith.constant 0 : i32
        %dma_wait3A_507 = tpu.memref_slice %arg5[%add3A_486, %dma_wait3A_506] : memref<20000x128xf32, #tpu.memory_space<hbm>> -> memref<40x128xf32, #tpu.memory_space<hbm>>
        %dma_wait3A_508 = arith.constant 0 : i32
        %dma_wait3A_509 = arith.constant 0 : i32
        %dma_wait3A_510 = tpu.memref_slice %arg7[%run_scoped3A_487, %dma_wait3A_508, %dma_wait3A_509] : memref<2x128x128xf32, #tpu.memory_space<vmem>> -> memref<1x40x128xf32, #tpu.memory_space<vmem>>
        %dma_wait3A_511 = tpu.memref_squeeze %dma_wait3A_510 : memref<1x40x128xf32, #tpu.memory_space<vmem>> -> memref<40x128xf32, #tpu.memory_space<vmem>>
        tpu.wait_dma2 semaphore(%run_scoped3A_488 : memref<!tpu.dma_semaphore, #tpu.memory_space<semaphore_mem>>) src(%dma_wait3A_511 : memref<40x128xf32, #tpu.memory_space<vmem>>) dst(%dma_wait3A_507 : memref<40x128xf32, #tpu.memory_space<hbm>>)
        tpu.yield
      }) : () -> ()
    } else {
    }
    %add3A_461 = arith.constant 208 : i32
    %add3A_462 = arith.addi %add3A_461, %arg1 : i32
    %lt3A_463 = arith.constant 250 : i32
    %lt3A_464 = arith.cmpi slt, %add3A_462, %lt3A_463 : i32
    %convert_element_type3A_465 = arith.extui %lt3A_464 : i1 to i32
    %cond3A_466 = arith.constant 0 : i32
    %cond3A_467 = arith.cmpi ne, %convert_element_type3A_465, %cond3A_466 : i32
    scf.if %cond3A_467 {
      %mul3A_482 = arith.constant 40 : i32
      %mul3A_483 = arith.muli %add3A_462, %mul3A_482 : i32
      %run_scoped3A = arith.constant 1 : i32
      "tpu.region"() ({
        %run_scoped3A_488 = tpu.sem_alloc : memref<!tpu.dma_semaphore, #tpu.memory_space<semaphore_mem>>
        %dma_start3A = arith.constant 0 : i32
        %dma_start3A_489 = arith.constant 0 : i32
        %dma_start3A_490 = tpu.memref_slice %arg7[%run_scoped3A, %dma_start3A, %dma_start3A_489] : memref<2x128x128xf32, #tpu.memory_space<vmem>> -> memref<1x40x128xf32, #tpu.memory_space<vmem>>
        %dma_start3A_491 = tpu.memref_squeeze %dma_start3A_490 : memref<1x40x128xf32, #tpu.memory_space<vmem>> -> memref<40x128xf32, #tpu.memory_space<vmem>>
        %dma_start3A_492 = arith.constant 0 : i32
        %dma_start3A_493 = tpu.memref_slice %arg8[%mul3A_483, %dma_start3A_492] : memref<10000x128xf32, #tpu.memory_space<vmem_shared>> -> memref<40x128xf32, #tpu.memory_space<vmem_shared>>
        %dma_start3A_494 = arith.constant 0 : i32
        %dma_start3A_495 = arith.constant 0 : i32
        %dma_start3A_496 = tpu.memref_slice %arg7[%run_scoped3A, %dma_start3A_494, %dma_start3A_495] : memref<2x128x128xf32, #tpu.memory_space<vmem>> -> memref<1x40x128xf32, #tpu.memory_space<vmem>>
        %dma_start3A_497 = tpu.memref_squeeze %dma_start3A_496 : memref<1x40x128xf32, #tpu.memory_space<vmem>> -> memref<40x128xf32, #tpu.memory_space<vmem>>
        %dma_start3A_498 = arith.constant 0 : i32
        %dma_start3A_499 = tpu.memref_slice %arg8[%mul3A_483, %dma_start3A_498] : memref<10000x128xf32, #tpu.memory_space<vmem_shared>> -> memref<40x128xf32, #tpu.memory_space<vmem_shared>>
        tpu.enqueue_dma source(%dma_start3A_499 : memref<40x128xf32, #tpu.memory_space<vmem_shared>>) target(%dma_start3A_497 : memref<40x128xf32, #tpu.memory_space<vmem>>) target_semaphore(%run_scoped3A_488 : memref<!tpu.dma_semaphore, #tpu.memory_space<semaphore_mem>>)
        %dma_wait3A_500 = arith.constant 0 : i32
        %dma_wait3A_501 = arith.constant 0 : i32
        %dma_wait3A_502 = tpu.memref_slice %arg7[%run_scoped3A, %dma_wait3A_500, %dma_wait3A_501] : memref<2x128x128xf32, #tpu.memory_space<vmem>> -> memref<1x40x128xf32, #tpu.memory_space<vmem>>
        %dma_wait3A_503 = tpu.memref_squeeze %dma_wait3A_502 : memref<1x40x128xf32, #tpu.memory_space<vmem>> -> memref<40x128xf32, #tpu.memory_space<vmem>>
        %dma_wait3A_504 = arith.constant 0 : i32
        %dma_wait3A_505 = tpu.memref_slice %arg8[%mul3A_483, %dma_wait3A_504] : memref<10000x128xf32, #tpu.memory_space<vmem_shared>> -> memref<40x128xf32, #tpu.memory_space<vmem_shared>>
        %dma_wait3A_506 = arith.constant 0 : i32
        %dma_wait3A_507 = arith.constant 0 : i32
        %dma_wait3A_508 = tpu.memref_slice %arg7[%run_scoped3A, %dma_wait3A_506, %dma_wait3A_507] : memref<2x128x128xf32, #tpu.memory_space<vmem>> -> memref<1x40x128xf32, #tpu.memory_space<vmem>>
        %dma_wait3A_509 = tpu.memref_squeeze %dma_wait3A_508 : memref<1x40x128xf32, #tpu.memory_space<vmem>> -> memref<40x128xf32, #tpu.memory_space<vmem>>
        %dma_wait3A_510 = arith.constant 0 : i32
        %dma_wait3A_511 = tpu.memref_slice %arg8[%mul3A_483, %dma_wait3A_510] : memref<10000x128xf32, #tpu.memory_space<vmem_shared>> -> memref<40x128xf32, #tpu.memory_space<vmem_shared>>
        tpu.wait_dma2 semaphore(%run_scoped3A_488 : memref<!tpu.dma_semaphore, #tpu.memory_space<semaphore_mem>>) src(%dma_wait3A_511 : memref<40x128xf32, #tpu.memory_space<vmem_shared>>) dst(%dma_wait3A_509 : memref<40x128xf32, #tpu.memory_space<vmem>>)
        tpu.yield
      }) : () -> ()
      %mul3A_484 = arith.constant 10000 : i32
      %mul3A_485 = arith.muli %arg0, %mul3A_484 : i32
      %add3A_486 = arith.addi %mul3A_485, %mul3A_483 : i32
      %run_scoped3A_487 = arith.constant 1 : i32
      "tpu.region"() ({
        %run_scoped3A_488 = tpu.sem_alloc : memref<!tpu.dma_semaphore, #tpu.memory_space<semaphore_mem>>
        %dma_start3A = arith.constant 0 : i32
        %dma_start3A_489 = arith.constant 0 : i32
        %dma_start3A_490 = tpu.memref_slice %arg7[%run_scoped3A_487, %dma_start3A, %dma_start3A_489] : memref<2x128x128xf32, #tpu.memory_space<vmem>> -> memref<1x40x128xf32, #tpu.memory_space<vmem>>
        %dma_start3A_491 = tpu.memref_squeeze %dma_start3A_490 : memref<1x40x128xf32, #tpu.memory_space<vmem>> -> memref<40x128xf32, #tpu.memory_space<vmem>>
        %dma_start3A_492 = arith.constant 0 : i32
        %dma_start3A_493 = tpu.memref_slice %arg5[%add3A_486, %dma_start3A_492] : memref<20000x128xf32, #tpu.memory_space<hbm>> -> memref<40x128xf32, #tpu.memory_space<hbm>>
        %dma_start3A_494 = arith.constant 0 : i32
        %dma_start3A_495 = tpu.memref_slice %arg5[%add3A_486, %dma_start3A_494] : memref<20000x128xf32, #tpu.memory_space<hbm>> -> memref<40x128xf32, #tpu.memory_space<hbm>>
        %dma_start3A_496 = arith.constant 0 : i32
        %dma_start3A_497 = arith.constant 0 : i32
        %dma_start3A_498 = tpu.memref_slice %arg7[%run_scoped3A_487, %dma_start3A_496, %dma_start3A_497] : memref<2x128x128xf32, #tpu.memory_space<vmem>> -> memref<1x40x128xf32, #tpu.memory_space<vmem>>
        %dma_start3A_499 = tpu.memref_squeeze %dma_start3A_498 : memref<1x40x128xf32, #tpu.memory_space<vmem>> -> memref<40x128xf32, #tpu.memory_space<vmem>>
        tpu.enqueue_dma source(%dma_start3A_499 : memref<40x128xf32, #tpu.memory_space<vmem>>) target(%dma_start3A_495 : memref<40x128xf32, #tpu.memory_space<hbm>>) target_semaphore(%run_scoped3A_488 : memref<!tpu.dma_semaphore, #tpu.memory_space<semaphore_mem>>)
        %dma_wait3A_500 = arith.constant 0 : i32
        %dma_wait3A_501 = arith.constant 0 : i32
        %dma_wait3A_502 = tpu.memref_slice %arg7[%run_scoped3A_487, %dma_wait3A_500, %dma_wait3A_501] : memref<2x128x128xf32, #tpu.memory_space<vmem>> -> memref<1x40x128xf32, #tpu.memory_space<vmem>>
        %dma_wait3A_503 = tpu.memref_squeeze %dma_wait3A_502 : memref<1x40x128xf32, #tpu.memory_space<vmem>> -> memref<40x128xf32, #tpu.memory_space<vmem>>
        %dma_wait3A_504 = arith.constant 0 : i32
        %dma_wait3A_505 = tpu.memref_slice %arg5[%add3A_486, %dma_wait3A_504] : memref<20000x128xf32, #tpu.memory_space<hbm>> -> memref<40x128xf32, #tpu.memory_space<hbm>>
        %dma_wait3A_506 = arith.constant 0 : i32
        %dma_wait3A_507 = tpu.memref_slice %arg5[%add3A_486, %dma_wait3A_506] : memref<20000x128xf32, #tpu.memory_space<hbm>> -> memref<40x128xf32, #tpu.memory_space<hbm>>
        %dma_wait3A_508 = arith.constant 0 : i32
        %dma_wait3A_509 = arith.constant 0 : i32
        %dma_wait3A_510 = tpu.memref_slice %arg7[%run_scoped3A_487, %dma_wait3A_508, %dma_wait3A_509] : memref<2x128x128xf32, #tpu.memory_space<vmem>> -> memref<1x40x128xf32, #tpu.memory_space<vmem>>
        %dma_wait3A_511 = tpu.memref_squeeze %dma_wait3A_510 : memref<1x40x128xf32, #tpu.memory_space<vmem>> -> memref<40x128xf32, #tpu.memory_space<vmem>>
        tpu.wait_dma2 semaphore(%run_scoped3A_488 : memref<!tpu.dma_semaphore, #tpu.memory_space<semaphore_mem>>) src(%dma_wait3A_511 : memref<40x128xf32, #tpu.memory_space<vmem>>) dst(%dma_wait3A_507 : memref<40x128xf32, #tpu.memory_space<hbm>>)
        tpu.yield
      }) : () -> ()
    } else {
    }
    %add3A_468 = arith.constant 224 : i32
    %add3A_469 = arith.addi %add3A_468, %arg1 : i32
    %lt3A_470 = arith.constant 250 : i32
    %lt3A_471 = arith.cmpi slt, %add3A_469, %lt3A_470 : i32
    %convert_element_type3A_472 = arith.extui %lt3A_471 : i1 to i32
    %cond3A_473 = arith.constant 0 : i32
    %cond3A_474 = arith.cmpi ne, %convert_element_type3A_472, %cond3A_473 : i32
    scf.if %cond3A_474 {
      %mul3A_482 = arith.constant 40 : i32
      %mul3A_483 = arith.muli %add3A_469, %mul3A_482 : i32
      %run_scoped3A = arith.constant 1 : i32
      "tpu.region"() ({
        %run_scoped3A_488 = tpu.sem_alloc : memref<!tpu.dma_semaphore, #tpu.memory_space<semaphore_mem>>
        %dma_start3A = arith.constant 0 : i32
        %dma_start3A_489 = arith.constant 0 : i32
        %dma_start3A_490 = tpu.memref_slice %arg7[%run_scoped3A, %dma_start3A, %dma_start3A_489] : memref<2x128x128xf32, #tpu.memory_space<vmem>> -> memref<1x40x128xf32, #tpu.memory_space<vmem>>
        %dma_start3A_491 = tpu.memref_squeeze %dma_start3A_490 : memref<1x40x128xf32, #tpu.memory_space<vmem>> -> memref<40x128xf32, #tpu.memory_space<vmem>>
        %dma_start3A_492 = arith.constant 0 : i32
        %dma_start3A_493 = tpu.memref_slice %arg8[%mul3A_483, %dma_start3A_492] : memref<10000x128xf32, #tpu.memory_space<vmem_shared>> -> memref<40x128xf32, #tpu.memory_space<vmem_shared>>
        %dma_start3A_494 = arith.constant 0 : i32
        %dma_start3A_495 = arith.constant 0 : i32
        %dma_start3A_496 = tpu.memref_slice %arg7[%run_scoped3A, %dma_start3A_494, %dma_start3A_495] : memref<2x128x128xf32, #tpu.memory_space<vmem>> -> memref<1x40x128xf32, #tpu.memory_space<vmem>>
        %dma_start3A_497 = tpu.memref_squeeze %dma_start3A_496 : memref<1x40x128xf32, #tpu.memory_space<vmem>> -> memref<40x128xf32, #tpu.memory_space<vmem>>
        %dma_start3A_498 = arith.constant 0 : i32
        %dma_start3A_499 = tpu.memref_slice %arg8[%mul3A_483, %dma_start3A_498] : memref<10000x128xf32, #tpu.memory_space<vmem_shared>> -> memref<40x128xf32, #tpu.memory_space<vmem_shared>>
        tpu.enqueue_dma source(%dma_start3A_499 : memref<40x128xf32, #tpu.memory_space<vmem_shared>>) target(%dma_start3A_497 : memref<40x128xf32, #tpu.memory_space<vmem>>) target_semaphore(%run_scoped3A_488 : memref<!tpu.dma_semaphore, #tpu.memory_space<semaphore_mem>>)
        %dma_wait3A_500 = arith.constant 0 : i32
        %dma_wait3A_501 = arith.constant 0 : i32
        %dma_wait3A_502 = tpu.memref_slice %arg7[%run_scoped3A, %dma_wait3A_500, %dma_wait3A_501] : memref<2x128x128xf32, #tpu.memory_space<vmem>> -> memref<1x40x128xf32, #tpu.memory_space<vmem>>
        %dma_wait3A_503 = tpu.memref_squeeze %dma_wait3A_502 : memref<1x40x128xf32, #tpu.memory_space<vmem>> -> memref<40x128xf32, #tpu.memory_space<vmem>>
        %dma_wait3A_504 = arith.constant 0 : i32
        %dma_wait3A_505 = tpu.memref_slice %arg8[%mul3A_483, %dma_wait3A_504] : memref<10000x128xf32, #tpu.memory_space<vmem_shared>> -> memref<40x128xf32, #tpu.memory_space<vmem_shared>>
        %dma_wait3A_506 = arith.constant 0 : i32
        %dma_wait3A_507 = arith.constant 0 : i32
        %dma_wait3A_508 = tpu.memref_slice %arg7[%run_scoped3A, %dma_wait3A_506, %dma_wait3A_507] : memref<2x128x128xf32, #tpu.memory_space<vmem>> -> memref<1x40x128xf32, #tpu.memory_space<vmem>>
        %dma_wait3A_509 = tpu.memref_squeeze %dma_wait3A_508 : memref<1x40x128xf32, #tpu.memory_space<vmem>> -> memref<40x128xf32, #tpu.memory_space<vmem>>
        %dma_wait3A_510 = arith.constant 0 : i32
        %dma_wait3A_511 = tpu.memref_slice %arg8[%mul3A_483, %dma_wait3A_510] : memref<10000x128xf32, #tpu.memory_space<vmem_shared>> -> memref<40x128xf32, #tpu.memory_space<vmem_shared>>
        tpu.wait_dma2 semaphore(%run_scoped3A_488 : memref<!tpu.dma_semaphore, #tpu.memory_space<semaphore_mem>>) src(%dma_wait3A_511 : memref<40x128xf32, #tpu.memory_space<vmem_shared>>) dst(%dma_wait3A_509 : memref<40x128xf32, #tpu.memory_space<vmem>>)
        tpu.yield
      }) : () -> ()
      %mul3A_484 = arith.constant 10000 : i32
      %mul3A_485 = arith.muli %arg0, %mul3A_484 : i32
      %add3A_486 = arith.addi %mul3A_485, %mul3A_483 : i32
      %run_scoped3A_487 = arith.constant 1 : i32
      "tpu.region"() ({
        %run_scoped3A_488 = tpu.sem_alloc : memref<!tpu.dma_semaphore, #tpu.memory_space<semaphore_mem>>
        %dma_start3A = arith.constant 0 : i32
        %dma_start3A_489 = arith.constant 0 : i32
        %dma_start3A_490 = tpu.memref_slice %arg7[%run_scoped3A_487, %dma_start3A, %dma_start3A_489] : memref<2x128x128xf32, #tpu.memory_space<vmem>> -> memref<1x40x128xf32, #tpu.memory_space<vmem>>
        %dma_start3A_491 = tpu.memref_squeeze %dma_start3A_490 : memref<1x40x128xf32, #tpu.memory_space<vmem>> -> memref<40x128xf32, #tpu.memory_space<vmem>>
        %dma_start3A_492 = arith.constant 0 : i32
        %dma_start3A_493 = tpu.memref_slice %arg5[%add3A_486, %dma_start3A_492] : memref<20000x128xf32, #tpu.memory_space<hbm>> -> memref<40x128xf32, #tpu.memory_space<hbm>>
        %dma_start3A_494 = arith.constant 0 : i32
        %dma_start3A_495 = tpu.memref_slice %arg5[%add3A_486, %dma_start3A_494] : memref<20000x128xf32, #tpu.memory_space<hbm>> -> memref<40x128xf32, #tpu.memory_space<hbm>>
        %dma_start3A_496 = arith.constant 0 : i32
        %dma_start3A_497 = arith.constant 0 : i32
        %dma_start3A_498 = tpu.memref_slice %arg7[%run_scoped3A_487, %dma_start3A_496, %dma_start3A_497] : memref<2x128x128xf32, #tpu.memory_space<vmem>> -> memref<1x40x128xf32, #tpu.memory_space<vmem>>
        %dma_start3A_499 = tpu.memref_squeeze %dma_start3A_498 : memref<1x40x128xf32, #tpu.memory_space<vmem>> -> memref<40x128xf32, #tpu.memory_space<vmem>>
        tpu.enqueue_dma source(%dma_start3A_499 : memref<40x128xf32, #tpu.memory_space<vmem>>) target(%dma_start3A_495 : memref<40x128xf32, #tpu.memory_space<hbm>>) target_semaphore(%run_scoped3A_488 : memref<!tpu.dma_semaphore, #tpu.memory_space<semaphore_mem>>)
        %dma_wait3A_500 = arith.constant 0 : i32
        %dma_wait3A_501 = arith.constant 0 : i32
        %dma_wait3A_502 = tpu.memref_slice %arg7[%run_scoped3A_487, %dma_wait3A_500, %dma_wait3A_501] : memref<2x128x128xf32, #tpu.memory_space<vmem>> -> memref<1x40x128xf32, #tpu.memory_space<vmem>>
        %dma_wait3A_503 = tpu.memref_squeeze %dma_wait3A_502 : memref<1x40x128xf32, #tpu.memory_space<vmem>> -> memref<40x128xf32, #tpu.memory_space<vmem>>
        %dma_wait3A_504 = arith.constant 0 : i32
        %dma_wait3A_505 = tpu.memref_slice %arg5[%add3A_486, %dma_wait3A_504] : memref<20000x128xf32, #tpu.memory_space<hbm>> -> memref<40x128xf32, #tpu.memory_space<hbm>>
        %dma_wait3A_506 = arith.constant 0 : i32
        %dma_wait3A_507 = tpu.memref_slice %arg5[%add3A_486, %dma_wait3A_506] : memref<20000x128xf32, #tpu.memory_space<hbm>> -> memref<40x128xf32, #tpu.memory_space<hbm>>
        %dma_wait3A_508 = arith.constant 0 : i32
        %dma_wait3A_509 = arith.constant 0 : i32
        %dma_wait3A_510 = tpu.memref_slice %arg7[%run_scoped3A_487, %dma_wait3A_508, %dma_wait3A_509] : memref<2x128x128xf32, #tpu.memory_space<vmem>> -> memref<1x40x128xf32, #tpu.memory_space<vmem>>
        %dma_wait3A_511 = tpu.memref_squeeze %dma_wait3A_510 : memref<1x40x128xf32, #tpu.memory_space<vmem>> -> memref<40x128xf32, #tpu.memory_space<vmem>>
        tpu.wait_dma2 semaphore(%run_scoped3A_488 : memref<!tpu.dma_semaphore, #tpu.memory_space<semaphore_mem>>) src(%dma_wait3A_511 : memref<40x128xf32, #tpu.memory_space<vmem>>) dst(%dma_wait3A_507 : memref<40x128xf32, #tpu.memory_space<hbm>>)
        tpu.yield
      }) : () -> ()
    } else {
    }
    %add3A_475 = arith.constant 240 : i32
    %add3A_476 = arith.addi %add3A_475, %arg1 : i32
    %lt3A_477 = arith.constant 250 : i32
    %lt3A_478 = arith.cmpi slt, %add3A_476, %lt3A_477 : i32
    %convert_element_type3A_479 = arith.extui %lt3A_478 : i1 to i32
    %cond3A_480 = arith.constant 0 : i32
    %cond3A_481 = arith.cmpi ne, %convert_element_type3A_479, %cond3A_480 : i32
    scf.if %cond3A_481 {
      %mul3A_482 = arith.constant 40 : i32
      %mul3A_483 = arith.muli %add3A_476, %mul3A_482 : i32
      %run_scoped3A = arith.constant 1 : i32
      "tpu.region"() ({
        %run_scoped3A_488 = tpu.sem_alloc : memref<!tpu.dma_semaphore, #tpu.memory_space<semaphore_mem>>
        %dma_start3A = arith.constant 0 : i32
        %dma_start3A_489 = arith.constant 0 : i32
        %dma_start3A_490 = tpu.memref_slice %arg7[%run_scoped3A, %dma_start3A, %dma_start3A_489] : memref<2x128x128xf32, #tpu.memory_space<vmem>> -> memref<1x40x128xf32, #tpu.memory_space<vmem>>
        %dma_start3A_491 = tpu.memref_squeeze %dma_start3A_490 : memref<1x40x128xf32, #tpu.memory_space<vmem>> -> memref<40x128xf32, #tpu.memory_space<vmem>>
        %dma_start3A_492 = arith.constant 0 : i32
        %dma_start3A_493 = tpu.memref_slice %arg8[%mul3A_483, %dma_start3A_492] : memref<10000x128xf32, #tpu.memory_space<vmem_shared>> -> memref<40x128xf32, #tpu.memory_space<vmem_shared>>
        %dma_start3A_494 = arith.constant 0 : i32
        %dma_start3A_495 = arith.constant 0 : i32
        %dma_start3A_496 = tpu.memref_slice %arg7[%run_scoped3A, %dma_start3A_494, %dma_start3A_495] : memref<2x128x128xf32, #tpu.memory_space<vmem>> -> memref<1x40x128xf32, #tpu.memory_space<vmem>>
        %dma_start3A_497 = tpu.memref_squeeze %dma_start3A_496 : memref<1x40x128xf32, #tpu.memory_space<vmem>> -> memref<40x128xf32, #tpu.memory_space<vmem>>
        %dma_start3A_498 = arith.constant 0 : i32
        %dma_start3A_499 = tpu.memref_slice %arg8[%mul3A_483, %dma_start3A_498] : memref<10000x128xf32, #tpu.memory_space<vmem_shared>> -> memref<40x128xf32, #tpu.memory_space<vmem_shared>>
        tpu.enqueue_dma source(%dma_start3A_499 : memref<40x128xf32, #tpu.memory_space<vmem_shared>>) target(%dma_start3A_497 : memref<40x128xf32, #tpu.memory_space<vmem>>) target_semaphore(%run_scoped3A_488 : memref<!tpu.dma_semaphore, #tpu.memory_space<semaphore_mem>>)
        %dma_wait3A_500 = arith.constant 0 : i32
        %dma_wait3A_501 = arith.constant 0 : i32
        %dma_wait3A_502 = tpu.memref_slice %arg7[%run_scoped3A, %dma_wait3A_500, %dma_wait3A_501] : memref<2x128x128xf32, #tpu.memory_space<vmem>> -> memref<1x40x128xf32, #tpu.memory_space<vmem>>
        %dma_wait3A_503 = tpu.memref_squeeze %dma_wait3A_502 : memref<1x40x128xf32, #tpu.memory_space<vmem>> -> memref<40x128xf32, #tpu.memory_space<vmem>>
        %dma_wait3A_504 = arith.constant 0 : i32
        %dma_wait3A_505 = tpu.memref_slice %arg8[%mul3A_483, %dma_wait3A_504] : memref<10000x128xf32, #tpu.memory_space<vmem_shared>> -> memref<40x128xf32, #tpu.memory_space<vmem_shared>>
        %dma_wait3A_506 = arith.constant 0 : i32
        %dma_wait3A_507 = arith.constant 0 : i32
        %dma_wait3A_508 = tpu.memref_slice %arg7[%run_scoped3A, %dma_wait3A_506, %dma_wait3A_507] : memref<2x128x128xf32, #tpu.memory_space<vmem>> -> memref<1x40x128xf32, #tpu.memory_space<vmem>>
        %dma_wait3A_509 = tpu.memref_squeeze %dma_wait3A_508 : memref<1x40x128xf32, #tpu.memory_space<vmem>> -> memref<40x128xf32, #tpu.memory_space<vmem>>
        %dma_wait3A_510 = arith.constant 0 : i32
        %dma_wait3A_511 = tpu.memref_slice %arg8[%mul3A_483, %dma_wait3A_510] : memref<10000x128xf32, #tpu.memory_space<vmem_shared>> -> memref<40x128xf32, #tpu.memory_space<vmem_shared>>
        tpu.wait_dma2 semaphore(%run_scoped3A_488 : memref<!tpu.dma_semaphore, #tpu.memory_space<semaphore_mem>>) src(%dma_wait3A_511 : memref<40x128xf32, #tpu.memory_space<vmem_shared>>) dst(%dma_wait3A_509 : memref<40x128xf32, #tpu.memory_space<vmem>>)
        tpu.yield
      }) : () -> ()
      %mul3A_484 = arith.constant 10000 : i32
      %mul3A_485 = arith.muli %arg0, %mul3A_484 : i32
      %add3A_486 = arith.addi %mul3A_485, %mul3A_483 : i32
      %run_scoped3A_487 = arith.constant 1 : i32
      "tpu.region"() ({
        %run_scoped3A_488 = tpu.sem_alloc : memref<!tpu.dma_semaphore, #tpu.memory_space<semaphore_mem>>
        %dma_start3A = arith.constant 0 : i32
        %dma_start3A_489 = arith.constant 0 : i32
        %dma_start3A_490 = tpu.memref_slice %arg7[%run_scoped3A_487, %dma_start3A, %dma_start3A_489] : memref<2x128x128xf32, #tpu.memory_space<vmem>> -> memref<1x40x128xf32, #tpu.memory_space<vmem>>
        %dma_start3A_491 = tpu.memref_squeeze %dma_start3A_490 : memref<1x40x128xf32, #tpu.memory_space<vmem>> -> memref<40x128xf32, #tpu.memory_space<vmem>>
        %dma_start3A_492 = arith.constant 0 : i32
        %dma_start3A_493 = tpu.memref_slice %arg5[%add3A_486, %dma_start3A_492] : memref<20000x128xf32, #tpu.memory_space<hbm>> -> memref<40x128xf32, #tpu.memory_space<hbm>>
        %dma_start3A_494 = arith.constant 0 : i32
        %dma_start3A_495 = tpu.memref_slice %arg5[%add3A_486, %dma_start3A_494] : memref<20000x128xf32, #tpu.memory_space<hbm>> -> memref<40x128xf32, #tpu.memory_space<hbm>>
        %dma_start3A_496 = arith.constant 0 : i32
        %dma_start3A_497 = arith.constant 0 : i32
        %dma_start3A_498 = tpu.memref_slice %arg7[%run_scoped3A_487, %dma_start3A_496, %dma_start3A_497] : memref<2x128x128xf32, #tpu.memory_space<vmem>> -> memref<1x40x128xf32, #tpu.memory_space<vmem>>
        %dma_start3A_499 = tpu.memref_squeeze %dma_start3A_498 : memref<1x40x128xf32, #tpu.memory_space<vmem>> -> memref<40x128xf32, #tpu.memory_space<vmem>>
        tpu.enqueue_dma source(%dma_start3A_499 : memref<40x128xf32, #tpu.memory_space<vmem>>) target(%dma_start3A_495 : memref<40x128xf32, #tpu.memory_space<hbm>>) target_semaphore(%run_scoped3A_488 : memref<!tpu.dma_semaphore, #tpu.memory_space<semaphore_mem>>)
        %dma_wait3A_500 = arith.constant 0 : i32
        %dma_wait3A_501 = arith.constant 0 : i32
        %dma_wait3A_502 = tpu.memref_slice %arg7[%run_scoped3A_487, %dma_wait3A_500, %dma_wait3A_501] : memref<2x128x128xf32, #tpu.memory_space<vmem>> -> memref<1x40x128xf32, #tpu.memory_space<vmem>>
        %dma_wait3A_503 = tpu.memref_squeeze %dma_wait3A_502 : memref<1x40x128xf32, #tpu.memory_space<vmem>> -> memref<40x128xf32, #tpu.memory_space<vmem>>
        %dma_wait3A_504 = arith.constant 0 : i32
        %dma_wait3A_505 = tpu.memref_slice %arg5[%add3A_486, %dma_wait3A_504] : memref<20000x128xf32, #tpu.memory_space<hbm>> -> memref<40x128xf32, #tpu.memory_space<hbm>>
        %dma_wait3A_506 = arith.constant 0 : i32
        %dma_wait3A_507 = tpu.memref_slice %arg5[%add3A_486, %dma_wait3A_506] : memref<20000x128xf32, #tpu.memory_space<hbm>> -> memref<40x128xf32, #tpu.memory_space<hbm>>
        %dma_wait3A_508 = arith.constant 0 : i32
        %dma_wait3A_509 = arith.constant 0 : i32
        %dma_wait3A_510 = tpu.memref_slice %arg7[%run_scoped3A_487, %dma_wait3A_508, %dma_wait3A_509] : memref<2x128x128xf32, #tpu.memory_space<vmem>> -> memref<1x40x128xf32, #tpu.memory_space<vmem>>
        %dma_wait3A_511 = tpu.memref_squeeze %dma_wait3A_510 : memref<1x40x128xf32, #tpu.memory_space<vmem>> -> memref<40x128xf32, #tpu.memory_space<vmem>>
        tpu.wait_dma2 semaphore(%run_scoped3A_488 : memref<!tpu.dma_semaphore, #tpu.memory_space<semaphore_mem>>) src(%dma_wait3A_511 : memref<40x128xf32, #tpu.memory_space<vmem>>) dst(%dma_wait3A_507 : memref<40x128xf32, #tpu.memory_space<hbm>>)
        tpu.yield
      }) : () -> ()
    } else {
    }
    return
  }
}

module attributes {stable_mosaic.version = 14 : i64} {
  func.func @_xw1_body(%arg0: i32, %arg1: memref<2000x256xf32, #tpu.memory_space<vmem>>, %arg2: memref<256x256xf32, #tpu.memory_space<vmem>>, %arg3: memref<1x256xf32, #tpu.memory_space<vmem>>, %arg4: memref<2000x256xf32, #tpu.memory_space<vmem>>) attributes {dimension_semantics = [#tpu.dimension_semantics<arbitrary>], iteration_bounds = array<i64: 5>, scalar_prefetch = 0 : i64, scratch_operands = 0 : i64, tpu.core_type = #tpu.core_type<tc>, window_params = [{transform_indices = @transform_0, window_bounds = array<i64: 2000, 256>}, {pipeline_mode = #tpu.pipeline_mode<synchronous>, transform_indices = @transform_1, window_bounds = array<i64: 256, 256>}, {pipeline_mode = #tpu.pipeline_mode<synchronous>, transform_indices = @transform_2, window_bounds = array<i64: 1, 256>}, {transform_indices = @transform_3, window_bounds = array<i64: 2000, 256>}]} {
    %get3A = arith.constant 0 : index
    %get3A_0 = arith.constant 0 : index
    %get3A_1 = vector.load %arg1[%get3A, %get3A_0] : memref<2000x256xf32, #tpu.memory_space<vmem>>, vector<2000x256xf32>
    %get3A_2 = arith.constant 0 : index
    %get3A_3 = arith.constant 0 : index
    %get3A_4 = vector.load %arg2[%get3A_2, %get3A_3] : memref<256x256xf32, #tpu.memory_space<vmem>>, vector<256x256xf32>
    %dot_general3A = arith.constant dense<0.000000e+00> : vector<2000x256xf32>
    %dot_general3A_5 = tpu.matmul %get3A_1, %get3A_4, %dot_general3A {dimension_numbers = #tpu.dot_dimension_numbers<[1], [0], [0], [1], [0, 0, 1, 1], [], []>, transpose_lhs_hint = false} : vector<2000x256xf32>, vector<256x256xf32>, vector<2000x256xf32> -> vector<2000x256xf32>
    %get3A_6 = arith.constant 0 : index
    %get3A_7 = arith.constant 0 : index
    %get3A_8 = vector.load %arg3[%get3A_6, %get3A_7] : memref<1x256xf32, #tpu.memory_space<vmem>>, vector<1x256xf32>
    %add3A = vector.broadcast %get3A_8 : vector<1x256xf32> to vector<2000x256xf32>
    %add3A_9 = arith.addf %dot_general3A_5, %add3A : vector<2000x256xf32>
    %swap3A = arith.constant 0 : index
    %swap3A_10 = arith.constant 0 : index
    %swap3A_11 = vector.load %arg4[%swap3A, %swap3A_10] : memref<2000x256xf32, #tpu.memory_space<vmem>>, vector<2000x256xf32>
    tpu.vector_store %arg4[%swap3A, %swap3A_10], %add3A_9 {strides = array<i32>} : memref<2000x256xf32, #tpu.memory_space<vmem>>, vector<2000x256xf32>,
    return
  }
  func.func @transform_0(%arg0: i32) -> (i32, i32) {
    %c0_i32 = arith.constant 0 : i32
    %c0_i32_0 = arith.constant 0 : i32
    return %arg0, %c0_i32 : i32, i32
  }
  func.func @transform_1(%arg0: i32) -> (i32, i32) {
    %c0_i32 = arith.constant 0 : i32
    %c0_i32_0 = arith.constant 0 : i32
    %c0_i32_1 = arith.constant 0 : i32
    return %c0_i32, %c0_i32_0 : i32, i32
  }
  func.func @transform_2(%arg0: i32) -> (i32, i32) {
    %c0_i32 = arith.constant 0 : i32
    %c0_i32_0 = arith.constant 0 : i32
    %c0_i32_1 = arith.constant 0 : i32
    return %c0_i32, %c0_i32_0 : i32, i32
  }
  func.func @transform_3(%arg0: i32) -> (i32, i32) {
    %c0_i32 = arith.constant 0 : i32
    %c0_i32_0 = arith.constant 0 : i32
    return %arg0, %c0_i32 : i32, i32
  }
}

module attributes {stable_mosaic.version = 14 : i64} {
  func.func @_mlp_body(%arg0: i32, %arg1: memref<2000x256xf32, #tpu.memory_space<vmem>>, %arg2: memref<2000x256xf32, #tpu.memory_space<vmem>>, %arg3: memref<2x2000x128xf32, #tpu.memory_space<vmem>>, %arg4: memref<256x256xf32, #tpu.memory_space<vmem>>, %arg5: memref<256x256xf32, #tpu.memory_space<vmem>>, %arg6: memref<1x256xf32, #tpu.memory_space<vmem>>, %arg7: memref<256x256xf32, #tpu.memory_space<vmem>>, %arg8: memref<1x256xf32, #tpu.memory_space<vmem>>, %arg9: memref<2000x256xf32, #tpu.memory_space<vmem>>) attributes {dimension_semantics = [#tpu.dimension_semantics<arbitrary>], iteration_bounds = array<i64: 5>, scalar_prefetch = 0 : i64, scratch_operands = 0 : i64, tpu.core_type = #tpu.core_type<tc>, window_params = [{transform_indices = @transform_0, window_bounds = array<i64: 2000, 256>}, {transform_indices = @transform_1, window_bounds = array<i64: 2000, 256>}, {transform_indices = @transform_2, window_bounds = array<i64: 2, 2000, 128>}, {pipeline_mode = #tpu.pipeline_mode<synchronous>, transform_indices = @transform_3, window_bounds = array<i64: 256, 256>}, {pipeline_mode = #tpu.pipeline_mode<synchronous>, transform_indices = @transform_4, window_bounds = array<i64: 256, 256>}, {pipeline_mode = #tpu.pipeline_mode<synchronous>, transform_indices = @transform_5, window_bounds = array<i64: 1, 256>}, {pipeline_mode = #tpu.pipeline_mode<synchronous>, transform_indices = @transform_6, window_bounds = array<i64: 256, 256>}, {pipeline_mode = #tpu.pipeline_mode<synchronous>, transform_indices = @transform_7, window_bounds = array<i64: 1, 256>}, {transform_indices = @transform_8, window_bounds = array<i64: 2000, 256>}]} {
    %get3A = arith.constant 0 : index
    %get3A_0 = arith.constant 0 : index
    %get3A_1 = arith.constant 0 : index
    %get3A_2 = vector.load %arg3[%get3A, %get3A_0, %get3A_1] : memref<2x2000x128xf32, #tpu.memory_space<vmem>>, vector<1x2000x1xf32>
    %get3A_3 = vector.shape_cast %get3A_2 : vector<1x2000x1xf32> to vector<2000x1xf32>
    %get3A_4 = arith.constant 1 : index
    %get3A_5 = arith.constant 0 : index
    %get3A_6 = arith.constant 0 : index
    %get3A_7 = vector.load %arg3[%get3A_4, %get3A_5, %get3A_6] : memref<2x2000x128xf32, #tpu.memory_space<vmem>>, vector<1x2000x1xf32>
    %get3A_8 = vector.shape_cast %get3A_7 : vector<1x2000x1xf32> to vector<2000x1xf32>
    %add3A = arith.addf %get3A_3, %get3A_8 : vector<2000x1xf32>
    %get3A_9 = arith.constant 0 : index
    %get3A_10 = arith.constant 0 : index
    %get3A_11 = vector.load %arg2[%get3A_9, %get3A_10] : memref<2000x256xf32, #tpu.memory_space<vmem>>, vector<2000x256xf32>
    %max3A = arith.constant 1.000000e+00 : f32
    %max3A_12 = vector.broadcast %max3A : f32 to vector<2000x1xf32>
    %max3A_13 = arith.maximumf %add3A, %max3A_12 : vector<2000x1xf32>
    %div3A = arith.constant 1.000000e+00 : f32
    %div3A_14 = vector.broadcast %div3A : f32 to vector<2000x1xf32>
    %div3A_15 = arith.divf %div3A_14, %max3A_13 : vector<2000x1xf32>
    %mul3A = vector.broadcast %div3A_15 : vector<2000x1xf32> to vector<2000x256xf32>
    %mul3A_16 = arith.mulf %get3A_11, %mul3A : vector<2000x256xf32>
    %get3A_17 = arith.constant 0 : index
    %get3A_18 = arith.constant 0 : index
    %get3A_19 = vector.load %arg1[%get3A_17, %get3A_18] : memref<2000x256xf32, #tpu.memory_space<vmem>>, vector<2000x256xf32>
    %get3A_20 = arith.constant 0 : index
    %get3A_21 = arith.constant 0 : index
    %get3A_22 = vector.load %arg4[%get3A_20, %get3A_21] : memref<256x256xf32, #tpu.memory_space<vmem>>, vector<256x256xf32>
    %dot_general3A = arith.constant dense<0.000000e+00> : vector<2000x256xf32>
    %dot_general3A_23 = tpu.matmul %mul3A_16, %get3A_22, %dot_general3A {dimension_numbers = #tpu.dot_dimension_numbers<[1], [0], [0], [1], [0, 0, 1, 1], [], []>, transpose_lhs_hint = false} : vector<2000x256xf32>, vector<256x256xf32>, vector<2000x256xf32> -> vector<2000x256xf32>
    %add3A_24 = arith.addf %get3A_19, %dot_general3A_23 : vector<2000x256xf32>
    %max3A_25 = arith.constant 0.000000e+00 : f32
    %max3A_26 = vector.broadcast %max3A_25 : f32 to vector<2000x256xf32>
    %max3A_27 = arith.maximumf %add3A_24, %max3A_26 : vector<2000x256xf32>
    %get3A_28 = arith.constant 0 : index
    %get3A_29 = arith.constant 0 : index
    %get3A_30 = vector.load %arg5[%get3A_28, %get3A_29] : memref<256x256xf32, #tpu.memory_space<vmem>>, vector<256x256xf32>
    %dot_general3A_31 = arith.constant dense<0.000000e+00> : vector<2000x256xf32>
    %dot_general3A_32 = tpu.matmul %max3A_27, %get3A_30, %dot_general3A_31 {dimension_numbers = #tpu.dot_dimension_numbers<[1], [0], [0], [1], [0, 0, 1, 1], [], []>, transpose_lhs_hint = false} : vector<2000x256xf32>, vector<256x256xf32>, vector<2000x256xf32> -> vector<2000x256xf32>
    %get3A_33 = arith.constant 0 : index
    %get3A_34 = arith.constant 0 : index
    %get3A_35 = vector.load %arg6[%get3A_33, %get3A_34] : memref<1x256xf32, #tpu.memory_space<vmem>>, vector<1x256xf32>
    %add3A_36 = vector.broadcast %get3A_35 : vector<1x256xf32> to vector<2000x256xf32>
    %add3A_37 = arith.addf %dot_general3A_32, %add3A_36 : vector<2000x256xf32>
    %max3A_38 = arith.constant 0.000000e+00 : f32
    %max3A_39 = vector.broadcast %max3A_38 : f32 to vector<2000x256xf32>
    %max3A_40 = arith.maximumf %add3A_37, %max3A_39 : vector<2000x256xf32>
    %get3A_41 = arith.constant 0 : index
    %get3A_42 = arith.constant 0 : index
    %get3A_43 = vector.load %arg7[%get3A_41, %get3A_42] : memref<256x256xf32, #tpu.memory_space<vmem>>, vector<256x256xf32>
    %dot_general3A_44 = arith.constant dense<0.000000e+00> : vector<2000x256xf32>
    %dot_general3A_45 = tpu.matmul %max3A_40, %get3A_43, %dot_general3A_44 {dimension_numbers = #tpu.dot_dimension_numbers<[1], [0], [0], [1], [0, 0, 1, 1], [], []>, transpose_lhs_hint = false} : vector<2000x256xf32>, vector<256x256xf32>, vector<2000x256xf32> -> vector<2000x256xf32>
    %get3A_46 = arith.constant 0 : index
    %get3A_47 = arith.constant 0 : index
    %get3A_48 = vector.load %arg8[%get3A_46, %get3A_47] : memref<1x256xf32, #tpu.memory_space<vmem>>, vector<1x256xf32>
    %add3A_49 = vector.broadcast %get3A_48 : vector<1x256xf32> to vector<2000x256xf32>
    %add3A_50 = arith.addf %dot_general3A_45, %add3A_49 : vector<2000x256xf32>
    %swap3A = arith.constant 0 : index
    %swap3A_51 = arith.constant 0 : index
    %swap3A_52 = vector.load %arg9[%swap3A, %swap3A_51] : memref<2000x256xf32, #tpu.memory_space<vmem>>, vector<2000x256xf32>
    tpu.vector_store %arg9[%swap3A, %swap3A_51], %add3A_50 {strides = array<i32>} : memref<2000x256xf32, #tpu.memory_space<vmem>>, vector<2000x256xf32>,
    return
  }
  func.func @transform_0(%arg0: i32) -> (i32, i32) {
    %c0_i32 = arith.constant 0 : i32
    %c0_i32_0 = arith.constant 0 : i32
    return %arg0, %c0_i32 : i32, i32
  }
  func.func @transform_1(%arg0: i32) -> (i32, i32) {
    %c0_i32 = arith.constant 0 : i32
    %c0_i32_0 = arith.constant 0 : i32
    return %arg0, %c0_i32 : i32, i32
  }
  func.func @transform_2(%arg0: i32) -> (i32, i32, i32) {
    %c0_i32 = arith.constant 0 : i32
    %c0_i32_0 = arith.constant 0 : i32
    %c0_i32_1 = arith.constant 0 : i32
    return %c0_i32, %arg0, %c0_i32_0 : i32, i32, i32
  }
  func.func @transform_3(%arg0: i32) -> (i32, i32) {
    %c0_i32 = arith.constant 0 : i32
    %c0_i32_0 = arith.constant 0 : i32
    %c0_i32_1 = arith.constant 0 : i32
    return %c0_i32, %c0_i32_0 : i32, i32
  }
  func.func @transform_4(%arg0: i32) -> (i32, i32) {
    %c0_i32 = arith.constant 0 : i32
    %c0_i32_0 = arith.constant 0 : i32
    %c0_i32_1 = arith.constant 0 : i32
    return %c0_i32, %c0_i32_0 : i32, i32
  }
  func.func @transform_5(%arg0: i32) -> (i32, i32) {
    %c0_i32 = arith.constant 0 : i32
    %c0_i32_0 = arith.constant 0 : i32
    %c0_i32_1 = arith.constant 0 : i32
    return %c0_i32, %c0_i32_0 : i32, i32
  }
  func.func @transform_6(%arg0: i32) -> (i32, i32) {
    %c0_i32 = arith.constant 0 : i32
    %c0_i32_0 = arith.constant 0 : i32
    %c0_i32_1 = arith.constant 0 : i32
    return %c0_i32, %c0_i32_0 : i32, i32
  }
  func.func @transform_7(%arg0: i32) -> (i32, i32) {
    %c0_i32 = arith.constant 0 : i32
    %c0_i32_0 = arith.constant 0 : i32
    %c0_i32_1 = arith.constant 0 : i32
    return %c0_i32, %c0_i32_0 : i32, i32
  }
  func.func @transform_8(%arg0: i32) -> (i32, i32) {
    %c0_i32 = arith.constant 0 : i32
    %c0_i32_0 = arith.constant 0 : i32
    return %arg0, %c0_i32 : i32, i32
  }
}

</mosaic_0001>

<sc_bundles>
// kernel: kernel.5.cloned.1.call-start
scs
__scs_entry_jumppad:
0x0: {  	(pc) =	sbr.rel $0x88, $3  }
0x1: {  	(tag) =	ssettag $0x0;
	lr =	simm.s32 $0x1  }
0x2: {  	[smem:$0x3F98] =	sst lr;
	_ =	strace $0xD0000000  }
0x3: {  	_ = 	snop  }
0x4: {  	_ = 	snop  }
0x5: {  	_ = 	snop  }
0x6: {  	_ = 	snop  }
0x7: {  	_ = 	snop  }
__scs_overlays_trampoline_lowered:
0x8: {  	[smem:$0x3FA7] =	sst s0  }
0x9: {  	[smem:$0x3FA8] =	sst s1  }
0xa: {  	[smem:$0x3FA9] =	sst s2  }
0xb: {  	[smem:$0x3FAA] =	sst s3  }
0xc: {  	[smem:$0x3FAB] =	sst s4  }
0xd: {  	[smem:$0x3FAC] =	sst s5  }
0xe: {  	[smem:$0x3FAD] =	sst s6  }
0xf: {  	[smem:$0x3FAE] =	sst s7  }
0x10: {  	[smem:$0x3FAF] =	sst s8  }
0x11: {  	[smem:$0x3FB0] =	sst s9;
	s0 =	simm.s32 @!p0 $0x0  }
0x12: {  	s1 =	sld [smem:$0x3F96];
	s0 =	simm.s32 @p0 $0x1  }
0x13: {  	[smem:$0x3FB1] =	sst s0;
	s0 =	simm.s32 @!p1 $0x0  }
0x14: {  	s2 =	sld [smem:$0x3F95];
	s0 =	simm.s32 @p1 $0x1  }
0x15: {  	[smem:$0x3FB2] =	sst s0;
	s0 =	simm.s32 @!p2 $0x0  }
0x16: {  	s3 =	sld [smem:$0x3FDB];
	s0 =	simm.s32 @p2 $0x1  }
0x17: {  	s4 =	simm.s32 $0x1BF5;
	[smem:$0x3FB4] =	sst s0  }
0x18: {  	s0 =	sld [smem:$0x3F97];
	_ =	swait.ge [sflag:s4], $0x0  }
0x19: {  	s7 =	sld [smem:$0x3F98]  }
0x1a: {  	s8 =	sadd.s32 $0xFFFFE003, lr  }
0x1b: {  	s9 =	sadd.s32 $0xFFFFFEF7, lr;
	s5 =	simm.s32 $0xFFFFFFFF;
	p2 =	slt.u32 s8, $0xFFFFF086  }
0x1c: {  	p1 =	slt.u32 s9, $0xF7A;
	s5 =	simm.s32 @!p2 $0x0  }
0x1d: {  	s5 =	simm.s32 @p1 $0x1;
	p0 =	seq.s32 s7, s2  }
0x1e: {  	s7 =	smul.u32 @!p0 $0xF7A, s2;
	p2 =	seq.s32 @!p0 s5, $0x0  }
0x1f: {  	s9 =	smul.u32 $0xF7A, s1;
	s8 =	simm.s32 @!p0 $0x1BF5;
	p2 =	por !p2, p0  }
0x20: {  	[sflag:s8] =	ssyncset.s32 @!p0 $0xFFFFF086;
	s6 =	sadd.s32 @!p0 s3, s7;
	s7 =	simm.s32 @!p0 $0x108  }
0x21: {  	s3 =	sadd.s32 s3, s9;
	s6 =	sadd.s32 @!p0 $0x88, s6;
	s7 =	simm.s32 @p2 $0x1082  }
0x22: {  	[simem:s7], [sflag:s8] =	dma.local @!p0 [hbm:s6], $0xF7A  }
0x23: {  	s9 =	sor.u32 $0xD0000000, s2;
	s6 =	simm.s32 $0x108;
	_ =	swait.ge @!p0 [sflag:s8], $0x0  }
0x24: {  	s3 =	sadd.s32 $0x88, s3;
	s6 =	simm.s32 @!p1 $0x1082;
	[sflag:s4] =	ssyncset.s32 $0xFFFFF086  }
0x25: {  	[simem:s6], [sflag:s4] =	dma.local [hbm:s3], $0xF7A  }
0x26: {  	[smem:$0x3F98] =	sst s1;
	(tag) =	ssettag s2;
	_ =	strace s9  }
0x27: {  	s1 =	sld [smem:$0x3FA8]  }
0x28: {  	s2 =	sld [smem:$0x3FA9]  }
0x29: {  	s4 =	sld [smem:$0x3FAB]  }
0x2a: {  	p0 =	seq.s32 s5, $0x0;
	s5 =	sld [smem:$0x3FAC]  }
0x2b: {  	s6 =	sld [smem:$0x3FAD]  }
0x2c: {  	s7 =	sld [smem:$0x3FAE]  }
0x2d: {  	s3 =	simm.s32 $0x108;
	s8 =	sld [smem:$0x3FAF]  }
0x2e: {  	s3 =	simm.s32 @!p0 $0x1082;
	s9 =	sld [smem:$0x3FB0]  }
0x2f: {  	lr =	sadd.s32 s0, s3;
	s0 =	sld [smem:$0x3FA7]  }
0x30: {  	s3 =	sld [smem:$0x3FAA]  }
0x31: {  	[smem:$0x3FB3] =	sst s10  }
0x32: {  	s10 =	sld [smem:$0x3FB1];
	_ =	sdelay $0x3  }
0x33: {  	p0 =	seq.s32 s10, $0x1;
	s10 =	sld [smem:$0x3FB3];
	_ =	sdelay $0x3  }
0x34: {  	[smem:$0x3FB3] =	sst s10  }
0x35: {  	s10 =	sld [smem:$0x3FB2];
	_ =	sdelay $0x3  }
0x36: {  	p1 =	seq.s32 s10, $0x1;
	s10 =	sld [smem:$0x3FB3];
	_ =	sdelay $0x3  }
0x37: {  	[smem:$0x3FB3] =	sst s10  }
0x38: {  	s10 =	sld [smem:$0x3FB4]  }
0x39: {  	_ = 	snop;
	(pc) =	sbr.ind lr, $3  }
0x3a: {  	_ = 	snop  }
0x3b: {  	_ = 	snop  }
0x3c: {  	p2 =	seq.s32 s10, $0x1;
	s10 =	sld [smem:$0x3FB3]  }
0x3d: {  	_ =	shalt  }
0x3e: {  	_ =	shalt  }
0x3f: {  	_ =	shalt  }
0x40: {  	_ =	shalt  }
0x41: {  	_ =	shalt  }
0x42: {  	_ =	shalt  }
0x43: {  	_ =	shalt  }
0x44: {  	_ =	shalt  }
0x45: {  	_ =	shalt  }
0x46: {  	_ =	shalt  }
0x47: {  	_ =	shalt  }
0x48: {  	_ =	shalt  }
0x49: {  	_ =	shalt  }
0x4a: {  	_ =	shalt  }
0x4b: {  	_ =	shalt  }
0x4c: {  	_ =	shalt  }
0x4d: {  	_ =	shalt  }
0x4e: {  	_ =	shalt  }
0x4f: {  	_ =	shalt  }
0x50: {  	_ =	shalt  }
0x51: {  	_ =	shalt  }
0x52: {  	_ =	shalt  }
0x53: {  	_ =	shalt  }
0x54: {  	_ =	shalt  }
0x55: {  	_ =	shalt  }
0x56: {  	_ =	shalt  }
0x57: {  	_ =	shalt  }
0x58: {  	_ =	shalt  }
0x59: {  	_ =	shalt  }
0x5a: {  	_ =	shalt  }
0x5b: {  	_ =	shalt  }
0x5c: {  	_ =	shalt  }
0x5d: {  	_ =	shalt  }
0x5e: {  	_ =	shalt  }
0x5f: {  	_ =	shalt  }
0x60: {  	_ =	shalt  }
0x61: {  	_ =	shalt  }
0x62: {  	_ =	shalt  }
0x63: {  	_ =	shalt  }
0x64: {  	_ =	shalt  }
0x65: {  	_ =	shalt  }
0x66: {  	_ =	shalt  }
0x67: {  	_ =	shalt  }
0x68: {  	_ =	shalt  }
0x69: {  	_ =	shalt  }
0x6a: {  	_ =	shalt  }
0x6b: {  	_ =	shalt  }
0x6c: {  	_ =	shalt  }
0x6d: {  	_ =	shalt  }
0x6e: {  	_ =	shalt  }
0x6f: {  	_ =	shalt  }
0x70: {  	_ =	shalt  }
0x71: {  	_ =	shalt  }
0x72: {  	_ =	shalt  }
0x73: {  	_ =	shalt  }
0x74: {  	_ =	shalt  }
0x75: {  	_ =	shalt  }
0x76: {  	_ =	shalt  }
0x77: {  	_ =	shalt  }
0x78: {  	_ =	shalt  }
0x79: {  	_ =	shalt  }
0x7a: {  	_ =	shalt  }
0x7b: {  	_ =	shalt  }
0x7c: {  	_ =	shalt  }
0x7d: {  	_ =	shalt  }
0x7e: {  	_ =	shalt  }
0x7f: {  	_ =	shalt  }
0x80: {  	_ =	shalt  }
0x81: {  	_ =	shalt  }
0x82: {  	_ =	shalt  }
0x83: {  	_ =	shalt  }
0x84: {  	_ =	shalt  }
0x85: {  	_ =	shalt  }
0x86: {  	_ =	shalt  }
0x87: {  	_ =	shalt  }
.Lfunc_end0:
.L_simem_size_0:
called_computation_lowered:
.L_overlay_start_0:
0x88: {  	s2 =	sld [smem:$0x3FD9]  }
0x89: {  	s3 =	sld [smem:$0x3FFE];
	_ =	sdelay $0x1  }
0x8a: {  	s1 =	srdreg.scid  }
0x8b: {  	s0 =	sand.u32 $0x1, s1  }
0x8c: {  	s17 =	sshll.u32 s0, $0xA;
	s2 =	sadd.s32 s3, s2  }
0x8d: {  	s2 =	sadd.s32 s2, s17  }
0x8e: {  	[smem:$0x3FBF] =	sst s2  }
0x8f: {  	_ = 	snop  }
0x90: {  	s2 =	sld [smem:$0x3FC7]  }
0x91: {  	s18 =	sld [smem:$0x3FD0];
	(tm) =	ssettm $0x1  }
0x92: {  	s4 =	sld [smem:$0x3FFB];
	_ =	sdelay $0x3  }
0x93: {  	_ =	strace s4  }
0x94: {  	s4 =	sld [smem:$0x3FFC];
	_ =	sdelay $0x3  }
0x95: {  	_ =	strace s4  }
0x96: {  	s4 =	sld [smem:$0x3FFD];
	_ =	sdelay $0x3  }
0x97: {  	_ =	strace s4  }
0x98: {  	_ =	strace $0x8FFFFFFF  }
0x99: {  	s19 =	sld [smem:$0x3FDB];
	_ =	sdelay $0x1  }
0x9a: {  	s5 =	simm.s32 $_scs_section_size  }
0x9b: {  	s6 =	simm.s32 $_size__tile_overlayer_lowered;
	s7 =	simm.s32 $_tile_overlayer_lowered  }
0x9c: {  	s22 =	simm.s32 $0x1BFF;
	s21 =	sshll.u32 s7, $0x1;
	s4 =	sadd.s32 s5, s19  }
0x9d: {  	s8 =	simm.s32 $0x0;
	s20 =	sshll.u32 s6, $0x1;
	s6 =	sadd.s32 s21, s4  }
0x9e: {  	[timem:s8], [sflag:s22] =	dma.local [hbm:s6], s20  }
0x9f: {  	_ =	swait.ge [sflag:s22], s20  }
0xa0: {  	s5 =	ssub.s32 $0x0, s20;
	[sflag:s22] =	ssyncset.done $0x0  }
0xa1: {  	[sflag:s22] =	ssyncadd.s32 s5;
	_ =	sdelay $0x1  }
0xa2: {  	s23 =	simm.s32 $0x1B8B  }
0xa3: {  	_ =	swait.ge [sflag:s23], $0x1  }
0xa4: {  	[sflag:s23] =	ssyncset.done $0x0  }
0xa5: {  	s25 =	simm.s32 $0x1B8E;
	s24 =	sld [smem:$0x3FFE];
	[sflag:s23] =	ssyncadd.s32 $0xFFFFFFFF  }
0xa6: {  	s26 =	simm.s32 $execute0_lowered;
	[smem:$0x3FD2] =	sst s25  }
0xa7: {  	s6 =	sshll.u32 s26, $0x1;
	_ =	strace $0x80000046;
	[dreg:$0x1] =	wrdreg $0xFFFFFFFF  }
0xa8: {  	s28 =	simm.s32 $_size_execute0_lowered;
	s4 =	sadd.s32 s4, s6;
	[dreg:$0x0] =	wrdreg $0x0  }
0xa9: {  	s6 =	sshll.u32 s28, $0x1;
	[dreg:$0x2] =	wrdreg s4  }
0xaa: {  	[dreg:$0x3] =	wrdreg s6  }
0xab: {  	[dreg:$0x4] =	wrdreg $0xC0  }
0xac: {  	_ =	task [dreg:s8], $0x5FFFF  }
0xad: {  	[dreg:$0x1] =	wrdreg $0xFFFFFFFF  }
0xae: {  	[dreg:$0x0] =	wrdreg $0x60  }
0xaf: {  	[dreg:$0x2] =	wrdreg s2  }
0xb0: {  	[dreg:$0x3] =	wrdreg s24  }
0xb1: {  	[dreg:$0x4] =	wrdreg s18  }
0xb2: {  	[dreg:$0x5] =	wrdreg $0x81000  }
0xb3: {  	[dreg:$0x6] =	wrdreg $0x9  }
0xb4: {  	_ =	task.clear_ibuf [dreg:s8], $0x7FFFF;
	_ =	strace $0x90000046  }
0xb5: {  	s29 =	simm.s32 $0x9;
	_ =	strace $0x80000048  }
0xb6: {  	_ =	swait.ge [sflag:s29], $0x1  }
0xb7: {  	[sflag:s29] =	ssyncadd.s32 $0xFFFFFFFF  }
0xb8: {  	_ =	strace $0x90000048  }
0xb9: {  	_ =	sfence  }
0xba: {  	s30 =	sld [smem:$0x0];
	_ =	sdelay $0x2  }
0xbb: {  	s31 =	sshll.u32 s1, $0xD;
	s1 =	sshrl.u32 s1, $0x2  }
0xbc: {  	s3 =	sand.u32 $0x4000, s31;
	s1 =	sadd.s32 s1, s30  }
0xbd: {  	s0 =	sor.u32 s3, s0;
	s1 =	sshll.u32 s1, $0x11  }
0xbe: {  	s0 =	sor.u32 s1, s0  }
0xbf: {  	s0 =	sadd.s32 $0x8F2B, s0  }
0xc0: {  	[sflag:s0] =	ssyncadd.remote.s32 $0x1  }
0xc1: {  	_ =	sfence.sel $0xFFFF  }
0xc2: {  	[dreg:$0x0] =	wrdreg $0xFFFFFFFF;
	(pc) =	sbr.abs _section_cstart, $3  }
0xc3: {  	[dreg:$0x1] =	wrdreg $0xFFFFFFFF  }
0xc4: {  	_ =	task.clear_ibuf [dreg:s8], $0x2FFFF;
	_ =	strace $0x9FFFFFFF  }
0xc5: {  	(tm) =	ssettm $0x7FFFFFFF  }
tec
execute0_lowered:
.L_overlay_start_1:
0x0: {  	(tag) =	ssettag $0x1  }
0x1: {  	s6 =	stileid.u32  }
0x2: {  	s3 =	sor.u32 $0x10, s6;
	s9 =	smul.u32 $0x2800, s6  }
0x3: {  	s2 =	sor.u32 $0x20, s6;
	s15 =	smul.u32 $0x2800, s3  }
0x4: {  	s0 =	srdreg.scid;
	s23 =	sor.u32 $0x30, s6;
	s16 =	smul.u32 $0x2800, s2  }
0x5: {  	s7 =	sand.u32 $0x1, s0;
	s24 =	sor.u32 $0x40, s6;
	s17 =	smul.u32 $0x2800, s23  }
0x6: {  	s13 =	sor.u32 $0x50, s6;
	s12 =	sor.u32 $0x60, s6;
	s18 =	smul.u32 $0x2800, s24  }
0x7: {  	s11 =	sor.u32 $0x70, s6;
	s10 =	sor.u32 $0x80, s6;
	s19 =	smul.u32 $0x2800, s13  }
0x8: {  	s25 =	sor.u32 $0x90, s6;
	[smem:$0x7E6] =	sst s3;
	s20 =	smul.u32 $0x2800, s12  }
0x9: {  	s26 =	sor.u32 $0xA0, s6;
	[smem:$0x7E7] =	sst s2;
	s21 =	smul.u32 $0x2800, s11  }
0xa: {  	s5 =	sshll.u32 s6, $0xF;
	[smem:$0x7D9] =	sst s23;
	s22 =	smul.u32 $0x2800, s10  }
0xb: {  	s8 =	sor.u32 $0xB0, s6;
	[smem:$0x7E9] =	sst s24;
	s23 =	smul.u32 $0x2800, s25  }
0xc: {  	s14 =	sor.u32 $0xC0, s6;
	[smem:$0x7F0] =	sst s25;
	s25 =	smul.u32 $0x2800, s26  }
0xd: {  	s0 =	ssub.s32 $0x2, s7;
	[smem:$0x7E1] =	sst s7;
	s28 =	smul.u32 $0x2800, s8  }
0xe: {  	s24 =	sshll.u32 s7, $0xA;
	[smem:$0x7EE] =	sst s10;
	s30 =	smul.u32 $0x2800, s14  }
0xf: {  	s1 =	sshrl.u32 s0, $0x1;
	s5 =	sor.u32 s24, s5;
	s9 =	sor.u32 s24, s9  }
0x10: {  	s0 =	ssub.s32 s0, s1;
	[smem:$0x7DA] =	sst s5;
	s15 =	sor.u32 s24, s15  }
0x11: {  	s16 =	sor.u32 s24, s16;
	s17 =	sor.u32 s24, s17;
	s18 =	sor.u32 s24, s18  }
0x12: {  	s19 =	sor.u32 s24, s19;
	s5 =	smov.u32 s26;
	s26 =	sor.u32 s24, s20  }
0x13: {  	s29 =	sor.u32 s24, s21;
	s20 =	sor.u32 $0xD0, s6;
	s31 =	sor.u32 s24, s22  }
0x14: {  	s21 =	sor.u32 $0xE0, s6;
	s3 =	sor.u32 s24, s23;
	s22 =	sor.u32 $0xF0, s6  }
0x15: {  	s25 =	sor.u32 s24, s25;
	s28 =	sor.u32 s24, s28;
	s1 =	smul.u32 $0x2800, s20  }
0x16: {  	s30 =	sor.u32 s24, s30;
	[smem:$0x7F7] =	sst s0;
	s0 =	smul.u32 $0x2800, s21  }
0x17: {  	s9 =	sshrl.u32 s9, $0x3;
	s4 =	smul.u32 $0x2800, s22;
	[smem:$0x7F6] =	sst s22  }
0x18: {  	s15 =	sshrl.u32 s15, $0x3;
	s16 =	sshrl.u32 s16, $0x3;
	s2 =	sor.u32 s24, s1  }
0x19: {  	s1 =	sor.u32 s24, s0;
	s0 =	sor.u32 s24, s4;
	s24 =	rddreg [dreg:$0x2]  }
0x1a: {  	s3 =	sshrl.u32 s3, $0x3;
	s4 =	sadd.s32 s24, s9;
	s23 =	sadd.s32 s24, s15  }
0x1b: {  	s9 =	sadd.s32 s24, s16;
	s15 =	sshrl.u32 s17, $0x3;
	[dreg:$0x5] =	wrdreg s4  }
0x1c: {  	s17 =	sshrl.u32 s18, $0x3;
	s18 =	sshrl.u32 s19, $0x3;
	[dreg:$0x6] =	wrdreg s23  }
0x1d: {  	s3 =	sadd.s32 s24, s3;
	s2 =	sshrl.u32 s2, $0x3;
	[dreg:$0x7] =	wrdreg s9  }
0x1e: {  	s1 =	sshrl.u32 s1, $0x3;
	s16 =	sadd.s32 s24, s15;
	[dreg:$0xe] =	wrdreg s3  }
0x1f: {  	s0 =	sshrl.u32 s0, $0x3;
	s19 =	sadd.s32 s24, s17;
	[dreg:$0x8] =	wrdreg s16  }
0x20: {  	s23 =	sadd.s32 s24, s18;
	s9 =	smul.u32 $0x2710, s7;
	[dreg:$0x9] =	wrdreg s19  }
0x21: {  	s4 =	sshrl.u32 s26, $0x3;
	s7 =	sshrl.u32 s29, $0x3;
	[dreg:$0xa] =	wrdreg s23  }
0x22: {  	s17 =	smul.u32 $0x28, s6;
	s26 =	sshrl.u32 s31, $0x3;
	s23 =	sld [smem:$0x7E6]  }
0x23: {  	s2 =	sadd.s32 s24, s2;
	s19 =	sadd.s32 s24, s7;
	s7 =	sld [smem:$0x7E7]  }
0x24: {  	s1 =	sadd.s32 s24, s1;
	s29 =	smul.u32 $0x28, s20;
	[dreg:$0x12] =	wrdreg s2  }
0x25: {  	s0 =	sadd.s32 s24, s0;
	s31 =	smul.u32 $0x28, s22;
	[dreg:$0x13] =	wrdreg s1  }
0x26: {  	s18 =	sadd.s32 s24, s4;
	s16 =	sadd.s32 s24, s26;
	[dreg:$0x14] =	wrdreg s0  }
0x27: {  	s26 =	sshrl.u32 s28, $0x3;
	s28 =	smul.u32 $0x28, s14;
	[dreg:$0xb] =	wrdreg s18  }
0x28: {  	s4 =	sshrl.u32 s30, $0x3;
	s30 =	smul.u32 $0x28, s21;
	[dreg:$0xc] =	wrdreg s19  }
0x29: {  	[dreg:$0xd] =	wrdreg s16;
	s19 =	sshrl.u32 s25, $0x3;
	s26 =	sadd.s32 s24, s26  }
0x2a: {  	s1 =	sadd.s32 s17, s9;
	[dreg:$0x10] =	wrdreg s26;
	s26 =	smul.u32 $0x28, s12  }
0x2b: {  	s29 =	sadd.s32 s9, s29;
	s16 =	sadd.s32 s24, s19;
	s19 =	smul.u32 $0x28, s11  }
0x2c: {  	s28 =	sadd.s32 s9, s28;
	s18 =	smul.u32 $0x28, s7;
	s7 =	sld [smem:$0x7E9]  }
0x2d: {  	s30 =	sadd.s32 s9, s30;
	s15 =	smul.u32 $0x28, s23;
	s23 =	sld [smem:$0x7D9]  }
0x2e: {  	s1 =	sshll.u32 s1, $0x4;
	[dreg:$0xf] =	wrdreg s16;
	s16 =	smul.u32 $0x28, s13  }
0x2f: {  	s26 =	sadd.s32 s9, s26;
	s2 =	sadd.s32 s9, s19;
	s25 =	smul.u32 $0x28, s7  }
0x30: {  	s7 =	sadd.s32 s24, s4;
	s4 =	smul.u32 $0x28, s10;
	s10 =	sld [smem:$0x7F0]  }
0x31: {  	s15 =	sadd.s32 s9, s15;
	s18 =	sadd.s32 s9, s18;
	s3 =	smul.u32 $0x28, s23  }
0x32: {  	s16 =	sadd.s32 s9, s16;
	s2 =	sshll.u32 s2, $0x4;
	s24 =	smul.u32 $0x28, s5  }
0x33: {  	s15 =	sshll.u32 s15, $0x4;
	[dreg:$0x11] =	wrdreg s7;
	s0 =	smul.u32 $0x28, s10  }
0x34: {  	s3 =	sadd.s32 s9, s3;
	s25 =	sadd.s32 s9, s25;
	s10 =	smul.u32 $0x28, s8  }
0x35: {  	s19 =	sadd.s32 s9, s4;
	s17 =	sadd.s32 s9, s24;
	s4 =	sadd.s32 s9, s0  }
0x36: {  	s24 =	sadd.s32 s9, s10;
	s9 =	sadd.s32 s9, s31;
	s31 =	rddreg [dreg:$0x1]  }
0x37: {  	s7 =	smov.u32 s5;
	s5 =	sld [smem:$0x7DA];
	s0 =	sadd.s32 $0x6600, s31  }
0x38: {  	s22 =	sshll.u32 s25, $0x4;
	s1 =	sadd.s32 s0, s1;
	s10 =	sadd.s32 s0, s15  }
0x39: {  	s15 =	sshll.u32 s18, $0x4;
	s18 =	sshll.u32 s3, $0x4;
	[dreg:$0x15] =	wrdreg s1  }
0x3a: {  	s25 =	sadd.s32 s0, s22;
	s3 =	sshll.u32 s16, $0x4;
	[dreg:$0x16] =	wrdreg s10  }
0x3b: {  	s16 =	sshll.u32 s19, $0x4;
	s1 =	sadd.s32 s0, s15;
	[dreg:$0x19] =	wrdreg s25  }
0x3c: {  	s19 =	sshll.u32 s17, $0x4;
	s15 =	sadd.s32 s0, s2;
	[dreg:$0x17] =	wrdreg s1  }
0x3d: {  	s22 =	sadd.s32 s0, s19;
	[dreg:$0x1c] =	wrdreg s15  }
0x3e: {  	[dreg:$0x1f] =	wrdreg s22  }
0x3f: {  	s10 =	sshll.u32 s26, $0x4;
	s1 =	sadd.s32 s0, s18;
	s15 =	rddreg [dreg:$0x0]  }
0x40: {  	s26 =	sshll.u32 s29, $0x4;
	[dreg:$0x18] =	wrdreg s1;
	s1 =	sadd.s32 s0, s3  }
0x41: {  	p0 =	sgt.u32 s6, $0x9;
	s3 =	sadd.s32 s0, s26;
	[dreg:$0x1a] =	wrdreg s1  }
0x42: {  	s5 =	sshrl.u32 s5, $0x3;
	s1 =	sadd.s32 s0, s10;
	[smem:$0x7DD] =	sst s3  }
0x43: {  	s10 =	sshll.u32 s9, $0x4;
	s9 =	simm.s32 $0x0;
	[dreg:$0x1b] =	wrdreg s1  }
0x44: {  	s24 =	sshll.u32 s24, $0x4;
	s1 =	sadd.s32 s0, s16;
	[smem:$0x7FF] =	sst s9  }
0x45: {  	s18 =	sshll.u32 s4, $0x4;
	s16 =	sadd.s32 s15, s5;
	[dreg:$0x1d] =	wrdreg s1  }
0x46: {  	s17 =	sshll.u32 s6, $0x7;
	s1 =	sadd.s32 s0, s18;
	[smem:$0x7E0] =	sst s16  }
0x47: {  	s25 =	sshll.u32 s28, $0x4;
	[dreg:$0x1e] =	wrdreg s1;
	s1 =	sadd.s32 s0, s24  }
0x48: {  	s4 =	sshll.u32 s30, $0x4;
	[smem:$0x7DB] =	sst s1;
	s1 =	sadd.s32 s0, s25  }
0x49: {  	s3 =	sshll.u32 s6, $0x1;
	s25 =	sshll.u32 s6, $0xC;
	[smem:$0x7DC] =	sst s1  }
0x4a: {  	s1 =	sadd.s32 s0, s4;
	s0 =	sadd.s32 s0, s10;
	s10 =	sld [smem:$0x7E1]  }
0x4b: {  	s18 =	sor.u32 $0x800, s17;
	s2 =	sadd.s32 s25, s15;
	s25 =	sld [smem:$0x7E7]  }
0x4c: {  	s16 =	sshll.u32 s6, $0x4;
	s24 =	sshll.u32 s18, $0x5;
	[smem:$0x7DE] =	sst s1  }
0x4d: {  	[smem:$0x7DF] =	sst s0;
	s0 =	sor.u32 $0x1000, s17;
	s1 =	sshrl.u32 s18, $0x3  }
0x4e: {  	s18 =	sshll.u32 s6, $0x5;
	s26 =	sshll.u32 s0, $0x5;
	s19 =	sshll.u32 s10, $0x7  }
0x4f: {  	s0 =	sshrl.u32 s0, $0x3;
	s22 =	sadd.s32 s15, s19;
	s30 =	sadd.s32 s19, s2  }
0x50: {  	s15 =	sor.u32 s10, s3;
	s19 =	sld [smem:$0x7E6];
	s2 =	smul.u32 $0x5000, s25  }
0x51: {  	s25 =	smul.u32 $0x5000, s11;
	s5 =	sadd.s32 s24, s22;
	s4 =	sadd.s32 s26, s22  }
0x52: {  	s22 =	sshll.u32 s10, $0x4;
	s10 =	rddreg [dreg:$0x3];
	s24 =	smul.u32 $0x5000, s6  }
0x53: {  	s17 =	sshll.u32 s15, $0x4;
	s26 =	smul.u32 $0x5000, s23;
	[smem:$0x7E2] =	sst s5  }
0x54: {  	s23 =	smul.u32 $0x5000, s12;
	s15 =	ssub.s32 $0x501, s15;
	[smem:$0x7E3] =	sst s4  }
0x55: {  	s4 =	sadd.s32 $0x1600, s31;
	s29 =	sshrl.u32 s15, $0x5;
	s31 =	simm.s32 $0x2  }
0x56: {  	s5 =	sadd.s32 s4, s16;
	s16 =	sadd.s32 s4, s17;
	s1 =	sadd.s32 s4, s1  }
0x57: {  	s0 =	sadd.s32 s4, s0;
	s3 =	sshrl.u32 s24, $0x2;
	[smem:$0x7E4] =	sst s1  }
0x58: {  	s12 =	sshrl.u32 s23, $0x2;
	[smem:$0x7E5] =	sst s0;
	s3 =	sadd.s32 s3, s10  }
0x59: {  	s1 =	smul.u32 $0x5000, s19;
	_ =	strace $0x80000047;
	[smem:$0x7E8] =	sst s3  }
0x5a: {  	s0 =	sadd.s32 s18, s4;
	s18 =	sshrl.u32 s2, $0x2;
	s17 =	sld [smem:$0x7E9]  }
0x5b: {  	s19 =	smul.u32 $0x5000, s13;
	s1 =	sshrl.u32 s1, $0x2;
	s11 =	sld [smem:$0x7EE]  }
0x5c: {  	s0 =	sadd.s32 s22, s0;
	s13 =	sld [smem:$0x7F0];
	s1 =	sadd.s32 s1, s10  }
0x5d: {  	[smem:$0x7EA] =	sst s1;
	s1 =	sadd.s32 s18, s10;
	s18 =	smul.u32 $0x5000, s7  }
0x5e: {  	s22 =	sshrl.u32 s26, $0x2;
	[smem:$0x7FC] =	sst s16;
	s3 =	smul.u32 $0x5000, s17  }
0x5f: {  	s26 =	sshrl.u32 s19, $0x2;
	s0 =	sadd.s32 $0x800, s0;
	s2 =	smul.u32 $0x5000, s11  }
0x60: {  	[smem:$0x7FA] =	sst s0;
	s0 =	simm.s32 $0x3;
	s4 =	smul.u32 $0x5000, s13  }
0x61: {  	[smem:$0x7EB] =	sst s1;
	s1 =	sadd.s32 s22, s10;
	s22 =	smul.u32 $0x5000, s8  }
0x62: {  	s17 =	sshrl.u32 s25, $0x2;
	s8 =	smul.u32 $0x5000, s21;
	[smem:$0x7EC] =	sst s1  }
0x63: {  	s21 =	sadd.s32 $0x400, s16;
	s25 =	sshrl.u32 s18, $0x2;
	s18 =	sld [smem:$0x7F7]  }
0x64: {  	[smem:$0x7FD] =	sst s21;
	s24 =	sshrl.u32 s3, $0x2;
	s19 =	sshrl.u32 s2, $0x2  }
0x65: {  	s23 =	sshrl.u32 s4, $0x2;
	s7 =	sshrl.u32 s22, $0x2;
	s2 =	sshrl.u32 s8, $0x2  }
0x66: {  	s8 =	simm.s32 $0x400;
	s3 =	simm.s32 $0x4100;
	s1 =	sadd.s32 s24, s10  }
0x67: {  	s24 =	smul.u32 $0x5000, s14;
	[smem:$0x7ED] =	sst s1;
	s1 =	sadd.s32 s26, s10  }
0x68: {  	s22 =	sadd.s32 s7, s10;
	s26 =	smul.u32 $0x5000, s20;
	[smem:$0x7EF] =	sst s1  }
0x69: {  	s20 =	sadd.s32 $0x200, s16;
	s1 =	sadd.s32 s12, s10;
	s12 =	sld [smem:$0x7F6]  }
0x6a: {  	s7 =	simm.s32 $0x5;
	s11 =	sshrl.u32 s24, $0x2;
	[smem:$0x7FB] =	sst s20  }
0x6b: {  	[smem:$0x7F1] =	sst s1;
	s1 =	sadd.s32 s17, s10;
	s13 =	sshrl.u32 s26, $0x2  }
0x6c: {  	s17 =	ssub.s32 $0x4F1, s6;
	s6 =	simm.s32 $0x800;
	[smem:$0x7F2] =	sst s1  }
0x6d: {  	s1 =	sadd.s32 s19, s10;
	s24 =	sadd.s32 s13, s10;
	s28 =	sshrl.u32 s17, $0x4  }
0x6e: {  	s19 =	sadd.s32 $0x30000, s30;
	s30 =	simm.s32 $0x1;
	[smem:$0x7F3] =	sst s1  }
0x6f: {  	s1 =	sadd.s32 s23, s10;
	s4 =	smul.u32 $0x5000, s12;
	s23 =	sadd.s32 s11, s10  }
0x70: {  	[smem:$0x7F9] =	sst s19;
	p1 =	seq.s32 s28, $0x4E;
	s11 =	simm.s32 $0x4  }
0x71: {  	s12 =	simm.s32 $0x0;
	[smem:$0x7F4] =	sst s1;
	s1 =	sadd.s32 s25, s10  }
0x72: {  	s25 =	sadd.s32 s2, s10;
	s2 =	simm.s32 $0x80;
	[smem:$0x7F5] =	sst s1  }
0x73: {  	s14 =	sshrl.u32 s4, $0x2;
	s1 =	smax.u32 s18, $0x1;
	s4 =	simm.s32 $0x100  }
0x74: {  	v0 =	vimm.f32 $0.0e+00;
	v1 =	vimm.f32 $1.000000000e+00;
	s26 =	sadd.s32 s14, s10;
	[smem:$0x7F8] =	sst s1;
	s1 =	sadd.s32 $0xFFFFFFFF, s29  }
.LBB2_1:
0x75: {  	s13 =	simm.s32 $0x0;
	s14 =	simm.s32 $0x200  }
.LBB2_2:
0x76: {  	p2 =	sne.s32 s14, $0xFE00;
	[tilespmem:s13+$0x170] =	vst v0  }
0x77: {  	[tilespmem:s13+$0x100] =	vst v0  }
0x78: {  	[tilespmem:s13+$0x110] =	vst v0  }
.Ltmp0:
0x79: {  	[tilespmem:s13+$0x120] =	vst v0;
	(pc) =	sbr.rel @p2 .LBB2_2-.Ltmp0, $4  }
0x7a: {  	[tilespmem:s13+$0x130] =	vst v0  }
0x7b: {  	[tilespmem:s13+$0x140] =	vst v0  }
0x7c: {  	[tilespmem:s13+$0x150] =	vst v0  }
0x7d: {  	[tilespmem:s13+$0x160] =	vst v0;
	s13 =	sshra.s32 s14, $0x2;
	s14 =	sadd.s32 $0x200, s14  }
0x7e: {  	[tilespmem:s13+$0x170] =	vst v0  }
0x7f: {  	[tilespmem:s13+$0x100] =	vst v0  }
0x80: {  	[tilespmem:s13+$0x110] =	vst v0  }
0x81: {  	[tilespmem:s13+$0x120] =	vst v0  }
0x82: {  	[tilespmem:s13+$0x130] =	vst v0  }
0x83: {  	[tilespmem:s13+$0x140] =	vst v0;
	s21 =	sld [smem:$0x7E8]  }
0x84: {  	[tilespmem:s13+$0x150] =	vst v0  }
0x85: {  	[tilespmem:s13+$0x160] =	vst v0  }
0x86: {  	[spmem:s21] =	stream.linear.scatter [tilespmem:s4], [sflag:$0x5], $0x1400, $0x38;
	[tilespmem:$0x1B980] =	vst v63  }
0x87: {  	_ =	swait.ge [sflag:s7], $0x1400  }
0x88: {  	s14 =	sld [smem:$0x7EA]  }
0x89: {  	[sflag:s7] =	ssyncset.done $0x0  }
0x8a: {  	[sflag:s7] =	ssyncadd.s32 $0xFFFFEC00  }
0x8b: {  	[spmem:s14] =	stream.linear.scatter [tilespmem:s4], [sflag:$0x5], $0x1400, $0x38;
	[tilespmem:$0x1B980] =	vst v63  }
0x8c: {  	_ =	swait.ge [sflag:s7], $0x1400  }
0x8d: {  	s15 =	sld [smem:$0x7EB]  }
0x8e: {  	[sflag:s7] =	ssyncset.done $0x0  }
0x8f: {  	[sflag:s7] =	ssyncadd.s32 $0xFFFFEC00  }
0x90: {  	[spmem:s15] =	stream.linear.scatter [tilespmem:s4], [sflag:$0x5], $0x1400, $0x38;
	[tilespmem:$0x1B980] =	vst v63  }
0x91: {  	_ =	swait.ge [sflag:s7], $0x1400  }
0x92: {  	s16 =	sld [smem:$0x7EC]  }
0x93: {  	[sflag:s7] =	ssyncset.done $0x0  }
0x94: {  	[sflag:s7] =	ssyncadd.s32 $0xFFFFEC00  }
0x95: {  	[spmem:s16] =	stream.linear.scatter [tilespmem:s4], [sflag:$0x5], $0x1400, $0x38;
	[tilespmem:$0x1B980] =	vst v63  }
0x96: {  	_ =	swait.ge [sflag:s7], $0x1400  }
0x97: {  	s17 =	sld [smem:$0x7ED]  }
0x98: {  	[sflag:s7] =	ssyncset.done $0x0  }
0x99: {  	[sflag:s7] =	ssyncadd.s32 $0xFFFFEC00  }
0x9a: {  	[spmem:s17] =	stream.linear.scatter [tilespmem:s4], [sflag:$0x5], $0x1400, $0x38;
	[tilespmem:$0x1B980] =	vst v63  }
0x9b: {  	_ =	swait.ge [sflag:s7], $0x1400  }
0x9c: {  	s18 =	sld [smem:$0x7EF]  }
0x9d: {  	[sflag:s7] =	ssyncset.done $0x0  }
0x9e: {  	[sflag:s7] =	ssyncadd.s32 $0xFFFFEC00  }
0x9f: {  	[spmem:s18] =	stream.linear.scatter [tilespmem:s4], [sflag:$0x5], $0x1400, $0x38;
	[tilespmem:$0x1B980] =	vst v63  }
0xa0: {  	_ =	swait.ge [sflag:s7], $0x1400  }
0xa1: {  	s19 =	sld [smem:$0x7F1]  }
0xa2: {  	[sflag:s7] =	ssyncset.done $0x0  }
0xa3: {  	[sflag:s7] =	ssyncadd.s32 $0xFFFFEC00  }
0xa4: {  	[spmem:s19] =	stream.linear.scatter [tilespmem:s4], [sflag:$0x5], $0x1400, $0x38;
	[tilespmem:$0x1B980] =	vst v63  }
0xa5: {  	_ =	swait.ge [sflag:s7], $0x1400  }
0xa6: {  	s20 =	sld [smem:$0x7F2]  }
0xa7: {  	[sflag:s7] =	ssyncset.done $0x0  }
0xa8: {  	[sflag:s7] =	ssyncadd.s32 $0xFFFFEC00  }
0xa9: {  	[spmem:s20] =	stream.linear.scatter [tilespmem:s4], [sflag:$0x5], $0x1400, $0x38;
	[tilespmem:$0x1B980] =	vst v63  }
0xaa: {  	_ =	swait.ge [sflag:s7], $0x1400  }
0xab: {  	s21 =	sld [smem:$0x7F3]  }
0xac: {  	[sflag:s7] =	ssyncset.done $0x0  }
0xad: {  	[sflag:s7] =	ssyncadd.s32 $0xFFFFEC00  }
0xae: {  	[spmem:s21] =	stream.linear.scatter [tilespmem:s4], [sflag:$0x5], $0x1400, $0x38;
	[tilespmem:$0x1B980] =	vst v63  }
0xaf: {  	_ =	swait.ge [sflag:s7], $0x1400  }
0xb0: {  	s14 =	sld [smem:$0x7F4]  }
0xb1: {  	[sflag:s7] =	ssyncset.done $0x0  }
0xb2: {  	[sflag:s7] =	ssyncadd.s32 $0xFFFFEC00  }
0xb3: {  	[spmem:s14] =	stream.linear.scatter [tilespmem:s4], [sflag:$0x5], $0x1400, $0x38;
	[tilespmem:$0x1B980] =	vst v63  }
0xb4: {  	_ =	swait.ge [sflag:s7], $0x1400  }
0xb5: {  	s15 =	sld [smem:$0x7F5]  }
0xb6: {  	[sflag:s7] =	ssyncset.done $0x0  }
0xb7: {  	[sflag:s7] =	ssyncadd.s32 $0xFFFFEC00  }
0xb8: {  	[spmem:s15] =	stream.linear.scatter [tilespmem:s4], [sflag:$0x5], $0x1400, $0x38;
	[tilespmem:$0x1B980] =	vst v63  }
0xb9: {  	_ =	swait.ge [sflag:s7], $0x1400  }
0xba: {  	[sflag:s7] =	ssyncset.done $0x0  }
0xbb: {  	[sflag:s7] =	ssyncadd.s32 $0xFFFFEC00  }
0xbc: {  	[spmem:s22] =	stream.linear.scatter [tilespmem:s4], [sflag:$0x5], $0x1400, $0x38;
	[tilespmem:$0x1B980] =	vst v63  }
0xbd: {  	_ =	swait.ge [sflag:s7], $0x1400  }
0xbe: {  	[sflag:s7] =	ssyncset.done $0x0  }
0xbf: {  	[sflag:s7] =	ssyncadd.s32 $0xFFFFEC00  }
0xc0: {  	[spmem:s23] =	stream.linear.scatter [tilespmem:s4], [sflag:$0x5], $0x1400, $0x38;
	[tilespmem:$0x1B980] =	vst v63  }
0xc1: {  	_ =	swait.ge [sflag:s7], $0x1400  }
0xc2: {  	[sflag:s7] =	ssyncset.done $0x0  }
0xc3: {  	[sflag:s7] =	ssyncadd.s32 $0xFFFFEC00  }
0xc4: {  	[spmem:s24] =	stream.linear.scatter [tilespmem:s4], [sflag:$0x5], $0x1400, $0x38;
	[tilespmem:$0x1B980] =	vst v63  }
0xc5: {  	_ =	swait.ge [sflag:s7], $0x1400  }
0xc6: {  	[sflag:s7] =	ssyncset.done $0x0  }
0xc7: {  	[sflag:s7] =	ssyncadd.s32 $0xFFFFEC00  }
0xc8: {  	[spmem:s25] =	stream.linear.scatter [tilespmem:s4], [sflag:$0x5], $0x1400, $0x38;
	[tilespmem:$0x1B980] =	vst v63  }
0xc9: {  	_ =	swait.ge [sflag:s7], $0x1400  }
0xca: {  	[sflag:s7] =	ssyncset.done $0x0  }
0xcb: {  	s13 =	simm.s32 @!p0 $0x100;
	[sflag:s7] =	ssyncadd.s32 $0xFFFFEC00  }
0xcc: {  	[spmem:s26] =	stream.linear.scatter @!p0 [tilespmem:s13], [sflag:$0x5], $0x1400, $0x38;
	[tilespmem:$0x1B980] =	vst v63  }
0xcd: {  	s13 =	simm.s32 @!p0 $0x5  }
0xce: {  	_ =	swait.ge @!p0 [sflag:s13], $0x1400  }
0xcf: {  	[sflag:s13] =	ssyncset.done @!p0 $0x0  }
0xd0: {  	[sflag:s13] =	ssyncadd.s32 @!p0 $0xFFFFEC00  }
0xd1: {  	[bflag:$0x0] =	sbarrier.arrive $0xFFFF  }
0xd2: {  	s16 =	simm.s32 $0x0;
	s14 =	sld [smem:$0x7E0]  }
0xd3: {  	[tilespmem:s16], [sflag:$0x1] =	stream.linear.gather [hbm4b:s5+s16], $0x80, $0x38;
	[tilespmem:$0x1B980] =	vst v63  }
0xd4: {  	_ = 	snop  }
0xd5: {  	[tilespmem:s4], [sflag:$0x1] =	stream.strided.gather [hbm4b:s14+s8], $0x4000, s6, s8, $0x38;
	[tilespmem:$0x1B980] =	vst v63  }
0xd6: {  	_ =	swait.ge [sflag:s30], $0x80  }
0xd7: {  	[sflag:s30] =	ssyncset.done $0x0  }
0xd8: {  	[sflag:s30] =	ssyncadd.s32 $0xFFFFFF80  }
0xd9: {  	_ =	swait.ge [sflag:s30], $0x4000  }
0xda: {  	[sflag:s30] =	ssyncset.done $0x0  }
0xdb: {  	s17 =	sld [smem:$0x7E4];
	[sflag:s30] =	ssyncadd.s32 $0xFFFFC000  }
0xdc: {  	[spmem:s10] =	stream.indirect.scatter.add.f32 [tilespmem:s4], [sflag:$0x3], $0x80, s16, s2, $0xb8;
	[tilespmem:$0x1B980] =	vst v63  }
0xdd: {  	s18 =	sld [smem:$0x7E2]  }
0xde: {  	[tilespmem:s2], [sflag:$0x2] =	stream.linear.gather [hbm4b:s17+s16], $0x80, $0x38;
	[tilespmem:$0x1B980] =	vst v63  }
0xdf: {  	_ = 	snop  }
0xe0: {  	[tilespmem:s3], [sflag:$0x2] =	stream.strided.gather [hbm4b:s18+s8], $0x4000, s6, s8, $0x38;
	[tilespmem:$0x1B980] =	vst v63  }
0xe1: {  	_ =	swait.ge [sflag:s31], $0x80  }
0xe2: {  	[sflag:s31] =	ssyncset.done $0x0  }
0xe3: {  	[sflag:s31] =	ssyncadd.s32 $0xFFFFFF80  }
0xe4: {  	_ =	swait.ge [sflag:s31], $0x4000  }
0xe5: {  	[sflag:s31] =	ssyncset.done $0x0  }
0xe6: {  	[sflag:s31] =	ssyncadd.s32 $0xFFFFC000  }
0xe7: {  	[spmem:s10] =	stream.indirect.scatter.add.f32 [tilespmem:s3], [sflag:$0x4], $0x80, s2, s2, $0xb8;
	[tilespmem:$0x1B980] =	vst v63  }
0xe8: {  	_ =	swait.ge [sflag:s0], $0x4000  }
0xe9: {  	s19 =	sld [smem:$0x7E5]  }
0xea: {  	[sflag:s0] =	ssyncset.done $0x0  }
0xeb: {  	s20 =	sld [smem:$0x7E3];
	[sflag:s0] =	ssyncadd.s32 $0xFFFFC000  }
0xec: {  	[tilespmem:s16], [sflag:$0x1] =	stream.linear.gather [hbm4b:s19+s16], $0x80, $0x38;
	[tilespmem:$0x1B980] =	vst v63  }
0xed: {  	_ = 	snop  }
0xee: {  	[tilespmem:s4], [sflag:$0x1] =	stream.strided.gather [hbm4b:s20+s8], $0x4000, s6, s8, $0x38;
	[tilespmem:$0x1B980] =	vst v63  }
0xef: {  	_ =	swait.ge [sflag:s30], $0x80  }
0xf0: {  	[sflag:s30] =	ssyncset.done $0x0  }
0xf1: {  	[sflag:s30] =	ssyncadd.s32 $0xFFFFFF80  }
0xf2: {  	_ =	swait.ge [sflag:s30], $0x4000  }
0xf3: {  	[sflag:s30] =	ssyncset.done $0x0  }
0xf4: {  	[sflag:s30] =	ssyncadd.s32 $0xFFFFC000  }
0xf5: {  	[spmem:s10] =	stream.indirect.scatter.add.f32 [tilespmem:s4], [sflag:$0x3], $0x80, s9, s2, $0xb8;
	[tilespmem:$0x1B980] =	vst v63  }
0xf6: {  	_ =	swait.ge [sflag:s11], $0x4000  }
0xf7: {  	s21 =	sadd.s32 $0x0, s5;
	[sflag:s11] =	ssyncset.done $0x0  }
0xf8: {  	s13 =	sadd.s32 $0x300, s21;
	s20 =	sld [smem:$0x7F9];
	[sflag:s11] =	ssyncadd.s32 $0xFFFFC000  }
0xf9: {  	[tilespmem:s2], [sflag:$0x2] =	stream.linear.gather [hbm4b:s13+s9], $0x80, $0x38;
	[tilespmem:$0x1B980] =	vst v63  }
0xfa: {  	_ = 	snop  }
0xfb: {  	[tilespmem:s3], [sflag:$0x2] =	stream.strided.gather [hbm4b:s20+s8], $0x4000, s6, s8, $0x38;
	[tilespmem:$0x1B980] =	vst v63  }
0xfc: {  	_ =	swait.ge [sflag:s31], $0x80  }
0xfd: {  	[sflag:s31] =	ssyncset.done $0x0  }
0xfe: {  	[sflag:s31] =	ssyncadd.s32 $0xFFFFFF80  }
0xff: {  	_ =	swait.ge [sflag:s31], $0x4000  }
0x100: {  	p3 =	sle.u32 s28, $0x4;
	[sflag:s31] =	ssyncset.done $0x0  }
0x101: {  	s14 =	sadd.s32 @!p3 $0x0, s5;
	s13 =	simm.s32 @!p3 $0x3;
	[sflag:s31] =	ssyncadd.s32 $0xFFFFC000  }
0x102: {  	[spmem:s10] =	stream.indirect.scatter.add.f32 [tilespmem:s3], [sflag:$0x4], $0x80, s2, s2, $0xb8;
	[tilespmem:$0x1B980] =	vst v63  }
0x103: {  	s15 =	simm.s32 @!p3 $0x0;
	s14 =	sadd.s32 @!p3 $0x400, s14;
	_ =	swait.ge @!p3 [sflag:s13], $0x4000  }
0x104: {  	s17 =	simm.s32 @!p3 $0x800;
	s16 =	simm.s32 @!p3 $0x100;
	[sflag:s13] =	ssyncset.done @!p3 $0x0  }
0x105: {  	s19 =	simm.s32 @!p3 $0x400;
	s18 =	sadd.s32 @!p3 $0x10000, s20;
	[sflag:s13] =	ssyncadd.s32 @!p3 $0xFFFFC000  }
0x106: {  	[tilespmem:s15], [sflag:$0x1] =	stream.linear.gather @!p3 [hbm4b:s14+s15], $0x80, $0x38;
	[tilespmem:$0x1B980] =	vst v63  }
0x107: {  	s13 =	simm.s32 $0x4;
	s14 =	simm.s32 $0x200;
	s15 =	smov.u32 s20  }
.LBB2_4:
0x108: {  	s15 =	sadd.s32 $0x20000, s15  }
0x109: {  	s13 =	sadd.s32 $0x2, s13;
	s20 =	smov.u32 s14;
	s14 =	sadd.s32 $0x200, s14  }
0x10a: {  	[tilespmem:s16], [sflag:$0x1] =	stream.strided.gather @!p3 [hbm4b:s18+s19], $0x4000, s17, s19, $0x38;
	[tilespmem:$0x1B980] =	vst v63  }
0x10b: {  	p2 =	sne.s32 s14, $0x4C00;
	_ =	swait.ge [sflag:s30], $0x80  }
0x10c: {  	[sflag:s30] =	ssyncset.done $0x0  }
0x10d: {  	[sflag:s30] =	ssyncadd.s32 $0xFFFFFF80  }
0x10e: {  	_ =	swait.ge [sflag:s30], $0x4000  }
0x10f: {  	[sflag:s30] =	ssyncset.done $0x0  }
0x110: {  	[sflag:s30] =	ssyncadd.s32 $0xFFFFC000  }
0x111: {  	[spmem:s10] =	stream.indirect.scatter.add.f32 [tilespmem:s4], [sflag:$0x3], $0x80, s9, s2, $0xb8;
	[tilespmem:$0x1B980] =	vst v63  }
0x112: {  	_ =	swait.ge [sflag:s11], $0x4000  }
0x113: {  	s16 =	sadd.s32 s20, s5;
	[sflag:s11] =	ssyncset.done $0x0  }
0x114: {  	s16 =	sadd.s32 $0x300, s16;
	[sflag:s11] =	ssyncadd.s32 $0xFFFFC000  }
0x115: {  	[tilespmem:s2], [sflag:$0x2] =	stream.linear.gather [hbm4b:s16+s9], $0x80, $0x38;
	[tilespmem:$0x1B980] =	vst v63  }
0x116: {  	_ = 	snop  }
0x117: {  	[tilespmem:s3], [sflag:$0x2] =	stream.strided.gather [hbm4b:s15+s8], $0x4000, s6, s8, $0x38;
	[tilespmem:$0x1B980] =	vst v63  }
0x118: {  	_ =	swait.ge [sflag:s31], $0x80  }
0x119: {  	[sflag:s31] =	ssyncset.done $0x0  }
0x11a: {  	[sflag:s31] =	ssyncadd.s32 $0xFFFFFF80  }
0x11b: {  	_ =	swait.ge [sflag:s31], $0x4000  }
0x11c: {  	[sflag:s31] =	ssyncset.done $0x0  }
0x11d: {  	p3 =	sge.u32 s13, s28;
	[sflag:s31] =	ssyncadd.s32 $0xFFFFC000  }
0x11e: {  	[spmem:s10] =	stream.indirect.scatter.add.f32 [tilespmem:s3], [sflag:$0x4], $0x80, s2, s2, $0xb8;
	[tilespmem:$0x1B980] =	vst v63  }
.Ltmp1:
0x11f: {  	s18 =	simm.s32 @!p3 $0x3;
	s16 =	sadd.s32 @!p3 s20, s5;
	(pc) =	sbr.rel @p2 .LBB2_4-.Ltmp1, $4  }
0x120: {  	s20 =	sadd.s32 @!p3 $0x400, s16;
	s16 =	simm.s32 @!p3 $0x100;
	_ =	swait.ge @!p3 [sflag:s18], $0x4000  }
0x121: {  	s21 =	simm.s32 @!p3 $0x0;
	s17 =	simm.s32 @!p3 $0x800;
	[sflag:s18] =	ssyncset.done @!p3 $0x0  }
0x122: {  	s19 =	simm.s32 @!p3 $0x400;
	[sflag:s18] =	ssyncadd.s32 @!p3 $0xFFFFC000;
	s18 =	sadd.s32 @!p3 $0x10000, s15  }
0x123: {  	[tilespmem:s21], [sflag:$0x1] =	stream.linear.gather @!p3 [hbm4b:s20+s21], $0x80, $0x38;
	[tilespmem:$0x1B980] =	vst v63  }
0x124: {  	[tilespmem:s16], [sflag:$0x1] =	stream.strided.gather @!p3 [hbm4b:s18+s19], $0x4000, s17, s19, $0x38;
	[tilespmem:$0x1B980] =	vst v63  }
0x125: {  	s13 =	simm.s32 @!p1 $0x1  }
0x126: {  	_ =	swait.ge @!p1 [sflag:s13], $0x80  }
0x127: {  	[sflag:s13] =	ssyncset.done @!p1 $0x0  }
0x128: {  	[sflag:s13] =	ssyncadd.s32 @!p1 $0xFFFFFF80  }
0x129: {  	_ =	swait.ge @!p1 [sflag:s13], $0x4000  }
0x12a: {  	s14 =	simm.s32 @!p1 $0x0;
	[sflag:s13] =	ssyncset.done @!p1 $0x0  }
0x12b: {  	s15 =	simm.s32 @!p1 $0x100;
	[sflag:s13] =	ssyncadd.s32 @!p1 $0xFFFFC000;
	s13 =	simm.s32 @!p1 $0x80  }
0x12c: {  	[spmem:s10] =	stream.indirect.scatter.add.f32 @!p1 [tilespmem:s15], [sflag:$0x3], $0x80, s14, s13, $0xb8;
	[tilespmem:$0x1B980] =	vst v63  }
0x12d: {  	_ =	swait.ge [sflag:s0], $0x4000  }
0x12e: {  	[sflag:s0] =	ssyncset.done $0x0  }
0x12f: {  	[sflag:s0] =	ssyncadd.s32 $0xFFFFC000  }
0x130: {  	_ =	swait.ge [sflag:s11], $0x4000  }
0x131: {  	[sflag:s11] =	ssyncset.done $0x0  }
0x132: {  	[sflag:s11] =	ssyncadd.s32 $0xFFFFC000  }
0x133: {  	s13 =	simm.s32 $0x0;
	s14 =	simm.s32 $0x200;
	[bflag:$0x0] =	sbarrier.arrive $0xFFFF  }
.LBB2_6:
0x134: {  	p2 =	sne.s32 s14, $0x4E00;
	[tilespmem:s13+$0x4170] =	vst v0  }
0x135: {  	[tilespmem:s13+$0x4100] =	vst v0  }
0x136: {  	[tilespmem:s13+$0x4110] =	vst v0  }
.Ltmp2:
0x137: {  	[tilespmem:s13+$0x4120] =	vst v0;
	(pc) =	sbr.rel @p2 .LBB2_6-.Ltmp2, $4  }
0x138: {  	[tilespmem:s13+$0x4130] =	vst v0  }
0x139: {  	[tilespmem:s13+$0x4140] =	vst v0  }
0x13a: {  	[tilespmem:s13+$0x4150] =	vst v0  }
0x13b: {  	[tilespmem:s13+$0x4160] =	vst v0;
	s13 =	sshra.s32 s14, $0x2;
	s14 =	sadd.s32 $0x200, s14  }
0x13c: {  	[tilespmem:s13+$0x4170] =	vst v0  }
0x13d: {  	[tilespmem:s13+$0x4100] =	vst v0  }
0x13e: {  	[tilespmem:s13+$0x4110] =	vst v0  }
0x13f: {  	[tilespmem:s13+$0x4120] =	vst v0  }
0x140: {  	[tilespmem:s13+$0x4130] =	vst v0  }
0x141: {  	[tilespmem:s13+$0x4140] =	vst v0;
	s14 =	sld [smem:$0x7E8]  }
0x142: {  	[tilespmem:s13+$0x4150] =	vst v0  }
0x143: {  	[tilespmem:s13+$0x4160] =	vst v0  }
0x144: {  	[tilespmem:s4], [sflag:$0x5] =	stream.linear.gather [spmem:s14], $0x1400, $0x38;
	[tilespmem:$0x1B980] =	vst v63  }
0x145: {  	_ =	swait.ge [sflag:s7], $0x1400  }
0x146: {  	[sflag:s7] =	ssyncset.done $0x0  }
0x147: {  	s18 =	rddreg [dreg:$0x5];
	[sflag:s7] =	ssyncadd.s32 $0xFFFFEC00  }
0x148: {  	[hbm4b:s18+s8] =	stream.strided.scatter [tilespmem:s4], [sflag:$0x5], $0x1400, s6, s8, $0x38;
	[tilespmem:$0x1B980] =	vst v63  }
0x149: {  	_ =	swait.ge [sflag:s7], $0x1400  }
0x14a: {  	[sflag:s7] =	ssyncset.done $0x0  }
0x14b: {  	[sflag:s7] =	ssyncadd.s32 $0xFFFFEC00  }
0x14c: {  	[spmem:s14] =	stream.linear.scatter [tilespmem:s3], [sflag:$0x5], $0x1400, $0x38;
	[tilespmem:$0x1B980] =	vst v63  }
0x14d: {  	_ =	swait.ge [sflag:s7], $0x1400  }
0x14e: {  	s19 =	sld [smem:$0x7EA]  }
0x14f: {  	[sflag:s7] =	ssyncset.done $0x0  }
0x150: {  	[sflag:s7] =	ssyncadd.s32 $0xFFFFEC00  }
0x151: {  	[tilespmem:s4], [sflag:$0x5] =	stream.linear.gather [spmem:s19], $0x1400, $0x38;
	[tilespmem:$0x1B980] =	vst v63  }
0x152: {  	_ =	swait.ge [sflag:s7], $0x1400  }
0x153: {  	[sflag:s7] =	ssyncset.done $0x0  }
0x154: {  	s20 =	rddreg [dreg:$0x6];
	[sflag:s7] =	ssyncadd.s32 $0xFFFFEC00  }
0x155: {  	[hbm4b:s20+s8] =	stream.strided.scatter [tilespmem:s4], [sflag:$0x5], $0x1400, s6, s8, $0x38;
	[tilespmem:$0x1B980] =	vst v63  }
0x156: {  	_ =	swait.ge [sflag:s7], $0x1400  }
0x157: {  	[sflag:s7] =	ssyncset.done $0x0  }
0x158: {  	[sflag:s7] =	ssyncadd.s32 $0xFFFFEC00  }
0x159: {  	[spmem:s19] =	stream.linear.scatter [tilespmem:s3], [sflag:$0x5], $0x1400, $0x38;
	[tilespmem:$0x1B980] =	vst v63  }
0x15a: {  	_ =	swait.ge [sflag:s7], $0x1400  }
0x15b: {  	s21 =	sld [smem:$0x7EB]  }
0x15c: {  	[sflag:s7] =	ssyncset.done $0x0  }
0x15d: {  	[sflag:s7] =	ssyncadd.s32 $0xFFFFEC00  }
0x15e: {  	[tilespmem:s4], [sflag:$0x5] =	stream.linear.gather [spmem:s21], $0x1400, $0x38;
	[tilespmem:$0x1B980] =	vst v63  }
0x15f: {  	_ =	swait.ge [sflag:s7], $0x1400  }
0x160: {  	[sflag:s7] =	ssyncset.done $0x0  }
0x161: {  	s15 =	rddreg [dreg:$0x7];
	[sflag:s7] =	ssyncadd.s32 $0xFFFFEC00  }
0x162: {  	[hbm4b:s15+s8] =	stream.strided.scatter [tilespmem:s4], [sflag:$0x5], $0x1400, s6, s8, $0x38;
	[tilespmem:$0x1B980] =	vst v63  }
0x163: {  	_ =	swait.ge [sflag:s7], $0x1400  }
0x164: {  	[sflag:s7] =	ssyncset.done $0x0  }
0x165: {  	[sflag:s7] =	ssyncadd.s32 $0xFFFFEC00  }
0x166: {  	[spmem:s21] =	stream.linear.scatter [tilespmem:s3], [sflag:$0x5], $0x1400, $0x38;
	[tilespmem:$0x1B980] =	vst v63  }
0x167: {  	_ =	swait.ge [sflag:s7], $0x1400  }
0x168: {  	s16 =	sld [smem:$0x7EC]  }
0x169: {  	[sflag:s7] =	ssyncset.done $0x0  }
0x16a: {  	[sflag:s7] =	ssyncadd.s32 $0xFFFFEC00  }
0x16b: {  	[tilespmem:s4], [sflag:$0x5] =	stream.linear.gather [spmem:s16], $0x1400, $0x38;
	[tilespmem:$0x1B980] =	vst v63  }
0x16c: {  	_ =	swait.ge [sflag:s7], $0x1400  }
0x16d: {  	[sflag:s7] =	ssyncset.done $0x0  }
0x16e: {  	s17 =	rddreg [dreg:$0x8];
	[sflag:s7] =	ssyncadd.s32 $0xFFFFEC00  }
0x16f: {  	[hbm4b:s17+s8] =	stream.strided.scatter [tilespmem:s4], [sflag:$0x5], $0x1400, s6, s8, $0x38;
	[tilespmem:$0x1B980] =	vst v63  }
0x170: {  	_ =	swait.ge [sflag:s7], $0x1400  }
0x171: {  	[sflag:s7] =	ssyncset.done $0x0  }
0x172: {  	[sflag:s7] =	ssyncadd.s32 $0xFFFFEC00  }
0x173: {  	[spmem:s16] =	stream.linear.scatter [tilespmem:s3], [sflag:$0x5], $0x1400, $0x38;
	[tilespmem:$0x1B980] =	vst v63  }
0x174: {  	_ =	swait.ge [sflag:s7], $0x1400  }
0x175: {  	s18 =	sld [smem:$0x7ED]  }
0x176: {  	[sflag:s7] =	ssyncset.done $0x0  }
0x177: {  	[sflag:s7] =	ssyncadd.s32 $0xFFFFEC00  }
0x178: {  	[tilespmem:s4], [sflag:$0x5] =	stream.linear.gather [spmem:s18], $0x1400, $0x38;
	[tilespmem:$0x1B980] =	vst v63  }
0x179: {  	_ =	swait.ge [sflag:s7], $0x1400  }
0x17a: {  	[sflag:s7] =	ssyncset.done $0x0  }
0x17b: {  	s19 =	rddreg [dreg:$0x9];
	[sflag:s7] =	ssyncadd.s32 $0xFFFFEC00  }
0x17c: {  	[hbm4b:s19+s8] =	stream.strided.scatter [tilespmem:s4], [sflag:$0x5], $0x1400, s6, s8, $0x38;
	[tilespmem:$0x1B980] =	vst v63  }
0x17d: {  	_ =	swait.ge [sflag:s7], $0x1400  }
0x17e: {  	[sflag:s7] =	ssyncset.done $0x0  }
0x17f: {  	[sflag:s7] =	ssyncadd.s32 $0xFFFFEC00  }
0x180: {  	[spmem:s18] =	stream.linear.scatter [tilespmem:s3], [sflag:$0x5], $0x1400, $0x38;
	[tilespmem:$0x1B980] =	vst v63  }
0x181: {  	_ =	swait.ge [sflag:s7], $0x1400  }
0x182: {  	s20 =	sld [smem:$0x7EF]  }
0x183: {  	[sflag:s7] =	ssyncset.done $0x0  }
0x184: {  	[sflag:s7] =	ssyncadd.s32 $0xFFFFEC00  }
0x185: {  	[tilespmem:s4], [sflag:$0x5] =	stream.linear.gather [spmem:s20], $0x1400, $0x38;
	[tilespmem:$0x1B980] =	vst v63  }
0x186: {  	_ =	swait.ge [sflag:s7], $0x1400  }
0x187: {  	[sflag:s7] =	ssyncset.done $0x0  }
0x188: {  	s21 =	rddreg [dreg:$0xa];
	[sflag:s7] =	ssyncadd.s32 $0xFFFFEC00  }
0x189: {  	[hbm4b:s21+s8] =	stream.strided.scatter [tilespmem:s4], [sflag:$0x5], $0x1400, s6, s8, $0x38;
	[tilespmem:$0x1B980] =	vst v63  }
0x18a: {  	_ =	swait.ge [sflag:s7], $0x1400  }
0x18b: {  	[sflag:s7] =	ssyncset.done $0x0  }
0x18c: {  	[sflag:s7] =	ssyncadd.s32 $0xFFFFEC00  }
0x18d: {  	[spmem:s20] =	stream.linear.scatter [tilespmem:s3], [sflag:$0x5], $0x1400, $0x38;
	[tilespmem:$0x1B980] =	vst v63  }
0x18e: {  	_ =	swait.ge [sflag:s7], $0x1400  }
0x18f: {  	s15 =	sld [smem:$0x7F1]  }
0x190: {  	[sflag:s7] =	ssyncset.done $0x0  }
0x191: {  	[sflag:s7] =	ssyncadd.s32 $0xFFFFEC00  }
0x192: {  	[tilespmem:s4], [sflag:$0x5] =	stream.linear.gather [spmem:s15], $0x1400, $0x38;
	[tilespmem:$0x1B980] =	vst v63  }
0x193: {  	_ =	swait.ge [sflag:s7], $0x1400  }
0x194: {  	[sflag:s7] =	ssyncset.done $0x0  }
0x195: {  	s16 =	rddreg [dreg:$0xb];
	[sflag:s7] =	ssyncadd.s32 $0xFFFFEC00  }
0x196: {  	[hbm4b:s16+s8] =	stream.strided.scatter [tilespmem:s4], [sflag:$0x5], $0x1400, s6, s8, $0x38;
	[tilespmem:$0x1B980] =	vst v63  }
0x197: {  	_ =	swait.ge [sflag:s7], $0x1400  }
0x198: {  	[sflag:s7] =	ssyncset.done $0x0  }
0x199: {  	[sflag:s7] =	ssyncadd.s32 $0xFFFFEC00  }
0x19a: {  	[spmem:s15] =	stream.linear.scatter [tilespmem:s3], [sflag:$0x5], $0x1400, $0x38;
	[tilespmem:$0x1B980] =	vst v63  }
0x19b: {  	_ =	swait.ge [sflag:s7], $0x1400  }
0x19c: {  	s17 =	sld [smem:$0x7F2]  }
0x19d: {  	[sflag:s7] =	ssyncset.done $0x0  }
0x19e: {  	[sflag:s7] =	ssyncadd.s32 $0xFFFFEC00  }
0x19f: {  	[tilespmem:s4], [sflag:$0x5] =	stream.linear.gather [spmem:s17], $0x1400, $0x38;
	[tilespmem:$0x1B980] =	vst v63  }
0x1a0: {  	_ =	swait.ge [sflag:s7], $0x1400  }
0x1a1: {  	[sflag:s7] =	ssyncset.done $0x0  }
0x1a2: {  	s18 =	rddreg [dreg:$0xc];
	[sflag:s7] =	ssyncadd.s32 $0xFFFFEC00  }
0x1a3: {  	[hbm4b:s18+s8] =	stream.strided.scatter [tilespmem:s4], [sflag:$0x5], $0x1400, s6, s8, $0x38;
	[tilespmem:$0x1B980] =	vst v63  }
0x1a4: {  	_ =	swait.ge [sflag:s7], $0x1400  }
0x1a5: {  	[sflag:s7] =	ssyncset.done $0x0  }
0x1a6: {  	[sflag:s7] =	ssyncadd.s32 $0xFFFFEC00  }
0x1a7: {  	[spmem:s17] =	stream.linear.scatter [tilespmem:s3], [sflag:$0x5], $0x1400, $0x38;
	[tilespmem:$0x1B980] =	vst v63  }
0x1a8: {  	_ =	swait.ge [sflag:s7], $0x1400  }
0x1a9: {  	s19 =	sld [smem:$0x7F3]  }
0x1aa: {  	[sflag:s7] =	ssyncset.done $0x0  }
0x1ab: {  	[sflag:s7] =	ssyncadd.s32 $0xFFFFEC00  }
0x1ac: {  	[tilespmem:s4], [sflag:$0x5] =	stream.linear.gather [spmem:s19], $0x1400, $0x38;
	[tilespmem:$0x1B980] =	vst v63  }
0x1ad: {  	_ =	swait.ge [sflag:s7], $0x1400  }
0x1ae: {  	[sflag:s7] =	ssyncset.done $0x0  }
0x1af: {  	s20 =	rddreg [dreg:$0xd];
	[sflag:s7] =	ssyncadd.s32 $0xFFFFEC00  }
0x1b0: {  	[hbm4b:s20+s8] =	stream.strided.scatter [tilespmem:s4], [sflag:$0x5], $0x1400, s6, s8, $0x38;
	[tilespmem:$0x1B980] =	vst v63  }
0x1b1: {  	_ =	swait.ge [sflag:s7], $0x1400  }
0x1b2: {  	[sflag:s7] =	ssyncset.done $0x0  }
0x1b3: {  	[sflag:s7] =	ssyncadd.s32 $0xFFFFEC00  }
0x1b4: {  	[spmem:s19] =	stream.linear.scatter [tilespmem:s3], [sflag:$0x5], $0x1400, $0x38;
	[tilespmem:$0x1B980] =	vst v63  }
0x1b5: {  	_ =	swait.ge [sflag:s7], $0x1400  }
0x1b6: {  	s21 =	sld [smem:$0x7F4]  }
0x1b7: {  	[sflag:s7] =	ssyncset.done $0x0  }
0x1b8: {  	[sflag:s7] =	ssyncadd.s32 $0xFFFFEC00  }
0x1b9: {  	[tilespmem:s4], [sflag:$0x5] =	stream.linear.gather [spmem:s21], $0x1400, $0x38;
	[tilespmem:$0x1B980] =	vst v63  }
0x1ba: {  	_ =	swait.ge [sflag:s7], $0x1400  }
0x1bb: {  	[sflag:s7] =	ssyncset.done $0x0  }
0x1bc: {  	s15 =	rddreg [dreg:$0xe];
	[sflag:s7] =	ssyncadd.s32 $0xFFFFEC00  }
0x1bd: {  	[hbm4b:s15+s8] =	stream.strided.scatter [tilespmem:s4], [sflag:$0x5], $0x1400, s6, s8, $0x38;
	[tilespmem:$0x1B980] =	vst v63  }
0x1be: {  	_ =	swait.ge [sflag:s7], $0x1400  }
0x1bf: {  	[sflag:s7] =	ssyncset.done $0x0  }
0x1c0: {  	[sflag:s7] =	ssyncadd.s32 $0xFFFFEC00  }
0x1c1: {  	[spmem:s21] =	stream.linear.scatter [tilespmem:s3], [sflag:$0x5], $0x1400, $0x38;
	[tilespmem:$0x1B980] =	vst v63  }
0x1c2: {  	_ =	swait.ge [sflag:s7], $0x1400  }
0x1c3: {  	s16 =	sld [smem:$0x7F5]  }
0x1c4: {  	[sflag:s7] =	ssyncset.done $0x0  }
0x1c5: {  	[sflag:s7] =	ssyncadd.s32 $0xFFFFEC00  }
0x1c6: {  	[tilespmem:s4], [sflag:$0x5] =	stream.linear.gather [spmem:s16], $0x1400, $0x38;
	[tilespmem:$0x1B980] =	vst v63  }
0x1c7: {  	_ =	swait.ge [sflag:s7], $0x1400  }
0x1c8: {  	[sflag:s7] =	ssyncset.done $0x0  }
0x1c9: {  	s17 =	rddreg [dreg:$0xf];
	[sflag:s7] =	ssyncadd.s32 $0xFFFFEC00  }
0x1ca: {  	[hbm4b:s17+s8] =	stream.strided.scatter [tilespmem:s4], [sflag:$0x5], $0x1400, s6, s8, $0x38;
	[tilespmem:$0x1B980] =	vst v63  }
0x1cb: {  	_ =	swait.ge [sflag:s7], $0x1400  }
0x1cc: {  	[sflag:s7] =	ssyncset.done $0x0  }
0x1cd: {  	[sflag:s7] =	ssyncadd.s32 $0xFFFFEC00  }
0x1ce: {  	[spmem:s16] =	stream.linear.scatter [tilespmem:s3], [sflag:$0x5], $0x1400, $0x38;
	[tilespmem:$0x1B980] =	vst v63  }
0x1cf: {  	_ =	swait.ge [sflag:s7], $0x1400  }
0x1d0: {  	[sflag:s7] =	ssyncset.done $0x0  }
0x1d1: {  	[sflag:s7] =	ssyncadd.s32 $0xFFFFEC00  }
0x1d2: {  	[tilespmem:s4], [sflag:$0x5] =	stream.linear.gather [spmem:s22], $0x1400, $0x38;
	[tilespmem:$0x1B980] =	vst v63  }
0x1d3: {  	_ =	swait.ge [sflag:s7], $0x1400  }
0x1d4: {  	[sflag:s7] =	ssyncset.done $0x0  }
0x1d5: {  	s18 =	rddreg [dreg:$0x10];
	[sflag:s7] =	ssyncadd.s32 $0xFFFFEC00  }
0x1d6: {  	[hbm4b:s18+s8] =	stream.strided.scatter [tilespmem:s4], [sflag:$0x5], $0x1400, s6, s8, $0x38;
	[tilespmem:$0x1B980] =	vst v63  }
0x1d7: {  	_ =	swait.ge [sflag:s7], $0x1400  }
0x1d8: {  	[sflag:s7] =	ssyncset.done $0x0  }
0x1d9: {  	[sflag:s7] =	ssyncadd.s32 $0xFFFFEC00  }
0x1da: {  	[spmem:s22] =	stream.linear.scatter [tilespmem:s3], [sflag:$0x5], $0x1400, $0x38;
	[tilespmem:$0x1B980] =	vst v63  }
0x1db: {  	_ =	swait.ge [sflag:s7], $0x1400  }
0x1dc: {  	[sflag:s7] =	ssyncset.done $0x0  }
0x1dd: {  	[sflag:s7] =	ssyncadd.s32 $0xFFFFEC00  }
0x1de: {  	[tilespmem:s4], [sflag:$0x5] =	stream.linear.gather [spmem:s23], $0x1400, $0x38;
	[tilespmem:$0x1B980] =	vst v63  }
0x1df: {  	_ =	swait.ge [sflag:s7], $0x1400  }
0x1e0: {  	[sflag:s7] =	ssyncset.done $0x0  }
0x1e1: {  	s19 =	rddreg [dreg:$0x11];
	[sflag:s7] =	ssyncadd.s32 $0xFFFFEC00  }
0x1e2: {  	[hbm4b:s19+s8] =	stream.strided.scatter [tilespmem:s4], [sflag:$0x5], $0x1400, s6, s8, $0x38;
	[tilespmem:$0x1B980] =	vst v63  }
0x1e3: {  	_ =	swait.ge [sflag:s7], $0x1400  }
0x1e4: {  	[sflag:s7] =	ssyncset.done $0x0  }
0x1e5: {  	[sflag:s7] =	ssyncadd.s32 $0xFFFFEC00  }
0x1e6: {  	[spmem:s23] =	stream.linear.scatter [tilespmem:s3], [sflag:$0x5], $0x1400, $0x38;
	[tilespmem:$0x1B980] =	vst v63  }
0x1e7: {  	_ =	swait.ge [sflag:s7], $0x1400  }
0x1e8: {  	[sflag:s7] =	ssyncset.done $0x0  }
0x1e9: {  	[sflag:s7] =	ssyncadd.s32 $0xFFFFEC00  }
0x1ea: {  	[tilespmem:s4], [sflag:$0x5] =	stream.linear.gather [spmem:s24], $0x1400, $0x38;
	[tilespmem:$0x1B980] =	vst v63  }
0x1eb: {  	_ =	swait.ge [sflag:s7], $0x1400  }
0x1ec: {  	[sflag:s7] =	ssyncset.done $0x0  }
0x1ed: {  	s20 =	rddreg [dreg:$0x12];
	[sflag:s7] =	ssyncadd.s32 $0xFFFFEC00  }
0x1ee: {  	[hbm4b:s20+s8] =	stream.strided.scatter [tilespmem:s4], [sflag:$0x5], $0x1400, s6, s8, $0x38;
	[tilespmem:$0x1B980] =	vst v63  }
0x1ef: {  	_ =	swait.ge [sflag:s7], $0x1400  }
0x1f0: {  	[sflag:s7] =	ssyncset.done $0x0  }
0x1f1: {  	[sflag:s7] =	ssyncadd.s32 $0xFFFFEC00  }
0x1f2: {  	[spmem:s24] =	stream.linear.scatter [tilespmem:s3], [sflag:$0x5], $0x1400, $0x38;
	[tilespmem:$0x1B980] =	vst v63  }
0x1f3: {  	_ =	swait.ge [sflag:s7], $0x1400  }
0x1f4: {  	[sflag:s7] =	ssyncset.done $0x0  }
0x1f5: {  	[sflag:s7] =	ssyncadd.s32 $0xFFFFEC00  }
0x1f6: {  	[tilespmem:s4], [sflag:$0x5] =	stream.linear.gather [spmem:s25], $0x1400, $0x38;
	[tilespmem:$0x1B980] =	vst v63  }
0x1f7: {  	_ =	swait.ge [sflag:s7], $0x1400  }
0x1f8: {  	[sflag:s7] =	ssyncset.done $0x0  }
0x1f9: {  	s21 =	rddreg [dreg:$0x13];
	[sflag:s7] =	ssyncadd.s32 $0xFFFFEC00  }
0x1fa: {  	[hbm4b:s21+s8] =	stream.strided.scatter [tilespmem:s4], [sflag:$0x5], $0x1400, s6, s8, $0x38;
	[tilespmem:$0x1B980] =	vst v63  }
0x1fb: {  	_ =	swait.ge [sflag:s7], $0x1400  }
0x1fc: {  	[sflag:s7] =	ssyncset.done $0x0  }
0x1fd: {  	[sflag:s7] =	ssyncadd.s32 $0xFFFFEC00  }
0x1fe: {  	[spmem:s25] =	stream.linear.scatter [tilespmem:s3], [sflag:$0x5], $0x1400, $0x38;
	[tilespmem:$0x1B980] =	vst v63  }
0x1ff: {  	_ =	swait.ge [sflag:s7], $0x1400  }
0x200: {  	[sflag:s7] =	ssyncset.done $0x0  }
0x201: {  	s13 =	simm.s32 @!p0 $0x100;
	s14 =	simm.s32 @!p0 $0x5;
	[sflag:s7] =	ssyncadd.s32 $0xFFFFEC00  }
0x202: {  	[tilespmem:s13], [sflag:$0x5] =	stream.linear.gather @!p0 [spmem:s26], $0x1400, $0x38;
	[tilespmem:$0x1B980] =	vst v63  }
0x203: {  	_ =	swait.ge @!p0 [sflag:s14], $0x1400  }
0x204: {  	s15 =	simm.s32 @!p0 $0x400;
	[sflag:s14] =	ssyncset.done @!p0 $0x0  }
0x205: {  	s16 =	simm.s32 @!p0 $0x800;
	s17 =	rddreg [dreg:$0x14];
	[sflag:s14] =	ssyncadd.s32 @!p0 $0xFFFFEC00  }
0x206: {  	[hbm4b:s17+s15] =	stream.strided.scatter @!p0 [tilespmem:s13], [sflag:$0x5], $0x1400, s16, s15, $0x38;
	[tilespmem:$0x1B980] =	vst v63  }
0x207: {  	_ =	swait.ge @!p0 [sflag:s14], $0x1400  }
0x208: {  	[sflag:s14] =	ssyncset.done @!p0 $0x0  }
0x209: {  	s13 =	simm.s32 @!p0 $0x4100;
	[sflag:s14] =	ssyncadd.s32 @!p0 $0xFFFFEC00  }
0x20a: {  	[spmem:s26] =	stream.linear.scatter @!p0 [tilespmem:s13], [sflag:$0x5], $0x1400, $0x38;
	[tilespmem:$0x1B980] =	vst v63  }
0x20b: {  	_ =	swait.ge @!p0 [sflag:s14], $0x1400  }
0x20c: {  	[sflag:s14] =	ssyncset.done @!p0 $0x0  }
0x20d: {  	s13 =	simm.s32 $0x0;
	[sflag:s14] =	ssyncadd.s32 @!p0 $0xFFFFEC00;
	s14 =	simm.s32 $0x200  }
.LBB2_8:
0x20e: {  	p2 =	sne.s32 s14, $0xFE00;
	[tilespmem:s13+$0x170] =	vst v1  }
0x20f: {  	[tilespmem:s13+$0x100] =	vst v1  }
0x210: {  	[tilespmem:s13+$0x110] =	vst v1  }
.Ltmp3:
0x211: {  	[tilespmem:s13+$0x120] =	vst v1;
	(pc) =	sbr.rel @p2 .LBB2_8-.Ltmp3, $4  }
0x212: {  	[tilespmem:s13+$0x130] =	vst v1  }
0x213: {  	[tilespmem:s13+$0x140] =	vst v1  }
0x214: {  	[tilespmem:s13+$0x150] =	vst v1  }
0x215: {  	[tilespmem:s13+$0x160] =	vst v1;
	s13 =	sshra.s32 s14, $0x2;
	s14 =	sadd.s32 $0x200, s14  }
0x216: {  	[tilespmem:s13+$0x170] =	vst v1  }
0x217: {  	[tilespmem:s13+$0x100] =	vst v1  }
0x218: {  	[tilespmem:s13+$0x110] =	vst v1  }
0x219: {  	[tilespmem:s13+$0x120] =	vst v1  }
0x21a: {  	[tilespmem:s13+$0x130] =	vst v1  }
0x21b: {  	[tilespmem:s13+$0x140] =	vst v1  }
0x21c: {  	[tilespmem:s13+$0x150] =	vst v1  }
0x21d: {  	[tilespmem:s13+$0x160] =	vst v1  }
0x21e: {  	[bflag:$0x0] =	sbarrier.arrive $0xFFFF  }
0x21f: {  	s19 =	sld [smem:$0x7FC];
	_ =	sdelay $0x2  }
0x220: {  	[tilespmem:s9], [sflag:$0x1] =	stream.linear.gather [hbm4b:s19+s9], $0x80, $0x38;
	[tilespmem:$0x1B980] =	vst v63  }
0x221: {  	_ =	swait.ge [sflag:s30], $0x80  }
0x222: {  	[sflag:s30] =	ssyncset.done $0x0  }
0x223: {  	s20 =	sld [smem:$0x7FB];
	[sflag:s30] =	ssyncadd.s32 $0xFFFFFF80  }
0x224: {  	[spmem:s10] =	stream.indirect.scatter.add.f32 [tilespmem:s4], [sflag:$0x3], $0x80, s9, s2, $0xb8;
	[tilespmem:$0x1B980] =	vst v63  }
0x225: {  	_ = 	snop  }
0x226: {  	[tilespmem:s2], [sflag:$0x2] =	stream.linear.gather [hbm4b:s20+s9], $0x80, $0x38;
	[tilespmem:$0x1B980] =	vst v63  }
0x227: {  	_ =	swait.ge [sflag:s31], $0x80  }
0x228: {  	[sflag:s31] =	ssyncset.done $0x0  }
0x229: {  	[sflag:s31] =	ssyncadd.s32 $0xFFFFFF80  }
0x22a: {  	[spmem:s10] =	stream.indirect.scatter.add.f32 [tilespmem:s4], [sflag:$0x4], $0x80, s2, s2, $0xb8;
	[tilespmem:$0x1B980] =	vst v63  }
0x22b: {  	_ =	swait.ge [sflag:s0], $0x4000  }
0x22c: {  	s21 =	sld [smem:$0x7FD]  }
0x22d: {  	[sflag:s0] =	ssyncset.done $0x0  }
0x22e: {  	[sflag:s0] =	ssyncadd.s32 $0xFFFFC000  }
0x22f: {  	[tilespmem:s9], [sflag:$0x1] =	stream.linear.gather [hbm4b:s21+s9], $0x80, $0x38;
	[tilespmem:$0x1B980] =	vst v63  }
0x230: {  	_ =	swait.ge [sflag:s30], $0x80  }
0x231: {  	p2 =	sle.u32 s29, $0x3;
	[sflag:s30] =	ssyncset.done $0x0  }
0x232: {  	s13 =	simm.s32 @!p2 $0x4;
	[sflag:s30] =	ssyncadd.s32 $0xFFFFFF80  }
0x233: {  	[spmem:s10] =	stream.indirect.scatter.add.f32 [tilespmem:s4], [sflag:$0x3], $0x80, s9, s2, $0xb8;
	[tilespmem:$0x1B980] =	vst v63  }
0x234: {  	_ =	swait.ge @!p2 [sflag:s13], $0x4000  }
0x235: {  	s18 =	sld [smem:$0x7FA]  }
0x236: {  	p4 =	sle.u32 s1, $0x2  }
0x237: {  	s14 =	simm.s32 @!p2 $0x0;
	s15 =	simm.s32 @!p2 $0x80;
	[sflag:s13] =	ssyncset.done @!p2 $0x0  }
0x238: {  	[sflag:s13] =	ssyncadd.s32 @!p2 $0xFFFFC000;
	s13 =	simm.s32 @!p4 $0x2;
	s16 =	sadd.s32 @!p2 $0xFFFFFE00, s18  }
0x239: {  	[tilespmem:s15], [sflag:$0x2] =	stream.linear.gather @!p2 [hbm4b:s16+s14], $0x80, $0x38;
	[tilespmem:$0x1B980] =	vst v63  }
0x23a: {  	p2 =	sle.u32 @!p4 s29, $0x4;
	_ =	swait.ge @!p4 [sflag:s13], $0x80  }
0x23b: {  	s14 =	simm.s32 @!p4 $0x100;
	p3 =	por p2, p4;
	[sflag:s13] =	ssyncset.done @!p4 $0x0  }
0x23c: {  	s15 =	simm.s32 @!p4 $0x80;
	s16 =	simm.s32 @!p3 $0x3;
	[sflag:s13] =	ssyncadd.s32 @!p4 $0xFFFFFF80  }
0x23d: {  	[spmem:s10] =	stream.indirect.scatter.add.f32 @!p4 [tilespmem:s14], [sflag:$0x4], $0x80, s15, s15, $0xb8;
	[tilespmem:$0x1B980] =	vst v63  }
0x23e: {  	s17 =	simm.s32 @!p3 $0x0;
	s13 =	simm.s32 $0x6;
	_ =	swait.ge @!p3 [sflag:s16], $0x4000  }
0x23f: {  	s14 =	smov.u32 s18;
	s15 =	smov.u32 s18;
	[sflag:s16] =	ssyncset.done @!p3 $0x0  }
.LBB2_10:
0x240: {  	[sflag:s16] =	ssyncadd.s32 @!p3 $0xFFFFC000  }
0x241: {  	s14 =	sadd.s32 $0x400, s14;
	s16 =	smov.u32 s13;
	s13 =	sadd.s32 $0x2, s13  }
0x242: {  	[tilespmem:s17], [sflag:$0x1] =	stream.linear.gather @!p3 [hbm4b:s15+s17], $0x80, $0x38;
	[tilespmem:$0x1B980] =	vst v63  }
0x243: {  	s15 =	sadd.s32 $0xFFFFFFFF, s16;
	p2 =	sne.s32 s13, $0x2A;
	_ =	swait.ge [sflag:s30], $0x80  }
0x244: {  	p3 =	sge.u32 s15, s29;
	s15 =	smov.u32 s14;
	[sflag:s30] =	ssyncset.done $0x0  }
0x245: {  	s17 =	simm.s32 @!p3 $0x4;
	s18 =	simm.s32 @!p3 $0x0;
	[sflag:s30] =	ssyncadd.s32 $0xFFFFFF80  }
0x246: {  	[spmem:s10] =	stream.indirect.scatter.add.f32 [tilespmem:s4], [sflag:$0x3], $0x80, s9, s2, $0xb8;
	[tilespmem:$0x1B980] =	vst v63  }
0x247: {  	s19 =	sadd.s32 $0xFFFFFFFE, s16;
	s20 =	simm.s32 @!p3 $0x80;
	_ =	swait.ge @!p3 [sflag:s17], $0x4000  }
0x248: {  	p4 =	sge.u32 s19, s1;
	s21 =	sadd.s32 @!p3 $0xFFFFFE00, s14;
	[sflag:s17] =	ssyncset.done @!p3 $0x0  }
0x249: {  	p5 =	sge.u32 @!p4 s16, s29;
	[sflag:s17] =	ssyncadd.s32 @!p3 $0xFFFFC000;
	s17 =	simm.s32 @!p4 $0x2  }
0x24a: {  	[tilespmem:s20], [sflag:$0x2] =	stream.linear.gather @!p3 [hbm4b:s21+s18], $0x80, $0x38;
	[tilespmem:$0x1B980] =	vst v63  }
0x24b: {  	s18 =	simm.s32 @!p4 $0x100;
	p3 =	por p5, p4;
	_ =	swait.ge @!p4 [sflag:s17], $0x80  }
.Ltmp4:
0x24c: {  	s19 =	simm.s32 @!p4 $0x80;
	[sflag:s17] =	ssyncset.done @!p4 $0x0;
	(pc) =	sbr.rel @p2 .LBB2_10-.Ltmp4, $4  }
0x24d: {  	s16 =	simm.s32 @!p3 $0x3;
	[sflag:s17] =	ssyncadd.s32 @!p4 $0xFFFFFF80  }
0x24e: {  	[spmem:s10] =	stream.indirect.scatter.add.f32 @!p4 [tilespmem:s18], [sflag:$0x4], $0x80, s19, s19, $0xb8;
	[tilespmem:$0x1B980] =	vst v63  }
0x24f: {  	_ =	swait.ge @!p3 [sflag:s16], $0x4000  }
0x250: {  	s17 =	simm.s32 @!p3 $0x0;
	[sflag:s16] =	ssyncset.done @!p3 $0x0  }
0x251: {  	[sflag:s16] =	ssyncadd.s32 @!p3 $0xFFFFC000  }
0x252: {  	[tilespmem:s17], [sflag:$0x1] =	stream.linear.gather @!p3 [hbm4b:s15+s17], $0x80, $0x38;
	[tilespmem:$0x1B980] =	vst v63  }
0x253: {  	_ =	swait.ge [sflag:s0], $0x4000  }
0x254: {  	[sflag:s0] =	ssyncset.done $0x0  }
0x255: {  	[sflag:s0] =	ssyncadd.s32 $0xFFFFC000  }
0x256: {  	_ =	swait.ge [sflag:s11], $0x4000  }
0x257: {  	[sflag:s11] =	ssyncset.done $0x0  }
0x258: {  	[sflag:s11] =	ssyncadd.s32 $0xFFFFC000  }
0x259: {  	[bflag:$0x0] =	sbarrier.arrive $0xFFFF  }
0x25a: {  	s13 =	sld [smem:$0x7E8];
	_ =	sdelay $0x2  }
0x25b: {  	[tilespmem:s3], [sflag:$0x5] =	stream.linear.gather [spmem:s13], $0x1400, $0x38;
	[tilespmem:$0x1B980] =	vst v63  }
0x25c: {  	_ =	swait.ge [sflag:s7], $0x1400  }
0x25d: {  	[sflag:s7] =	ssyncset.done $0x0  }
0x25e: {  	s20 =	rddreg [dreg:$0x15];
	[sflag:s7] =	ssyncadd.s32 $0xFFFFEC00  }
0x25f: {  	[hbm4b:s20+s9] =	stream.linear.scatter [tilespmem:s3], [sflag:$0x5], $0x1400, $0x38;
	[tilespmem:$0x1B980] =	vst v63  }
0x260: {  	_ =	swait.ge [sflag:s7], $0x1400  }
0x261: {  	s21 =	sld [smem:$0x7EA]  }
0x262: {  	[sflag:s7] =	ssyncset.done $0x0  }
0x263: {  	[sflag:s7] =	ssyncadd.s32 $0xFFFFEC00  }
0x264: {  	[tilespmem:s3], [sflag:$0x5] =	stream.linear.gather [spmem:s21], $0x1400, $0x38;
	[tilespmem:$0x1B980] =	vst v63  }
0x265: {  	_ =	swait.ge [sflag:s7], $0x1400  }
0x266: {  	[sflag:s7] =	ssyncset.done $0x0  }
0x267: {  	s14 =	rddreg [dreg:$0x16];
	[sflag:s7] =	ssyncadd.s32 $0xFFFFEC00  }
0x268: {  	[hbm4b:s14+s9] =	stream.linear.scatter [tilespmem:s3], [sflag:$0x5], $0x1400, $0x38;
	[tilespmem:$0x1B980] =	vst v63  }
0x269: {  	_ =	swait.ge [sflag:s7], $0x1400  }
0x26a: {  	s15 =	sld [smem:$0x7EB]  }
0x26b: {  	[sflag:s7] =	ssyncset.done $0x0  }
0x26c: {  	[sflag:s7] =	ssyncadd.s32 $0xFFFFEC00  }
0x26d: {  	[tilespmem:s3], [sflag:$0x5] =	stream.linear.gather [spmem:s15], $0x1400, $0x38;
	[tilespmem:$0x1B980] =	vst v63  }
0x26e: {  	_ =	swait.ge [sflag:s7], $0x1400  }
0x26f: {  	[sflag:s7] =	ssyncset.done $0x0  }
0x270: {  	s16 =	rddreg [dreg:$0x17];
	[sflag:s7] =	ssyncadd.s32 $0xFFFFEC00  }
0x271: {  	[hbm4b:s16+s9] =	stream.linear.scatter [tilespmem:s3], [sflag:$0x5], $0x1400, $0x38;
	[tilespmem:$0x1B980] =	vst v63  }
0x272: {  	_ =	swait.ge [sflag:s7], $0x1400  }
0x273: {  	s17 =	sld [smem:$0x7EC]  }
0x274: {  	[sflag:s7] =	ssyncset.done $0x0  }
0x275: {  	[sflag:s7] =	ssyncadd.s32 $0xFFFFEC00  }
0x276: {  	[tilespmem:s3], [sflag:$0x5] =	stream.linear.gather [spmem:s17], $0x1400, $0x38;
	[tilespmem:$0x1B980] =	vst v63  }
0x277: {  	_ =	swait.ge [sflag:s7], $0x1400  }
0x278: {  	[sflag:s7] =	ssyncset.done $0x0  }
0x279: {  	s18 =	rddreg [dreg:$0x18];
	[sflag:s7] =	ssyncadd.s32 $0xFFFFEC00  }
0x27a: {  	[hbm4b:s18+s9] =	stream.linear.scatter [tilespmem:s3], [sflag:$0x5], $0x1400, $0x38;
	[tilespmem:$0x1B980] =	vst v63  }
0x27b: {  	_ =	swait.ge [sflag:s7], $0x1400  }
0x27c: {  	s19 =	sld [smem:$0x7ED]  }
0x27d: {  	[sflag:s7] =	ssyncset.done $0x0  }
0x27e: {  	[sflag:s7] =	ssyncadd.s32 $0xFFFFEC00  }
0x27f: {  	[tilespmem:s3], [sflag:$0x5] =	stream.linear.gather [spmem:s19], $0x1400, $0x38;
	[tilespmem:$0x1B980] =	vst v63  }
0x280: {  	_ =	swait.ge [sflag:s7], $0x1400  }
0x281: {  	[sflag:s7] =	ssyncset.done $0x0  }
0x282: {  	s20 =	rddreg [dreg:$0x19];
	[sflag:s7] =	ssyncadd.s32 $0xFFFFEC00  }
0x283: {  	[hbm4b:s20+s9] =	stream.linear.scatter [tilespmem:s3], [sflag:$0x5], $0x1400, $0x38;
	[tilespmem:$0x1B980] =	vst v63  }
0x284: {  	_ =	swait.ge [sflag:s7], $0x1400  }
0x285: {  	s21 =	sld [smem:$0x7EF]  }
0x286: {  	[sflag:s7] =	ssyncset.done $0x0  }
0x287: {  	[sflag:s7] =	ssyncadd.s32 $0xFFFFEC00  }
0x288: {  	[tilespmem:s3], [sflag:$0x5] =	stream.linear.gather [spmem:s21], $0x1400, $0x38;
	[tilespmem:$0x1B980] =	vst v63  }
0x289: {  	_ =	swait.ge [sflag:s7], $0x1400  }
0x28a: {  	[sflag:s7] =	ssyncset.done $0x0  }
0x28b: {  	s14 =	rddreg [dreg:$0x1a];
	[sflag:s7] =	ssyncadd.s32 $0xFFFFEC00  }
0x28c: {  	[hbm4b:s14+s9] =	stream.linear.scatter [tilespmem:s3], [sflag:$0x5], $0x1400, $0x38;
	[tilespmem:$0x1B980] =	vst v63  }
0x28d: {  	_ =	swait.ge [sflag:s7], $0x1400  }
0x28e: {  	s15 =	sld [smem:$0x7F1]  }
0x28f: {  	[sflag:s7] =	ssyncset.done $0x0  }
0x290: {  	[sflag:s7] =	ssyncadd.s32 $0xFFFFEC00  }
0x291: {  	[tilespmem:s3], [sflag:$0x5] =	stream.linear.gather [spmem:s15], $0x1400, $0x38;
	[tilespmem:$0x1B980] =	vst v63  }
0x292: {  	_ =	swait.ge [sflag:s7], $0x1400  }
0x293: {  	[sflag:s7] =	ssyncset.done $0x0  }
0x294: {  	s16 =	rddreg [dreg:$0x1b];
	[sflag:s7] =	ssyncadd.s32 $0xFFFFEC00  }
0x295: {  	[hbm4b:s16+s9] =	stream.linear.scatter [tilespmem:s3], [sflag:$0x5], $0x1400, $0x38;
	[tilespmem:$0x1B980] =	vst v63  }
0x296: {  	_ =	swait.ge [sflag:s7], $0x1400  }
0x297: {  	s17 =	sld [smem:$0x7F2]  }
0x298: {  	[sflag:s7] =	ssyncset.done $0x0  }
0x299: {  	[sflag:s7] =	ssyncadd.s32 $0xFFFFEC00  }
0x29a: {  	[tilespmem:s3], [sflag:$0x5] =	stream.linear.gather [spmem:s17], $0x1400, $0x38;
	[tilespmem:$0x1B980] =	vst v63  }
0x29b: {  	_ =	swait.ge [sflag:s7], $0x1400  }
0x29c: {  	[sflag:s7] =	ssyncset.done $0x0  }
0x29d: {  	s18 =	rddreg [dreg:$0x1c];
	[sflag:s7] =	ssyncadd.s32 $0xFFFFEC00  }
0x29e: {  	[hbm4b:s18+s9] =	stream.linear.scatter [tilespmem:s3], [sflag:$0x5], $0x1400, $0x38;
	[tilespmem:$0x1B980] =	vst v63  }
0x29f: {  	_ =	swait.ge [sflag:s7], $0x1400  }
0x2a0: {  	s19 =	sld [smem:$0x7F3]  }
0x2a1: {  	[sflag:s7] =	ssyncset.done $0x0  }
0x2a2: {  	[sflag:s7] =	ssyncadd.s32 $0xFFFFEC00  }
0x2a3: {  	[tilespmem:s3], [sflag:$0x5] =	stream.linear.gather [spmem:s19], $0x1400, $0x38;
	[tilespmem:$0x1B980] =	vst v63  }
0x2a4: {  	_ =	swait.ge [sflag:s7], $0x1400  }
0x2a5: {  	[sflag:s7] =	ssyncset.done $0x0  }
0x2a6: {  	s20 =	rddreg [dreg:$0x1d];
	[sflag:s7] =	ssyncadd.s32 $0xFFFFEC00  }
0x2a7: {  	[hbm4b:s20+s9] =	stream.linear.scatter [tilespmem:s3], [sflag:$0x5], $0x1400, $0x38;
	[tilespmem:$0x1B980] =	vst v63  }
0x2a8: {  	_ =	swait.ge [sflag:s7], $0x1400  }
0x2a9: {  	s21 =	sld [smem:$0x7F4]  }
0x2aa: {  	[sflag:s7] =	ssyncset.done $0x0  }
0x2ab: {  	[sflag:s7] =	ssyncadd.s32 $0xFFFFEC00  }
0x2ac: {  	[tilespmem:s3], [sflag:$0x5] =	stream.linear.gather [spmem:s21], $0x1400, $0x38;
	[tilespmem:$0x1B980] =	vst v63  }
0x2ad: {  	_ =	swait.ge [sflag:s7], $0x1400  }
0x2ae: {  	[sflag:s7] =	ssyncset.done $0x0  }
0x2af: {  	s14 =	rddreg [dreg:$0x1e];
	[sflag:s7] =	ssyncadd.s32 $0xFFFFEC00  }
0x2b0: {  	[hbm4b:s14+s9] =	stream.linear.scatter [tilespmem:s3], [sflag:$0x5], $0x1400, $0x38;
	[tilespmem:$0x1B980] =	vst v63  }
0x2b1: {  	_ =	swait.ge [sflag:s7], $0x1400  }
0x2b2: {  	s15 =	sld [smem:$0x7F5]  }
0x2b3: {  	[sflag:s7] =	ssyncset.done $0x0  }
0x2b4: {  	[sflag:s7] =	ssyncadd.s32 $0xFFFFEC00  }
0x2b5: {  	[tilespmem:s3], [sflag:$0x5] =	stream.linear.gather [spmem:s15], $0x1400, $0x38;
	[tilespmem:$0x1B980] =	vst v63  }
0x2b6: {  	_ =	swait.ge [sflag:s7], $0x1400  }
0x2b7: {  	[sflag:s7] =	ssyncset.done $0x0  }
0x2b8: {  	s16 =	rddreg [dreg:$0x1f];
	[sflag:s7] =	ssyncadd.s32 $0xFFFFEC00  }
0x2b9: {  	[hbm4b:s16+s9] =	stream.linear.scatter [tilespmem:s3], [sflag:$0x5], $0x1400, $0x38;
	[tilespmem:$0x1B980] =	vst v63  }
0x2ba: {  	_ =	swait.ge [sflag:s7], $0x1400  }
0x2bb: {  	[sflag:s7] =	ssyncset.done $0x0  }
0x2bc: {  	[sflag:s7] =	ssyncadd.s32 $0xFFFFEC00  }
0x2bd: {  	[tilespmem:s3], [sflag:$0x5] =	stream.linear.gather [spmem:s22], $0x1400, $0x38;
	[tilespmem:$0x1B980] =	vst v63  }
0x2be: {  	_ =	swait.ge [sflag:s7], $0x1400  }
0x2bf: {  	s17 =	sld [smem:$0x7DB]  }
0x2c0: {  	[sflag:s7] =	ssyncset.done $0x0  }
0x2c1: {  	[sflag:s7] =	ssyncadd.s32 $0xFFFFEC00  }
0x2c2: {  	[hbm4b:s17+s9] =	stream.linear.scatter [tilespmem:s3], [sflag:$0x5], $0x1400, $0x38;
	[tilespmem:$0x1B980] =	vst v63  }
0x2c3: {  	_ =	swait.ge [sflag:s7], $0x1400  }
0x2c4: {  	[sflag:s7] =	ssyncset.done $0x0  }
0x2c5: {  	[sflag:s7] =	ssyncadd.s32 $0xFFFFEC00  }
0x2c6: {  	[tilespmem:s3], [sflag:$0x5] =	stream.linear.gather [spmem:s23], $0x1400, $0x38;
	[tilespmem:$0x1B980] =	vst v63  }
0x2c7: {  	_ =	swait.ge [sflag:s7], $0x1400  }
0x2c8: {  	s18 =	sld [smem:$0x7DC]  }
0x2c9: {  	[sflag:s7] =	ssyncset.done $0x0  }
0x2ca: {  	[sflag:s7] =	ssyncadd.s32 $0xFFFFEC00  }
0x2cb: {  	[hbm4b:s18+s9] =	stream.linear.scatter [tilespmem:s3], [sflag:$0x5], $0x1400, $0x38;
	[tilespmem:$0x1B980] =	vst v63  }
0x2cc: {  	_ =	swait.ge [sflag:s7], $0x1400  }
0x2cd: {  	[sflag:s7] =	ssyncset.done $0x0  }
0x2ce: {  	[sflag:s7] =	ssyncadd.s32 $0xFFFFEC00  }
0x2cf: {  	[tilespmem:s3], [sflag:$0x5] =	stream.linear.gather [spmem:s24], $0x1400, $0x38;
	[tilespmem:$0x1B980] =	vst v63  }
0x2d0: {  	_ =	swait.ge [sflag:s7], $0x1400  }
0x2d1: {  	s19 =	sld [smem:$0x7DD]  }
0x2d2: {  	[sflag:s7] =	ssyncset.done $0x0  }
0x2d3: {  	[sflag:s7] =	ssyncadd.s32 $0xFFFFEC00  }
0x2d4: {  	[hbm4b:s19+s9] =	stream.linear.scatter [tilespmem:s3], [sflag:$0x5], $0x1400, $0x38;
	[tilespmem:$0x1B980] =	vst v63  }
0x2d5: {  	_ =	swait.ge [sflag:s7], $0x1400  }
0x2d6: {  	[sflag:s7] =	ssyncset.done $0x0  }
0x2d7: {  	[sflag:s7] =	ssyncadd.s32 $0xFFFFEC00  }
0x2d8: {  	[tilespmem:s3], [sflag:$0x5] =	stream.linear.gather [spmem:s25], $0x1400, $0x38;
	[tilespmem:$0x1B980] =	vst v63  }
0x2d9: {  	_ =	swait.ge [sflag:s7], $0x1400  }
0x2da: {  	s20 =	sld [smem:$0x7DE]  }
0x2db: {  	[sflag:s7] =	ssyncset.done $0x0  }
0x2dc: {  	[sflag:s7] =	ssyncadd.s32 $0xFFFFEC00  }
0x2dd: {  	[hbm4b:s20+s9] =	stream.linear.scatter [tilespmem:s3], [sflag:$0x5], $0x1400, $0x38;
	[tilespmem:$0x1B980] =	vst v63  }
0x2de: {  	_ =	swait.ge [sflag:s7], $0x1400  }
0x2df: {  	[sflag:s7] =	ssyncset.done $0x0  }
0x2e0: {  	s13 =	simm.s32 @!p0 $0x4100;
	s14 =	simm.s32 @!p0 $0x5;
	[sflag:s7] =	ssyncadd.s32 $0xFFFFEC00  }
0x2e1: {  	[tilespmem:s13], [sflag:$0x5] =	stream.linear.gather @!p0 [spmem:s26], $0x1400, $0x38;
	[tilespmem:$0x1B980] =	vst v63  }
0x2e2: {  	_ =	swait.ge @!p0 [sflag:s14], $0x1400  }
0x2e3: {  	s16 =	sld [smem:$0x7DF]  }
0x2e4: {  	[sflag:s14] =	ssyncset.done @!p0 $0x0  }
0x2e5: {  	s15 =	simm.s32 @!p0 $0x0;
	[sflag:s14] =	ssyncadd.s32 @!p0 $0xFFFFEC00  }
0x2e6: {  	[hbm4b:s16+s15] =	stream.linear.scatter @!p0 [tilespmem:s13], [sflag:$0x5], $0x1400, $0x38;
	[tilespmem:$0x1B980] =	vst v63  }
0x2e7: {  	_ =	swait.ge @!p0 [sflag:s14], $0x1400  }
0x2e8: {  	s21 =	sld [smem:$0x7F8];
	_ =	sdelay $0x1  }
0x2e9: {  	s12 =	sadd.s32 $0x1, s12  }
0x2ea: {  	p2 =	sne.s32 s12, s21  }
.Ltmp5:
0x2eb: {  	_ = 	snop;
	(pc) =	sbr.rel @p2 .LBB2_1-.Ltmp5, $3  }
0x2ec: {  	_ =	sdelay $0x1  }
0x2ed: {  	[sflag:s14] =	ssyncset.done @!p0 $0x0  }
0x2ee: {  	[sflag:s14] =	ssyncadd.s32 @!p0 $0xFFFFEC00  }
0x2ef: {  	_ =	sfence.sel $0x180000  }
0x2f0: {  	[bflag:$0x0] =	sbarrier.arrive $0xFFFF  }
0x2f1: {  	_ =	strace $0x90000047  }
0x2f2: {  	s0 =	stileid.u32;
	[bflag:$0x2] =	sbarrier.arrive $0xFFFF  }
0x2f3: {  	p0 =	sne.s32 s0, $0x0;
	s0 =	rddreg [dreg:$0x4]  }
0x2f4: {  	s0 =	sadd.s32 @!p0 $0x100000, s0  }
0x2f5: {  	[sflag:s0] =	ssyncadd.tile.s32 @!p0 $0x1;
	_ =	shalt  }
.Lfunc_end2:
_tile_overlayer_lowered:
.L_overlay_start_2:
0x2f6: {  	(tag) =	ssettag $0x2  }
0x2f7: {  	s0 =	rddreg [dreg:$0x0];
	s2 =	stileid.u32  }
0x2f8: {  	s1 =	rddreg [dreg:$0x1];
	p0 =	sne.s32 s2, $0x0  }
0x2f9: {  	s3 =	rddreg [dreg:$0x2];
	[bflag:$0x3] =	sbarrier.arrive $0xFFFF;
	s2 =	simm.s32 @!p0 $0x1C05  }
0x2fa: {  	[timem:s3], [sflag:s2] =	dma.local @!p0 [hbm:s0], s1  }
0x2fb: {  	s0 =	simm.s32 @!p0 $0x5  }
0x2fc: {  	_ =	swait.ge @!p0 [sflag:s0], s1  }
0x2fd: {  	s1 =	ssub.s32 @!p0 $0x0, s1;
	[sflag:s0] =	ssyncset.done @!p0 $0x0  }
0x2fe: {  	[sflag:s0] =	ssyncadd.s32 @!p0 s1  }
0x2ff: {  	[bflag:$0x3] =	sbarrier.arrive $0xFFFF  }
0x300: {  	_ =	shalt  }

</sc_bundles>
